<compile_context>
chip_gen: v7x
topology: tpu7x:2x2x1
jax: 0.10.2.dev20260603
libtpu: 0.0.44.dev20260713+nightly
codegen_flags: <defaults>
</compile_context>

<pallas_src>
import jax
import jax.numpy as jnp
from jax import lax
from jax.experimental import pallas as pl
from jax.experimental.pallas import tpu as pltpu
from jax.experimental.pallas import tpu_sc as plsc

NC = 2
NS = 16
L = 16

F_OUT = 128
CHUNK = 400
CHUNK_S = 256
BM_E = 2048
NEG_SLOPE = 0.2



def _mm_body(x_ref, wl_ref, wr_ref, xl_ref, xr_ref):
    xb = x_ref[...]
    xl_ref[...] = jnp.dot(xb, wl_ref[...], preferred_element_type=jnp.float32)
    xr_ref[...] = jnp.dot(xb, wr_ref[...], preferred_element_type=jnp.float32)


def _project(x, W_l, W_r):
    n, f_in = x.shape
    bm = 1000
    return pl.pallas_call(
        _mm_body,
        grid=(n // bm,),
        in_specs=[
            pl.BlockSpec((bm, f_in), lambda i: (i, 0)),
            pl.BlockSpec((f_in, F_OUT), lambda i: (0, 0)),
            pl.BlockSpec((f_in, F_OUT), lambda i: (0, 0)),
        ],
        out_specs=[
            pl.BlockSpec((bm, F_OUT), lambda i: (i, 0)),
            pl.BlockSpec((bm, F_OUT), lambda i: (i, 0)),
        ],
        out_shape=[
            jax.ShapeDtypeStruct((n, F_OUT), jnp.float32),
            jax.ShapeDtypeStruct((n, F_OUT), jnp.float32),
        ],
    )(x, W_l, W_r)


def _logits_body(xlr_ref, xrr_ref, ea_ref, we_ref, att_ref,
                 lg_ref, bmax_ref, max_acc):
    i = pl.program_id(0)
    nb = pl.num_programs(0)
    ea = ea_ref[...].reshape(BM_E, 1)
    m = xlr_ref[...] + xrr_ref[...] + ea * we_ref[...]
    m = jnp.maximum(m, m * NEG_SLOPE)
    lg = jnp.dot(m, att_ref[...], preferred_element_type=jnp.float32)
    lg_ref[...] = lg.reshape(BM_E)

    @pl.when(i == 0)
    def _():
        max_acc[...] = jnp.full_like(max_acc, -jnp.inf)

    max_acc[...] = jnp.maximum(max_acc[...], jnp.max(lg))

    @pl.when(i == nb - 1)
    def _():
        bmax_ref[...] = max_acc[...]


def _edge_logits(xlr, xrr, ea, we2, att2):
    e = xlr.shape[0]
    nb = e // BM_E
    return pl.pallas_call(
        _logits_body,
        grid=(nb,),
        in_specs=[
            pl.BlockSpec((BM_E, F_OUT), lambda i: (i, 0)),
            pl.BlockSpec((BM_E, F_OUT), lambda i: (i, 0)),
            pl.BlockSpec((BM_E,), lambda i: (i,)),
            pl.BlockSpec((1, F_OUT), lambda i: (0, 0)),
            pl.BlockSpec((F_OUT, 1), lambda i: (0, 0)),
        ],
        out_specs=[
            pl.BlockSpec((BM_E,), lambda i: (i,)),
            pl.BlockSpec((1, F_OUT), lambda i: (0, 0)),
        ],
        out_shape=[
            jax.ShapeDtypeStruct((e,), jnp.float32),
            jax.ShapeDtypeStruct((1, F_OUT), jnp.float32),
        ],
        scratch_shapes=[pltpu.VMEM((1, F_OUT), jnp.float32)],
    )(xlr, xrr, ea, we2, att2)


def _scale_body(lg_ref, xlr_ref, bmax0_ref, bmax1_ref, ex_ref, scaled_ref):
    gmax = jnp.maximum(jnp.max(bmax0_ref[...]), jnp.max(bmax1_ref[...]))
    ex = jnp.exp(lg_ref[...] - gmax)
    ex_ref[...] = ex
    scaled_ref[...] = xlr_ref[...] * ex.reshape(BM_E, 1)


def _edge_scale(lg, xlr, bmax0, bmax1):
    e = xlr.shape[0]
    nb = e // BM_E
    return pl.pallas_call(
        _scale_body,
        grid=(nb,),
        in_specs=[
            pl.BlockSpec((BM_E,), lambda i: (i,)),
            pl.BlockSpec((BM_E, F_OUT), lambda i: (i, 0)),
            pl.BlockSpec((1, F_OUT), lambda i: (0, 0)),
            pl.BlockSpec((1, F_OUT), lambda i: (0, 0)),
        ],
        out_specs=[
            pl.BlockSpec((BM_E,), lambda i: (i,)),
            pl.BlockSpec((BM_E, F_OUT), lambda i: (i, 0)),
        ],
        out_shape=[
            jax.ShapeDtypeStruct((e,), jnp.float32),
            jax.ShapeDtypeStruct((e, F_OUT), jnp.float32),
        ],
    )(lg, xlr, bmax0, bmax1)


def _finish_body(agg_a_ref, agg_b_ref, da0_ref, da1_ref, db0_ref, db1_ref,
                 batch_ref, bgat_ref, wlin_ref,
                 blin_ref, out_ref, pooled_acc, cnt_acc):
    i = pl.program_id(0)
    nb = pl.num_programs(0)
    num_graphs = out_ref.shape[0]

    @pl.when(i == 0)
    def _():
        pooled_acc[...] = jnp.zeros_like(pooled_acc)
        cnt_acc[...] = jnp.zeros_like(cnt_acc)

    den = da0_ref[...] + da1_ref[...] + db0_ref[...] + db1_ref[...] + 1e-16
    h = (agg_a_ref[0] + agg_a_ref[1] + agg_b_ref[0] + agg_b_ref[1]) / den \
        + bgat_ref[...]
    h = jnp.maximum(h, 0.0)

    gids = lax.broadcasted_iota(jnp.int32, (1, num_graphs), 1)
    oneh = (batch_ref[...] == gids).astype(jnp.float32)
    dims = (((0,), (0,)), ((), ()))
    pooled_acc[...] += lax.dot_general(oneh, h, dims,
                                       preferred_element_type=jnp.float32)
    ones = jnp.ones(h.shape, jnp.float32)
    cnt_acc[...] += lax.dot_general(oneh, ones, dims,
                                    preferred_element_type=jnp.float32)

    @pl.when(i == nb - 1)
    def _():
        pooled = pooled_acc[...] / jnp.maximum(cnt_acc[...], 1.0)
        out_ref[...] = jnp.dot(pooled, wlin_ref[...],
                               preferred_element_type=jnp.float32) + blin_ref[...]


def _finish(agg_a, agg_b, dens, batch2, bgat2, W_lin, blin2,
            num_graphs, num_classes):
    n = agg_a.shape[1]
    bm = 1000
    return pl.pallas_call(
        _finish_body,
        grid=(n // bm,),
        in_specs=[
            pl.BlockSpec((NC, bm, F_OUT), lambda i: (0, i, 0)),
            pl.BlockSpec((NC, bm, F_OUT), lambda i: (0, i, 0)),
            pl.BlockSpec((bm, 1), lambda i: (i, 0)),
            pl.BlockSpec((bm, 1), lambda i: (i, 0)),
            pl.BlockSpec((bm, 1), lambda i: (i, 0)),
            pl.BlockSpec((bm, 1), lambda i: (i, 0)),
            pl.BlockSpec((bm, 1), lambda i: (i, 0)),
            pl.BlockSpec((1, F_OUT), lambda i: (0, 0)),
            pl.BlockSpec((F_OUT, num_classes), lambda i: (0, 0)),
            pl.BlockSpec((1, num_classes), lambda i: (0, 0)),
        ],
        out_specs=pl.BlockSpec((num_graphs, num_classes), lambda i: (0, 0)),
        out_shape=jax.ShapeDtypeStruct((num_graphs, num_classes), jnp.float32),
        scratch_shapes=[
            pltpu.VMEM((num_graphs, F_OUT), jnp.float32),
            pltpu.VMEM((num_graphs, F_OUT), jnp.float32),
        ],
    )(agg_a, agg_b, *dens, batch2, bgat2, W_lin, blin2)



def _gather_body(xl_hbm, xr_hbm, src_hbm, dst_hbm, xlr_hbm, xrr_hbm,
                 src_v, dst_v, xl_rows, xr_rows, sem):
    c = lax.axis_index("c")
    s = lax.axis_index("s")
    wid = c * NS + s
    e_total = src_hbm.shape[0]
    per_w = e_total // (NC * NS)
    base_w = wid * per_w

    def piece(base, sz):
        pltpu.sync_copy(src_hbm.at[pl.ds(base, sz)], src_v.at[pl.ds(0, sz)])
        pltpu.sync_copy(dst_hbm.at[pl.ds(base, sz)], dst_v.at[pl.ds(0, sz)])
        a = pltpu.async_copy(xl_hbm.at[src_v.at[pl.ds(0, sz)]],
                             xl_rows.at[pl.ds(0, sz)], sem)
        b = pltpu.async_copy(xr_hbm.at[dst_v.at[pl.ds(0, sz)]],
                             xr_rows.at[pl.ds(0, sz)], sem)
        a.wait()
        b.wait()
        pltpu.sync_copy(xl_rows.at[pl.ds(0, sz)], xlr_hbm.at[pl.ds(base, sz)])
        pltpu.sync_copy(xr_rows.at[pl.ds(0, sz)], xrr_hbm.at[pl.ds(base, sz)])

    n_full = per_w // CHUNK

    def chunk_body(ci, cr):
        piece(base_w + ci * CHUNK, CHUNK)
        return cr

    lax.fori_loop(0, n_full, chunk_body, jnp.int32(0))
    tail = per_w - n_full * CHUNK
    if tail:
        piece(base_w + n_full * CHUNK, tail)


def _scatter_body(scaled_hbm, ex_hbm, dst_hbm,
                  agg_hbm, den_hbm,
                  dst_v, ex_v, rows_v, zbuf,
                  agg_sp, den_sp, sem):
    c = lax.axis_index("c")
    s = lax.axis_index("s")
    wid = c * NS + s
    e_total = dst_hbm.shape[0]
    n = agg_hbm.shape[1]
    per_w = e_total // (NC * NS)
    base_w = wid * per_w

    n_t0 = (n // NS) // 8 * 8
    n_last = n - n_t0 * (NS - 1)
    n_pad_rows = agg_sp.shape[0] - n
    nd_pad = den_sp.shape[0]
    nd_tile = nd_pad // NS

    zv = jnp.zeros((L,), jnp.float32)

    def zrow(r, cr):
        def zcol(k, ck):
            rows_v[r, pl.ds(k * L, L)] = zv
            return ck
        return lax.fori_loop(0, F_OUT // L, zcol, cr)

    lax.fori_loop(0, CHUNK_S, zrow, jnp.int32(0))

    def zflat(k, ck):
        zbuf[pl.ds(k * L, L)] = zv
        return ck

    lax.fori_loop(0, zbuf.shape[0] // L, zflat, jnp.int32(0))

    def _zero_agg_rows(r0, total):
        done = 0
        while total - done > 0:
            sz = min(CHUNK_S, total - done)
            pltpu.sync_copy(rows_v.at[pl.ds(0, sz)],
                            agg_sp.at[pl.ds(r0 + done, sz)])
            done += sz

    @pl.when(s < NS - 1)
    def _():
        _zero_agg_rows(s * n_t0, n_t0)

    @pl.when(s == NS - 1)
    def _():
        _zero_agg_rows((NS - 1) * n_t0, n_last + n_pad_rows)

    pltpu.sync_copy(zbuf.at[pl.ds(0, nd_tile)],
                    den_sp.at[pl.ds(s * nd_tile, nd_tile)])

    plsc.subcore_barrier()

    def piece(base, sz):
        pltpu.sync_copy(dst_hbm.at[pl.ds(base, sz)], dst_v.at[pl.ds(0, sz)])
        a = pltpu.async_copy(ex_hbm.at[pl.ds(base, sz)],
                             ex_v.at[pl.ds(0, sz)], sem)
        b = pltpu.async_copy(scaled_hbm.at[pl.ds(base, sz)],
                             rows_v.at[pl.ds(0, sz)], sem)
        a.wait()
        b.wait()
        pltpu.sync_copy(ex_v.at[pl.ds(0, sz)],
                        den_sp.at[dst_v.at[pl.ds(0, sz)]], add=True)
        pltpu.sync_copy(rows_v.at[pl.ds(0, sz)],
                        agg_sp.at[dst_v.at[pl.ds(0, sz)]], add=True)

    n_full = per_w // CHUNK_S

    def chunk_body(ci, cr):
        piece(base_w + ci * CHUNK_S, CHUNK_S)
        return cr

    lax.fori_loop(0, n_full, chunk_body, jnp.int32(0))
    tail = per_w - n_full * CHUNK_S
    if tail:
        piece(base_w + n_full * CHUNK_S, tail)

    plsc.subcore_barrier()

    def _drain_agg_rows(r0, total):
        done = 0
        while done < total:
            sz = min(CHUNK_S, total - done)
            pltpu.sync_copy(agg_sp.at[pl.ds(r0 + done, sz)],
                            rows_v.at[pl.ds(0, sz)])
            pltpu.sync_copy(rows_v.at[pl.ds(0, sz)],
                            agg_hbm.at[c, pl.ds(r0 + done, sz)])
            done += sz

    @pl.when(s < NS - 1)
    def _():
        _drain_agg_rows(s * n_t0, n_t0)

    @pl.when(s == NS - 1)
    def _():
        _drain_agg_rows((NS - 1) * n_t0, n_last)

    pltpu.sync_copy(den_sp.at[pl.ds(s * nd_tile, nd_tile)],
                    zbuf.at[pl.ds(0, nd_tile)])
    pltpu.sync_copy(zbuf.at[pl.ds(0, nd_tile)],
                    den_hbm.at[pl.ds(c * nd_pad + s * nd_tile, nd_tile)])



def kernel(x, edge_index, edge_attr, batch, W_l, W_r, att, W_e, b_gat,
           W_lin, b_lin):
    n = x.shape[0]
    e = edge_index.shape[1]
    num_graphs = 64
    num_classes = W_lin.shape[1]
    nd_pad = ((n + NS * 8 - 1) // (NS * 8)) * (NS * 8)
    ep = ((e + BM_E - 1) // BM_E) * BM_E

    x_l, x_r = _project(x, W_l, W_r)

    pad = ep - e
    spread = jnp.arange(pad, dtype=jnp.int32) % n
    src = jnp.concatenate([edge_index[0], spread])
    dst_g = jnp.concatenate([edge_index[1], spread])
    dst_s = jnp.concatenate([edge_index[1],
                             n + (jnp.arange(pad, dtype=jnp.int32) % 8)])
    ea = jnp.concatenate([edge_attr[:, 0], jnp.zeros((pad,), jnp.float32)])

    mesh = plsc.VectorSubcoreMesh(core_axis_name="c", subcore_axis_name="s",
                                  num_cores=NC, num_subcores=NS)
    sc_params = pltpu.CompilerParams(needs_layout_passes=False)

    eh0 = (ep // (2 * BM_E)) * BM_E
    halves = [(0, eh0), (eh0, ep - eh0)]

    def gather_fn(src_h, dst_h, xl, xr, eh):
        return pl.kernel(
            _gather_body,
            out_type=[
                jax.ShapeDtypeStruct((eh, F_OUT), jnp.float32),
                jax.ShapeDtypeStruct((eh, F_OUT), jnp.float32),
            ],
            mesh=mesh,
            compiler_params=sc_params,
            scratch_types=[
                pltpu.VMEM((CHUNK,), jnp.int32),
                pltpu.VMEM((CHUNK,), jnp.int32),
                pltpu.VMEM((CHUNK, F_OUT), jnp.float32),
                pltpu.VMEM((CHUNK, F_OUT), jnp.float32),
                pltpu.SemaphoreType.DMA,
            ],
        )(xl, xr, src_h, dst_h)

    def scatter_fn(scaled_h, ex_h, dst_h):
        return pl.kernel(
            _scatter_body,
            out_type=[
                jax.ShapeDtypeStruct((NC, n, F_OUT), jnp.float32),
                jax.ShapeDtypeStruct((NC * nd_pad,), jnp.float32),
            ],
            mesh=mesh,
            compiler_params=sc_params,
            scratch_types=[
                pltpu.VMEM((CHUNK_S,), jnp.int32),
                pltpu.VMEM((CHUNK_S,), jnp.float32),
                pltpu.VMEM((CHUNK_S, F_OUT), jnp.float32),
                pltpu.VMEM((640,), jnp.float32),
                pltpu.VMEM_SHARED((n + 8, F_OUT), jnp.float32),
                pltpu.VMEM_SHARED((nd_pad,), jnp.float32),
                pltpu.SemaphoreType.DMA,
            ],
        )(scaled_h, ex_h, dst_h)

    we2 = W_e
    att2 = att[:, None]

    xlrs, lgs, bmaxs = [], [], []
    for off, eh in halves:
        xlr, xrr = gather_fn(lax.dynamic_slice(src, (off,), (eh,)),
                             lax.dynamic_slice(dst_g, (off,), (eh,)),
                             x_l, x_r, eh)
        lg, bmax = _edge_logits(xlr, xrr,
                                lax.dynamic_slice(ea, (off,), (eh,)),
                                we2, att2)
        xlrs.append(xlr)
        lgs.append(lg)
        bmaxs.append(bmax)

    aggs, dens = [], []
    for (off, eh), xlr, lg in zip(halves, xlrs, lgs):
        ex, scaled = _edge_scale(lg, xlr, bmaxs[0], bmaxs[1])
        agg2, den2 = scatter_fn(scaled, ex,
                                lax.dynamic_slice(dst_s, (off,), (eh,)))
        aggs.append(agg2)
        dens.append(den2[:n, None])
        dens.append(den2[nd_pad:nd_pad + n, None])

    batch2 = batch[:, None]
    bgat2 = b_gat[None, :]
    blin2 = b_lin[None, :]
    return _finish(aggs[0], aggs[1], dens, batch2, bgat2, W_lin, blin2,
                   num_graphs, num_classes)

# --- scband reference (transcript-rebuilt; emitter-appended) ---
"""Pipeline reference for scband-big-gat-85950885528246 (READ-ONLY COPY).

The authoritative reference and input builder live on the scoring server;
editing this copy changes nothing except your own understanding.
"""

import jax, jax.numpy as jnp
import numpy as np

N = 10000
E = 160000
F_IN = 256
F_OUT = 128  # round(256/2)
NUM_GRAPHS = 64
NUM_CLASSES = 10


def setup_inputs(seed: int = 0) -> dict:
    key = jax.random.key(seed)
    ks = jax.random.split(key, 12)
    x = jax.random.normal(ks[0], (N, F_IN), dtype=jnp.float32)
    edge_index = jax.random.randint(ks[1], (2, E), 0, N, dtype=jnp.int32)
    edge_attr = jax.random.normal(ks[2], (E, 1), dtype=jnp.float32)
    batch = jnp.sort(jax.random.randint(ks[3], (N,), 0, NUM_GRAPHS, dtype=jnp.int32))
    # GATv2Conv params (heads=1, out_channels=F_OUT, edge_dim=1)
    s_in = 1.0 / np.sqrt(F_IN)
    W_l = jax.random.uniform(ks[4], (F_IN, F_OUT), minval=-s_in, maxval=s_in, dtype=jnp.float32)
    W_r = jax.random.uniform(ks[5], (F_IN, F_OUT), minval=-s_in, maxval=s_in, dtype=jnp.float32)
    att = jax.random.uniform(ks[6], (F_OUT,), minval=-s_in, maxval=s_in, dtype=jnp.float32)
    W_e = jax.random.uniform(ks[7], (1, F_OUT), minval=-1.0, maxval=1.0, dtype=jnp.float32)
    b_gat = jnp.zeros((F_OUT,), dtype=jnp.float32)
    s_out = 1.0 / np.sqrt(F_OUT)
    W_lin = jax.random.uniform(ks[8], (F_OUT, NUM_CLASSES), minval=-s_out, maxval=s_out, dtype=jnp.float32)
    b_lin = jax.random.uniform(ks[9], (NUM_CLASSES,), minval=-s_out, maxval=s_out, dtype=jnp.float32)
    return {"x": x, "edge_index": edge_index, "edge_attr": edge_attr, "batch": batch,
            "W_l": W_l, "W_r": W_r, "att": att, "W_e": W_e, "b_gat": b_gat,
            "W_lin": W_lin, "b_lin": b_lin}


def reference(x, edge_index, edge_attr, batch, W_l, W_r, att, W_e, b_gat, W_lin, b_lin):
    src = edge_index[0]
    dst = edge_index[1]
    # GATv2Conv (heads=1): lin_l on source, lin_r on target, lin_edge on edge_attr
    x_l = x @ W_l  # [N, F_OUT]
    x_r = x @ W_r  # [N, F_OUT]
    e_feat = edge_attr @ W_e  # [E, F_OUT]
    m = x_l[src] + x_r[dst] + e_feat
    m = jax.nn.leaky_relu(m, negative_slope=0.2)
    logits = m @ att  # [E]
    # softmax over incoming edges per destination node
    seg_max = jax.ops.segment_max(logits, dst, num_segments=N)
    seg_max = jnp.where(jnp.isfinite(seg_max), seg_max, 0.0)
    ex = jnp.exp(logits - seg_max[dst])
    denom = jax.ops.segment_sum(ex, dst, num_segments=N)
    alpha = ex / (denom[dst] + 1e-16)
    out = jax.ops.segment_sum(alpha[:, None] * x_l[src], dst, num_segments=N) + b_gat
    out = jax.nn.relu(out)
    # global_mean_pool over batch assignment
    sums = jax.ops.segment_sum(out, batch, num_segments=NUM_GRAPHS)
    counts = jax.ops.segment_sum(jnp.ones((N,), dtype=jnp.float32), batch, num_segments=NUM_GRAPHS)
    pooled = sums / jnp.maximum(counts, 1.0)[:, None]
    return pooled @ W_lin + b_lin  # [NUM_GRAPHS, NUM_CLASSES]

if __name__ == "__main__":
    import jax
    _d = setup_inputs()
    print(jax.jit(kernel)(*tuple(_d.values())))

</pallas_src>

<mosaic_0001>
#map = affine_map<(d0, d1) -> (0, 0)>
#map1 = affine_map<(d0, d1) -> (0)>
module attributes {stable_mosaic.version = 14 : i64} {
  func.func @_gather_body(%arg0: i32, %arg1: i32, %arg2: memref<10000x128xf32, #tpu.memory_space<hbm>>, %arg3: memref<10000x128xf32, #tpu.memory_space<hbm>>, %arg4: memref<81920xi32, #tpu.memory_space<hbm>>, %arg5: memref<81920xi32, #tpu.memory_space<hbm>>, %arg6: memref<81920x128xf32, #tpu.memory_space<hbm>>, %arg7: memref<81920x128xf32, #tpu.memory_space<hbm>>, %arg8: memref<400xi32, #tpu.memory_space<vmem>>, %arg9: memref<400xi32, #tpu.memory_space<vmem>>, %arg10: memref<400x128xf32, #tpu.memory_space<vmem>>, %arg11: memref<400x128xf32, #tpu.memory_space<vmem>>, %arg12: memref<!tpu.dma_semaphore, #tpu.memory_space<semaphore_mem>>) attributes {dimension_semantics = [#tpu.dimension_semantics<core_parallel>, #tpu.dimension_semantics<subcore_parallel>], iteration_bounds = array<i64: 2, 16>, scalar_prefetch = 0 : i64, scratch_operands = 5 : i64, tpu.core_type = #tpu.core_type<sc_vector_subcore>, window_params = [{transform_indices = #map}, {transform_indices = #map}, {transform_indices = #map1}, {transform_indices = #map1}, {transform_indices = #map}, {transform_indices = #map}]} {
    %mul3A = arith.constant 16 : i32
    %mul3A_0 = arith.muli %arg0, %mul3A : i32
    %add3A = arith.addi %mul3A_0, %arg1 : i32
    %mul3A_1 = arith.constant 2560 : i32
    %mul3A_2 = arith.muli %add3A, %mul3A_1 : i32
    %scan3A = arith.constant 0 : i32
    %scan3A_3 = arith.constant 0 : i32
    %scan3A_4 = arith.constant 6 : i32
    %scan3A_5 = arith.addi %scan3A_3, %scan3A_4 : i32
    %scan3A_6 = arith.constant 1 : i32
    scf.for %scan3A_40 = %scan3A_3 to %scan3A_5 step %scan3A_6  : i32 {
      %mul3A_41 = arith.constant 400 : i32
      %mul3A_42 = arith.muli %scan3A_40, %mul3A_41 : i32
      %add3A_43 = arith.addi %mul3A_2, %mul3A_42 : i32
      "tpu.region"() ({
        %run_scoped3A = tpu.sem_alloc : memref<!tpu.dma_semaphore, #tpu.memory_space<semaphore_mem>>
        %dma_start3A_76 = arith.constant 0 : i32
        %dma_start3A_77 = tpu.memref_slice %arg8[%dma_start3A_76] : memref<400xi32, #tpu.memory_space<vmem>> -> memref<400xi32, #tpu.memory_space<vmem>>
        %dma_start3A_78 = tpu.memref_slice %arg4[%add3A_43] : memref<81920xi32, #tpu.memory_space<hbm>> -> memref<400xi32, #tpu.memory_space<hbm>>
        %dma_start3A_79 = arith.constant 0 : i32
        %dma_start3A_80 = tpu.memref_slice %arg8[%dma_start3A_79] : memref<400xi32, #tpu.memory_space<vmem>> -> memref<400xi32, #tpu.memory_space<vmem>>
        %dma_start3A_81 = tpu.memref_slice %arg4[%add3A_43] : memref<81920xi32, #tpu.memory_space<hbm>> -> memref<400xi32, #tpu.memory_space<hbm>>
        tpu.enqueue_dma source(%dma_start3A_81 : memref<400xi32, #tpu.memory_space<hbm>>) target(%dma_start3A_80 : memref<400xi32, #tpu.memory_space<vmem>>) target_semaphore(%run_scoped3A : memref<!tpu.dma_semaphore, #tpu.memory_space<semaphore_mem>>)
        %dma_wait3A_82 = arith.constant 0 : i32
        %dma_wait3A_83 = tpu.memref_slice %arg8[%dma_wait3A_82] : memref<400xi32, #tpu.memory_space<vmem>> -> memref<400xi32, #tpu.memory_space<vmem>>
        %dma_wait3A_84 = tpu.memref_slice %arg4[%add3A_43] : memref<81920xi32, #tpu.memory_space<hbm>> -> memref<400xi32, #tpu.memory_space<hbm>>
        %dma_wait3A_85 = arith.constant 0 : i32
        %dma_wait3A_86 = tpu.memref_slice %arg8[%dma_wait3A_85] : memref<400xi32, #tpu.memory_space<vmem>> -> memref<400xi32, #tpu.memory_space<vmem>>
        %dma_wait3A_87 = tpu.memref_slice %arg4[%add3A_43] : memref<81920xi32, #tpu.memory_space<hbm>> -> memref<400xi32, #tpu.memory_space<hbm>>
        tpu.wait_dma2 semaphore(%run_scoped3A : memref<!tpu.dma_semaphore, #tpu.memory_space<semaphore_mem>>) src(%dma_wait3A_87 : memref<400xi32, #tpu.memory_space<hbm>>) dst(%dma_wait3A_86 : memref<400xi32, #tpu.memory_space<vmem>>)
        tpu.yield
      }) : () -> ()
      "tpu.region"() ({
        %run_scoped3A = tpu.sem_alloc : memref<!tpu.dma_semaphore, #tpu.memory_space<semaphore_mem>>
        %dma_start3A_76 = arith.constant 0 : i32
        %dma_start3A_77 = tpu.memref_slice %arg9[%dma_start3A_76] : memref<400xi32, #tpu.memory_space<vmem>> -> memref<400xi32, #tpu.memory_space<vmem>>
        %dma_start3A_78 = tpu.memref_slice %arg5[%add3A_43] : memref<81920xi32, #tpu.memory_space<hbm>> -> memref<400xi32, #tpu.memory_space<hbm>>
        %dma_start3A_79 = arith.constant 0 : i32
        %dma_start3A_80 = tpu.memref_slice %arg9[%dma_start3A_79] : memref<400xi32, #tpu.memory_space<vmem>> -> memref<400xi32, #tpu.memory_space<vmem>>
        %dma_start3A_81 = tpu.memref_slice %arg5[%add3A_43] : memref<81920xi32, #tpu.memory_space<hbm>> -> memref<400xi32, #tpu.memory_space<hbm>>
        tpu.enqueue_dma source(%dma_start3A_81 : memref<400xi32, #tpu.memory_space<hbm>>) target(%dma_start3A_80 : memref<400xi32, #tpu.memory_space<vmem>>) target_semaphore(%run_scoped3A : memref<!tpu.dma_semaphore, #tpu.memory_space<semaphore_mem>>)
        %dma_wait3A_82 = arith.constant 0 : i32
        %dma_wait3A_83 = tpu.memref_slice %arg9[%dma_wait3A_82] : memref<400xi32, #tpu.memory_space<vmem>> -> memref<400xi32, #tpu.memory_space<vmem>>
        %dma_wait3A_84 = tpu.memref_slice %arg5[%add3A_43] : memref<81920xi32, #tpu.memory_space<hbm>> -> memref<400xi32, #tpu.memory_space<hbm>>
        %dma_wait3A_85 = arith.constant 0 : i32
        %dma_wait3A_86 = tpu.memref_slice %arg9[%dma_wait3A_85] : memref<400xi32, #tpu.memory_space<vmem>> -> memref<400xi32, #tpu.memory_space<vmem>>
        %dma_wait3A_87 = tpu.memref_slice %arg5[%add3A_43] : memref<81920xi32, #tpu.memory_space<hbm>> -> memref<400xi32, #tpu.memory_space<hbm>>
        tpu.wait_dma2 semaphore(%run_scoped3A : memref<!tpu.dma_semaphore, #tpu.memory_space<semaphore_mem>>) src(%dma_wait3A_87 : memref<400xi32, #tpu.memory_space<hbm>>) dst(%dma_wait3A_86 : memref<400xi32, #tpu.memory_space<vmem>>)
        tpu.yield
      }) : () -> ()
      %dma_start3A_44 = arith.constant 0 : i32
      %dma_start3A_45 = arith.constant 0 : i32
      %dma_start3A_46 = tpu.memref_slice %arg10[%dma_start3A_44, %dma_start3A_45] : memref<400x128xf32, #tpu.memory_space<vmem>> -> memref<400x128xf32, #tpu.memory_space<vmem>>
      %dma_start3A_47 = arith.constant 0 : i32
      %dma_start3A_48 = tpu.memref_slice %arg8[%dma_start3A_47] : memref<400xi32, #tpu.memory_space<vmem>> -> memref<400xi32, #tpu.memory_space<vmem>>
      %dma_start3A_49 = arith.constant 0 : i32
      %dma_start3A_50 = arith.constant 0 : i32
      %dma_start3A_51 = tpu.memref_slice %arg2[%dma_start3A_49, %dma_start3A_50] : memref<10000x128xf32, #tpu.memory_space<hbm>> -> memref<10000x128xf32, #tpu.memory_space<hbm>>
      tpu.enqueue_indirect_dma source(%dma_start3A_51 : memref<10000x128xf32, #tpu.memory_space<hbm>>) target(%dma_start3A_46 : memref<400x128xf32, #tpu.memory_space<vmem>>) offsets(%dma_start3A_48 : memref<400xi32, #tpu.memory_space<vmem>>) semaphore(%arg12 : memref<!tpu.dma_semaphore, #tpu.memory_space<semaphore_mem>>)
      %dma_start3A_52 = arith.constant 0 : i32
      %dma_start3A_53 = arith.constant 0 : i32
      %dma_start3A_54 = tpu.memref_slice %arg11[%dma_start3A_52, %dma_start3A_53] : memref<400x128xf32, #tpu.memory_space<vmem>> -> memref<400x128xf32, #tpu.memory_space<vmem>>
      %dma_start3A_55 = arith.constant 0 : i32
      %dma_start3A_56 = tpu.memref_slice %arg9[%dma_start3A_55] : memref<400xi32, #tpu.memory_space<vmem>> -> memref<400xi32, #tpu.memory_space<vmem>>
      %dma_start3A_57 = arith.constant 0 : i32
      %dma_start3A_58 = arith.constant 0 : i32
      %dma_start3A_59 = tpu.memref_slice %arg3[%dma_start3A_57, %dma_start3A_58] : memref<10000x128xf32, #tpu.memory_space<hbm>> -> memref<10000x128xf32, #tpu.memory_space<hbm>>
      tpu.enqueue_indirect_dma source(%dma_start3A_59 : memref<10000x128xf32, #tpu.memory_space<hbm>>) target(%dma_start3A_54 : memref<400x128xf32, #tpu.memory_space<vmem>>) offsets(%dma_start3A_56 : memref<400xi32, #tpu.memory_space<vmem>>) semaphore(%arg12 : memref<!tpu.dma_semaphore, #tpu.memory_space<semaphore_mem>>)
      %dma_wait3A_60 = arith.constant 0 : i32
      %dma_wait3A_61 = arith.constant 0 : i32
      %dma_wait3A_62 = tpu.memref_slice %arg10[%dma_wait3A_60, %dma_wait3A_61] : memref<400x128xf32, #tpu.memory_space<vmem>> -> memref<400x128xf32, #tpu.memory_space<vmem>>
      %dma_wait3A_63 = arith.constant 0 : i32
      %dma_wait3A_64 = tpu.memref_slice %arg8[%dma_wait3A_63] : memref<400xi32, #tpu.memory_space<vmem>> -> memref<400xi32, #tpu.memory_space<vmem>>
      %dma_wait3A_65 = arith.constant 0 : i32
      %dma_wait3A_66 = arith.constant 0 : i32
      %dma_wait3A_67 = tpu.memref_slice %arg2[%dma_wait3A_65, %dma_wait3A_66] : memref<10000x128xf32, #tpu.memory_space<hbm>> -> memref<10000x128xf32, #tpu.memory_space<hbm>>
      tpu.wait_indirect_dma semaphore(%arg12 : memref<!tpu.dma_semaphore, #tpu.memory_space<semaphore_mem>>) src(%dma_wait3A_67 : memref<10000x128xf32, #tpu.memory_space<hbm>>) dst(%dma_wait3A_62 : memref<400x128xf32, #tpu.memory_space<vmem>>)
      %dma_wait3A_68 = arith.constant 0 : i32
      %dma_wait3A_69 = arith.constant 0 : i32
      %dma_wait3A_70 = tpu.memref_slice %arg11[%dma_wait3A_68, %dma_wait3A_69] : memref<400x128xf32, #tpu.memory_space<vmem>> -> memref<400x128xf32, #tpu.memory_space<vmem>>
      %dma_wait3A_71 = arith.constant 0 : i32
      %dma_wait3A_72 = tpu.memref_slice %arg9[%dma_wait3A_71] : memref<400xi32, #tpu.memory_space<vmem>> -> memref<400xi32, #tpu.memory_space<vmem>>
      %dma_wait3A_73 = arith.constant 0 : i32
      %dma_wait3A_74 = arith.constant 0 : i32
      %dma_wait3A_75 = tpu.memref_slice %arg3[%dma_wait3A_73, %dma_wait3A_74] : memref<10000x128xf32, #tpu.memory_space<hbm>> -> memref<10000x128xf32, #tpu.memory_space<hbm>>
      tpu.wait_indirect_dma semaphore(%arg12 : memref<!tpu.dma_semaphore, #tpu.memory_space<semaphore_mem>>) src(%dma_wait3A_75 : memref<10000x128xf32, #tpu.memory_space<hbm>>) dst(%dma_wait3A_70 : memref<400x128xf32, #tpu.memory_space<vmem>>)
      "tpu.region"() ({
        %run_scoped3A = tpu.sem_alloc : memref<!tpu.dma_semaphore, #tpu.memory_space<semaphore_mem>>
        %dma_start3A_76 = arith.constant 0 : i32
        %dma_start3A_77 = arith.constant 0 : i32
        %dma_start3A_78 = tpu.memref_slice %arg10[%dma_start3A_76, %dma_start3A_77] : memref<400x128xf32, #tpu.memory_space<vmem>> -> memref<400x128xf32, #tpu.memory_space<vmem>>
        %dma_start3A_79 = arith.constant 0 : i32
        %dma_start3A_80 = tpu.memref_slice %arg6[%add3A_43, %dma_start3A_79] : memref<81920x128xf32, #tpu.memory_space<hbm>> -> memref<400x128xf32, #tpu.memory_space<hbm>>
        %dma_start3A_81 = arith.constant 0 : i32
        %dma_start3A_82 = tpu.memref_slice %arg6[%add3A_43, %dma_start3A_81] : memref<81920x128xf32, #tpu.memory_space<hbm>> -> memref<400x128xf32, #tpu.memory_space<hbm>>
        %dma_start3A_83 = arith.constant 0 : i32
        %dma_start3A_84 = arith.constant 0 : i32
        %dma_start3A_85 = tpu.memref_slice %arg10[%dma_start3A_83, %dma_start3A_84] : memref<400x128xf32, #tpu.memory_space<vmem>> -> memref<400x128xf32, #tpu.memory_space<vmem>>
        tpu.enqueue_dma source(%dma_start3A_85 : memref<400x128xf32, #tpu.memory_space<vmem>>) target(%dma_start3A_82 : memref<400x128xf32, #tpu.memory_space<hbm>>) target_semaphore(%run_scoped3A : memref<!tpu.dma_semaphore, #tpu.memory_space<semaphore_mem>>)
        %dma_wait3A_86 = arith.constant 0 : i32
        %dma_wait3A_87 = arith.constant 0 : i32
        %dma_wait3A_88 = tpu.memref_slice %arg10[%dma_wait3A_86, %dma_wait3A_87] : memref<400x128xf32, #tpu.memory_space<vmem>> -> memref<400x128xf32, #tpu.memory_space<vmem>>
        %dma_wait3A_89 = arith.constant 0 : i32
        %dma_wait3A_90 = tpu.memref_slice %arg6[%add3A_43, %dma_wait3A_89] : memref<81920x128xf32, #tpu.memory_space<hbm>> -> memref<400x128xf32, #tpu.memory_space<hbm>>
        %dma_wait3A_91 = arith.constant 0 : i32
        %dma_wait3A_92 = tpu.memref_slice %arg6[%add3A_43, %dma_wait3A_91] : memref<81920x128xf32, #tpu.memory_space<hbm>> -> memref<400x128xf32, #tpu.memory_space<hbm>>
        %dma_wait3A_93 = arith.constant 0 : i32
        %dma_wait3A_94 = arith.constant 0 : i32
        %dma_wait3A_95 = tpu.memref_slice %arg10[%dma_wait3A_93, %dma_wait3A_94] : memref<400x128xf32, #tpu.memory_space<vmem>> -> memref<400x128xf32, #tpu.memory_space<vmem>>
        tpu.wait_dma2 semaphore(%run_scoped3A : memref<!tpu.dma_semaphore, #tpu.memory_space<semaphore_mem>>) src(%dma_wait3A_95 : memref<400x128xf32, #tpu.memory_space<vmem>>) dst(%dma_wait3A_92 : memref<400x128xf32, #tpu.memory_space<hbm>>)
        tpu.yield
      }) : () -> ()
      "tpu.region"() ({
        %run_scoped3A = tpu.sem_alloc : memref<!tpu.dma_semaphore, #tpu.memory_space<semaphore_mem>>
        %dma_start3A_76 = arith.constant 0 : i32
        %dma_start3A_77 = arith.constant 0 : i32
        %dma_start3A_78 = tpu.memref_slice %arg11[%dma_start3A_76, %dma_start3A_77] : memref<400x128xf32, #tpu.memory_space<vmem>> -> memref<400x128xf32, #tpu.memory_space<vmem>>
        %dma_start3A_79 = arith.constant 0 : i32
        %dma_start3A_80 = tpu.memref_slice %arg7[%add3A_43, %dma_start3A_79] : memref<81920x128xf32, #tpu.memory_space<hbm>> -> memref<400x128xf32, #tpu.memory_space<hbm>>
        %dma_start3A_81 = arith.constant 0 : i32
        %dma_start3A_82 = tpu.memref_slice %arg7[%add3A_43, %dma_start3A_81] : memref<81920x128xf32, #tpu.memory_space<hbm>> -> memref<400x128xf32, #tpu.memory_space<hbm>>
        %dma_start3A_83 = arith.constant 0 : i32
        %dma_start3A_84 = arith.constant 0 : i32
        %dma_start3A_85 = tpu.memref_slice %arg11[%dma_start3A_83, %dma_start3A_84] : memref<400x128xf32, #tpu.memory_space<vmem>> -> memref<400x128xf32, #tpu.memory_space<vmem>>
        tpu.enqueue_dma source(%dma_start3A_85 : memref<400x128xf32, #tpu.memory_space<vmem>>) target(%dma_start3A_82 : memref<400x128xf32, #tpu.memory_space<hbm>>) target_semaphore(%run_scoped3A : memref<!tpu.dma_semaphore, #tpu.memory_space<semaphore_mem>>)
        %dma_wait3A_86 = arith.constant 0 : i32
        %dma_wait3A_87 = arith.constant 0 : i32
        %dma_wait3A_88 = tpu.memref_slice %arg11[%dma_wait3A_86, %dma_wait3A_87] : memref<400x128xf32, #tpu.memory_space<vmem>> -> memref<400x128xf32, #tpu.memory_space<vmem>>
        %dma_wait3A_89 = arith.constant 0 : i32
        %dma_wait3A_90 = tpu.memref_slice %arg7[%add3A_43, %dma_wait3A_89] : memref<81920x128xf32, #tpu.memory_space<hbm>> -> memref<400x128xf32, #tpu.memory_space<hbm>>
        %dma_wait3A_91 = arith.constant 0 : i32
        %dma_wait3A_92 = tpu.memref_slice %arg7[%add3A_43, %dma_wait3A_91] : memref<81920x128xf32, #tpu.memory_space<hbm>> -> memref<400x128xf32, #tpu.memory_space<hbm>>
        %dma_wait3A_93 = arith.constant 0 : i32
        %dma_wait3A_94 = arith.constant 0 : i32
        %dma_wait3A_95 = tpu.memref_slice %arg11[%dma_wait3A_93, %dma_wait3A_94] : memref<400x128xf32, #tpu.memory_space<vmem>> -> memref<400x128xf32, #tpu.memory_space<vmem>>
        tpu.wait_dma2 semaphore(%run_scoped3A : memref<!tpu.dma_semaphore, #tpu.memory_space<semaphore_mem>>) src(%dma_wait3A_95 : memref<400x128xf32, #tpu.memory_space<vmem>>) dst(%dma_wait3A_92 : memref<400x128xf32, #tpu.memory_space<hbm>>)
        tpu.yield
      }) : () -> ()
    }
    %scan3A_7 = arith.constant 6 : i32
    %add3A_8 = arith.constant 2400 : i32
    %add3A_9 = arith.addi %mul3A_2, %add3A_8 : i32
    "tpu.region"() ({
      %run_scoped3A = tpu.sem_alloc : memref<!tpu.dma_semaphore, #tpu.memory_space<semaphore_mem>>
      %dma_start3A_40 = arith.constant 0 : i32
      %dma_start3A_41 = tpu.memref_slice %arg8[%dma_start3A_40] : memref<400xi32, #tpu.memory_space<vmem>> -> memref<160xi32, #tpu.memory_space<vmem>>
      %dma_start3A_42 = tpu.memref_slice %arg4[%add3A_9] : memref<81920xi32, #tpu.memory_space<hbm>> -> memref<160xi32, #tpu.memory_space<hbm>>
      %dma_start3A_43 = arith.constant 0 : i32
      %dma_start3A_44 = tpu.memref_slice %arg8[%dma_start3A_43] : memref<400xi32, #tpu.memory_space<vmem>> -> memref<160xi32, #tpu.memory_space<vmem>>
      %dma_start3A_45 = tpu.memref_slice %arg4[%add3A_9] : memref<81920xi32, #tpu.memory_space<hbm>> -> memref<160xi32, #tpu.memory_space<hbm>>
      tpu.enqueue_dma source(%dma_start3A_45 : memref<160xi32, #tpu.memory_space<hbm>>) target(%dma_start3A_44 : memref<160xi32, #tpu.memory_space<vmem>>) target_semaphore(%run_scoped3A : memref<!tpu.dma_semaphore, #tpu.memory_space<semaphore_mem>>)
      %dma_wait3A_46 = arith.constant 0 : i32
      %dma_wait3A_47 = tpu.memref_slice %arg8[%dma_wait3A_46] : memref<400xi32, #tpu.memory_space<vmem>> -> memref<160xi32, #tpu.memory_space<vmem>>
      %dma_wait3A_48 = tpu.memref_slice %arg4[%add3A_9] : memref<81920xi32, #tpu.memory_space<hbm>> -> memref<160xi32, #tpu.memory_space<hbm>>
      %dma_wait3A_49 = arith.constant 0 : i32
      %dma_wait3A_50 = tpu.memref_slice %arg8[%dma_wait3A_49] : memref<400xi32, #tpu.memory_space<vmem>> -> memref<160xi32, #tpu.memory_space<vmem>>
      %dma_wait3A_51 = tpu.memref_slice %arg4[%add3A_9] : memref<81920xi32, #tpu.memory_space<hbm>> -> memref<160xi32, #tpu.memory_space<hbm>>
      tpu.wait_dma2 semaphore(%run_scoped3A : memref<!tpu.dma_semaphore, #tpu.memory_space<semaphore_mem>>) src(%dma_wait3A_51 : memref<160xi32, #tpu.memory_space<hbm>>) dst(%dma_wait3A_50 : memref<160xi32, #tpu.memory_space<vmem>>)
      tpu.yield
    }) : () -> ()
    "tpu.region"() ({
      %run_scoped3A = tpu.sem_alloc : memref<!tpu.dma_semaphore, #tpu.memory_space<semaphore_mem>>
      %dma_start3A_40 = arith.constant 0 : i32
      %dma_start3A_41 = tpu.memref_slice %arg9[%dma_start3A_40] : memref<400xi32, #tpu.memory_space<vmem>> -> memref<160xi32, #tpu.memory_space<vmem>>
      %dma_start3A_42 = tpu.memref_slice %arg5[%add3A_9] : memref<81920xi32, #tpu.memory_space<hbm>> -> memref<160xi32, #tpu.memory_space<hbm>>
      %dma_start3A_43 = arith.constant 0 : i32
      %dma_start3A_44 = tpu.memref_slice %arg9[%dma_start3A_43] : memref<400xi32, #tpu.memory_space<vmem>> -> memref<160xi32, #tpu.memory_space<vmem>>
      %dma_start3A_45 = tpu.memref_slice %arg5[%add3A_9] : memref<81920xi32, #tpu.memory_space<hbm>> -> memref<160xi32, #tpu.memory_space<hbm>>
      tpu.enqueue_dma source(%dma_start3A_45 : memref<160xi32, #tpu.memory_space<hbm>>) target(%dma_start3A_44 : memref<160xi32, #tpu.memory_space<vmem>>) target_semaphore(%run_scoped3A : memref<!tpu.dma_semaphore, #tpu.memory_space<semaphore_mem>>)
      %dma_wait3A_46 = arith.constant 0 : i32
      %dma_wait3A_47 = tpu.memref_slice %arg9[%dma_wait3A_46] : memref<400xi32, #tpu.memory_space<vmem>> -> memref<160xi32, #tpu.memory_space<vmem>>
      %dma_wait3A_48 = tpu.memref_slice %arg5[%add3A_9] : memref<81920xi32, #tpu.memory_space<hbm>> -> memref<160xi32, #tpu.memory_space<hbm>>
      %dma_wait3A_49 = arith.constant 0 : i32
      %dma_wait3A_50 = tpu.memref_slice %arg9[%dma_wait3A_49] : memref<400xi32, #tpu.memory_space<vmem>> -> memref<160xi32, #tpu.memory_space<vmem>>
      %dma_wait3A_51 = tpu.memref_slice %arg5[%add3A_9] : memref<81920xi32, #tpu.memory_space<hbm>> -> memref<160xi32, #tpu.memory_space<hbm>>
      tpu.wait_dma2 semaphore(%run_scoped3A : memref<!tpu.dma_semaphore, #tpu.memory_space<semaphore_mem>>) src(%dma_wait3A_51 : memref<160xi32, #tpu.memory_space<hbm>>) dst(%dma_wait3A_50 : memref<160xi32, #tpu.memory_space<vmem>>)
      tpu.yield
    }) : () -> ()
    %dma_start3A = arith.constant 0 : i32
    %dma_start3A_10 = arith.constant 0 : i32
    %dma_start3A_11 = tpu.memref_slice %arg10[%dma_start3A, %dma_start3A_10] : memref<400x128xf32, #tpu.memory_space<vmem>> -> memref<160x128xf32, #tpu.memory_space<vmem>>
    %dma_start3A_12 = arith.constant 0 : i32
    %dma_start3A_13 = tpu.memref_slice %arg8[%dma_start3A_12] : memref<400xi32, #tpu.memory_space<vmem>> -> memref<160xi32, #tpu.memory_space<vmem>>
    %dma_start3A_14 = arith.constant 0 : i32
    %dma_start3A_15 = arith.constant 0 : i32
    %dma_start3A_16 = tpu.memref_slice %arg2[%dma_start3A_14, %dma_start3A_15] : memref<10000x128xf32, #tpu.memory_space<hbm>> -> memref<10000x128xf32, #tpu.memory_space<hbm>>
    tpu.enqueue_indirect_dma source(%dma_start3A_16 : memref<10000x128xf32, #tpu.memory_space<hbm>>) target(%dma_start3A_11 : memref<160x128xf32, #tpu.memory_space<vmem>>) offsets(%dma_start3A_13 : memref<160xi32, #tpu.memory_space<vmem>>) semaphore(%arg12 : memref<!tpu.dma_semaphore, #tpu.memory_space<semaphore_mem>>)
    %dma_start3A_17 = arith.constant 0 : i32
    %dma_start3A_18 = arith.constant 0 : i32
    %dma_start3A_19 = tpu.memref_slice %arg11[%dma_start3A_17, %dma_start3A_18] : memref<400x128xf32, #tpu.memory_space<vmem>> -> memref<160x128xf32, #tpu.memory_space<vmem>>
    %dma_start3A_20 = arith.constant 0 : i32
    %dma_start3A_21 = tpu.memref_slice %arg9[%dma_start3A_20] : memref<400xi32, #tpu.memory_space<vmem>> -> memref<160xi32, #tpu.memory_space<vmem>>
    %dma_start3A_22 = arith.constant 0 : i32
    %dma_start3A_23 = arith.constant 0 : i32
    %dma_start3A_24 = tpu.memref_slice %arg3[%dma_start3A_22, %dma_start3A_23] : memref<10000x128xf32, #tpu.memory_space<hbm>> -> memref<10000x128xf32, #tpu.memory_space<hbm>>
    tpu.enqueue_indirect_dma source(%dma_start3A_24 : memref<10000x128xf32, #tpu.memory_space<hbm>>) target(%dma_start3A_19 : memref<160x128xf32, #tpu.memory_space<vmem>>) offsets(%dma_start3A_21 : memref<160xi32, #tpu.memory_space<vmem>>) semaphore(%arg12 : memref<!tpu.dma_semaphore, #tpu.memory_space<semaphore_mem>>)
    %dma_wait3A = arith.constant 0 : i32
    %dma_wait3A_25 = arith.constant 0 : i32
    %dma_wait3A_26 = tpu.memref_slice %arg10[%dma_wait3A, %dma_wait3A_25] : memref<400x128xf32, #tpu.memory_space<vmem>> -> memref<160x128xf32, #tpu.memory_space<vmem>>
    %dma_wait3A_27 = arith.constant 0 : i32
    %dma_wait3A_28 = tpu.memref_slice %arg8[%dma_wait3A_27] : memref<400xi32, #tpu.memory_space<vmem>> -> memref<160xi32, #tpu.memory_space<vmem>>
    %dma_wait3A_29 = arith.constant 0 : i32
    %dma_wait3A_30 = arith.constant 0 : i32
    %dma_wait3A_31 = tpu.memref_slice %arg2[%dma_wait3A_29, %dma_wait3A_30] : memref<10000x128xf32, #tpu.memory_space<hbm>> -> memref<10000x128xf32, #tpu.memory_space<hbm>>
    tpu.wait_indirect_dma semaphore(%arg12 : memref<!tpu.dma_semaphore, #tpu.memory_space<semaphore_mem>>) src(%dma_wait3A_31 : memref<10000x128xf32, #tpu.memory_space<hbm>>) dst(%dma_wait3A_26 : memref<160x128xf32, #tpu.memory_space<vmem>>)
    %dma_wait3A_32 = arith.constant 0 : i32
    %dma_wait3A_33 = arith.constant 0 : i32
    %dma_wait3A_34 = tpu.memref_slice %arg11[%dma_wait3A_32, %dma_wait3A_33] : memref<400x128xf32, #tpu.memory_space<vmem>> -> memref<160x128xf32, #tpu.memory_space<vmem>>
    %dma_wait3A_35 = arith.constant 0 : i32
    %dma_wait3A_36 = tpu.memref_slice %arg9[%dma_wait3A_35] : memref<400xi32, #tpu.memory_space<vmem>> -> memref<160xi32, #tpu.memory_space<vmem>>
    %dma_wait3A_37 = arith.constant 0 : i32
    %dma_wait3A_38 = arith.constant 0 : i32
    %dma_wait3A_39 = tpu.memref_slice %arg3[%dma_wait3A_37, %dma_wait3A_38] : memref<10000x128xf32, #tpu.memory_space<hbm>> -> memref<10000x128xf32, #tpu.memory_space<hbm>>
    tpu.wait_indirect_dma semaphore(%arg12 : memref<!tpu.dma_semaphore, #tpu.memory_space<semaphore_mem>>) src(%dma_wait3A_39 : memref<10000x128xf32, #tpu.memory_space<hbm>>) dst(%dma_wait3A_34 : memref<160x128xf32, #tpu.memory_space<vmem>>)
    "tpu.region"() ({
      %run_scoped3A = tpu.sem_alloc : memref<!tpu.dma_semaphore, #tpu.memory_space<semaphore_mem>>
      %dma_start3A_40 = arith.constant 0 : i32
      %dma_start3A_41 = arith.constant 0 : i32
      %dma_start3A_42 = tpu.memref_slice %arg10[%dma_start3A_40, %dma_start3A_41] : memref<400x128xf32, #tpu.memory_space<vmem>> -> memref<160x128xf32, #tpu.memory_space<vmem>>
      %dma_start3A_43 = arith.constant 0 : i32
      %dma_start3A_44 = tpu.memref_slice %arg6[%add3A_9, %dma_start3A_43] : memref<81920x128xf32, #tpu.memory_space<hbm>> -> memref<160x128xf32, #tpu.memory_space<hbm>>
      %dma_start3A_45 = arith.constant 0 : i32
      %dma_start3A_46 = tpu.memref_slice %arg6[%add3A_9, %dma_start3A_45] : memref<81920x128xf32, #tpu.memory_space<hbm>> -> memref<160x128xf32, #tpu.memory_space<hbm>>
      %dma_start3A_47 = arith.constant 0 : i32
      %dma_start3A_48 = arith.constant 0 : i32
      %dma_start3A_49 = tpu.memref_slice %arg10[%dma_start3A_47, %dma_start3A_48] : memref<400x128xf32, #tpu.memory_space<vmem>> -> memref<160x128xf32, #tpu.memory_space<vmem>>
      tpu.enqueue_dma source(%dma_start3A_49 : memref<160x128xf32, #tpu.memory_space<vmem>>) target(%dma_start3A_46 : memref<160x128xf32, #tpu.memory_space<hbm>>) target_semaphore(%run_scoped3A : memref<!tpu.dma_semaphore, #tpu.memory_space<semaphore_mem>>)
      %dma_wait3A_50 = arith.constant 0 : i32
      %dma_wait3A_51 = arith.constant 0 : i32
      %dma_wait3A_52 = tpu.memref_slice %arg10[%dma_wait3A_50, %dma_wait3A_51] : memref<400x128xf32, #tpu.memory_space<vmem>> -> memref<160x128xf32, #tpu.memory_space<vmem>>
      %dma_wait3A_53 = arith.constant 0 : i32
      %dma_wait3A_54 = tpu.memref_slice %arg6[%add3A_9, %dma_wait3A_53] : memref<81920x128xf32, #tpu.memory_space<hbm>> -> memref<160x128xf32, #tpu.memory_space<hbm>>
      %dma_wait3A_55 = arith.constant 0 : i32
      %dma_wait3A_56 = tpu.memref_slice %arg6[%add3A_9, %dma_wait3A_55] : memref<81920x128xf32, #tpu.memory_space<hbm>> -> memref<160x128xf32, #tpu.memory_space<hbm>>
      %dma_wait3A_57 = arith.constant 0 : i32
      %dma_wait3A_58 = arith.constant 0 : i32
      %dma_wait3A_59 = tpu.memref_slice %arg10[%dma_wait3A_57, %dma_wait3A_58] : memref<400x128xf32, #tpu.memory_space<vmem>> -> memref<160x128xf32, #tpu.memory_space<vmem>>
      tpu.wait_dma2 semaphore(%run_scoped3A : memref<!tpu.dma_semaphore, #tpu.memory_space<semaphore_mem>>) src(%dma_wait3A_59 : memref<160x128xf32, #tpu.memory_space<vmem>>) dst(%dma_wait3A_56 : memref<160x128xf32, #tpu.memory_space<hbm>>)
      tpu.yield
    }) : () -> ()
    "tpu.region"() ({
      %run_scoped3A = tpu.sem_alloc : memref<!tpu.dma_semaphore, #tpu.memory_space<semaphore_mem>>
      %dma_start3A_40 = arith.constant 0 : i32
      %dma_start3A_41 = arith.constant 0 : i32
      %dma_start3A_42 = tpu.memref_slice %arg11[%dma_start3A_40, %dma_start3A_41] : memref<400x128xf32, #tpu.memory_space<vmem>> -> memref<160x128xf32, #tpu.memory_space<vmem>>
      %dma_start3A_43 = arith.constant 0 : i32
      %dma_start3A_44 = tpu.memref_slice %arg7[%add3A_9, %dma_start3A_43] : memref<81920x128xf32, #tpu.memory_space<hbm>> -> memref<160x128xf32, #tpu.memory_space<hbm>>
      %dma_start3A_45 = arith.constant 0 : i32
      %dma_start3A_46 = tpu.memref_slice %arg7[%add3A_9, %dma_start3A_45] : memref<81920x128xf32, #tpu.memory_space<hbm>> -> memref<160x128xf32, #tpu.memory_space<hbm>>
      %dma_start3A_47 = arith.constant 0 : i32
      %dma_start3A_48 = arith.constant 0 : i32
      %dma_start3A_49 = tpu.memref_slice %arg11[%dma_start3A_47, %dma_start3A_48] : memref<400x128xf32, #tpu.memory_space<vmem>> -> memref<160x128xf32, #tpu.memory_space<vmem>>
      tpu.enqueue_dma source(%dma_start3A_49 : memref<160x128xf32, #tpu.memory_space<vmem>>) target(%dma_start3A_46 : memref<160x128xf32, #tpu.memory_space<hbm>>) target_semaphore(%run_scoped3A : memref<!tpu.dma_semaphore, #tpu.memory_space<semaphore_mem>>)
      %dma_wait3A_50 = arith.constant 0 : i32
      %dma_wait3A_51 = arith.constant 0 : i32
      %dma_wait3A_52 = tpu.memref_slice %arg11[%dma_wait3A_50, %dma_wait3A_51] : memref<400x128xf32, #tpu.memory_space<vmem>> -> memref<160x128xf32, #tpu.memory_space<vmem>>
      %dma_wait3A_53 = arith.constant 0 : i32
      %dma_wait3A_54 = tpu.memref_slice %arg7[%add3A_9, %dma_wait3A_53] : memref<81920x128xf32, #tpu.memory_space<hbm>> -> memref<160x128xf32, #tpu.memory_space<hbm>>
      %dma_wait3A_55 = arith.constant 0 : i32
      %dma_wait3A_56 = tpu.memref_slice %arg7[%add3A_9, %dma_wait3A_55] : memref<81920x128xf32, #tpu.memory_space<hbm>> -> memref<160x128xf32, #tpu.memory_space<hbm>>
      %dma_wait3A_57 = arith.constant 0 : i32
      %dma_wait3A_58 = arith.constant 0 : i32
      %dma_wait3A_59 = tpu.memref_slice %arg11[%dma_wait3A_57, %dma_wait3A_58] : memref<400x128xf32, #tpu.memory_space<vmem>> -> memref<160x128xf32, #tpu.memory_space<vmem>>
      tpu.wait_dma2 semaphore(%run_scoped3A : memref<!tpu.dma_semaphore, #tpu.memory_space<semaphore_mem>>) src(%dma_wait3A_59 : memref<160x128xf32, #tpu.memory_space<vmem>>) dst(%dma_wait3A_56 : memref<160x128xf32, #tpu.memory_space<hbm>>)
      tpu.yield
    }) : () -> ()
    return
  }
}

#map = affine_map<(d0, d1) -> (0, 0)>
#map1 = affine_map<(d0, d1) -> (0)>
module attributes {stable_mosaic.version = 14 : i64} {
  func.func @_gather_body(%arg0: i32, %arg1: i32, %arg2: memref<10000x128xf32, #tpu.memory_space<hbm>>, %arg3: memref<10000x128xf32, #tpu.memory_space<hbm>>, %arg4: memref<79872xi32, #tpu.memory_space<hbm>>, %arg5: memref<79872xi32, #tpu.memory_space<hbm>>, %arg6: memref<79872x128xf32, #tpu.memory_space<hbm>>, %arg7: memref<79872x128xf32, #tpu.memory_space<hbm>>, %arg8: memref<400xi32, #tpu.memory_space<vmem>>, %arg9: memref<400xi32, #tpu.memory_space<vmem>>, %arg10: memref<400x128xf32, #tpu.memory_space<vmem>>, %arg11: memref<400x128xf32, #tpu.memory_space<vmem>>, %arg12: memref<!tpu.dma_semaphore, #tpu.memory_space<semaphore_mem>>) attributes {dimension_semantics = [#tpu.dimension_semantics<core_parallel>, #tpu.dimension_semantics<subcore_parallel>], iteration_bounds = array<i64: 2, 16>, scalar_prefetch = 0 : i64, scratch_operands = 5 : i64, tpu.core_type = #tpu.core_type<sc_vector_subcore>, window_params = [{transform_indices = #map}, {transform_indices = #map}, {transform_indices = #map1}, {transform_indices = #map1}, {transform_indices = #map}, {transform_indices = #map}]} {
    %mul3A = arith.constant 16 : i32
    %mul3A_0 = arith.muli %arg0, %mul3A : i32
    %add3A = arith.addi %mul3A_0, %arg1 : i32
    %mul3A_1 = arith.constant 2496 : i32
    %mul3A_2 = arith.muli %add3A, %mul3A_1 : i32
    %scan3A = arith.constant 0 : i32
    %scan3A_3 = arith.constant 0 : i32
    %scan3A_4 = arith.constant 6 : i32
    %scan3A_5 = arith.addi %scan3A_3, %scan3A_4 : i32
    %scan3A_6 = arith.constant 1 : i32
    scf.for %scan3A_40 = %scan3A_3 to %scan3A_5 step %scan3A_6  : i32 {
      %mul3A_41 = arith.constant 400 : i32
      %mul3A_42 = arith.muli %scan3A_40, %mul3A_41 : i32
      %add3A_43 = arith.addi %mul3A_2, %mul3A_42 : i32
      "tpu.region"() ({
        %run_scoped3A = tpu.sem_alloc : memref<!tpu.dma_semaphore, #tpu.memory_space<semaphore_mem>>
        %dma_start3A_76 = arith.constant 0 : i32
        %dma_start3A_77 = tpu.memref_slice %arg8[%dma_start3A_76] : memref<400xi32, #tpu.memory_space<vmem>> -> memref<400xi32, #tpu.memory_space<vmem>>
        %dma_start3A_78 = tpu.memref_slice %arg4[%add3A_43] : memref<79872xi32, #tpu.memory_space<hbm>> -> memref<400xi32, #tpu.memory_space<hbm>>
        %dma_start3A_79 = arith.constant 0 : i32
        %dma_start3A_80 = tpu.memref_slice %arg8[%dma_start3A_79] : memref<400xi32, #tpu.memory_space<vmem>> -> memref<400xi32, #tpu.memory_space<vmem>>
        %dma_start3A_81 = tpu.memref_slice %arg4[%add3A_43] : memref<79872xi32, #tpu.memory_space<hbm>> -> memref<400xi32, #tpu.memory_space<hbm>>
        tpu.enqueue_dma source(%dma_start3A_81 : memref<400xi32, #tpu.memory_space<hbm>>) target(%dma_start3A_80 : memref<400xi32, #tpu.memory_space<vmem>>) target_semaphore(%run_scoped3A : memref<!tpu.dma_semaphore, #tpu.memory_space<semaphore_mem>>)
        %dma_wait3A_82 = arith.constant 0 : i32
        %dma_wait3A_83 = tpu.memref_slice %arg8[%dma_wait3A_82] : memref<400xi32, #tpu.memory_space<vmem>> -> memref<400xi32, #tpu.memory_space<vmem>>
        %dma_wait3A_84 = tpu.memref_slice %arg4[%add3A_43] : memref<79872xi32, #tpu.memory_space<hbm>> -> memref<400xi32, #tpu.memory_space<hbm>>
        %dma_wait3A_85 = arith.constant 0 : i32
        %dma_wait3A_86 = tpu.memref_slice %arg8[%dma_wait3A_85] : memref<400xi32, #tpu.memory_space<vmem>> -> memref<400xi32, #tpu.memory_space<vmem>>
        %dma_wait3A_87 = tpu.memref_slice %arg4[%add3A_43] : memref<79872xi32, #tpu.memory_space<hbm>> -> memref<400xi32, #tpu.memory_space<hbm>>
        tpu.wait_dma2 semaphore(%run_scoped3A : memref<!tpu.dma_semaphore, #tpu.memory_space<semaphore_mem>>) src(%dma_wait3A_87 : memref<400xi32, #tpu.memory_space<hbm>>) dst(%dma_wait3A_86 : memref<400xi32, #tpu.memory_space<vmem>>)
        tpu.yield
      }) : () -> ()
      "tpu.region"() ({
        %run_scoped3A = tpu.sem_alloc : memref<!tpu.dma_semaphore, #tpu.memory_space<semaphore_mem>>
        %dma_start3A_76 = arith.constant 0 : i32
        %dma_start3A_77 = tpu.memref_slice %arg9[%dma_start3A_76] : memref<400xi32, #tpu.memory_space<vmem>> -> memref<400xi32, #tpu.memory_space<vmem>>
        %dma_start3A_78 = tpu.memref_slice %arg5[%add3A_43] : memref<79872xi32, #tpu.memory_space<hbm>> -> memref<400xi32, #tpu.memory_space<hbm>>
        %dma_start3A_79 = arith.constant 0 : i32
        %dma_start3A_80 = tpu.memref_slice %arg9[%dma_start3A_79] : memref<400xi32, #tpu.memory_space<vmem>> -> memref<400xi32, #tpu.memory_space<vmem>>
        %dma_start3A_81 = tpu.memref_slice %arg5[%add3A_43] : memref<79872xi32, #tpu.memory_space<hbm>> -> memref<400xi32, #tpu.memory_space<hbm>>
        tpu.enqueue_dma source(%dma_start3A_81 : memref<400xi32, #tpu.memory_space<hbm>>) target(%dma_start3A_80 : memref<400xi32, #tpu.memory_space<vmem>>) target_semaphore(%run_scoped3A : memref<!tpu.dma_semaphore, #tpu.memory_space<semaphore_mem>>)
        %dma_wait3A_82 = arith.constant 0 : i32
        %dma_wait3A_83 = tpu.memref_slice %arg9[%dma_wait3A_82] : memref<400xi32, #tpu.memory_space<vmem>> -> memref<400xi32, #tpu.memory_space<vmem>>
        %dma_wait3A_84 = tpu.memref_slice %arg5[%add3A_43] : memref<79872xi32, #tpu.memory_space<hbm>> -> memref<400xi32, #tpu.memory_space<hbm>>
        %dma_wait3A_85 = arith.constant 0 : i32
        %dma_wait3A_86 = tpu.memref_slice %arg9[%dma_wait3A_85] : memref<400xi32, #tpu.memory_space<vmem>> -> memref<400xi32, #tpu.memory_space<vmem>>
        %dma_wait3A_87 = tpu.memref_slice %arg5[%add3A_43] : memref<79872xi32, #tpu.memory_space<hbm>> -> memref<400xi32, #tpu.memory_space<hbm>>
        tpu.wait_dma2 semaphore(%run_scoped3A : memref<!tpu.dma_semaphore, #tpu.memory_space<semaphore_mem>>) src(%dma_wait3A_87 : memref<400xi32, #tpu.memory_space<hbm>>) dst(%dma_wait3A_86 : memref<400xi32, #tpu.memory_space<vmem>>)
        tpu.yield
      }) : () -> ()
      %dma_start3A_44 = arith.constant 0 : i32
      %dma_start3A_45 = arith.constant 0 : i32
      %dma_start3A_46 = tpu.memref_slice %arg10[%dma_start3A_44, %dma_start3A_45] : memref<400x128xf32, #tpu.memory_space<vmem>> -> memref<400x128xf32, #tpu.memory_space<vmem>>
      %dma_start3A_47 = arith.constant 0 : i32
      %dma_start3A_48 = tpu.memref_slice %arg8[%dma_start3A_47] : memref<400xi32, #tpu.memory_space<vmem>> -> memref<400xi32, #tpu.memory_space<vmem>>
      %dma_start3A_49 = arith.constant 0 : i32
      %dma_start3A_50 = arith.constant 0 : i32
      %dma_start3A_51 = tpu.memref_slice %arg2[%dma_start3A_49, %dma_start3A_50] : memref<10000x128xf32, #tpu.memory_space<hbm>> -> memref<10000x128xf32, #tpu.memory_space<hbm>>
      tpu.enqueue_indirect_dma source(%dma_start3A_51 : memref<10000x128xf32, #tpu.memory_space<hbm>>) target(%dma_start3A_46 : memref<400x128xf32, #tpu.memory_space<vmem>>) offsets(%dma_start3A_48 : memref<400xi32, #tpu.memory_space<vmem>>) semaphore(%arg12 : memref<!tpu.dma_semaphore, #tpu.memory_space<semaphore_mem>>)
      %dma_start3A_52 = arith.constant 0 : i32
      %dma_start3A_53 = arith.constant 0 : i32
      %dma_start3A_54 = tpu.memref_slice %arg11[%dma_start3A_52, %dma_start3A_53] : memref<400x128xf32, #tpu.memory_space<vmem>> -> memref<400x128xf32, #tpu.memory_space<vmem>>
      %dma_start3A_55 = arith.constant 0 : i32
      %dma_start3A_56 = tpu.memref_slice %arg9[%dma_start3A_55] : memref<400xi32, #tpu.memory_space<vmem>> -> memref<400xi32, #tpu.memory_space<vmem>>
      %dma_start3A_57 = arith.constant 0 : i32
      %dma_start3A_58 = arith.constant 0 : i32
      %dma_start3A_59 = tpu.memref_slice %arg3[%dma_start3A_57, %dma_start3A_58] : memref<10000x128xf32, #tpu.memory_space<hbm>> -> memref<10000x128xf32, #tpu.memory_space<hbm>>
      tpu.enqueue_indirect_dma source(%dma_start3A_59 : memref<10000x128xf32, #tpu.memory_space<hbm>>) target(%dma_start3A_54 : memref<400x128xf32, #tpu.memory_space<vmem>>) offsets(%dma_start3A_56 : memref<400xi32, #tpu.memory_space<vmem>>) semaphore(%arg12 : memref<!tpu.dma_semaphore, #tpu.memory_space<semaphore_mem>>)
      %dma_wait3A_60 = arith.constant 0 : i32
      %dma_wait3A_61 = arith.constant 0 : i32
      %dma_wait3A_62 = tpu.memref_slice %arg10[%dma_wait3A_60, %dma_wait3A_61] : memref<400x128xf32, #tpu.memory_space<vmem>> -> memref<400x128xf32, #tpu.memory_space<vmem>>
      %dma_wait3A_63 = arith.constant 0 : i32
      %dma_wait3A_64 = tpu.memref_slice %arg8[%dma_wait3A_63] : memref<400xi32, #tpu.memory_space<vmem>> -> memref<400xi32, #tpu.memory_space<vmem>>
      %dma_wait3A_65 = arith.constant 0 : i32
      %dma_wait3A_66 = arith.constant 0 : i32
      %dma_wait3A_67 = tpu.memref_slice %arg2[%dma_wait3A_65, %dma_wait3A_66] : memref<10000x128xf32, #tpu.memory_space<hbm>> -> memref<10000x128xf32, #tpu.memory_space<hbm>>
      tpu.wait_indirect_dma semaphore(%arg12 : memref<!tpu.dma_semaphore, #tpu.memory_space<semaphore_mem>>) src(%dma_wait3A_67 : memref<10000x128xf32, #tpu.memory_space<hbm>>) dst(%dma_wait3A_62 : memref<400x128xf32, #tpu.memory_space<vmem>>)
      %dma_wait3A_68 = arith.constant 0 : i32
      %dma_wait3A_69 = arith.constant 0 : i32
      %dma_wait3A_70 = tpu.memref_slice %arg11[%dma_wait3A_68, %dma_wait3A_69] : memref<400x128xf32, #tpu.memory_space<vmem>> -> memref<400x128xf32, #tpu.memory_space<vmem>>
      %dma_wait3A_71 = arith.constant 0 : i32
      %dma_wait3A_72 = tpu.memref_slice %arg9[%dma_wait3A_71] : memref<400xi32, #tpu.memory_space<vmem>> -> memref<400xi32, #tpu.memory_space<vmem>>
      %dma_wait3A_73 = arith.constant 0 : i32
      %dma_wait3A_74 = arith.constant 0 : i32
      %dma_wait3A_75 = tpu.memref_slice %arg3[%dma_wait3A_73, %dma_wait3A_74] : memref<10000x128xf32, #tpu.memory_space<hbm>> -> memref<10000x128xf32, #tpu.memory_space<hbm>>
      tpu.wait_indirect_dma semaphore(%arg12 : memref<!tpu.dma_semaphore, #tpu.memory_space<semaphore_mem>>) src(%dma_wait3A_75 : memref<10000x128xf32, #tpu.memory_space<hbm>>) dst(%dma_wait3A_70 : memref<400x128xf32, #tpu.memory_space<vmem>>)
      "tpu.region"() ({
        %run_scoped3A = tpu.sem_alloc : memref<!tpu.dma_semaphore, #tpu.memory_space<semaphore_mem>>
        %dma_start3A_76 = arith.constant 0 : i32
        %dma_start3A_77 = arith.constant 0 : i32
        %dma_start3A_78 = tpu.memref_slice %arg10[%dma_start3A_76, %dma_start3A_77] : memref<400x128xf32, #tpu.memory_space<vmem>> -> memref<400x128xf32, #tpu.memory_space<vmem>>
        %dma_start3A_79 = arith.constant 0 : i32
        %dma_start3A_80 = tpu.memref_slice %arg6[%add3A_43, %dma_start3A_79] : memref<79872x128xf32, #tpu.memory_space<hbm>> -> memref<400x128xf32, #tpu.memory_space<hbm>>
        %dma_start3A_81 = arith.constant 0 : i32
        %dma_start3A_82 = tpu.memref_slice %arg6[%add3A_43, %dma_start3A_81] : memref<79872x128xf32, #tpu.memory_space<hbm>> -> memref<400x128xf32, #tpu.memory_space<hbm>>
        %dma_start3A_83 = arith.constant 0 : i32
        %dma_start3A_84 = arith.constant 0 : i32
        %dma_start3A_85 = tpu.memref_slice %arg10[%dma_start3A_83, %dma_start3A_84] : memref<400x128xf32, #tpu.memory_space<vmem>> -> memref<400x128xf32, #tpu.memory_space<vmem>>
        tpu.enqueue_dma source(%dma_start3A_85 : memref<400x128xf32, #tpu.memory_space<vmem>>) target(%dma_start3A_82 : memref<400x128xf32, #tpu.memory_space<hbm>>) target_semaphore(%run_scoped3A : memref<!tpu.dma_semaphore, #tpu.memory_space<semaphore_mem>>)
        %dma_wait3A_86 = arith.constant 0 : i32
        %dma_wait3A_87 = arith.constant 0 : i32
        %dma_wait3A_88 = tpu.memref_slice %arg10[%dma_wait3A_86, %dma_wait3A_87] : memref<400x128xf32, #tpu.memory_space<vmem>> -> memref<400x128xf32, #tpu.memory_space<vmem>>
        %dma_wait3A_89 = arith.constant 0 : i32
        %dma_wait3A_90 = tpu.memref_slice %arg6[%add3A_43, %dma_wait3A_89] : memref<79872x128xf32, #tpu.memory_space<hbm>> -> memref<400x128xf32, #tpu.memory_space<hbm>>
        %dma_wait3A_91 = arith.constant 0 : i32
        %dma_wait3A_92 = tpu.memref_slice %arg6[%add3A_43, %dma_wait3A_91] : memref<79872x128xf32, #tpu.memory_space<hbm>> -> memref<400x128xf32, #tpu.memory_space<hbm>>
        %dma_wait3A_93 = arith.constant 0 : i32
        %dma_wait3A_94 = arith.constant 0 : i32
        %dma_wait3A_95 = tpu.memref_slice %arg10[%dma_wait3A_93, %dma_wait3A_94] : memref<400x128xf32, #tpu.memory_space<vmem>> -> memref<400x128xf32, #tpu.memory_space<vmem>>
        tpu.wait_dma2 semaphore(%run_scoped3A : memref<!tpu.dma_semaphore, #tpu.memory_space<semaphore_mem>>) src(%dma_wait3A_95 : memref<400x128xf32, #tpu.memory_space<vmem>>) dst(%dma_wait3A_92 : memref<400x128xf32, #tpu.memory_space<hbm>>)
        tpu.yield
      }) : () -> ()
      "tpu.region"() ({
        %run_scoped3A = tpu.sem_alloc : memref<!tpu.dma_semaphore, #tpu.memory_space<semaphore_mem>>
        %dma_start3A_76 = arith.constant 0 : i32
        %dma_start3A_77 = arith.constant 0 : i32
        %dma_start3A_78 = tpu.memref_slice %arg11[%dma_start3A_76, %dma_start3A_77] : memref<400x128xf32, #tpu.memory_space<vmem>> -> memref<400x128xf32, #tpu.memory_space<vmem>>
        %dma_start3A_79 = arith.constant 0 : i32
        %dma_start3A_80 = tpu.memref_slice %arg7[%add3A_43, %dma_start3A_79] : memref<79872x128xf32, #tpu.memory_space<hbm>> -> memref<400x128xf32, #tpu.memory_space<hbm>>
        %dma_start3A_81 = arith.constant 0 : i32
        %dma_start3A_82 = tpu.memref_slice %arg7[%add3A_43, %dma_start3A_81] : memref<79872x128xf32, #tpu.memory_space<hbm>> -> memref<400x128xf32, #tpu.memory_space<hbm>>
        %dma_start3A_83 = arith.constant 0 : i32
        %dma_start3A_84 = arith.constant 0 : i32
        %dma_start3A_85 = tpu.memref_slice %arg11[%dma_start3A_83, %dma_start3A_84] : memref<400x128xf32, #tpu.memory_space<vmem>> -> memref<400x128xf32, #tpu.memory_space<vmem>>
        tpu.enqueue_dma source(%dma_start3A_85 : memref<400x128xf32, #tpu.memory_space<vmem>>) target(%dma_start3A_82 : memref<400x128xf32, #tpu.memory_space<hbm>>) target_semaphore(%run_scoped3A : memref<!tpu.dma_semaphore, #tpu.memory_space<semaphore_mem>>)
        %dma_wait3A_86 = arith.constant 0 : i32
        %dma_wait3A_87 = arith.constant 0 : i32
        %dma_wait3A_88 = tpu.memref_slice %arg11[%dma_wait3A_86, %dma_wait3A_87] : memref<400x128xf32, #tpu.memory_space<vmem>> -> memref<400x128xf32, #tpu.memory_space<vmem>>
        %dma_wait3A_89 = arith.constant 0 : i32
        %dma_wait3A_90 = tpu.memref_slice %arg7[%add3A_43, %dma_wait3A_89] : memref<79872x128xf32, #tpu.memory_space<hbm>> -> memref<400x128xf32, #tpu.memory_space<hbm>>
        %dma_wait3A_91 = arith.constant 0 : i32
        %dma_wait3A_92 = tpu.memref_slice %arg7[%add3A_43, %dma_wait3A_91] : memref<79872x128xf32, #tpu.memory_space<hbm>> -> memref<400x128xf32, #tpu.memory_space<hbm>>
        %dma_wait3A_93 = arith.constant 0 : i32
        %dma_wait3A_94 = arith.constant 0 : i32
        %dma_wait3A_95 = tpu.memref_slice %arg11[%dma_wait3A_93, %dma_wait3A_94] : memref<400x128xf32, #tpu.memory_space<vmem>> -> memref<400x128xf32, #tpu.memory_space<vmem>>
        tpu.wait_dma2 semaphore(%run_scoped3A : memref<!tpu.dma_semaphore, #tpu.memory_space<semaphore_mem>>) src(%dma_wait3A_95 : memref<400x128xf32, #tpu.memory_space<vmem>>) dst(%dma_wait3A_92 : memref<400x128xf32, #tpu.memory_space<hbm>>)
        tpu.yield
      }) : () -> ()
    }
    %scan3A_7 = arith.constant 6 : i32
    %add3A_8 = arith.constant 2400 : i32
    %add3A_9 = arith.addi %mul3A_2, %add3A_8 : i32
    "tpu.region"() ({
      %run_scoped3A = tpu.sem_alloc : memref<!tpu.dma_semaphore, #tpu.memory_space<semaphore_mem>>
      %dma_start3A_40 = arith.constant 0 : i32
      %dma_start3A_41 = tpu.memref_slice %arg8[%dma_start3A_40] : memref<400xi32, #tpu.memory_space<vmem>> -> memref<96xi32, #tpu.memory_space<vmem>>
      %dma_start3A_42 = tpu.memref_slice %arg4[%add3A_9] : memref<79872xi32, #tpu.memory_space<hbm>> -> memref<96xi32, #tpu.memory_space<hbm>>
      %dma_start3A_43 = arith.constant 0 : i32
      %dma_start3A_44 = tpu.memref_slice %arg8[%dma_start3A_43] : memref<400xi32, #tpu.memory_space<vmem>> -> memref<96xi32, #tpu.memory_space<vmem>>
      %dma_start3A_45 = tpu.memref_slice %arg4[%add3A_9] : memref<79872xi32, #tpu.memory_space<hbm>> -> memref<96xi32, #tpu.memory_space<hbm>>
      tpu.enqueue_dma source(%dma_start3A_45 : memref<96xi32, #tpu.memory_space<hbm>>) target(%dma_start3A_44 : memref<96xi32, #tpu.memory_space<vmem>>) target_semaphore(%run_scoped3A : memref<!tpu.dma_semaphore, #tpu.memory_space<semaphore_mem>>)
      %dma_wait3A_46 = arith.constant 0 : i32
      %dma_wait3A_47 = tpu.memref_slice %arg8[%dma_wait3A_46] : memref<400xi32, #tpu.memory_space<vmem>> -> memref<96xi32, #tpu.memory_space<vmem>>
      %dma_wait3A_48 = tpu.memref_slice %arg4[%add3A_9] : memref<79872xi32, #tpu.memory_space<hbm>> -> memref<96xi32, #tpu.memory_space<hbm>>
      %dma_wait3A_49 = arith.constant 0 : i32
      %dma_wait3A_50 = tpu.memref_slice %arg8[%dma_wait3A_49] : memref<400xi32, #tpu.memory_space<vmem>> -> memref<96xi32, #tpu.memory_space<vmem>>
      %dma_wait3A_51 = tpu.memref_slice %arg4[%add3A_9] : memref<79872xi32, #tpu.memory_space<hbm>> -> memref<96xi32, #tpu.memory_space<hbm>>
      tpu.wait_dma2 semaphore(%run_scoped3A : memref<!tpu.dma_semaphore, #tpu.memory_space<semaphore_mem>>) src(%dma_wait3A_51 : memref<96xi32, #tpu.memory_space<hbm>>) dst(%dma_wait3A_50 : memref<96xi32, #tpu.memory_space<vmem>>)
      tpu.yield
    }) : () -> ()
    "tpu.region"() ({
      %run_scoped3A = tpu.sem_alloc : memref<!tpu.dma_semaphore, #tpu.memory_space<semaphore_mem>>
      %dma_start3A_40 = arith.constant 0 : i32
      %dma_start3A_41 = tpu.memref_slice %arg9[%dma_start3A_40] : memref<400xi32, #tpu.memory_space<vmem>> -> memref<96xi32, #tpu.memory_space<vmem>>
      %dma_start3A_42 = tpu.memref_slice %arg5[%add3A_9] : memref<79872xi32, #tpu.memory_space<hbm>> -> memref<96xi32, #tpu.memory_space<hbm>>
      %dma_start3A_43 = arith.constant 0 : i32
      %dma_start3A_44 = tpu.memref_slice %arg9[%dma_start3A_43] : memref<400xi32, #tpu.memory_space<vmem>> -> memref<96xi32, #tpu.memory_space<vmem>>
      %dma_start3A_45 = tpu.memref_slice %arg5[%add3A_9] : memref<79872xi32, #tpu.memory_space<hbm>> -> memref<96xi32, #tpu.memory_space<hbm>>
      tpu.enqueue_dma source(%dma_start3A_45 : memref<96xi32, #tpu.memory_space<hbm>>) target(%dma_start3A_44 : memref<96xi32, #tpu.memory_space<vmem>>) target_semaphore(%run_scoped3A : memref<!tpu.dma_semaphore, #tpu.memory_space<semaphore_mem>>)
      %dma_wait3A_46 = arith.constant 0 : i32
      %dma_wait3A_47 = tpu.memref_slice %arg9[%dma_wait3A_46] : memref<400xi32, #tpu.memory_space<vmem>> -> memref<96xi32, #tpu.memory_space<vmem>>
      %dma_wait3A_48 = tpu.memref_slice %arg5[%add3A_9] : memref<79872xi32, #tpu.memory_space<hbm>> -> memref<96xi32, #tpu.memory_space<hbm>>
      %dma_wait3A_49 = arith.constant 0 : i32
      %dma_wait3A_50 = tpu.memref_slice %arg9[%dma_wait3A_49] : memref<400xi32, #tpu.memory_space<vmem>> -> memref<96xi32, #tpu.memory_space<vmem>>
      %dma_wait3A_51 = tpu.memref_slice %arg5[%add3A_9] : memref<79872xi32, #tpu.memory_space<hbm>> -> memref<96xi32, #tpu.memory_space<hbm>>
      tpu.wait_dma2 semaphore(%run_scoped3A : memref<!tpu.dma_semaphore, #tpu.memory_space<semaphore_mem>>) src(%dma_wait3A_51 : memref<96xi32, #tpu.memory_space<hbm>>) dst(%dma_wait3A_50 : memref<96xi32, #tpu.memory_space<vmem>>)
      tpu.yield
    }) : () -> ()
    %dma_start3A = arith.constant 0 : i32
    %dma_start3A_10 = arith.constant 0 : i32
    %dma_start3A_11 = tpu.memref_slice %arg10[%dma_start3A, %dma_start3A_10] : memref<400x128xf32, #tpu.memory_space<vmem>> -> memref<96x128xf32, #tpu.memory_space<vmem>>
    %dma_start3A_12 = arith.constant 0 : i32
    %dma_start3A_13 = tpu.memref_slice %arg8[%dma_start3A_12] : memref<400xi32, #tpu.memory_space<vmem>> -> memref<96xi32, #tpu.memory_space<vmem>>
    %dma_start3A_14 = arith.constant 0 : i32
    %dma_start3A_15 = arith.constant 0 : i32
    %dma_start3A_16 = tpu.memref_slice %arg2[%dma_start3A_14, %dma_start3A_15] : memref<10000x128xf32, #tpu.memory_space<hbm>> -> memref<10000x128xf32, #tpu.memory_space<hbm>>
    tpu.enqueue_indirect_dma source(%dma_start3A_16 : memref<10000x128xf32, #tpu.memory_space<hbm>>) target(%dma_start3A_11 : memref<96x128xf32, #tpu.memory_space<vmem>>) offsets(%dma_start3A_13 : memref<96xi32, #tpu.memory_space<vmem>>) semaphore(%arg12 : memref<!tpu.dma_semaphore, #tpu.memory_space<semaphore_mem>>)
    %dma_start3A_17 = arith.constant 0 : i32
    %dma_start3A_18 = arith.constant 0 : i32
    %dma_start3A_19 = tpu.memref_slice %arg11[%dma_start3A_17, %dma_start3A_18] : memref<400x128xf32, #tpu.memory_space<vmem>> -> memref<96x128xf32, #tpu.memory_space<vmem>>
    %dma_start3A_20 = arith.constant 0 : i32
    %dma_start3A_21 = tpu.memref_slice %arg9[%dma_start3A_20] : memref<400xi32, #tpu.memory_space<vmem>> -> memref<96xi32, #tpu.memory_space<vmem>>
    %dma_start3A_22 = arith.constant 0 : i32
    %dma_start3A_23 = arith.constant 0 : i32
    %dma_start3A_24 = tpu.memref_slice %arg3[%dma_start3A_22, %dma_start3A_23] : memref<10000x128xf32, #tpu.memory_space<hbm>> -> memref<10000x128xf32, #tpu.memory_space<hbm>>
    tpu.enqueue_indirect_dma source(%dma_start3A_24 : memref<10000x128xf32, #tpu.memory_space<hbm>>) target(%dma_start3A_19 : memref<96x128xf32, #tpu.memory_space<vmem>>) offsets(%dma_start3A_21 : memref<96xi32, #tpu.memory_space<vmem>>) semaphore(%arg12 : memref<!tpu.dma_semaphore, #tpu.memory_space<semaphore_mem>>)
    %dma_wait3A = arith.constant 0 : i32
    %dma_wait3A_25 = arith.constant 0 : i32
    %dma_wait3A_26 = tpu.memref_slice %arg10[%dma_wait3A, %dma_wait3A_25] : memref<400x128xf32, #tpu.memory_space<vmem>> -> memref<96x128xf32, #tpu.memory_space<vmem>>
    %dma_wait3A_27 = arith.constant 0 : i32
    %dma_wait3A_28 = tpu.memref_slice %arg8[%dma_wait3A_27] : memref<400xi32, #tpu.memory_space<vmem>> -> memref<96xi32, #tpu.memory_space<vmem>>
    %dma_wait3A_29 = arith.constant 0 : i32
    %dma_wait3A_30 = arith.constant 0 : i32
    %dma_wait3A_31 = tpu.memref_slice %arg2[%dma_wait3A_29, %dma_wait3A_30] : memref<10000x128xf32, #tpu.memory_space<hbm>> -> memref<10000x128xf32, #tpu.memory_space<hbm>>
    tpu.wait_indirect_dma semaphore(%arg12 : memref<!tpu.dma_semaphore, #tpu.memory_space<semaphore_mem>>) src(%dma_wait3A_31 : memref<10000x128xf32, #tpu.memory_space<hbm>>) dst(%dma_wait3A_26 : memref<96x128xf32, #tpu.memory_space<vmem>>)
    %dma_wait3A_32 = arith.constant 0 : i32
    %dma_wait3A_33 = arith.constant 0 : i32
    %dma_wait3A_34 = tpu.memref_slice %arg11[%dma_wait3A_32, %dma_wait3A_33] : memref<400x128xf32, #tpu.memory_space<vmem>> -> memref<96x128xf32, #tpu.memory_space<vmem>>
    %dma_wait3A_35 = arith.constant 0 : i32
    %dma_wait3A_36 = tpu.memref_slice %arg9[%dma_wait3A_35] : memref<400xi32, #tpu.memory_space<vmem>> -> memref<96xi32, #tpu.memory_space<vmem>>
    %dma_wait3A_37 = arith.constant 0 : i32
    %dma_wait3A_38 = arith.constant 0 : i32
    %dma_wait3A_39 = tpu.memref_slice %arg3[%dma_wait3A_37, %dma_wait3A_38] : memref<10000x128xf32, #tpu.memory_space<hbm>> -> memref<10000x128xf32, #tpu.memory_space<hbm>>
    tpu.wait_indirect_dma semaphore(%arg12 : memref<!tpu.dma_semaphore, #tpu.memory_space<semaphore_mem>>) src(%dma_wait3A_39 : memref<10000x128xf32, #tpu.memory_space<hbm>>) dst(%dma_wait3A_34 : memref<96x128xf32, #tpu.memory_space<vmem>>)
    "tpu.region"() ({
      %run_scoped3A = tpu.sem_alloc : memref<!tpu.dma_semaphore, #tpu.memory_space<semaphore_mem>>
      %dma_start3A_40 = arith.constant 0 : i32
      %dma_start3A_41 = arith.constant 0 : i32
      %dma_start3A_42 = tpu.memref_slice %arg10[%dma_start3A_40, %dma_start3A_41] : memref<400x128xf32, #tpu.memory_space<vmem>> -> memref<96x128xf32, #tpu.memory_space<vmem>>
      %dma_start3A_43 = arith.constant 0 : i32
      %dma_start3A_44 = tpu.memref_slice %arg6[%add3A_9, %dma_start3A_43] : memref<79872x128xf32, #tpu.memory_space<hbm>> -> memref<96x128xf32, #tpu.memory_space<hbm>>
      %dma_start3A_45 = arith.constant 0 : i32
      %dma_start3A_46 = tpu.memref_slice %arg6[%add3A_9, %dma_start3A_45] : memref<79872x128xf32, #tpu.memory_space<hbm>> -> memref<96x128xf32, #tpu.memory_space<hbm>>
      %dma_start3A_47 = arith.constant 0 : i32
      %dma_start3A_48 = arith.constant 0 : i32
      %dma_start3A_49 = tpu.memref_slice %arg10[%dma_start3A_47, %dma_start3A_48] : memref<400x128xf32, #tpu.memory_space<vmem>> -> memref<96x128xf32, #tpu.memory_space<vmem>>
      tpu.enqueue_dma source(%dma_start3A_49 : memref<96x128xf32, #tpu.memory_space<vmem>>) target(%dma_start3A_46 : memref<96x128xf32, #tpu.memory_space<hbm>>) target_semaphore(%run_scoped3A : memref<!tpu.dma_semaphore, #tpu.memory_space<semaphore_mem>>)
      %dma_wait3A_50 = arith.constant 0 : i32
      %dma_wait3A_51 = arith.constant 0 : i32
      %dma_wait3A_52 = tpu.memref_slice %arg10[%dma_wait3A_50, %dma_wait3A_51] : memref<400x128xf32, #tpu.memory_space<vmem>> -> memref<96x128xf32, #tpu.memory_space<vmem>>
      %dma_wait3A_53 = arith.constant 0 : i32
      %dma_wait3A_54 = tpu.memref_slice %arg6[%add3A_9, %dma_wait3A_53] : memref<79872x128xf32, #tpu.memory_space<hbm>> -> memref<96x128xf32, #tpu.memory_space<hbm>>
      %dma_wait3A_55 = arith.constant 0 : i32
      %dma_wait3A_56 = tpu.memref_slice %arg6[%add3A_9, %dma_wait3A_55] : memref<79872x128xf32, #tpu.memory_space<hbm>> -> memref<96x128xf32, #tpu.memory_space<hbm>>
      %dma_wait3A_57 = arith.constant 0 : i32
      %dma_wait3A_58 = arith.constant 0 : i32
      %dma_wait3A_59 = tpu.memref_slice %arg10[%dma_wait3A_57, %dma_wait3A_58] : memref<400x128xf32, #tpu.memory_space<vmem>> -> memref<96x128xf32, #tpu.memory_space<vmem>>
      tpu.wait_dma2 semaphore(%run_scoped3A : memref<!tpu.dma_semaphore, #tpu.memory_space<semaphore_mem>>) src(%dma_wait3A_59 : memref<96x128xf32, #tpu.memory_space<vmem>>) dst(%dma_wait3A_56 : memref<96x128xf32, #tpu.memory_space<hbm>>)
      tpu.yield
    }) : () -> ()
    "tpu.region"() ({
      %run_scoped3A = tpu.sem_alloc : memref<!tpu.dma_semaphore, #tpu.memory_space<semaphore_mem>>
      %dma_start3A_40 = arith.constant 0 : i32
      %dma_start3A_41 = arith.constant 0 : i32
      %dma_start3A_42 = tpu.memref_slice %arg11[%dma_start3A_40, %dma_start3A_41] : memref<400x128xf32, #tpu.memory_space<vmem>> -> memref<96x128xf32, #tpu.memory_space<vmem>>
      %dma_start3A_43 = arith.constant 0 : i32
      %dma_start3A_44 = tpu.memref_slice %arg7[%add3A_9, %dma_start3A_43] : memref<79872x128xf32, #tpu.memory_space<hbm>> -> memref<96x128xf32, #tpu.memory_space<hbm>>
      %dma_start3A_45 = arith.constant 0 : i32
      %dma_start3A_46 = tpu.memref_slice %arg7[%add3A_9, %dma_start3A_45] : memref<79872x128xf32, #tpu.memory_space<hbm>> -> memref<96x128xf32, #tpu.memory_space<hbm>>
      %dma_start3A_47 = arith.constant 0 : i32
      %dma_start3A_48 = arith.constant 0 : i32
      %dma_start3A_49 = tpu.memref_slice %arg11[%dma_start3A_47, %dma_start3A_48] : memref<400x128xf32, #tpu.memory_space<vmem>> -> memref<96x128xf32, #tpu.memory_space<vmem>>
      tpu.enqueue_dma source(%dma_start3A_49 : memref<96x128xf32, #tpu.memory_space<vmem>>) target(%dma_start3A_46 : memref<96x128xf32, #tpu.memory_space<hbm>>) target_semaphore(%run_scoped3A : memref<!tpu.dma_semaphore, #tpu.memory_space<semaphore_mem>>)
      %dma_wait3A_50 = arith.constant 0 : i32
      %dma_wait3A_51 = arith.constant 0 : i32
      %dma_wait3A_52 = tpu.memref_slice %arg11[%dma_wait3A_50, %dma_wait3A_51] : memref<400x128xf32, #tpu.memory_space<vmem>> -> memref<96x128xf32, #tpu.memory_space<vmem>>
      %dma_wait3A_53 = arith.constant 0 : i32
      %dma_wait3A_54 = tpu.memref_slice %arg7[%add3A_9, %dma_wait3A_53] : memref<79872x128xf32, #tpu.memory_space<hbm>> -> memref<96x128xf32, #tpu.memory_space<hbm>>
      %dma_wait3A_55 = arith.constant 0 : i32
      %dma_wait3A_56 = tpu.memref_slice %arg7[%add3A_9, %dma_wait3A_55] : memref<79872x128xf32, #tpu.memory_space<hbm>> -> memref<96x128xf32, #tpu.memory_space<hbm>>
      %dma_wait3A_57 = arith.constant 0 : i32
      %dma_wait3A_58 = arith.constant 0 : i32
      %dma_wait3A_59 = tpu.memref_slice %arg11[%dma_wait3A_57, %dma_wait3A_58] : memref<400x128xf32, #tpu.memory_space<vmem>> -> memref<96x128xf32, #tpu.memory_space<vmem>>
      tpu.wait_dma2 semaphore(%run_scoped3A : memref<!tpu.dma_semaphore, #tpu.memory_space<semaphore_mem>>) src(%dma_wait3A_59 : memref<96x128xf32, #tpu.memory_space<vmem>>) dst(%dma_wait3A_56 : memref<96x128xf32, #tpu.memory_space<hbm>>)
      tpu.yield
    }) : () -> ()
    return
  }
}

#map = affine_map<(d0, d1) -> (0, 0)>
#map1 = affine_map<(d0, d1) -> (0)>
#map2 = affine_map<(d0, d1) -> (0, 0, 0)>
module attributes {stable_mosaic.version = 14 : i64} {
  func.func @_scatter_body(%arg0: i32, %arg1: i32, %arg2: memref<81920x128xf32, #tpu.memory_space<hbm>>, %arg3: memref<81920xf32, #tpu.memory_space<hbm>>, %arg4: memref<81920xi32, #tpu.memory_space<hbm>>, %arg5: memref<2x10000x128xf32, #tpu.memory_space<hbm>>, %arg6: memref<20224xf32, #tpu.memory_space<hbm>>, %arg7: memref<256xi32, #tpu.memory_space<vmem>>, %arg8: memref<256xf32, #tpu.memory_space<vmem>>, %arg9: memref<256x128xf32, #tpu.memory_space<vmem>>, %arg10: memref<640xf32, #tpu.memory_space<vmem>>, %arg11: memref<10008x128xf32, #tpu.memory_space<vmem_shared>>, %arg12: memref<10112xf32, #tpu.memory_space<vmem_shared>>, %arg13: memref<!tpu.dma_semaphore, #tpu.memory_space<semaphore_mem>>) attributes {dimension_semantics = [#tpu.dimension_semantics<core_parallel>, #tpu.dimension_semantics<subcore_parallel>], iteration_bounds = array<i64: 2, 16>, scalar_prefetch = 0 : i64, scratch_operands = 7 : i64, tpu.core_type = #tpu.core_type<sc_vector_subcore>, window_params = [{transform_indices = #map}, {transform_indices = #map1}, {transform_indices = #map1}, {transform_indices = #map2}, {transform_indices = #map1}]} {
    %mul3A = arith.constant 16 : i32
    %mul3A_0 = arith.muli %arg0, %mul3A : i32
    %add3A = arith.addi %mul3A_0, %arg1 : i32
    %mul3A_1 = arith.constant 2560 : i32
    %mul3A_2 = arith.muli %add3A, %mul3A_1 : i32
    %broadcast_in_dim3A = arith.constant 0.000000e+00 : f32
    %broadcast_in_dim3A_3 = vector.broadcast %broadcast_in_dim3A : f32 to vector<16xf32>
    %scan3A = arith.constant 0 : i32
    %scan3A_4 = arith.constant 0 : i32
    %scan3A_5 = arith.constant 256 : i32
    %scan3A_6 = arith.addi %scan3A_4, %scan3A_5 : i32
    %scan3A_7 = arith.constant 1 : i32
    scf.for %scan3A_47 = %scan3A_4 to %scan3A_6 step %scan3A_7  : i32 {
      %scan3A_48 = arith.constant 0 : i32
      %scan3A_49 = arith.constant 8 : i32
      %scan3A_50 = arith.addi %scan3A_48, %scan3A_49 : i32
      %scan3A_51 = arith.constant 1 : i32
      scf.for %scan3A_53 = %scan3A_48 to %scan3A_50 step %scan3A_51  : i32 {
        %mul3A_54 = arith.constant 16 : i32
        %mul3A_55 = arith.muli %scan3A_53, %mul3A_54 : i32
        %swap3A = arith.index_cast %scan3A_47 : i32 to index
        %swap3A_56 = arith.index_cast %mul3A_55 : i32 to index
        %swap3A_57 = tpu.vector_load %arg9[%swap3A, %swap3A_56] {strides = array<i32>} : memref<256x128xf32, #tpu.memory_space<vmem>>, vector<16xf32>,
        tpu.vector_store %arg9[%swap3A, %swap3A_56], %broadcast_in_dim3A_3 {strides = array<i32>} : memref<256x128xf32, #tpu.memory_space<vmem>>, vector<16xf32>,
      }
      %scan3A_52 = arith.constant 8 : i32
    }
    %scan3A_8 = arith.constant 256 : i32
    %scan3A_9 = arith.constant 0 : i32
    %scan3A_10 = arith.constant 0 : i32
    %scan3A_11 = arith.constant 40 : i32
    %scan3A_12 = arith.addi %scan3A_10, %scan3A_11 : i32
    %scan3A_13 = arith.constant 1 : i32
    scf.for %scan3A_47 = %scan3A_10 to %scan3A_12 step %scan3A_13  : i32 {
      %mul3A_48 = arith.constant 16 : i32
      %mul3A_49 = arith.muli %scan3A_47, %mul3A_48 : i32
      %swap3A = arith.index_cast %mul3A_49 : i32 to index
      %swap3A_50 = tpu.vector_load %arg10[%swap3A] {strides = array<i32>} : memref<640xf32, #tpu.memory_space<vmem>>, vector<16xf32>,
      tpu.vector_store %arg10[%swap3A], %broadcast_in_dim3A_3 {strides = array<i32>} : memref<640xf32, #tpu.memory_space<vmem>>, vector<16xf32>,
    }
    %scan3A_14 = arith.constant 40 : i32
    %lt3A = arith.constant 15 : i32
    %lt3A_15 = arith.cmpi slt, %arg1, %lt3A : i32
    %convert_element_type3A = arith.extui %lt3A_15 : i1 to i32
    %cond3A = arith.constant 0 : i32
    %cond3A_16 = arith.cmpi ne, %convert_element_type3A, %cond3A : i32
    scf.if %cond3A_16 {
      %mul3A_47 = arith.constant 624 : i32
      %mul3A_48 = arith.muli %arg1, %mul3A_47 : i32
      %add3A_49 = arith.constant 0 : i32
      %add3A_50 = arith.addi %mul3A_48, %add3A_49 : i32
      "tpu.region"() ({
        %run_scoped3A = tpu.sem_alloc : memref<!tpu.dma_semaphore, #tpu.memory_space<semaphore_mem>>
        %dma_start3A = arith.constant 0 : i32
        %dma_start3A_55 = arith.constant 0 : i32
        %dma_start3A_56 = tpu.memref_slice %arg9[%dma_start3A, %dma_start3A_55] : memref<256x128xf32, #tpu.memory_space<vmem>> -> memref<256x128xf32, #tpu.memory_space<vmem>>
        %dma_start3A_57 = arith.constant 0 : i32
        %dma_start3A_58 = tpu.memref_slice %arg11[%add3A_50, %dma_start3A_57] : memref<10008x128xf32, #tpu.memory_space<vmem_shared>> -> memref<256x128xf32, #tpu.memory_space<vmem_shared>>
        %dma_start3A_59 = arith.constant 0 : i32
        %dma_start3A_60 = tpu.memref_slice %arg11[%add3A_50, %dma_start3A_59] : memref<10008x128xf32, #tpu.memory_space<vmem_shared>> -> memref<256x128xf32, #tpu.memory_space<vmem_shared>>
        %dma_start3A_61 = arith.constant 0 : i32
        %dma_start3A_62 = arith.constant 0 : i32
        %dma_start3A_63 = tpu.memref_slice %arg9[%dma_start3A_61, %dma_start3A_62] : memref<256x128xf32, #tpu.memory_space<vmem>> -> memref<256x128xf32, #tpu.memory_space<vmem>>
        tpu.enqueue_dma source(%dma_start3A_63 : memref<256x128xf32, #tpu.memory_space<vmem>>) target(%dma_start3A_60 : memref<256x128xf32, #tpu.memory_space<vmem_shared>>) target_semaphore(%run_scoped3A : memref<!tpu.dma_semaphore, #tpu.memory_space<semaphore_mem>>)
        %dma_wait3A = arith.constant 0 : i32
        %dma_wait3A_64 = arith.constant 0 : i32
        %dma_wait3A_65 = tpu.memref_slice %arg9[%dma_wait3A, %dma_wait3A_64] : memref<256x128xf32, #tpu.memory_space<vmem>> -> memref<256x128xf32, #tpu.memory_space<vmem>>
        %dma_wait3A_66 = arith.constant 0 : i32
        %dma_wait3A_67 = tpu.memref_slice %arg11[%add3A_50, %dma_wait3A_66] : memref<10008x128xf32, #tpu.memory_space<vmem_shared>> -> memref<256x128xf32, #tpu.memory_space<vmem_shared>>
        %dma_wait3A_68 = arith.constant 0 : i32
        %dma_wait3A_69 = tpu.memref_slice %arg11[%add3A_50, %dma_wait3A_68] : memref<10008x128xf32, #tpu.memory_space<vmem_shared>> -> memref<256x128xf32, #tpu.memory_space<vmem_shared>>
        %dma_wait3A_70 = arith.constant 0 : i32
        %dma_wait3A_71 = arith.constant 0 : i32
        %dma_wait3A_72 = tpu.memref_slice %arg9[%dma_wait3A_70, %dma_wait3A_71] : memref<256x128xf32, #tpu.memory_space<vmem>> -> memref<256x128xf32, #tpu.memory_space<vmem>>
        tpu.wait_dma2 semaphore(%run_scoped3A : memref<!tpu.dma_semaphore, #tpu.memory_space<semaphore_mem>>) src(%dma_wait3A_72 : memref<256x128xf32, #tpu.memory_space<vmem>>) dst(%dma_wait3A_69 : memref<256x128xf32, #tpu.memory_space<vmem_shared>>)
        tpu.yield
      }) : () -> ()
      %add3A_51 = arith.constant 256 : i32
      %add3A_52 = arith.addi %mul3A_48, %add3A_51 : i32
      "tpu.region"() ({
        %run_scoped3A = tpu.sem_alloc : memref<!tpu.dma_semaphore, #tpu.memory_space<semaphore_mem>>
        %dma_start3A = arith.constant 0 : i32
        %dma_start3A_55 = arith.constant 0 : i32
        %dma_start3A_56 = tpu.memref_slice %arg9[%dma_start3A, %dma_start3A_55] : memref<256x128xf32, #tpu.memory_space<vmem>> -> memref<256x128xf32, #tpu.memory_space<vmem>>
        %dma_start3A_57 = arith.constant 0 : i32
        %dma_start3A_58 = tpu.memref_slice %arg11[%add3A_52, %dma_start3A_57] : memref<10008x128xf32, #tpu.memory_space<vmem_shared>> -> memref<256x128xf32, #tpu.memory_space<vmem_shared>>
        %dma_start3A_59 = arith.constant 0 : i32
        %dma_start3A_60 = tpu.memref_slice %arg11[%add3A_52, %dma_start3A_59] : memref<10008x128xf32, #tpu.memory_space<vmem_shared>> -> memref<256x128xf32, #tpu.memory_space<vmem_shared>>
        %dma_start3A_61 = arith.constant 0 : i32
        %dma_start3A_62 = arith.constant 0 : i32
        %dma_start3A_63 = tpu.memref_slice %arg9[%dma_start3A_61, %dma_start3A_62] : memref<256x128xf32, #tpu.memory_space<vmem>> -> memref<256x128xf32, #tpu.memory_space<vmem>>
        tpu.enqueue_dma source(%dma_start3A_63 : memref<256x128xf32, #tpu.memory_space<vmem>>) target(%dma_start3A_60 : memref<256x128xf32, #tpu.memory_space<vmem_shared>>) target_semaphore(%run_scoped3A : memref<!tpu.dma_semaphore, #tpu.memory_space<semaphore_mem>>)
        %dma_wait3A = arith.constant 0 : i32
        %dma_wait3A_64 = arith.constant 0 : i32
        %dma_wait3A_65 = tpu.memref_slice %arg9[%dma_wait3A, %dma_wait3A_64] : memref<256x128xf32, #tpu.memory_space<vmem>> -> memref<256x128xf32, #tpu.memory_space<vmem>>
        %dma_wait3A_66 = arith.constant 0 : i32
        %dma_wait3A_67 = tpu.memref_slice %arg11[%add3A_52, %dma_wait3A_66] : memref<10008x128xf32, #tpu.memory_space<vmem_shared>> -> memref<256x128xf32, #tpu.memory_space<vmem_shared>>
        %dma_wait3A_68 = arith.constant 0 : i32
        %dma_wait3A_69 = tpu.memref_slice %arg11[%add3A_52, %dma_wait3A_68] : memref<10008x128xf32, #tpu.memory_space<vmem_shared>> -> memref<256x128xf32, #tpu.memory_space<vmem_shared>>
        %dma_wait3A_70 = arith.constant 0 : i32
        %dma_wait3A_71 = arith.constant 0 : i32
        %dma_wait3A_72 = tpu.memref_slice %arg9[%dma_wait3A_70, %dma_wait3A_71] : memref<256x128xf32, #tpu.memory_space<vmem>> -> memref<256x128xf32, #tpu.memory_space<vmem>>
        tpu.wait_dma2 semaphore(%run_scoped3A : memref<!tpu.dma_semaphore, #tpu.memory_space<semaphore_mem>>) src(%dma_wait3A_72 : memref<256x128xf32, #tpu.memory_space<vmem>>) dst(%dma_wait3A_69 : memref<256x128xf32, #tpu.memory_space<vmem_shared>>)
        tpu.yield
      }) : () -> ()
      %add3A_53 = arith.constant 512 : i32
      %add3A_54 = arith.addi %mul3A_48, %add3A_53 : i32
      "tpu.region"() ({
        %run_scoped3A = tpu.sem_alloc : memref<!tpu.dma_semaphore, #tpu.memory_space<semaphore_mem>>
        %dma_start3A = arith.constant 0 : i32
        %dma_start3A_55 = arith.constant 0 : i32
        %dma_start3A_56 = tpu.memref_slice %arg9[%dma_start3A, %dma_start3A_55] : memref<256x128xf32, #tpu.memory_space<vmem>> -> memref<112x128xf32, #tpu.memory_space<vmem>>
        %dma_start3A_57 = arith.constant 0 : i32
        %dma_start3A_58 = tpu.memref_slice %arg11[%add3A_54, %dma_start3A_57] : memref<10008x128xf32, #tpu.memory_space<vmem_shared>> -> memref<112x128xf32, #tpu.memory_space<vmem_shared>>
        %dma_start3A_59 = arith.constant 0 : i32
        %dma_start3A_60 = tpu.memref_slice %arg11[%add3A_54, %dma_start3A_59] : memref<10008x128xf32, #tpu.memory_space<vmem_shared>> -> memref<112x128xf32, #tpu.memory_space<vmem_shared>>
        %dma_start3A_61 = arith.constant 0 : i32
        %dma_start3A_62 = arith.constant 0 : i32
        %dma_start3A_63 = tpu.memref_slice %arg9[%dma_start3A_61, %dma_start3A_62] : memref<256x128xf32, #tpu.memory_space<vmem>> -> memref<112x128xf32, #tpu.memory_space<vmem>>
        tpu.enqueue_dma source(%dma_start3A_63 : memref<112x128xf32, #tpu.memory_space<vmem>>) target(%dma_start3A_60 : memref<112x128xf32, #tpu.memory_space<vmem_shared>>) target_semaphore(%run_scoped3A : memref<!tpu.dma_semaphore, #tpu.memory_space<semaphore_mem>>)
        %dma_wait3A = arith.constant 0 : i32
        %dma_wait3A_64 = arith.constant 0 : i32
        %dma_wait3A_65 = tpu.memref_slice %arg9[%dma_wait3A, %dma_wait3A_64] : memref<256x128xf32, #tpu.memory_space<vmem>> -> memref<112x128xf32, #tpu.memory_space<vmem>>
        %dma_wait3A_66 = arith.constant 0 : i32
        %dma_wait3A_67 = tpu.memref_slice %arg11[%add3A_54, %dma_wait3A_66] : memref<10008x128xf32, #tpu.memory_space<vmem_shared>> -> memref<112x128xf32, #tpu.memory_space<vmem_shared>>
        %dma_wait3A_68 = arith.constant 0 : i32
        %dma_wait3A_69 = tpu.memref_slice %arg11[%add3A_54, %dma_wait3A_68] : memref<10008x128xf32, #tpu.memory_space<vmem_shared>> -> memref<112x128xf32, #tpu.memory_space<vmem_shared>>
        %dma_wait3A_70 = arith.constant 0 : i32
        %dma_wait3A_71 = arith.constant 0 : i32
        %dma_wait3A_72 = tpu.memref_slice %arg9[%dma_wait3A_70, %dma_wait3A_71] : memref<256x128xf32, #tpu.memory_space<vmem>> -> memref<112x128xf32, #tpu.memory_space<vmem>>
        tpu.wait_dma2 semaphore(%run_scoped3A : memref<!tpu.dma_semaphore, #tpu.memory_space<semaphore_mem>>) src(%dma_wait3A_72 : memref<112x128xf32, #tpu.memory_space<vmem>>) dst(%dma_wait3A_69 : memref<112x128xf32, #tpu.memory_space<vmem_shared>>)
        tpu.yield
      }) : () -> ()
    } else {
    }
    %eq3A = arith.constant 15 : i32
    %eq3A_17 = arith.cmpi eq, %arg1, %eq3A : i32
    %convert_element_type3A_18 = arith.extui %eq3A_17 : i1 to i32
    %cond3A_19 = arith.constant 0 : i32
    %cond3A_20 = arith.cmpi ne, %convert_element_type3A_18, %cond3A_19 : i32
    scf.if %cond3A_20 {
      "tpu.region"() ({
        %run_scoped3A = tpu.sem_alloc : memref<!tpu.dma_semaphore, #tpu.memory_space<semaphore_mem>>
        %dma_start3A = arith.constant 0 : i32
        %dma_start3A_47 = arith.constant 0 : i32
        %dma_start3A_48 = tpu.memref_slice %arg9[%dma_start3A, %dma_start3A_47] : memref<256x128xf32, #tpu.memory_space<vmem>> -> memref<256x128xf32, #tpu.memory_space<vmem>>
        %dma_start3A_49 = arith.constant 9360 : i32
        %dma_start3A_50 = arith.constant 0 : i32
        %dma_start3A_51 = tpu.memref_slice %arg11[%dma_start3A_49, %dma_start3A_50] : memref<10008x128xf32, #tpu.memory_space<vmem_shared>> -> memref<256x128xf32, #tpu.memory_space<vmem_shared>>
        %dma_start3A_52 = arith.constant 9360 : i32
        %dma_start3A_53 = arith.constant 0 : i32
        %dma_start3A_54 = tpu.memref_slice %arg11[%dma_start3A_52, %dma_start3A_53] : memref<10008x128xf32, #tpu.memory_space<vmem_shared>> -> memref<256x128xf32, #tpu.memory_space<vmem_shared>>
        %dma_start3A_55 = arith.constant 0 : i32
        %dma_start3A_56 = arith.constant 0 : i32
        %dma_start3A_57 = tpu.memref_slice %arg9[%dma_start3A_55, %dma_start3A_56] : memref<256x128xf32, #tpu.memory_space<vmem>> -> memref<256x128xf32, #tpu.memory_space<vmem>>
        tpu.enqueue_dma source(%dma_start3A_57 : memref<256x128xf32, #tpu.memory_space<vmem>>) target(%dma_start3A_54 : memref<256x128xf32, #tpu.memory_space<vmem_shared>>) target_semaphore(%run_scoped3A : memref<!tpu.dma_semaphore, #tpu.memory_space<semaphore_mem>>)
        %dma_wait3A = arith.constant 0 : i32
        %dma_wait3A_58 = arith.constant 0 : i32
        %dma_wait3A_59 = tpu.memref_slice %arg9[%dma_wait3A, %dma_wait3A_58] : memref<256x128xf32, #tpu.memory_space<vmem>> -> memref<256x128xf32, #tpu.memory_space<vmem>>
        %dma_wait3A_60 = arith.constant 9360 : i32
        %dma_wait3A_61 = arith.constant 0 : i32
        %dma_wait3A_62 = tpu.memref_slice %arg11[%dma_wait3A_60, %dma_wait3A_61] : memref<10008x128xf32, #tpu.memory_space<vmem_shared>> -> memref<256x128xf32, #tpu.memory_space<vmem_shared>>
        %dma_wait3A_63 = arith.constant 9360 : i32
        %dma_wait3A_64 = arith.constant 0 : i32
        %dma_wait3A_65 = tpu.memref_slice %arg11[%dma_wait3A_63, %dma_wait3A_64] : memref<10008x128xf32, #tpu.memory_space<vmem_shared>> -> memref<256x128xf32, #tpu.memory_space<vmem_shared>>
        %dma_wait3A_66 = arith.constant 0 : i32
        %dma_wait3A_67 = arith.constant 0 : i32
        %dma_wait3A_68 = tpu.memref_slice %arg9[%dma_wait3A_66, %dma_wait3A_67] : memref<256x128xf32, #tpu.memory_space<vmem>> -> memref<256x128xf32, #tpu.memory_space<vmem>>
        tpu.wait_dma2 semaphore(%run_scoped3A : memref<!tpu.dma_semaphore, #tpu.memory_space<semaphore_mem>>) src(%dma_wait3A_68 : memref<256x128xf32, #tpu.memory_space<vmem>>) dst(%dma_wait3A_65 : memref<256x128xf32, #tpu.memory_space<vmem_shared>>)
        tpu.yield
      }) : () -> ()
      "tpu.region"() ({
        %run_scoped3A = tpu.sem_alloc : memref<!tpu.dma_semaphore, #tpu.memory_space<semaphore_mem>>
        %dma_start3A = arith.constant 0 : i32
        %dma_start3A_47 = arith.constant 0 : i32
        %dma_start3A_48 = tpu.memref_slice %arg9[%dma_start3A, %dma_start3A_47] : memref<256x128xf32, #tpu.memory_space<vmem>> -> memref<256x128xf32, #tpu.memory_space<vmem>>
        %dma_start3A_49 = arith.constant 9616 : i32
        %dma_start3A_50 = arith.constant 0 : i32
        %dma_start3A_51 = tpu.memref_slice %arg11[%dma_start3A_49, %dma_start3A_50] : memref<10008x128xf32, #tpu.memory_space<vmem_shared>> -> memref<256x128xf32, #tpu.memory_space<vmem_shared>>
        %dma_start3A_52 = arith.constant 9616 : i32
        %dma_start3A_53 = arith.constant 0 : i32
        %dma_start3A_54 = tpu.memref_slice %arg11[%dma_start3A_52, %dma_start3A_53] : memref<10008x128xf32, #tpu.memory_space<vmem_shared>> -> memref<256x128xf32, #tpu.memory_space<vmem_shared>>
        %dma_start3A_55 = arith.constant 0 : i32
        %dma_start3A_56 = arith.constant 0 : i32
        %dma_start3A_57 = tpu.memref_slice %arg9[%dma_start3A_55, %dma_start3A_56] : memref<256x128xf32, #tpu.memory_space<vmem>> -> memref<256x128xf32, #tpu.memory_space<vmem>>
        tpu.enqueue_dma source(%dma_start3A_57 : memref<256x128xf32, #tpu.memory_space<vmem>>) target(%dma_start3A_54 : memref<256x128xf32, #tpu.memory_space<vmem_shared>>) target_semaphore(%run_scoped3A : memref<!tpu.dma_semaphore, #tpu.memory_space<semaphore_mem>>)
        %dma_wait3A = arith.constant 0 : i32
        %dma_wait3A_58 = arith.constant 0 : i32
        %dma_wait3A_59 = tpu.memref_slice %arg9[%dma_wait3A, %dma_wait3A_58] : memref<256x128xf32, #tpu.memory_space<vmem>> -> memref<256x128xf32, #tpu.memory_space<vmem>>
        %dma_wait3A_60 = arith.constant 9616 : i32
        %dma_wait3A_61 = arith.constant 0 : i32
        %dma_wait3A_62 = tpu.memref_slice %arg11[%dma_wait3A_60, %dma_wait3A_61] : memref<10008x128xf32, #tpu.memory_space<vmem_shared>> -> memref<256x128xf32, #tpu.memory_space<vmem_shared>>
        %dma_wait3A_63 = arith.constant 9616 : i32
        %dma_wait3A_64 = arith.constant 0 : i32
        %dma_wait3A_65 = tpu.memref_slice %arg11[%dma_wait3A_63, %dma_wait3A_64] : memref<10008x128xf32, #tpu.memory_space<vmem_shared>> -> memref<256x128xf32, #tpu.memory_space<vmem_shared>>
        %dma_wait3A_66 = arith.constant 0 : i32
        %dma_wait3A_67 = arith.constant 0 : i32
        %dma_wait3A_68 = tpu.memref_slice %arg9[%dma_wait3A_66, %dma_wait3A_67] : memref<256x128xf32, #tpu.memory_space<vmem>> -> memref<256x128xf32, #tpu.memory_space<vmem>>
        tpu.wait_dma2 semaphore(%run_scoped3A : memref<!tpu.dma_semaphore, #tpu.memory_space<semaphore_mem>>) src(%dma_wait3A_68 : memref<256x128xf32, #tpu.memory_space<vmem>>) dst(%dma_wait3A_65 : memref<256x128xf32, #tpu.memory_space<vmem_shared>>)
        tpu.yield
      }) : () -> ()
      "tpu.region"() ({
        %run_scoped3A = tpu.sem_alloc : memref<!tpu.dma_semaphore, #tpu.memory_space<semaphore_mem>>
        %dma_start3A = arith.constant 0 : i32
        %dma_start3A_47 = arith.constant 0 : i32
        %dma_start3A_48 = tpu.memref_slice %arg9[%dma_start3A, %dma_start3A_47] : memref<256x128xf32, #tpu.memory_space<vmem>> -> memref<136x128xf32, #tpu.memory_space<vmem>>
        %dma_start3A_49 = arith.constant 9872 : i32
        %dma_start3A_50 = arith.constant 0 : i32
        %dma_start3A_51 = tpu.memref_slice %arg11[%dma_start3A_49, %dma_start3A_50] : memref<10008x128xf32, #tpu.memory_space<vmem_shared>> -> memref<136x128xf32, #tpu.memory_space<vmem_shared>>
        %dma_start3A_52 = arith.constant 9872 : i32
        %dma_start3A_53 = arith.constant 0 : i32
        %dma_start3A_54 = tpu.memref_slice %arg11[%dma_start3A_52, %dma_start3A_53] : memref<10008x128xf32, #tpu.memory_space<vmem_shared>> -> memref<136x128xf32, #tpu.memory_space<vmem_shared>>
        %dma_start3A_55 = arith.constant 0 : i32
        %dma_start3A_56 = arith.constant 0 : i32
        %dma_start3A_57 = tpu.memref_slice %arg9[%dma_start3A_55, %dma_start3A_56] : memref<256x128xf32, #tpu.memory_space<vmem>> -> memref<136x128xf32, #tpu.memory_space<vmem>>
        tpu.enqueue_dma source(%dma_start3A_57 : memref<136x128xf32, #tpu.memory_space<vmem>>) target(%dma_start3A_54 : memref<136x128xf32, #tpu.memory_space<vmem_shared>>) target_semaphore(%run_scoped3A : memref<!tpu.dma_semaphore, #tpu.memory_space<semaphore_mem>>)
        %dma_wait3A = arith.constant 0 : i32
        %dma_wait3A_58 = arith.constant 0 : i32
        %dma_wait3A_59 = tpu.memref_slice %arg9[%dma_wait3A, %dma_wait3A_58] : memref<256x128xf32, #tpu.memory_space<vmem>> -> memref<136x128xf32, #tpu.memory_space<vmem>>
        %dma_wait3A_60 = arith.constant 9872 : i32
        %dma_wait3A_61 = arith.constant 0 : i32
        %dma_wait3A_62 = tpu.memref_slice %arg11[%dma_wait3A_60, %dma_wait3A_61] : memref<10008x128xf32, #tpu.memory_space<vmem_shared>> -> memref<136x128xf32, #tpu.memory_space<vmem_shared>>
        %dma_wait3A_63 = arith.constant 9872 : i32
        %dma_wait3A_64 = arith.constant 0 : i32
        %dma_wait3A_65 = tpu.memref_slice %arg11[%dma_wait3A_63, %dma_wait3A_64] : memref<10008x128xf32, #tpu.memory_space<vmem_shared>> -> memref<136x128xf32, #tpu.memory_space<vmem_shared>>
        %dma_wait3A_66 = arith.constant 0 : i32
        %dma_wait3A_67 = arith.constant 0 : i32
        %dma_wait3A_68 = tpu.memref_slice %arg9[%dma_wait3A_66, %dma_wait3A_67] : memref<256x128xf32, #tpu.memory_space<vmem>> -> memref<136x128xf32, #tpu.memory_space<vmem>>
        tpu.wait_dma2 semaphore(%run_scoped3A : memref<!tpu.dma_semaphore, #tpu.memory_space<semaphore_mem>>) src(%dma_wait3A_68 : memref<136x128xf32, #tpu.memory_space<vmem>>) dst(%dma_wait3A_65 : memref<136x128xf32, #tpu.memory_space<vmem_shared>>)
        tpu.yield
      }) : () -> ()
    } else {
    }
    %mul3A_21 = arith.constant 632 : i32
    %mul3A_22 = arith.muli %arg1, %mul3A_21 : i32
    "tpu.region"() ({
      %run_scoped3A = tpu.sem_alloc : memref<!tpu.dma_semaphore, #tpu.memory_space<semaphore_mem>>
      %dma_start3A = arith.constant 0 : i32
      %dma_start3A_47 = tpu.memref_slice %arg10[%dma_start3A] : memref<640xf32, #tpu.memory_space<vmem>> -> memref<632xf32, #tpu.memory_space<vmem>>
      %dma_start3A_48 = tpu.memref_slice %arg12[%mul3A_22] : memref<10112xf32, #tpu.memory_space<vmem_shared>> -> memref<632xf32, #tpu.memory_space<vmem_shared>>
      %dma_start3A_49 = tpu.memref_slice %arg12[%mul3A_22] : memref<10112xf32, #tpu.memory_space<vmem_shared>> -> memref<632xf32, #tpu.memory_space<vmem_shared>>
      %dma_start3A_50 = arith.constant 0 : i32
      %dma_start3A_51 = tpu.memref_slice %arg10[%dma_start3A_50] : memref<640xf32, #tpu.memory_space<vmem>> -> memref<632xf32, #tpu.memory_space<vmem>>
      tpu.enqueue_dma source(%dma_start3A_51 : memref<632xf32, #tpu.memory_space<vmem>>) target(%dma_start3A_49 : memref<632xf32, #tpu.memory_space<vmem_shared>>) target_semaphore(%run_scoped3A : memref<!tpu.dma_semaphore, #tpu.memory_space<semaphore_mem>>)
      %dma_wait3A = arith.constant 0 : i32
      %dma_wait3A_52 = tpu.memref_slice %arg10[%dma_wait3A] : memref<640xf32, #tpu.memory_space<vmem>> -> memref<632xf32, #tpu.memory_space<vmem>>
      %dma_wait3A_53 = tpu.memref_slice %arg12[%mul3A_22] : memref<10112xf32, #tpu.memory_space<vmem_shared>> -> memref<632xf32, #tpu.memory_space<vmem_shared>>
      %dma_wait3A_54 = tpu.memref_slice %arg12[%mul3A_22] : memref<10112xf32, #tpu.memory_space<vmem_shared>> -> memref<632xf32, #tpu.memory_space<vmem_shared>>
      %dma_wait3A_55 = arith.constant 0 : i32
      %dma_wait3A_56 = tpu.memref_slice %arg10[%dma_wait3A_55] : memref<640xf32, #tpu.memory_space<vmem>> -> memref<632xf32, #tpu.memory_space<vmem>>
      tpu.wait_dma2 semaphore(%run_scoped3A : memref<!tpu.dma_semaphore, #tpu.memory_space<semaphore_mem>>) src(%dma_wait3A_56 : memref<632xf32, #tpu.memory_space<vmem>>) dst(%dma_wait3A_54 : memref<632xf32, #tpu.memory_space<vmem_shared>>)
      tpu.yield
    }) : () -> ()
    %barrier3A = arith.constant 0 : index
    tpu.barrier barrier_id(%barrier3A)
    %scan3A_23 = arith.constant 0 : i32
    %scan3A_24 = arith.constant 0 : i32
    %scan3A_25 = arith.constant 10 : i32
    %scan3A_26 = arith.addi %scan3A_24, %scan3A_25 : i32
    %scan3A_27 = arith.constant 1 : i32
    scf.for %scan3A_47 = %scan3A_24 to %scan3A_26 step %scan3A_27  : i32 {
      %mul3A_48 = arith.constant 256 : i32
      %mul3A_49 = arith.muli %scan3A_47, %mul3A_48 : i32
      %add3A_50 = arith.addi %mul3A_2, %mul3A_49 : i32
      "tpu.region"() ({
        %run_scoped3A = tpu.sem_alloc : memref<!tpu.dma_semaphore, #tpu.memory_space<semaphore_mem>>
        %dma_start3A_81 = arith.constant 0 : i32
        %dma_start3A_82 = tpu.memref_slice %arg7[%dma_start3A_81] : memref<256xi32, #tpu.memory_space<vmem>> -> memref<256xi32, #tpu.memory_space<vmem>>
        %dma_start3A_83 = tpu.memref_slice %arg4[%add3A_50] : memref<81920xi32, #tpu.memory_space<hbm>> -> memref<256xi32, #tpu.memory_space<hbm>>
        %dma_start3A_84 = arith.constant 0 : i32
        %dma_start3A_85 = tpu.memref_slice %arg7[%dma_start3A_84] : memref<256xi32, #tpu.memory_space<vmem>> -> memref<256xi32, #tpu.memory_space<vmem>>
        %dma_start3A_86 = tpu.memref_slice %arg4[%add3A_50] : memref<81920xi32, #tpu.memory_space<hbm>> -> memref<256xi32, #tpu.memory_space<hbm>>
        tpu.enqueue_dma source(%dma_start3A_86 : memref<256xi32, #tpu.memory_space<hbm>>) target(%dma_start3A_85 : memref<256xi32, #tpu.memory_space<vmem>>) target_semaphore(%run_scoped3A : memref<!tpu.dma_semaphore, #tpu.memory_space<semaphore_mem>>)
        %dma_wait3A_87 = arith.constant 0 : i32
        %dma_wait3A_88 = tpu.memref_slice %arg7[%dma_wait3A_87] : memref<256xi32, #tpu.memory_space<vmem>> -> memref<256xi32, #tpu.memory_space<vmem>>
        %dma_wait3A_89 = tpu.memref_slice %arg4[%add3A_50] : memref<81920xi32, #tpu.memory_space<hbm>> -> memref<256xi32, #tpu.memory_space<hbm>>
        %dma_wait3A_90 = arith.constant 0 : i32
        %dma_wait3A_91 = tpu.memref_slice %arg7[%dma_wait3A_90] : memref<256xi32, #tpu.memory_space<vmem>> -> memref<256xi32, #tpu.memory_space<vmem>>
        %dma_wait3A_92 = tpu.memref_slice %arg4[%add3A_50] : memref<81920xi32, #tpu.memory_space<hbm>> -> memref<256xi32, #tpu.memory_space<hbm>>
        tpu.wait_dma2 semaphore(%run_scoped3A : memref<!tpu.dma_semaphore, #tpu.memory_space<semaphore_mem>>) src(%dma_wait3A_92 : memref<256xi32, #tpu.memory_space<hbm>>) dst(%dma_wait3A_91 : memref<256xi32, #tpu.memory_space<vmem>>)
        tpu.yield
      }) : () -> ()
      %dma_start3A = arith.constant 0 : i32
      %dma_start3A_51 = tpu.memref_slice %arg8[%dma_start3A] : memref<256xf32, #tpu.memory_space<vmem>> -> memref<256xf32, #tpu.memory_space<vmem>>
      %dma_start3A_52 = tpu.memref_slice %arg3[%add3A_50] : memref<81920xf32, #tpu.memory_space<hbm>> -> memref<256xf32, #tpu.memory_space<hbm>>
      %dma_start3A_53 = arith.constant 0 : i32
      %dma_start3A_54 = tpu.memref_slice %arg8[%dma_start3A_53] : memref<256xf32, #tpu.memory_space<vmem>> -> memref<256xf32, #tpu.memory_space<vmem>>
      %dma_start3A_55 = tpu.memref_slice %arg3[%add3A_50] : memref<81920xf32, #tpu.memory_space<hbm>> -> memref<256xf32, #tpu.memory_space<hbm>>
      tpu.enqueue_dma source(%dma_start3A_55 : memref<256xf32, #tpu.memory_space<hbm>>) target(%dma_start3A_54 : memref<256xf32, #tpu.memory_space<vmem>>) target_semaphore(%arg13 : memref<!tpu.dma_semaphore, #tpu.memory_space<semaphore_mem>>)
      %dma_start3A_56 = arith.constant 0 : i32
      %dma_start3A_57 = arith.constant 0 : i32
      %dma_start3A_58 = tpu.memref_slice %arg9[%dma_start3A_56, %dma_start3A_57] : memref<256x128xf32, #tpu.memory_space<vmem>> -> memref<256x128xf32, #tpu.memory_space<vmem>>
      %dma_start3A_59 = arith.constant 0 : i32
      %dma_start3A_60 = tpu.memref_slice %arg2[%add3A_50, %dma_start3A_59] : memref<81920x128xf32, #tpu.memory_space<hbm>> -> memref<256x128xf32, #tpu.memory_space<hbm>>
      %dma_start3A_61 = arith.constant 0 : i32
      %dma_start3A_62 = arith.constant 0 : i32
      %dma_start3A_63 = tpu.memref_slice %arg9[%dma_start3A_61, %dma_start3A_62] : memref<256x128xf32, #tpu.memory_space<vmem>> -> memref<256x128xf32, #tpu.memory_space<vmem>>
      %dma_start3A_64 = arith.constant 0 : i32
      %dma_start3A_65 = tpu.memref_slice %arg2[%add3A_50, %dma_start3A_64] : memref<81920x128xf32, #tpu.memory_space<hbm>> -> memref<256x128xf32, #tpu.memory_space<hbm>>
      tpu.enqueue_dma source(%dma_start3A_65 : memref<256x128xf32, #tpu.memory_space<hbm>>) target(%dma_start3A_63 : memref<256x128xf32, #tpu.memory_space<vmem>>) target_semaphore(%arg13 : memref<!tpu.dma_semaphore, #tpu.memory_space<semaphore_mem>>)
      %dma_wait3A = arith.constant 0 : i32
      %dma_wait3A_66 = tpu.memref_slice %arg8[%dma_wait3A] : memref<256xf32, #tpu.memory_space<vmem>> -> memref<256xf32, #tpu.memory_space<vmem>>
      %dma_wait3A_67 = tpu.memref_slice %arg3[%add3A_50] : memref<81920xf32, #tpu.memory_space<hbm>> -> memref<256xf32, #tpu.memory_space<hbm>>
      %dma_wait3A_68 = arith.constant 0 : i32
      %dma_wait3A_69 = tpu.memref_slice %arg8[%dma_wait3A_68] : memref<256xf32, #tpu.memory_space<vmem>> -> memref<256xf32, #tpu.memory_space<vmem>>
      %dma_wait3A_70 = tpu.memref_slice %arg3[%add3A_50] : memref<81920xf32, #tpu.memory_space<hbm>> -> memref<256xf32, #tpu.memory_space<hbm>>
      tpu.wait_dma2 semaphore(%arg13 : memref<!tpu.dma_semaphore, #tpu.memory_space<semaphore_mem>>) src(%dma_wait3A_70 : memref<256xf32, #tpu.memory_space<hbm>>) dst(%dma_wait3A_69 : memref<256xf32, #tpu.memory_space<vmem>>)
      %dma_wait3A_71 = arith.constant 0 : i32
      %dma_wait3A_72 = arith.constant 0 : i32
      %dma_wait3A_73 = tpu.memref_slice %arg9[%dma_wait3A_71, %dma_wait3A_72] : memref<256x128xf32, #tpu.memory_space<vmem>> -> memref<256x128xf32, #tpu.memory_space<vmem>>
      %dma_wait3A_74 = arith.constant 0 : i32
      %dma_wait3A_75 = tpu.memref_slice %arg2[%add3A_50, %dma_wait3A_74] : memref<81920x128xf32, #tpu.memory_space<hbm>> -> memref<256x128xf32, #tpu.memory_space<hbm>>
      %dma_wait3A_76 = arith.constant 0 : i32
      %dma_wait3A_77 = arith.constant 0 : i32
      %dma_wait3A_78 = tpu.memref_slice %arg9[%dma_wait3A_76, %dma_wait3A_77] : memref<256x128xf32, #tpu.memory_space<vmem>> -> memref<256x128xf32, #tpu.memory_space<vmem>>
      %dma_wait3A_79 = arith.constant 0 : i32
      %dma_wait3A_80 = tpu.memref_slice %arg2[%add3A_50, %dma_wait3A_79] : memref<81920x128xf32, #tpu.memory_space<hbm>> -> memref<256x128xf32, #tpu.memory_space<hbm>>
      tpu.wait_dma2 semaphore(%arg13 : memref<!tpu.dma_semaphore, #tpu.memory_space<semaphore_mem>>) src(%dma_wait3A_80 : memref<256x128xf32, #tpu.memory_space<hbm>>) dst(%dma_wait3A_78 : memref<256x128xf32, #tpu.memory_space<vmem>>)
      "tpu.region"() ({
        %run_scoped3A = tpu.sem_alloc : memref<!tpu.dma_semaphore, #tpu.memory_space<semaphore_mem>>
        %dma_start3A_81 = arith.constant 0 : i32
        %dma_start3A_82 = tpu.memref_slice %arg8[%dma_start3A_81] : memref<256xf32, #tpu.memory_space<vmem>> -> memref<256xf32, #tpu.memory_space<vmem>>
        %dma_start3A_83 = arith.constant 0 : i32
        %dma_start3A_84 = tpu.memref_slice %arg7[%dma_start3A_83] : memref<256xi32, #tpu.memory_space<vmem>> -> memref<256xi32, #tpu.memory_space<vmem>>
        %dma_start3A_85 = arith.constant 0 : i32
        %dma_start3A_86 = tpu.memref_slice %arg12[%dma_start3A_85] : memref<10112xf32, #tpu.memory_space<vmem_shared>> -> memref<10112xf32, #tpu.memory_space<vmem_shared>>
        tpu.enqueue_indirect_dma source(%dma_start3A_82 : memref<256xf32, #tpu.memory_space<vmem>>) target(%dma_start3A_86 : memref<10112xf32, #tpu.memory_space<vmem_shared>>) offsets(%dma_start3A_84 : memref<256xi32, #tpu.memory_space<vmem>>) semaphore(%run_scoped3A : memref<!tpu.dma_semaphore, #tpu.memory_space<semaphore_mem>>) {add = true}
        %dma_wait3A_87 = arith.constant 0 : i32
        %dma_wait3A_88 = tpu.memref_slice %arg8[%dma_wait3A_87] : memref<256xf32, #tpu.memory_space<vmem>> -> memref<256xf32, #tpu.memory_space<vmem>>
        %dma_wait3A_89 = arith.constant 0 : i32
        %dma_wait3A_90 = tpu.memref_slice %arg7[%dma_wait3A_89] : memref<256xi32, #tpu.memory_space<vmem>> -> memref<256xi32, #tpu.memory_space<vmem>>
        %dma_wait3A_91 = arith.constant 0 : i32
        %dma_wait3A_92 = tpu.memref_slice %arg12[%dma_wait3A_91] : memref<10112xf32, #tpu.memory_space<vmem_shared>> -> memref<10112xf32, #tpu.memory_space<vmem_shared>>
        tpu.wait_indirect_dma semaphore(%run_scoped3A : memref<!tpu.dma_semaphore, #tpu.memory_space<semaphore_mem>>) src(%dma_wait3A_88 : memref<256xf32, #tpu.memory_space<vmem>>) dst(%dma_wait3A_92 : memref<10112xf32, #tpu.memory_space<vmem_shared>>)
        tpu.yield
      }) : () -> ()
      "tpu.region"() ({
        %run_scoped3A = tpu.sem_alloc : memref<!tpu.dma_semaphore, #tpu.memory_space<semaphore_mem>>
        %dma_start3A_81 = arith.constant 0 : i32
        %dma_start3A_82 = arith.constant 0 : i32
        %dma_start3A_83 = tpu.memref_slice %arg9[%dma_start3A_81, %dma_start3A_82] : memref<256x128xf32, #tpu.memory_space<vmem>> -> memref<256x128xf32, #tpu.memory_space<vmem>>
        %dma_start3A_84 = arith.constant 0 : i32
        %dma_start3A_85 = tpu.memref_slice %arg7[%dma_start3A_84] : memref<256xi32, #tpu.memory_space<vmem>> -> memref<256xi32, #tpu.memory_space<vmem>>
        %dma_start3A_86 = arith.constant 0 : i32
        %dma_start3A_87 = arith.constant 0 : i32
        %dma_start3A_88 = tpu.memref_slice %arg11[%dma_start3A_86, %dma_start3A_87] : memref<10008x128xf32, #tpu.memory_space<vmem_shared>> -> memref<10008x128xf32, #tpu.memory_space<vmem_shared>>
        tpu.enqueue_indirect_dma source(%dma_start3A_83 : memref<256x128xf32, #tpu.memory_space<vmem>>) target(%dma_start3A_88 : memref<10008x128xf32, #tpu.memory_space<vmem_shared>>) offsets(%dma_start3A_85 : memref<256xi32, #tpu.memory_space<vmem>>) semaphore(%run_scoped3A : memref<!tpu.dma_semaphore, #tpu.memory_space<semaphore_mem>>) {add = true}
        %dma_wait3A_89 = arith.constant 0 : i32
        %dma_wait3A_90 = arith.constant 0 : i32
        %dma_wait3A_91 = tpu.memref_slice %arg9[%dma_wait3A_89, %dma_wait3A_90] : memref<256x128xf32, #tpu.memory_space<vmem>> -> memref<256x128xf32, #tpu.memory_space<vmem>>
        %dma_wait3A_92 = arith.constant 0 : i32
        %dma_wait3A_93 = tpu.memref_slice %arg7[%dma_wait3A_92] : memref<256xi32, #tpu.memory_space<vmem>> -> memref<256xi32, #tpu.memory_space<vmem>>
        %dma_wait3A_94 = arith.constant 0 : i32
        %dma_wait3A_95 = arith.constant 0 : i32
        %dma_wait3A_96 = tpu.memref_slice %arg11[%dma_wait3A_94, %dma_wait3A_95] : memref<10008x128xf32, #tpu.memory_space<vmem_shared>> -> memref<10008x128xf32, #tpu.memory_space<vmem_shared>>
        tpu.wait_indirect_dma semaphore(%run_scoped3A : memref<!tpu.dma_semaphore, #tpu.memory_space<semaphore_mem>>) src(%dma_wait3A_91 : memref<256x128xf32, #tpu.memory_space<vmem>>) dst(%dma_wait3A_96 : memref<10008x128xf32, #tpu.memory_space<vmem_shared>>)
        tpu.yield
      }) : () -> ()
    }
    %scan3A_28 = arith.constant 10 : i32
    %barrier3A_29 = arith.constant 0 : index
    tpu.barrier barrier_id(%barrier3A_29)
    %lt3A_30 = arith.constant 15 : i32
    %lt3A_31 = arith.cmpi slt, %arg1, %lt3A_30 : i32
    %convert_element_type3A_32 = arith.extui %lt3A_31 : i1 to i32
    %cond3A_33 = arith.constant 0 : i32
    %cond3A_34 = arith.cmpi ne, %convert_element_type3A_32, %cond3A_33 : i32
    scf.if %cond3A_34 {
      %mul3A_47 = arith.constant 624 : i32
      %mul3A_48 = arith.muli %arg1, %mul3A_47 : i32
      %add3A_49 = arith.constant 0 : i32
      %add3A_50 = arith.addi %mul3A_48, %add3A_49 : i32
      "tpu.region"() ({
        %run_scoped3A = tpu.sem_alloc : memref<!tpu.dma_semaphore, #tpu.memory_space<semaphore_mem>>
        %dma_start3A = arith.constant 0 : i32
        %dma_start3A_61 = arith.constant 0 : i32
        %dma_start3A_62 = tpu.memref_slice %arg9[%dma_start3A, %dma_start3A_61] : memref<256x128xf32, #tpu.memory_space<vmem>> -> memref<256x128xf32, #tpu.memory_space<vmem>>
        %dma_start3A_63 = arith.constant 0 : i32
        %dma_start3A_64 = tpu.memref_slice %arg11[%add3A_50, %dma_start3A_63] : memref<10008x128xf32, #tpu.memory_space<vmem_shared>> -> memref<256x128xf32, #tpu.memory_space<vmem_shared>>
        %dma_start3A_65 = arith.constant 0 : i32
        %dma_start3A_66 = arith.constant 0 : i32
        %dma_start3A_67 = tpu.memref_slice %arg9[%dma_start3A_65, %dma_start3A_66] : memref<256x128xf32, #tpu.memory_space<vmem>> -> memref<256x128xf32, #tpu.memory_space<vmem>>
        %dma_start3A_68 = arith.constant 0 : i32
        %dma_start3A_69 = tpu.memref_slice %arg11[%add3A_50, %dma_start3A_68] : memref<10008x128xf32, #tpu.memory_space<vmem_shared>> -> memref<256x128xf32, #tpu.memory_space<vmem_shared>>
        tpu.enqueue_dma source(%dma_start3A_69 : memref<256x128xf32, #tpu.memory_space<vmem_shared>>) target(%dma_start3A_67 : memref<256x128xf32, #tpu.memory_space<vmem>>) target_semaphore(%run_scoped3A : memref<!tpu.dma_semaphore, #tpu.memory_space<semaphore_mem>>)
        %dma_wait3A = arith.constant 0 : i32
        %dma_wait3A_70 = arith.constant 0 : i32
        %dma_wait3A_71 = tpu.memref_slice %arg9[%dma_wait3A, %dma_wait3A_70] : memref<256x128xf32, #tpu.memory_space<vmem>> -> memref<256x128xf32, #tpu.memory_space<vmem>>
        %dma_wait3A_72 = arith.constant 0 : i32
        %dma_wait3A_73 = tpu.memref_slice %arg11[%add3A_50, %dma_wait3A_72] : memref<10008x128xf32, #tpu.memory_space<vmem_shared>> -> memref<256x128xf32, #tpu.memory_space<vmem_shared>>
        %dma_wait3A_74 = arith.constant 0 : i32
        %dma_wait3A_75 = arith.constant 0 : i32
        %dma_wait3A_76 = tpu.memref_slice %arg9[%dma_wait3A_74, %dma_wait3A_75] : memref<256x128xf32, #tpu.memory_space<vmem>> -> memref<256x128xf32, #tpu.memory_space<vmem>>
        %dma_wait3A_77 = arith.constant 0 : i32
        %dma_wait3A_78 = tpu.memref_slice %arg11[%add3A_50, %dma_wait3A_77] : memref<10008x128xf32, #tpu.memory_space<vmem_shared>> -> memref<256x128xf32, #tpu.memory_space<vmem_shared>>
        tpu.wait_dma2 semaphore(%run_scoped3A : memref<!tpu.dma_semaphore, #tpu.memory_space<semaphore_mem>>) src(%dma_wait3A_78 : memref<256x128xf32, #tpu.memory_space<vmem_shared>>) dst(%dma_wait3A_76 : memref<256x128xf32, #tpu.memory_space<vmem>>)
        tpu.yield
      }) : () -> ()
      %add3A_51 = arith.constant 0 : i32
      %add3A_52 = arith.addi %mul3A_48, %add3A_51 : i32
      "tpu.region"() ({
        %run_scoped3A = tpu.sem_alloc : memref<!tpu.dma_semaphore, #tpu.memory_space<semaphore_mem>>
        %dma_start3A = arith.constant 0 : i32
        %dma_start3A_61 = arith.constant 0 : i32
        %dma_start3A_62 = tpu.memref_slice %arg9[%dma_start3A, %dma_start3A_61] : memref<256x128xf32, #tpu.memory_space<vmem>> -> memref<256x128xf32, #tpu.memory_space<vmem>>
        %dma_start3A_63 = arith.constant 0 : i32
        %dma_start3A_64 = tpu.memref_slice %arg5[%arg0, %add3A_52, %dma_start3A_63] : memref<2x10000x128xf32, #tpu.memory_space<hbm>> -> memref<1x256x128xf32, #tpu.memory_space<hbm>>
        %dma_start3A_65 = tpu.memref_squeeze %dma_start3A_64 : memref<1x256x128xf32, #tpu.memory_space<hbm>> -> memref<256x128xf32, #tpu.memory_space<hbm>>
        %dma_start3A_66 = arith.constant 0 : i32
        %dma_start3A_67 = tpu.memref_slice %arg5[%arg0, %add3A_52, %dma_start3A_66] : memref<2x10000x128xf32, #tpu.memory_space<hbm>> -> memref<1x256x128xf32, #tpu.memory_space<hbm>>
        %dma_start3A_68 = tpu.memref_squeeze %dma_start3A_67 : memref<1x256x128xf32, #tpu.memory_space<hbm>> -> memref<256x128xf32, #tpu.memory_space<hbm>>
        %dma_start3A_69 = arith.constant 0 : i32
        %dma_start3A_70 = arith.constant 0 : i32
        %dma_start3A_71 = tpu.memref_slice %arg9[%dma_start3A_69, %dma_start3A_70] : memref<256x128xf32, #tpu.memory_space<vmem>> -> memref<256x128xf32, #tpu.memory_space<vmem>>
        tpu.enqueue_dma source(%dma_start3A_71 : memref<256x128xf32, #tpu.memory_space<vmem>>) target(%dma_start3A_68 : memref<256x128xf32, #tpu.memory_space<hbm>>) target_semaphore(%run_scoped3A : memref<!tpu.dma_semaphore, #tpu.memory_space<semaphore_mem>>)
        %dma_wait3A = arith.constant 0 : i32
        %dma_wait3A_72 = arith.constant 0 : i32
        %dma_wait3A_73 = tpu.memref_slice %arg9[%dma_wait3A, %dma_wait3A_72] : memref<256x128xf32, #tpu.memory_space<vmem>> -> memref<256x128xf32, #tpu.memory_space<vmem>>
        %dma_wait3A_74 = arith.constant 0 : i32
        %dma_wait3A_75 = tpu.memref_slice %arg5[%arg0, %add3A_52, %dma_wait3A_74] : memref<2x10000x128xf32, #tpu.memory_space<hbm>> -> memref<1x256x128xf32, #tpu.memory_space<hbm>>
        %dma_wait3A_76 = tpu.memref_squeeze %dma_wait3A_75 : memref<1x256x128xf32, #tpu.memory_space<hbm>> -> memref<256x128xf32, #tpu.memory_space<hbm>>
        %dma_wait3A_77 = arith.constant 0 : i32
        %dma_wait3A_78 = tpu.memref_slice %arg5[%arg0, %add3A_52, %dma_wait3A_77] : memref<2x10000x128xf32, #tpu.memory_space<hbm>> -> memref<1x256x128xf32, #tpu.memory_space<hbm>>
        %dma_wait3A_79 = tpu.memref_squeeze %dma_wait3A_78 : memref<1x256x128xf32, #tpu.memory_space<hbm>> -> memref<256x128xf32, #tpu.memory_space<hbm>>
        %dma_wait3A_80 = arith.constant 0 : i32
        %dma_wait3A_81 = arith.constant 0 : i32
        %dma_wait3A_82 = tpu.memref_slice %arg9[%dma_wait3A_80, %dma_wait3A_81] : memref<256x128xf32, #tpu.memory_space<vmem>> -> memref<256x128xf32, #tpu.memory_space<vmem>>
        tpu.wait_dma2 semaphore(%run_scoped3A : memref<!tpu.dma_semaphore, #tpu.memory_space<semaphore_mem>>) src(%dma_wait3A_82 : memref<256x128xf32, #tpu.memory_space<vmem>>) dst(%dma_wait3A_79 : memref<256x128xf32, #tpu.memory_space<hbm>>)
        tpu.yield
      }) : () -> ()
      %add3A_53 = arith.constant 256 : i32
      %add3A_54 = arith.addi %mul3A_48, %add3A_53 : i32
      "tpu.region"() ({
        %run_scoped3A = tpu.sem_alloc : memref<!tpu.dma_semaphore, #tpu.memory_space<semaphore_mem>>
        %dma_start3A = arith.constant 0 : i32
        %dma_start3A_61 = arith.constant 0 : i32
        %dma_start3A_62 = tpu.memref_slice %arg9[%dma_start3A, %dma_start3A_61] : memref<256x128xf32, #tpu.memory_space<vmem>> -> memref<256x128xf32, #tpu.memory_space<vmem>>
        %dma_start3A_63 = arith.constant 0 : i32
        %dma_start3A_64 = tpu.memref_slice %arg11[%add3A_54, %dma_start3A_63] : memref<10008x128xf32, #tpu.memory_space<vmem_shared>> -> memref<256x128xf32, #tpu.memory_space<vmem_shared>>
        %dma_start3A_65 = arith.constant 0 : i32
        %dma_start3A_66 = arith.constant 0 : i32
        %dma_start3A_67 = tpu.memref_slice %arg9[%dma_start3A_65, %dma_start3A_66] : memref<256x128xf32, #tpu.memory_space<vmem>> -> memref<256x128xf32, #tpu.memory_space<vmem>>
        %dma_start3A_68 = arith.constant 0 : i32
        %dma_start3A_69 = tpu.memref_slice %arg11[%add3A_54, %dma_start3A_68] : memref<10008x128xf32, #tpu.memory_space<vmem_shared>> -> memref<256x128xf32, #tpu.memory_space<vmem_shared>>
        tpu.enqueue_dma source(%dma_start3A_69 : memref<256x128xf32, #tpu.memory_space<vmem_shared>>) target(%dma_start3A_67 : memref<256x128xf32, #tpu.memory_space<vmem>>) target_semaphore(%run_scoped3A : memref<!tpu.dma_semaphore, #tpu.memory_space<semaphore_mem>>)
        %dma_wait3A = arith.constant 0 : i32
        %dma_wait3A_70 = arith.constant 0 : i32
        %dma_wait3A_71 = tpu.memref_slice %arg9[%dma_wait3A, %dma_wait3A_70] : memref<256x128xf32, #tpu.memory_space<vmem>> -> memref<256x128xf32, #tpu.memory_space<vmem>>
        %dma_wait3A_72 = arith.constant 0 : i32
        %dma_wait3A_73 = tpu.memref_slice %arg11[%add3A_54, %dma_wait3A_72] : memref<10008x128xf32, #tpu.memory_space<vmem_shared>> -> memref<256x128xf32, #tpu.memory_space<vmem_shared>>
        %dma_wait3A_74 = arith.constant 0 : i32
        %dma_wait3A_75 = arith.constant 0 : i32
        %dma_wait3A_76 = tpu.memref_slice %arg9[%dma_wait3A_74, %dma_wait3A_75] : memref<256x128xf32, #tpu.memory_space<vmem>> -> memref<256x128xf32, #tpu.memory_space<vmem>>
        %dma_wait3A_77 = arith.constant 0 : i32
        %dma_wait3A_78 = tpu.memref_slice %arg11[%add3A_54, %dma_wait3A_77] : memref<10008x128xf32, #tpu.memory_space<vmem_shared>> -> memref<256x128xf32, #tpu.memory_space<vmem_shared>>
        tpu.wait_dma2 semaphore(%run_scoped3A : memref<!tpu.dma_semaphore, #tpu.memory_space<semaphore_mem>>) src(%dma_wait3A_78 : memref<256x128xf32, #tpu.memory_space<vmem_shared>>) dst(%dma_wait3A_76 : memref<256x128xf32, #tpu.memory_space<vmem>>)
        tpu.yield
      }) : () -> ()
      %add3A_55 = arith.constant 256 : i32
      %add3A_56 = arith.addi %mul3A_48, %add3A_55 : i32
      "tpu.region"() ({
        %run_scoped3A = tpu.sem_alloc : memref<!tpu.dma_semaphore, #tpu.memory_space<semaphore_mem>>
        %dma_start3A = arith.constant 0 : i32
        %dma_start3A_61 = arith.constant 0 : i32
        %dma_start3A_62 = tpu.memref_slice %arg9[%dma_start3A, %dma_start3A_61] : memref<256x128xf32, #tpu.memory_space<vmem>> -> memref<256x128xf32, #tpu.memory_space<vmem>>
        %dma_start3A_63 = arith.constant 0 : i32
        %dma_start3A_64 = tpu.memref_slice %arg5[%arg0, %add3A_56, %dma_start3A_63] : memref<2x10000x128xf32, #tpu.memory_space<hbm>> -> memref<1x256x128xf32, #tpu.memory_space<hbm>>
        %dma_start3A_65 = tpu.memref_squeeze %dma_start3A_64 : memref<1x256x128xf32, #tpu.memory_space<hbm>> -> memref<256x128xf32, #tpu.memory_space<hbm>>
        %dma_start3A_66 = arith.constant 0 : i32
        %dma_start3A_67 = tpu.memref_slice %arg5[%arg0, %add3A_56, %dma_start3A_66] : memref<2x10000x128xf32, #tpu.memory_space<hbm>> -> memref<1x256x128xf32, #tpu.memory_space<hbm>>
        %dma_start3A_68 = tpu.memref_squeeze %dma_start3A_67 : memref<1x256x128xf32, #tpu.memory_space<hbm>> -> memref<256x128xf32, #tpu.memory_space<hbm>>
        %dma_start3A_69 = arith.constant 0 : i32
        %dma_start3A_70 = arith.constant 0 : i32
        %dma_start3A_71 = tpu.memref_slice %arg9[%dma_start3A_69, %dma_start3A_70] : memref<256x128xf32, #tpu.memory_space<vmem>> -> memref<256x128xf32, #tpu.memory_space<vmem>>
        tpu.enqueue_dma source(%dma_start3A_71 : memref<256x128xf32, #tpu.memory_space<vmem>>) target(%dma_start3A_68 : memref<256x128xf32, #tpu.memory_space<hbm>>) target_semaphore(%run_scoped3A : memref<!tpu.dma_semaphore, #tpu.memory_space<semaphore_mem>>)
        %dma_wait3A = arith.constant 0 : i32
        %dma_wait3A_72 = arith.constant 0 : i32
        %dma_wait3A_73 = tpu.memref_slice %arg9[%dma_wait3A, %dma_wait3A_72] : memref<256x128xf32, #tpu.memory_space<vmem>> -> memref<256x128xf32, #tpu.memory_space<vmem>>
        %dma_wait3A_74 = arith.constant 0 : i32
        %dma_wait3A_75 = tpu.memref_slice %arg5[%arg0, %add3A_56, %dma_wait3A_74] : memref<2x10000x128xf32, #tpu.memory_space<hbm>> -> memref<1x256x128xf32, #tpu.memory_space<hbm>>
        %dma_wait3A_76 = tpu.memref_squeeze %dma_wait3A_75 : memref<1x256x128xf32, #tpu.memory_space<hbm>> -> memref<256x128xf32, #tpu.memory_space<hbm>>
        %dma_wait3A_77 = arith.constant 0 : i32
        %dma_wait3A_78 = tpu.memref_slice %arg5[%arg0, %add3A_56, %dma_wait3A_77] : memref<2x10000x128xf32, #tpu.memory_space<hbm>> -> memref<1x256x128xf32, #tpu.memory_space<hbm>>
        %dma_wait3A_79 = tpu.memref_squeeze %dma_wait3A_78 : memref<1x256x128xf32, #tpu.memory_space<hbm>> -> memref<256x128xf32, #tpu.memory_space<hbm>>
        %dma_wait3A_80 = arith.constant 0 : i32
        %dma_wait3A_81 = arith.constant 0 : i32
        %dma_wait3A_82 = tpu.memref_slice %arg9[%dma_wait3A_80, %dma_wait3A_81] : memref<256x128xf32, #tpu.memory_space<vmem>> -> memref<256x128xf32, #tpu.memory_space<vmem>>
        tpu.wait_dma2 semaphore(%run_scoped3A : memref<!tpu.dma_semaphore, #tpu.memory_space<semaphore_mem>>) src(%dma_wait3A_82 : memref<256x128xf32, #tpu.memory_space<vmem>>) dst(%dma_wait3A_79 : memref<256x128xf32, #tpu.memory_space<hbm>>)
        tpu.yield
      }) : () -> ()
      %add3A_57 = arith.constant 512 : i32
      %add3A_58 = arith.addi %mul3A_48, %add3A_57 : i32
      "tpu.region"() ({
        %run_scoped3A = tpu.sem_alloc : memref<!tpu.dma_semaphore, #tpu.memory_space<semaphore_mem>>
        %dma_start3A = arith.constant 0 : i32
        %dma_start3A_61 = arith.constant 0 : i32
        %dma_start3A_62 = tpu.memref_slice %arg9[%dma_start3A, %dma_start3A_61] : memref<256x128xf32, #tpu.memory_space<vmem>> -> memref<112x128xf32, #tpu.memory_space<vmem>>
        %dma_start3A_63 = arith.constant 0 : i32
        %dma_start3A_64 = tpu.memref_slice %arg11[%add3A_58, %dma_start3A_63] : memref<10008x128xf32, #tpu.memory_space<vmem_shared>> -> memref<112x128xf32, #tpu.memory_space<vmem_shared>>
        %dma_start3A_65 = arith.constant 0 : i32
        %dma_start3A_66 = arith.constant 0 : i32
        %dma_start3A_67 = tpu.memref_slice %arg9[%dma_start3A_65, %dma_start3A_66] : memref<256x128xf32, #tpu.memory_space<vmem>> -> memref<112x128xf32, #tpu.memory_space<vmem>>
        %dma_start3A_68 = arith.constant 0 : i32
        %dma_start3A_69 = tpu.memref_slice %arg11[%add3A_58, %dma_start3A_68] : memref<10008x128xf32, #tpu.memory_space<vmem_shared>> -> memref<112x128xf32, #tpu.memory_space<vmem_shared>>
        tpu.enqueue_dma source(%dma_start3A_69 : memref<112x128xf32, #tpu.memory_space<vmem_shared>>) target(%dma_start3A_67 : memref<112x128xf32, #tpu.memory_space<vmem>>) target_semaphore(%run_scoped3A : memref<!tpu.dma_semaphore, #tpu.memory_space<semaphore_mem>>)
        %dma_wait3A = arith.constant 0 : i32
        %dma_wait3A_70 = arith.constant 0 : i32
        %dma_wait3A_71 = tpu.memref_slice %arg9[%dma_wait3A, %dma_wait3A_70] : memref<256x128xf32, #tpu.memory_space<vmem>> -> memref<112x128xf32, #tpu.memory_space<vmem>>
        %dma_wait3A_72 = arith.constant 0 : i32
        %dma_wait3A_73 = tpu.memref_slice %arg11[%add3A_58, %dma_wait3A_72] : memref<10008x128xf32, #tpu.memory_space<vmem_shared>> -> memref<112x128xf32, #tpu.memory_space<vmem_shared>>
        %dma_wait3A_74 = arith.constant 0 : i32
        %dma_wait3A_75 = arith.constant 0 : i32
        %dma_wait3A_76 = tpu.memref_slice %arg9[%dma_wait3A_74, %dma_wait3A_75] : memref<256x128xf32, #tpu.memory_space<vmem>> -> memref<112x128xf32, #tpu.memory_space<vmem>>
        %dma_wait3A_77 = arith.constant 0 : i32
        %dma_wait3A_78 = tpu.memref_slice %arg11[%add3A_58, %dma_wait3A_77] : memref<10008x128xf32, #tpu.memory_space<vmem_shared>> -> memref<112x128xf32, #tpu.memory_space<vmem_shared>>
        tpu.wait_dma2 semaphore(%run_scoped3A : memref<!tpu.dma_semaphore, #tpu.memory_space<semaphore_mem>>) src(%dma_wait3A_78 : memref<112x128xf32, #tpu.memory_space<vmem_shared>>) dst(%dma_wait3A_76 : memref<112x128xf32, #tpu.memory_space<vmem>>)
        tpu.yield
      }) : () -> ()
      %add3A_59 = arith.constant 512 : i32
      %add3A_60 = arith.addi %mul3A_48, %add3A_59 : i32
      "tpu.region"() ({
        %run_scoped3A = tpu.sem_alloc : memref<!tpu.dma_semaphore, #tpu.memory_space<semaphore_mem>>
        %dma_start3A = arith.constant 0 : i32
        %dma_start3A_61 = arith.constant 0 : i32
        %dma_start3A_62 = tpu.memref_slice %arg9[%dma_start3A, %dma_start3A_61] : memref<256x128xf32, #tpu.memory_space<vmem>> -> memref<112x128xf32, #tpu.memory_space<vmem>>
        %dma_start3A_63 = arith.constant 0 : i32
        %dma_start3A_64 = tpu.memref_slice %arg5[%arg0, %add3A_60, %dma_start3A_63] : memref<2x10000x128xf32, #tpu.memory_space<hbm>> -> memref<1x112x128xf32, #tpu.memory_space<hbm>>
        %dma_start3A_65 = tpu.memref_squeeze %dma_start3A_64 : memref<1x112x128xf32, #tpu.memory_space<hbm>> -> memref<112x128xf32, #tpu.memory_space<hbm>>
        %dma_start3A_66 = arith.constant 0 : i32
        %dma_start3A_67 = tpu.memref_slice %arg5[%arg0, %add3A_60, %dma_start3A_66] : memref<2x10000x128xf32, #tpu.memory_space<hbm>> -> memref<1x112x128xf32, #tpu.memory_space<hbm>>
        %dma_start3A_68 = tpu.memref_squeeze %dma_start3A_67 : memref<1x112x128xf32, #tpu.memory_space<hbm>> -> memref<112x128xf32, #tpu.memory_space<hbm>>
        %dma_start3A_69 = arith.constant 0 : i32
        %dma_start3A_70 = arith.constant 0 : i32
        %dma_start3A_71 = tpu.memref_slice %arg9[%dma_start3A_69, %dma_start3A_70] : memref<256x128xf32, #tpu.memory_space<vmem>> -> memref<112x128xf32, #tpu.memory_space<vmem>>
        tpu.enqueue_dma source(%dma_start3A_71 : memref<112x128xf32, #tpu.memory_space<vmem>>) target(%dma_start3A_68 : memref<112x128xf32, #tpu.memory_space<hbm>>) target_semaphore(%run_scoped3A : memref<!tpu.dma_semaphore, #tpu.memory_space<semaphore_mem>>)
        %dma_wait3A = arith.constant 0 : i32
        %dma_wait3A_72 = arith.constant 0 : i32
        %dma_wait3A_73 = tpu.memref_slice %arg9[%dma_wait3A, %dma_wait3A_72] : memref<256x128xf32, #tpu.memory_space<vmem>> -> memref<112x128xf32, #tpu.memory_space<vmem>>
        %dma_wait3A_74 = arith.constant 0 : i32
        %dma_wait3A_75 = tpu.memref_slice %arg5[%arg0, %add3A_60, %dma_wait3A_74] : memref<2x10000x128xf32, #tpu.memory_space<hbm>> -> memref<1x112x128xf32, #tpu.memory_space<hbm>>
        %dma_wait3A_76 = tpu.memref_squeeze %dma_wait3A_75 : memref<1x112x128xf32, #tpu.memory_space<hbm>> -> memref<112x128xf32, #tpu.memory_space<hbm>>
        %dma_wait3A_77 = arith.constant 0 : i32
        %dma_wait3A_78 = tpu.memref_slice %arg5[%arg0, %add3A_60, %dma_wait3A_77] : memref<2x10000x128xf32, #tpu.memory_space<hbm>> -> memref<1x112x128xf32, #tpu.memory_space<hbm>>
        %dma_wait3A_79 = tpu.memref_squeeze %dma_wait3A_78 : memref<1x112x128xf32, #tpu.memory_space<hbm>> -> memref<112x128xf32, #tpu.memory_space<hbm>>
        %dma_wait3A_80 = arith.constant 0 : i32
        %dma_wait3A_81 = arith.constant 0 : i32
        %dma_wait3A_82 = tpu.memref_slice %arg9[%dma_wait3A_80, %dma_wait3A_81] : memref<256x128xf32, #tpu.memory_space<vmem>> -> memref<112x128xf32, #tpu.memory_space<vmem>>
        tpu.wait_dma2 semaphore(%run_scoped3A : memref<!tpu.dma_semaphore, #tpu.memory_space<semaphore_mem>>) src(%dma_wait3A_82 : memref<112x128xf32, #tpu.memory_space<vmem>>) dst(%dma_wait3A_79 : memref<112x128xf32, #tpu.memory_space<hbm>>)
        tpu.yield
      }) : () -> ()
    } else {
    }
    %eq3A_35 = arith.constant 15 : i32
    %eq3A_36 = arith.cmpi eq, %arg1, %eq3A_35 : i32
    %convert_element_type3A_37 = arith.extui %eq3A_36 : i1 to i32
    %cond3A_38 = arith.constant 0 : i32
    %cond3A_39 = arith.cmpi ne, %convert_element_type3A_37, %cond3A_38 : i32
    scf.if %cond3A_39 {
      "tpu.region"() ({
        %run_scoped3A = tpu.sem_alloc : memref<!tpu.dma_semaphore, #tpu.memory_space<semaphore_mem>>
        %dma_start3A = arith.constant 0 : i32
        %dma_start3A_47 = arith.constant 0 : i32
        %dma_start3A_48 = tpu.memref_slice %arg9[%dma_start3A, %dma_start3A_47] : memref<256x128xf32, #tpu.memory_space<vmem>> -> memref<256x128xf32, #tpu.memory_space<vmem>>
        %dma_start3A_49 = arith.constant 9360 : i32
        %dma_start3A_50 = arith.constant 0 : i32
        %dma_start3A_51 = tpu.memref_slice %arg11[%dma_start3A_49, %dma_start3A_50] : memref<10008x128xf32, #tpu.memory_space<vmem_shared>> -> memref<256x128xf32, #tpu.memory_space<vmem_shared>>
        %dma_start3A_52 = arith.constant 0 : i32
        %dma_start3A_53 = arith.constant 0 : i32
        %dma_start3A_54 = tpu.memref_slice %arg9[%dma_start3A_52, %dma_start3A_53] : memref<256x128xf32, #tpu.memory_space<vmem>> -> memref<256x128xf32, #tpu.memory_space<vmem>>
        %dma_start3A_55 = arith.constant 9360 : i32
        %dma_start3A_56 = arith.constant 0 : i32
        %dma_start3A_57 = tpu.memref_slice %arg11[%dma_start3A_55, %dma_start3A_56] : memref<10008x128xf32, #tpu.memory_space<vmem_shared>> -> memref<256x128xf32, #tpu.memory_space<vmem_shared>>
        tpu.enqueue_dma source(%dma_start3A_57 : memref<256x128xf32, #tpu.memory_space<vmem_shared>>) target(%dma_start3A_54 : memref<256x128xf32, #tpu.memory_space<vmem>>) target_semaphore(%run_scoped3A : memref<!tpu.dma_semaphore, #tpu.memory_space<semaphore_mem>>)
        %dma_wait3A = arith.constant 0 : i32
        %dma_wait3A_58 = arith.constant 0 : i32
        %dma_wait3A_59 = tpu.memref_slice %arg9[%dma_wait3A, %dma_wait3A_58] : memref<256x128xf32, #tpu.memory_space<vmem>> -> memref<256x128xf32, #tpu.memory_space<vmem>>
        %dma_wait3A_60 = arith.constant 9360 : i32
        %dma_wait3A_61 = arith.constant 0 : i32
        %dma_wait3A_62 = tpu.memref_slice %arg11[%dma_wait3A_60, %dma_wait3A_61] : memref<10008x128xf32, #tpu.memory_space<vmem_shared>> -> memref<256x128xf32, #tpu.memory_space<vmem_shared>>
        %dma_wait3A_63 = arith.constant 0 : i32
        %dma_wait3A_64 = arith.constant 0 : i32
        %dma_wait3A_65 = tpu.memref_slice %arg9[%dma_wait3A_63, %dma_wait3A_64] : memref<256x128xf32, #tpu.memory_space<vmem>> -> memref<256x128xf32, #tpu.memory_space<vmem>>
        %dma_wait3A_66 = arith.constant 9360 : i32
        %dma_wait3A_67 = arith.constant 0 : i32
        %dma_wait3A_68 = tpu.memref_slice %arg11[%dma_wait3A_66, %dma_wait3A_67] : memref<10008x128xf32, #tpu.memory_space<vmem_shared>> -> memref<256x128xf32, #tpu.memory_space<vmem_shared>>
        tpu.wait_dma2 semaphore(%run_scoped3A : memref<!tpu.dma_semaphore, #tpu.memory_space<semaphore_mem>>) src(%dma_wait3A_68 : memref<256x128xf32, #tpu.memory_space<vmem_shared>>) dst(%dma_wait3A_65 : memref<256x128xf32, #tpu.memory_space<vmem>>)
        tpu.yield
      }) : () -> ()
      "tpu.region"() ({
        %run_scoped3A = tpu.sem_alloc : memref<!tpu.dma_semaphore, #tpu.memory_space<semaphore_mem>>
        %dma_start3A = arith.constant 0 : i32
        %dma_start3A_47 = arith.constant 0 : i32
        %dma_start3A_48 = tpu.memref_slice %arg9[%dma_start3A, %dma_start3A_47] : memref<256x128xf32, #tpu.memory_space<vmem>> -> memref<256x128xf32, #tpu.memory_space<vmem>>
        %dma_start3A_49 = arith.constant 9360 : i32
        %dma_start3A_50 = arith.constant 0 : i32
        %dma_start3A_51 = tpu.memref_slice %arg5[%arg0, %dma_start3A_49, %dma_start3A_50] : memref<2x10000x128xf32, #tpu.memory_space<hbm>> -> memref<1x256x128xf32, #tpu.memory_space<hbm>>
        %dma_start3A_52 = tpu.memref_squeeze %dma_start3A_51 : memref<1x256x128xf32, #tpu.memory_space<hbm>> -> memref<256x128xf32, #tpu.memory_space<hbm>>
        %dma_start3A_53 = arith.constant 9360 : i32
        %dma_start3A_54 = arith.constant 0 : i32
        %dma_start3A_55 = tpu.memref_slice %arg5[%arg0, %dma_start3A_53, %dma_start3A_54] : memref<2x10000x128xf32, #tpu.memory_space<hbm>> -> memref<1x256x128xf32, #tpu.memory_space<hbm>>
        %dma_start3A_56 = tpu.memref_squeeze %dma_start3A_55 : memref<1x256x128xf32, #tpu.memory_space<hbm>> -> memref<256x128xf32, #tpu.memory_space<hbm>>
        %dma_start3A_57 = arith.constant 0 : i32
        %dma_start3A_58 = arith.constant 0 : i32
        %dma_start3A_59 = tpu.memref_slice %arg9[%dma_start3A_57, %dma_start3A_58] : memref<256x128xf32, #tpu.memory_space<vmem>> -> memref<256x128xf32, #tpu.memory_space<vmem>>
        tpu.enqueue_dma source(%dma_start3A_59 : memref<256x128xf32, #tpu.memory_space<vmem>>) target(%dma_start3A_56 : memref<256x128xf32, #tpu.memory_space<hbm>>) target_semaphore(%run_scoped3A : memref<!tpu.dma_semaphore, #tpu.memory_space<semaphore_mem>>)
        %dma_wait3A = arith.constant 0 : i32
        %dma_wait3A_60 = arith.constant 0 : i32
        %dma_wait3A_61 = tpu.memref_slice %arg9[%dma_wait3A, %dma_wait3A_60] : memref<256x128xf32, #tpu.memory_space<vmem>> -> memref<256x128xf32, #tpu.memory_space<vmem>>
        %dma_wait3A_62 = arith.constant 9360 : i32
        %dma_wait3A_63 = arith.constant 0 : i32
        %dma_wait3A_64 = tpu.memref_slice %arg5[%arg0, %dma_wait3A_62, %dma_wait3A_63] : memref<2x10000x128xf32, #tpu.memory_space<hbm>> -> memref<1x256x128xf32, #tpu.memory_space<hbm>>
        %dma_wait3A_65 = tpu.memref_squeeze %dma_wait3A_64 : memref<1x256x128xf32, #tpu.memory_space<hbm>> -> memref<256x128xf32, #tpu.memory_space<hbm>>
        %dma_wait3A_66 = arith.constant 9360 : i32
        %dma_wait3A_67 = arith.constant 0 : i32
        %dma_wait3A_68 = tpu.memref_slice %arg5[%arg0, %dma_wait3A_66, %dma_wait3A_67] : memref<2x10000x128xf32, #tpu.memory_space<hbm>> -> memref<1x256x128xf32, #tpu.memory_space<hbm>>
        %dma_wait3A_69 = tpu.memref_squeeze %dma_wait3A_68 : memref<1x256x128xf32, #tpu.memory_space<hbm>> -> memref<256x128xf32, #tpu.memory_space<hbm>>
        %dma_wait3A_70 = arith.constant 0 : i32
        %dma_wait3A_71 = arith.constant 0 : i32
        %dma_wait3A_72 = tpu.memref_slice %arg9[%dma_wait3A_70, %dma_wait3A_71] : memref<256x128xf32, #tpu.memory_space<vmem>> -> memref<256x128xf32, #tpu.memory_space<vmem>>
        tpu.wait_dma2 semaphore(%run_scoped3A : memref<!tpu.dma_semaphore, #tpu.memory_space<semaphore_mem>>) src(%dma_wait3A_72 : memref<256x128xf32, #tpu.memory_space<vmem>>) dst(%dma_wait3A_69 : memref<256x128xf32, #tpu.memory_space<hbm>>)
        tpu.yield
      }) : () -> ()
      "tpu.region"() ({
        %run_scoped3A = tpu.sem_alloc : memref<!tpu.dma_semaphore, #tpu.memory_space<semaphore_mem>>
        %dma_start3A = arith.constant 0 : i32
        %dma_start3A_47 = arith.constant 0 : i32
        %dma_start3A_48 = tpu.memref_slice %arg9[%dma_start3A, %dma_start3A_47] : memref<256x128xf32, #tpu.memory_space<vmem>> -> memref<256x128xf32, #tpu.memory_space<vmem>>
        %dma_start3A_49 = arith.constant 9616 : i32
        %dma_start3A_50 = arith.constant 0 : i32
        %dma_start3A_51 = tpu.memref_slice %arg11[%dma_start3A_49, %dma_start3A_50] : memref<10008x128xf32, #tpu.memory_space<vmem_shared>> -> memref<256x128xf32, #tpu.memory_space<vmem_shared>>
        %dma_start3A_52 = arith.constant 0 : i32
        %dma_start3A_53 = arith.constant 0 : i32
        %dma_start3A_54 = tpu.memref_slice %arg9[%dma_start3A_52, %dma_start3A_53] : memref<256x128xf32, #tpu.memory_space<vmem>> -> memref<256x128xf32, #tpu.memory_space<vmem>>
        %dma_start3A_55 = arith.constant 9616 : i32
        %dma_start3A_56 = arith.constant 0 : i32
        %dma_start3A_57 = tpu.memref_slice %arg11[%dma_start3A_55, %dma_start3A_56] : memref<10008x128xf32, #tpu.memory_space<vmem_shared>> -> memref<256x128xf32, #tpu.memory_space<vmem_shared>>
        tpu.enqueue_dma source(%dma_start3A_57 : memref<256x128xf32, #tpu.memory_space<vmem_shared>>) target(%dma_start3A_54 : memref<256x128xf32, #tpu.memory_space<vmem>>) target_semaphore(%run_scoped3A : memref<!tpu.dma_semaphore, #tpu.memory_space<semaphore_mem>>)
        %dma_wait3A = arith.constant 0 : i32
        %dma_wait3A_58 = arith.constant 0 : i32
        %dma_wait3A_59 = tpu.memref_slice %arg9[%dma_wait3A, %dma_wait3A_58] : memref<256x128xf32, #tpu.memory_space<vmem>> -> memref<256x128xf32, #tpu.memory_space<vmem>>
        %dma_wait3A_60 = arith.constant 9616 : i32
        %dma_wait3A_61 = arith.constant 0 : i32
        %dma_wait3A_62 = tpu.memref_slice %arg11[%dma_wait3A_60, %dma_wait3A_61] : memref<10008x128xf32, #tpu.memory_space<vmem_shared>> -> memref<256x128xf32, #tpu.memory_space<vmem_shared>>
        %dma_wait3A_63 = arith.constant 0 : i32
        %dma_wait3A_64 = arith.constant 0 : i32
        %dma_wait3A_65 = tpu.memref_slice %arg9[%dma_wait3A_63, %dma_wait3A_64] : memref<256x128xf32, #tpu.memory_space<vmem>> -> memref<256x128xf32, #tpu.memory_space<vmem>>
        %dma_wait3A_66 = arith.constant 9616 : i32
        %dma_wait3A_67 = arith.constant 0 : i32
        %dma_wait3A_68 = tpu.memref_slice %arg11[%dma_wait3A_66, %dma_wait3A_67] : memref<10008x128xf32, #tpu.memory_space<vmem_shared>> -> memref<256x128xf32, #tpu.memory_space<vmem_shared>>
        tpu.wait_dma2 semaphore(%run_scoped3A : memref<!tpu.dma_semaphore, #tpu.memory_space<semaphore_mem>>) src(%dma_wait3A_68 : memref<256x128xf32, #tpu.memory_space<vmem_shared>>) dst(%dma_wait3A_65 : memref<256x128xf32, #tpu.memory_space<vmem>>)
        tpu.yield
      }) : () -> ()
      "tpu.region"() ({
        %run_scoped3A = tpu.sem_alloc : memref<!tpu.dma_semaphore, #tpu.memory_space<semaphore_mem>>
        %dma_start3A = arith.constant 0 : i32
        %dma_start3A_47 = arith.constant 0 : i32
        %dma_start3A_48 = tpu.memref_slice %arg9[%dma_start3A, %dma_start3A_47] : memref<256x128xf32, #tpu.memory_space<vmem>> -> memref<256x128xf32, #tpu.memory_space<vmem>>
        %dma_start3A_49 = arith.constant 9616 : i32
        %dma_start3A_50 = arith.constant 0 : i32
        %dma_start3A_51 = tpu.memref_slice %arg5[%arg0, %dma_start3A_49, %dma_start3A_50] : memref<2x10000x128xf32, #tpu.memory_space<hbm>> -> memref<1x256x128xf32, #tpu.memory_space<hbm>>
        %dma_start3A_52 = tpu.memref_squeeze %dma_start3A_51 : memref<1x256x128xf32, #tpu.memory_space<hbm>> -> memref<256x128xf32, #tpu.memory_space<hbm>>
        %dma_start3A_53 = arith.constant 9616 : i32
        %dma_start3A_54 = arith.constant 0 : i32
        %dma_start3A_55 = tpu.memref_slice %arg5[%arg0, %dma_start3A_53, %dma_start3A_54] : memref<2x10000x128xf32, #tpu.memory_space<hbm>> -> memref<1x256x128xf32, #tpu.memory_space<hbm>>
        %dma_start3A_56 = tpu.memref_squeeze %dma_start3A_55 : memref<1x256x128xf32, #tpu.memory_space<hbm>> -> memref<256x128xf32, #tpu.memory_space<hbm>>
        %dma_start3A_57 = arith.constant 0 : i32
        %dma_start3A_58 = arith.constant 0 : i32
        %dma_start3A_59 = tpu.memref_slice %arg9[%dma_start3A_57, %dma_start3A_58] : memref<256x128xf32, #tpu.memory_space<vmem>> -> memref<256x128xf32, #tpu.memory_space<vmem>>
        tpu.enqueue_dma source(%dma_start3A_59 : memref<256x128xf32, #tpu.memory_space<vmem>>) target(%dma_start3A_56 : memref<256x128xf32, #tpu.memory_space<hbm>>) target_semaphore(%run_scoped3A : memref<!tpu.dma_semaphore, #tpu.memory_space<semaphore_mem>>)
        %dma_wait3A = arith.constant 0 : i32
        %dma_wait3A_60 = arith.constant 0 : i32
        %dma_wait3A_61 = tpu.memref_slice %arg9[%dma_wait3A, %dma_wait3A_60] : memref<256x128xf32, #tpu.memory_space<vmem>> -> memref<256x128xf32, #tpu.memory_space<vmem>>
        %dma_wait3A_62 = arith.constant 9616 : i32
        %dma_wait3A_63 = arith.constant 0 : i32
        %dma_wait3A_64 = tpu.memref_slice %arg5[%arg0, %dma_wait3A_62, %dma_wait3A_63] : memref<2x10000x128xf32, #tpu.memory_space<hbm>> -> memref<1x256x128xf32, #tpu.memory_space<hbm>>
        %dma_wait3A_65 = tpu.memref_squeeze %dma_wait3A_64 : memref<1x256x128xf32, #tpu.memory_space<hbm>> -> memref<256x128xf32, #tpu.memory_space<hbm>>
        %dma_wait3A_66 = arith.constant 9616 : i32
        %dma_wait3A_67 = arith.constant 0 : i32
        %dma_wait3A_68 = tpu.memref_slice %arg5[%arg0, %dma_wait3A_66, %dma_wait3A_67] : memref<2x10000x128xf32, #tpu.memory_space<hbm>> -> memref<1x256x128xf32, #tpu.memory_space<hbm>>
        %dma_wait3A_69 = tpu.memref_squeeze %dma_wait3A_68 : memref<1x256x128xf32, #tpu.memory_space<hbm>> -> memref<256x128xf32, #tpu.memory_space<hbm>>
        %dma_wait3A_70 = arith.constant 0 : i32
        %dma_wait3A_71 = arith.constant 0 : i32
        %dma_wait3A_72 = tpu.memref_slice %arg9[%dma_wait3A_70, %dma_wait3A_71] : memref<256x128xf32, #tpu.memory_space<vmem>> -> memref<256x128xf32, #tpu.memory_space<vmem>>
        tpu.wait_dma2 semaphore(%run_scoped3A : memref<!tpu.dma_semaphore, #tpu.memory_space<semaphore_mem>>) src(%dma_wait3A_72 : memref<256x128xf32, #tpu.memory_space<vmem>>) dst(%dma_wait3A_69 : memref<256x128xf32, #tpu.memory_space<hbm>>)
        tpu.yield
      }) : () -> ()
      "tpu.region"() ({
        %run_scoped3A = tpu.sem_alloc : memref<!tpu.dma_semaphore, #tpu.memory_space<semaphore_mem>>
        %dma_start3A = arith.constant 0 : i32
        %dma_start3A_47 = arith.constant 0 : i32
        %dma_start3A_48 = tpu.memref_slice %arg9[%dma_start3A, %dma_start3A_47] : memref<256x128xf32, #tpu.memory_space<vmem>> -> memref<128x128xf32, #tpu.memory_space<vmem>>
        %dma_start3A_49 = arith.constant 9872 : i32
        %dma_start3A_50 = arith.constant 0 : i32
        %dma_start3A_51 = tpu.memref_slice %arg11[%dma_start3A_49, %dma_start3A_50] : memref<10008x128xf32, #tpu.memory_space<vmem_shared>> -> memref<128x128xf32, #tpu.memory_space<vmem_shared>>
        %dma_start3A_52 = arith.constant 0 : i32
        %dma_start3A_53 = arith.constant 0 : i32
        %dma_start3A_54 = tpu.memref_slice %arg9[%dma_start3A_52, %dma_start3A_53] : memref<256x128xf32, #tpu.memory_space<vmem>> -> memref<128x128xf32, #tpu.memory_space<vmem>>
        %dma_start3A_55 = arith.constant 9872 : i32
        %dma_start3A_56 = arith.constant 0 : i32
        %dma_start3A_57 = tpu.memref_slice %arg11[%dma_start3A_55, %dma_start3A_56] : memref<10008x128xf32, #tpu.memory_space<vmem_shared>> -> memref<128x128xf32, #tpu.memory_space<vmem_shared>>
        tpu.enqueue_dma source(%dma_start3A_57 : memref<128x128xf32, #tpu.memory_space<vmem_shared>>) target(%dma_start3A_54 : memref<128x128xf32, #tpu.memory_space<vmem>>) target_semaphore(%run_scoped3A : memref<!tpu.dma_semaphore, #tpu.memory_space<semaphore_mem>>)
        %dma_wait3A = arith.constant 0 : i32
        %dma_wait3A_58 = arith.constant 0 : i32
        %dma_wait3A_59 = tpu.memref_slice %arg9[%dma_wait3A, %dma_wait3A_58] : memref<256x128xf32, #tpu.memory_space<vmem>> -> memref<128x128xf32, #tpu.memory_space<vmem>>
        %dma_wait3A_60 = arith.constant 9872 : i32
        %dma_wait3A_61 = arith.constant 0 : i32
        %dma_wait3A_62 = tpu.memref_slice %arg11[%dma_wait3A_60, %dma_wait3A_61] : memref<10008x128xf32, #tpu.memory_space<vmem_shared>> -> memref<128x128xf32, #tpu.memory_space<vmem_shared>>
        %dma_wait3A_63 = arith.constant 0 : i32
        %dma_wait3A_64 = arith.constant 0 : i32
        %dma_wait3A_65 = tpu.memref_slice %arg9[%dma_wait3A_63, %dma_wait3A_64] : memref<256x128xf32, #tpu.memory_space<vmem>> -> memref<128x128xf32, #tpu.memory_space<vmem>>
        %dma_wait3A_66 = arith.constant 9872 : i32
        %dma_wait3A_67 = arith.constant 0 : i32
        %dma_wait3A_68 = tpu.memref_slice %arg11[%dma_wait3A_66, %dma_wait3A_67] : memref<10008x128xf32, #tpu.memory_space<vmem_shared>> -> memref<128x128xf32, #tpu.memory_space<vmem_shared>>
        tpu.wait_dma2 semaphore(%run_scoped3A : memref<!tpu.dma_semaphore, #tpu.memory_space<semaphore_mem>>) src(%dma_wait3A_68 : memref<128x128xf32, #tpu.memory_space<vmem_shared>>) dst(%dma_wait3A_65 : memref<128x128xf32, #tpu.memory_space<vmem>>)
        tpu.yield
      }) : () -> ()
      "tpu.region"() ({
        %run_scoped3A = tpu.sem_alloc : memref<!tpu.dma_semaphore, #tpu.memory_space<semaphore_mem>>
        %dma_start3A = arith.constant 0 : i32
        %dma_start3A_47 = arith.constant 0 : i32
        %dma_start3A_48 = tpu.memref_slice %arg9[%dma_start3A, %dma_start3A_47] : memref<256x128xf32, #tpu.memory_space<vmem>> -> memref<128x128xf32, #tpu.memory_space<vmem>>
        %dma_start3A_49 = arith.constant 9872 : i32
        %dma_start3A_50 = arith.constant 0 : i32
        %dma_start3A_51 = tpu.memref_slice %arg5[%arg0, %dma_start3A_49, %dma_start3A_50] : memref<2x10000x128xf32, #tpu.memory_space<hbm>> -> memref<1x128x128xf32, #tpu.memory_space<hbm>>
        %dma_start3A_52 = tpu.memref_squeeze %dma_start3A_51 : memref<1x128x128xf32, #tpu.memory_space<hbm>> -> memref<128x128xf32, #tpu.memory_space<hbm>>
        %dma_start3A_53 = arith.constant 9872 : i32
        %dma_start3A_54 = arith.constant 0 : i32
        %dma_start3A_55 = tpu.memref_slice %arg5[%arg0, %dma_start3A_53, %dma_start3A_54] : memref<2x10000x128xf32, #tpu.memory_space<hbm>> -> memref<1x128x128xf32, #tpu.memory_space<hbm>>
        %dma_start3A_56 = tpu.memref_squeeze %dma_start3A_55 : memref<1x128x128xf32, #tpu.memory_space<hbm>> -> memref<128x128xf32, #tpu.memory_space<hbm>>
        %dma_start3A_57 = arith.constant 0 : i32
        %dma_start3A_58 = arith.constant 0 : i32
        %dma_start3A_59 = tpu.memref_slice %arg9[%dma_start3A_57, %dma_start3A_58] : memref<256x128xf32, #tpu.memory_space<vmem>> -> memref<128x128xf32, #tpu.memory_space<vmem>>
        tpu.enqueue_dma source(%dma_start3A_59 : memref<128x128xf32, #tpu.memory_space<vmem>>) target(%dma_start3A_56 : memref<128x128xf32, #tpu.memory_space<hbm>>) target_semaphore(%run_scoped3A : memref<!tpu.dma_semaphore, #tpu.memory_space<semaphore_mem>>)
        %dma_wait3A = arith.constant 0 : i32
        %dma_wait3A_60 = arith.constant 0 : i32
        %dma_wait3A_61 = tpu.memref_slice %arg9[%dma_wait3A, %dma_wait3A_60] : memref<256x128xf32, #tpu.memory_space<vmem>> -> memref<128x128xf32, #tpu.memory_space<vmem>>
        %dma_wait3A_62 = arith.constant 9872 : i32
        %dma_wait3A_63 = arith.constant 0 : i32
        %dma_wait3A_64 = tpu.memref_slice %arg5[%arg0, %dma_wait3A_62, %dma_wait3A_63] : memref<2x10000x128xf32, #tpu.memory_space<hbm>> -> memref<1x128x128xf32, #tpu.memory_space<hbm>>
        %dma_wait3A_65 = tpu.memref_squeeze %dma_wait3A_64 : memref<1x128x128xf32, #tpu.memory_space<hbm>> -> memref<128x128xf32, #tpu.memory_space<hbm>>
        %dma_wait3A_66 = arith.constant 9872 : i32
        %dma_wait3A_67 = arith.constant 0 : i32
        %dma_wait3A_68 = tpu.memref_slice %arg5[%arg0, %dma_wait3A_66, %dma_wait3A_67] : memref<2x10000x128xf32, #tpu.memory_space<hbm>> -> memref<1x128x128xf32, #tpu.memory_space<hbm>>
        %dma_wait3A_69 = tpu.memref_squeeze %dma_wait3A_68 : memref<1x128x128xf32, #tpu.memory_space<hbm>> -> memref<128x128xf32, #tpu.memory_space<hbm>>
        %dma_wait3A_70 = arith.constant 0 : i32
        %dma_wait3A_71 = arith.constant 0 : i32
        %dma_wait3A_72 = tpu.memref_slice %arg9[%dma_wait3A_70, %dma_wait3A_71] : memref<256x128xf32, #tpu.memory_space<vmem>> -> memref<128x128xf32, #tpu.memory_space<vmem>>
        tpu.wait_dma2 semaphore(%run_scoped3A : memref<!tpu.dma_semaphore, #tpu.memory_space<semaphore_mem>>) src(%dma_wait3A_72 : memref<128x128xf32, #tpu.memory_space<vmem>>) dst(%dma_wait3A_69 : memref<128x128xf32, #tpu.memory_space<hbm>>)
        tpu.yield
      }) : () -> ()
    } else {
    }
    %mul3A_40 = arith.constant 632 : i32
    %mul3A_41 = arith.muli %arg1, %mul3A_40 : i32
    "tpu.region"() ({
      %run_scoped3A = tpu.sem_alloc : memref<!tpu.dma_semaphore, #tpu.memory_space<semaphore_mem>>
      %dma_start3A = arith.constant 0 : i32
      %dma_start3A_47 = tpu.memref_slice %arg10[%dma_start3A] : memref<640xf32, #tpu.memory_space<vmem>> -> memref<632xf32, #tpu.memory_space<vmem>>
      %dma_start3A_48 = tpu.memref_slice %arg12[%mul3A_41] : memref<10112xf32, #tpu.memory_space<vmem_shared>> -> memref<632xf32, #tpu.memory_space<vmem_shared>>
      %dma_start3A_49 = arith.constant 0 : i32
      %dma_start3A_50 = tpu.memref_slice %arg10[%dma_start3A_49] : memref<640xf32, #tpu.memory_space<vmem>> -> memref<632xf32, #tpu.memory_space<vmem>>
      %dma_start3A_51 = tpu.memref_slice %arg12[%mul3A_41] : memref<10112xf32, #tpu.memory_space<vmem_shared>> -> memref<632xf32, #tpu.memory_space<vmem_shared>>
      tpu.enqueue_dma source(%dma_start3A_51 : memref<632xf32, #tpu.memory_space<vmem_shared>>) target(%dma_start3A_50 : memref<632xf32, #tpu.memory_space<vmem>>) target_semaphore(%run_scoped3A : memref<!tpu.dma_semaphore, #tpu.memory_space<semaphore_mem>>)
      %dma_wait3A = arith.constant 0 : i32
      %dma_wait3A_52 = tpu.memref_slice %arg10[%dma_wait3A] : memref<640xf32, #tpu.memory_space<vmem>> -> memref<632xf32, #tpu.memory_space<vmem>>
      %dma_wait3A_53 = tpu.memref_slice %arg12[%mul3A_41] : memref<10112xf32, #tpu.memory_space<vmem_shared>> -> memref<632xf32, #tpu.memory_space<vmem_shared>>
      %dma_wait3A_54 = arith.constant 0 : i32
      %dma_wait3A_55 = tpu.memref_slice %arg10[%dma_wait3A_54] : memref<640xf32, #tpu.memory_space<vmem>> -> memref<632xf32, #tpu.memory_space<vmem>>
      %dma_wait3A_56 = tpu.memref_slice %arg12[%mul3A_41] : memref<10112xf32, #tpu.memory_space<vmem_shared>> -> memref<632xf32, #tpu.memory_space<vmem_shared>>
      tpu.wait_dma2 semaphore(%run_scoped3A : memref<!tpu.dma_semaphore, #tpu.memory_space<semaphore_mem>>) src(%dma_wait3A_56 : memref<632xf32, #tpu.memory_space<vmem_shared>>) dst(%dma_wait3A_55 : memref<632xf32, #tpu.memory_space<vmem>>)
      tpu.yield
    }) : () -> ()
    %mul3A_42 = arith.constant 10112 : i32
    %mul3A_43 = arith.muli %arg0, %mul3A_42 : i32
    %mul3A_44 = arith.constant 632 : i32
    %mul3A_45 = arith.muli %arg1, %mul3A_44 : i32
    %add3A_46 = arith.addi %mul3A_43, %mul3A_45 : i32
    "tpu.region"() ({
      %run_scoped3A = tpu.sem_alloc : memref<!tpu.dma_semaphore, #tpu.memory_space<semaphore_mem>>
      %dma_start3A = arith.constant 0 : i32
      %dma_start3A_47 = tpu.memref_slice %arg10[%dma_start3A] : memref<640xf32, #tpu.memory_space<vmem>> -> memref<632xf32, #tpu.memory_space<vmem>>
      %dma_start3A_48 = tpu.memref_slice %arg6[%add3A_46] : memref<20224xf32, #tpu.memory_space<hbm>> -> memref<632xf32, #tpu.memory_space<hbm>>
      %dma_start3A_49 = tpu.memref_slice %arg6[%add3A_46] : memref<20224xf32, #tpu.memory_space<hbm>> -> memref<632xf32, #tpu.memory_space<hbm>>
      %dma_start3A_50 = arith.constant 0 : i32
      %dma_start3A_51 = tpu.memref_slice %arg10[%dma_start3A_50] : memref<640xf32, #tpu.memory_space<vmem>> -> memref<632xf32, #tpu.memory_space<vmem>>
      tpu.enqueue_dma source(%dma_start3A_51 : memref<632xf32, #tpu.memory_space<vmem>>) target(%dma_start3A_49 : memref<632xf32, #tpu.memory_space<hbm>>) target_semaphore(%run_scoped3A : memref<!tpu.dma_semaphore, #tpu.memory_space<semaphore_mem>>)
      %dma_wait3A = arith.constant 0 : i32
      %dma_wait3A_52 = tpu.memref_slice %arg10[%dma_wait3A] : memref<640xf32, #tpu.memory_space<vmem>> -> memref<632xf32, #tpu.memory_space<vmem>>
      %dma_wait3A_53 = tpu.memref_slice %arg6[%add3A_46] : memref<20224xf32, #tpu.memory_space<hbm>> -> memref<632xf32, #tpu.memory_space<hbm>>
      %dma_wait3A_54 = tpu.memref_slice %arg6[%add3A_46] : memref<20224xf32, #tpu.memory_space<hbm>> -> memref<632xf32, #tpu.memory_space<hbm>>
      %dma_wait3A_55 = arith.constant 0 : i32
      %dma_wait3A_56 = tpu.memref_slice %arg10[%dma_wait3A_55] : memref<640xf32, #tpu.memory_space<vmem>> -> memref<632xf32, #tpu.memory_space<vmem>>
      tpu.wait_dma2 semaphore(%run_scoped3A : memref<!tpu.dma_semaphore, #tpu.memory_space<semaphore_mem>>) src(%dma_wait3A_56 : memref<632xf32, #tpu.memory_space<vmem>>) dst(%dma_wait3A_54 : memref<632xf32, #tpu.memory_space<hbm>>)
      tpu.yield
    }) : () -> ()
    return
  }
}

#map = affine_map<(d0, d1) -> (0, 0)>
#map1 = affine_map<(d0, d1) -> (0)>
#map2 = affine_map<(d0, d1) -> (0, 0, 0)>
module attributes {stable_mosaic.version = 14 : i64} {
  func.func @_scatter_body(%arg0: i32, %arg1: i32, %arg2: memref<79872x128xf32, #tpu.memory_space<hbm>>, %arg3: memref<79872xf32, #tpu.memory_space<hbm>>, %arg4: memref<79872xi32, #tpu.memory_space<hbm>>, %arg5: memref<2x10000x128xf32, #tpu.memory_space<hbm>>, %arg6: memref<20224xf32, #tpu.memory_space<hbm>>, %arg7: memref<256xi32, #tpu.memory_space<vmem>>, %arg8: memref<256xf32, #tpu.memory_space<vmem>>, %arg9: memref<256x128xf32, #tpu.memory_space<vmem>>, %arg10: memref<640xf32, #tpu.memory_space<vmem>>, %arg11: memref<10008x128xf32, #tpu.memory_space<vmem_shared>>, %arg12: memref<10112xf32, #tpu.memory_space<vmem_shared>>, %arg13: memref<!tpu.dma_semaphore, #tpu.memory_space<semaphore_mem>>) attributes {dimension_semantics = [#tpu.dimension_semantics<core_parallel>, #tpu.dimension_semantics<subcore_parallel>], iteration_bounds = array<i64: 2, 16>, scalar_prefetch = 0 : i64, scratch_operands = 7 : i64, tpu.core_type = #tpu.core_type<sc_vector_subcore>, window_params = [{transform_indices = #map}, {transform_indices = #map1}, {transform_indices = #map1}, {transform_indices = #map2}, {transform_indices = #map1}]} {
    %mul3A = arith.constant 16 : i32
    %mul3A_0 = arith.muli %arg0, %mul3A : i32
    %add3A = arith.addi %mul3A_0, %arg1 : i32
    %mul3A_1 = arith.constant 2496 : i32
    %mul3A_2 = arith.muli %add3A, %mul3A_1 : i32
    %broadcast_in_dim3A = arith.constant 0.000000e+00 : f32
    %broadcast_in_dim3A_3 = vector.broadcast %broadcast_in_dim3A : f32 to vector<16xf32>
    %scan3A = arith.constant 0 : i32
    %scan3A_4 = arith.constant 0 : i32
    %scan3A_5 = arith.constant 256 : i32
    %scan3A_6 = arith.addi %scan3A_4, %scan3A_5 : i32
    %scan3A_7 = arith.constant 1 : i32
    scf.for %scan3A_79 = %scan3A_4 to %scan3A_6 step %scan3A_7  : i32 {
      %scan3A_80 = arith.constant 0 : i32
      %scan3A_81 = arith.constant 8 : i32
      %scan3A_82 = arith.addi %scan3A_80, %scan3A_81 : i32
      %scan3A_83 = arith.constant 1 : i32
      scf.for %scan3A_85 = %scan3A_80 to %scan3A_82 step %scan3A_83  : i32 {
        %mul3A_86 = arith.constant 16 : i32
        %mul3A_87 = arith.muli %scan3A_85, %mul3A_86 : i32
        %swap3A = arith.index_cast %scan3A_79 : i32 to index
        %swap3A_88 = arith.index_cast %mul3A_87 : i32 to index
        %swap3A_89 = tpu.vector_load %arg9[%swap3A, %swap3A_88] {strides = array<i32>} : memref<256x128xf32, #tpu.memory_space<vmem>>, vector<16xf32>,
        tpu.vector_store %arg9[%swap3A, %swap3A_88], %broadcast_in_dim3A_3 {strides = array<i32>} : memref<256x128xf32, #tpu.memory_space<vmem>>, vector<16xf32>,
      }
      %scan3A_84 = arith.constant 8 : i32
    }
    %scan3A_8 = arith.constant 256 : i32
    %scan3A_9 = arith.constant 0 : i32
    %scan3A_10 = arith.constant 0 : i32
    %scan3A_11 = arith.constant 40 : i32
    %scan3A_12 = arith.addi %scan3A_10, %scan3A_11 : i32
    %scan3A_13 = arith.constant 1 : i32
    scf.for %scan3A_79 = %scan3A_10 to %scan3A_12 step %scan3A_13  : i32 {
      %mul3A_80 = arith.constant 16 : i32
      %mul3A_81 = arith.muli %scan3A_79, %mul3A_80 : i32
      %swap3A = arith.index_cast %mul3A_81 : i32 to index
      %swap3A_82 = tpu.vector_load %arg10[%swap3A] {strides = array<i32>} : memref<640xf32, #tpu.memory_space<vmem>>, vector<16xf32>,
      tpu.vector_store %arg10[%swap3A], %broadcast_in_dim3A_3 {strides = array<i32>} : memref<640xf32, #tpu.memory_space<vmem>>, vector<16xf32>,
    }
    %scan3A_14 = arith.constant 40 : i32
    %lt3A = arith.constant 15 : i32
    %lt3A_15 = arith.cmpi slt, %arg1, %lt3A : i32
    %convert_element_type3A = arith.extui %lt3A_15 : i1 to i32
    %cond3A = arith.constant 0 : i32
    %cond3A_16 = arith.cmpi ne, %convert_element_type3A, %cond3A : i32
    scf.if %cond3A_16 {
      %mul3A_79 = arith.constant 624 : i32
      %mul3A_80 = arith.muli %arg1, %mul3A_79 : i32
      %add3A_81 = arith.constant 0 : i32
      %add3A_82 = arith.addi %mul3A_80, %add3A_81 : i32
      "tpu.region"() ({
        %run_scoped3A = tpu.sem_alloc : memref<!tpu.dma_semaphore, #tpu.memory_space<semaphore_mem>>
        %dma_start3A_87 = arith.constant 0 : i32
        %dma_start3A_88 = arith.constant 0 : i32
        %dma_start3A_89 = tpu.memref_slice %arg9[%dma_start3A_87, %dma_start3A_88] : memref<256x128xf32, #tpu.memory_space<vmem>> -> memref<256x128xf32, #tpu.memory_space<vmem>>
        %dma_start3A_90 = arith.constant 0 : i32
        %dma_start3A_91 = tpu.memref_slice %arg11[%add3A_82, %dma_start3A_90] : memref<10008x128xf32, #tpu.memory_space<vmem_shared>> -> memref<256x128xf32, #tpu.memory_space<vmem_shared>>
        %dma_start3A_92 = arith.constant 0 : i32
        %dma_start3A_93 = tpu.memref_slice %arg11[%add3A_82, %dma_start3A_92] : memref<10008x128xf32, #tpu.memory_space<vmem_shared>> -> memref<256x128xf32, #tpu.memory_space<vmem_shared>>
        %dma_start3A_94 = arith.constant 0 : i32
        %dma_start3A_95 = arith.constant 0 : i32
        %dma_start3A_96 = tpu.memref_slice %arg9[%dma_start3A_94, %dma_start3A_95] : memref<256x128xf32, #tpu.memory_space<vmem>> -> memref<256x128xf32, #tpu.memory_space<vmem>>
        tpu.enqueue_dma source(%dma_start3A_96 : memref<256x128xf32, #tpu.memory_space<vmem>>) target(%dma_start3A_93 : memref<256x128xf32, #tpu.memory_space<vmem_shared>>) target_semaphore(%run_scoped3A : memref<!tpu.dma_semaphore, #tpu.memory_space<semaphore_mem>>)
        %dma_wait3A_97 = arith.constant 0 : i32
        %dma_wait3A_98 = arith.constant 0 : i32
        %dma_wait3A_99 = tpu.memref_slice %arg9[%dma_wait3A_97, %dma_wait3A_98] : memref<256x128xf32, #tpu.memory_space<vmem>> -> memref<256x128xf32, #tpu.memory_space<vmem>>
        %dma_wait3A_100 = arith.constant 0 : i32
        %dma_wait3A_101 = tpu.memref_slice %arg11[%add3A_82, %dma_wait3A_100] : memref<10008x128xf32, #tpu.memory_space<vmem_shared>> -> memref<256x128xf32, #tpu.memory_space<vmem_shared>>
        %dma_wait3A_102 = arith.constant 0 : i32
        %dma_wait3A_103 = tpu.memref_slice %arg11[%add3A_82, %dma_wait3A_102] : memref<10008x128xf32, #tpu.memory_space<vmem_shared>> -> memref<256x128xf32, #tpu.memory_space<vmem_shared>>
        %dma_wait3A_104 = arith.constant 0 : i32
        %dma_wait3A_105 = arith.constant 0 : i32
        %dma_wait3A_106 = tpu.memref_slice %arg9[%dma_wait3A_104, %dma_wait3A_105] : memref<256x128xf32, #tpu.memory_space<vmem>> -> memref<256x128xf32, #tpu.memory_space<vmem>>
        tpu.wait_dma2 semaphore(%run_scoped3A : memref<!tpu.dma_semaphore, #tpu.memory_space<semaphore_mem>>) src(%dma_wait3A_106 : memref<256x128xf32, #tpu.memory_space<vmem>>) dst(%dma_wait3A_103 : memref<256x128xf32, #tpu.memory_space<vmem_shared>>)
        tpu.yield
      }) : () -> ()
      %add3A_83 = arith.constant 256 : i32
      %add3A_84 = arith.addi %mul3A_80, %add3A_83 : i32
      "tpu.region"() ({
        %run_scoped3A = tpu.sem_alloc : memref<!tpu.dma_semaphore, #tpu.memory_space<semaphore_mem>>
        %dma_start3A_87 = arith.constant 0 : i32
        %dma_start3A_88 = arith.constant 0 : i32
        %dma_start3A_89 = tpu.memref_slice %arg9[%dma_start3A_87, %dma_start3A_88] : memref<256x128xf32, #tpu.memory_space<vmem>> -> memref<256x128xf32, #tpu.memory_space<vmem>>
        %dma_start3A_90 = arith.constant 0 : i32
        %dma_start3A_91 = tpu.memref_slice %arg11[%add3A_84, %dma_start3A_90] : memref<10008x128xf32, #tpu.memory_space<vmem_shared>> -> memref<256x128xf32, #tpu.memory_space<vmem_shared>>
        %dma_start3A_92 = arith.constant 0 : i32
        %dma_start3A_93 = tpu.memref_slice %arg11[%add3A_84, %dma_start3A_92] : memref<10008x128xf32, #tpu.memory_space<vmem_shared>> -> memref<256x128xf32, #tpu.memory_space<vmem_shared>>
        %dma_start3A_94 = arith.constant 0 : i32
        %dma_start3A_95 = arith.constant 0 : i32
        %dma_start3A_96 = tpu.memref_slice %arg9[%dma_start3A_94, %dma_start3A_95] : memref<256x128xf32, #tpu.memory_space<vmem>> -> memref<256x128xf32, #tpu.memory_space<vmem>>
        tpu.enqueue_dma source(%dma_start3A_96 : memref<256x128xf32, #tpu.memory_space<vmem>>) target(%dma_start3A_93 : memref<256x128xf32, #tpu.memory_space<vmem_shared>>) target_semaphore(%run_scoped3A : memref<!tpu.dma_semaphore, #tpu.memory_space<semaphore_mem>>)
        %dma_wait3A_97 = arith.constant 0 : i32
        %dma_wait3A_98 = arith.constant 0 : i32
        %dma_wait3A_99 = tpu.memref_slice %arg9[%dma_wait3A_97, %dma_wait3A_98] : memref<256x128xf32, #tpu.memory_space<vmem>> -> memref<256x128xf32, #tpu.memory_space<vmem>>
        %dma_wait3A_100 = arith.constant 0 : i32
        %dma_wait3A_101 = tpu.memref_slice %arg11[%add3A_84, %dma_wait3A_100] : memref<10008x128xf32, #tpu.memory_space<vmem_shared>> -> memref<256x128xf32, #tpu.memory_space<vmem_shared>>
        %dma_wait3A_102 = arith.constant 0 : i32
        %dma_wait3A_103 = tpu.memref_slice %arg11[%add3A_84, %dma_wait3A_102] : memref<10008x128xf32, #tpu.memory_space<vmem_shared>> -> memref<256x128xf32, #tpu.memory_space<vmem_shared>>
        %dma_wait3A_104 = arith.constant 0 : i32
        %dma_wait3A_105 = arith.constant 0 : i32
        %dma_wait3A_106 = tpu.memref_slice %arg9[%dma_wait3A_104, %dma_wait3A_105] : memref<256x128xf32, #tpu.memory_space<vmem>> -> memref<256x128xf32, #tpu.memory_space<vmem>>
        tpu.wait_dma2 semaphore(%run_scoped3A : memref<!tpu.dma_semaphore, #tpu.memory_space<semaphore_mem>>) src(%dma_wait3A_106 : memref<256x128xf32, #tpu.memory_space<vmem>>) dst(%dma_wait3A_103 : memref<256x128xf32, #tpu.memory_space<vmem_shared>>)
        tpu.yield
      }) : () -> ()
      %add3A_85 = arith.constant 512 : i32
      %add3A_86 = arith.addi %mul3A_80, %add3A_85 : i32
      "tpu.region"() ({
        %run_scoped3A = tpu.sem_alloc : memref<!tpu.dma_semaphore, #tpu.memory_space<semaphore_mem>>
        %dma_start3A_87 = arith.constant 0 : i32
        %dma_start3A_88 = arith.constant 0 : i32
        %dma_start3A_89 = tpu.memref_slice %arg9[%dma_start3A_87, %dma_start3A_88] : memref<256x128xf32, #tpu.memory_space<vmem>> -> memref<112x128xf32, #tpu.memory_space<vmem>>
        %dma_start3A_90 = arith.constant 0 : i32
        %dma_start3A_91 = tpu.memref_slice %arg11[%add3A_86, %dma_start3A_90] : memref<10008x128xf32, #tpu.memory_space<vmem_shared>> -> memref<112x128xf32, #tpu.memory_space<vmem_shared>>
        %dma_start3A_92 = arith.constant 0 : i32
        %dma_start3A_93 = tpu.memref_slice %arg11[%add3A_86, %dma_start3A_92] : memref<10008x128xf32, #tpu.memory_space<vmem_shared>> -> memref<112x128xf32, #tpu.memory_space<vmem_shared>>
        %dma_start3A_94 = arith.constant 0 : i32
        %dma_start3A_95 = arith.constant 0 : i32
        %dma_start3A_96 = tpu.memref_slice %arg9[%dma_start3A_94, %dma_start3A_95] : memref<256x128xf32, #tpu.memory_space<vmem>> -> memref<112x128xf32, #tpu.memory_space<vmem>>
        tpu.enqueue_dma source(%dma_start3A_96 : memref<112x128xf32, #tpu.memory_space<vmem>>) target(%dma_start3A_93 : memref<112x128xf32, #tpu.memory_space<vmem_shared>>) target_semaphore(%run_scoped3A : memref<!tpu.dma_semaphore, #tpu.memory_space<semaphore_mem>>)
        %dma_wait3A_97 = arith.constant 0 : i32
        %dma_wait3A_98 = arith.constant 0 : i32
        %dma_wait3A_99 = tpu.memref_slice %arg9[%dma_wait3A_97, %dma_wait3A_98] : memref<256x128xf32, #tpu.memory_space<vmem>> -> memref<112x128xf32, #tpu.memory_space<vmem>>
        %dma_wait3A_100 = arith.constant 0 : i32
        %dma_wait3A_101 = tpu.memref_slice %arg11[%add3A_86, %dma_wait3A_100] : memref<10008x128xf32, #tpu.memory_space<vmem_shared>> -> memref<112x128xf32, #tpu.memory_space<vmem_shared>>
        %dma_wait3A_102 = arith.constant 0 : i32
        %dma_wait3A_103 = tpu.memref_slice %arg11[%add3A_86, %dma_wait3A_102] : memref<10008x128xf32, #tpu.memory_space<vmem_shared>> -> memref<112x128xf32, #tpu.memory_space<vmem_shared>>
        %dma_wait3A_104 = arith.constant 0 : i32
        %dma_wait3A_105 = arith.constant 0 : i32
        %dma_wait3A_106 = tpu.memref_slice %arg9[%dma_wait3A_104, %dma_wait3A_105] : memref<256x128xf32, #tpu.memory_space<vmem>> -> memref<112x128xf32, #tpu.memory_space<vmem>>
        tpu.wait_dma2 semaphore(%run_scoped3A : memref<!tpu.dma_semaphore, #tpu.memory_space<semaphore_mem>>) src(%dma_wait3A_106 : memref<112x128xf32, #tpu.memory_space<vmem>>) dst(%dma_wait3A_103 : memref<112x128xf32, #tpu.memory_space<vmem_shared>>)
        tpu.yield
      }) : () -> ()
    } else {
    }
    %eq3A = arith.constant 15 : i32
    %eq3A_17 = arith.cmpi eq, %arg1, %eq3A : i32
    %convert_element_type3A_18 = arith.extui %eq3A_17 : i1 to i32
    %cond3A_19 = arith.constant 0 : i32
    %cond3A_20 = arith.cmpi ne, %convert_element_type3A_18, %cond3A_19 : i32
    scf.if %cond3A_20 {
      "tpu.region"() ({
        %run_scoped3A = tpu.sem_alloc : memref<!tpu.dma_semaphore, #tpu.memory_space<semaphore_mem>>
        %dma_start3A_79 = arith.constant 0 : i32
        %dma_start3A_80 = arith.constant 0 : i32
        %dma_start3A_81 = tpu.memref_slice %arg9[%dma_start3A_79, %dma_start3A_80] : memref<256x128xf32, #tpu.memory_space<vmem>> -> memref<256x128xf32, #tpu.memory_space<vmem>>
        %dma_start3A_82 = arith.constant 9360 : i32
        %dma_start3A_83 = arith.constant 0 : i32
        %dma_start3A_84 = tpu.memref_slice %arg11[%dma_start3A_82, %dma_start3A_83] : memref<10008x128xf32, #tpu.memory_space<vmem_shared>> -> memref<256x128xf32, #tpu.memory_space<vmem_shared>>
        %dma_start3A_85 = arith.constant 9360 : i32
        %dma_start3A_86 = arith.constant 0 : i32
        %dma_start3A_87 = tpu.memref_slice %arg11[%dma_start3A_85, %dma_start3A_86] : memref<10008x128xf32, #tpu.memory_space<vmem_shared>> -> memref<256x128xf32, #tpu.memory_space<vmem_shared>>
        %dma_start3A_88 = arith.constant 0 : i32
        %dma_start3A_89 = arith.constant 0 : i32
        %dma_start3A_90 = tpu.memref_slice %arg9[%dma_start3A_88, %dma_start3A_89] : memref<256x128xf32, #tpu.memory_space<vmem>> -> memref<256x128xf32, #tpu.memory_space<vmem>>
        tpu.enqueue_dma source(%dma_start3A_90 : memref<256x128xf32, #tpu.memory_space<vmem>>) target(%dma_start3A_87 : memref<256x128xf32, #tpu.memory_space<vmem_shared>>) target_semaphore(%run_scoped3A : memref<!tpu.dma_semaphore, #tpu.memory_space<semaphore_mem>>)
        %dma_wait3A_91 = arith.constant 0 : i32
        %dma_wait3A_92 = arith.constant 0 : i32
        %dma_wait3A_93 = tpu.memref_slice %arg9[%dma_wait3A_91, %dma_wait3A_92] : memref<256x128xf32, #tpu.memory_space<vmem>> -> memref<256x128xf32, #tpu.memory_space<vmem>>
        %dma_wait3A_94 = arith.constant 9360 : i32
        %dma_wait3A_95 = arith.constant 0 : i32
        %dma_wait3A_96 = tpu.memref_slice %arg11[%dma_wait3A_94, %dma_wait3A_95] : memref<10008x128xf32, #tpu.memory_space<vmem_shared>> -> memref<256x128xf32, #tpu.memory_space<vmem_shared>>
        %dma_wait3A_97 = arith.constant 9360 : i32
        %dma_wait3A_98 = arith.constant 0 : i32
        %dma_wait3A_99 = tpu.memref_slice %arg11[%dma_wait3A_97, %dma_wait3A_98] : memref<10008x128xf32, #tpu.memory_space<vmem_shared>> -> memref<256x128xf32, #tpu.memory_space<vmem_shared>>
        %dma_wait3A_100 = arith.constant 0 : i32
        %dma_wait3A_101 = arith.constant 0 : i32
        %dma_wait3A_102 = tpu.memref_slice %arg9[%dma_wait3A_100, %dma_wait3A_101] : memref<256x128xf32, #tpu.memory_space<vmem>> -> memref<256x128xf32, #tpu.memory_space<vmem>>
        tpu.wait_dma2 semaphore(%run_scoped3A : memref<!tpu.dma_semaphore, #tpu.memory_space<semaphore_mem>>) src(%dma_wait3A_102 : memref<256x128xf32, #tpu.memory_space<vmem>>) dst(%dma_wait3A_99 : memref<256x128xf32, #tpu.memory_space<vmem_shared>>)
        tpu.yield
      }) : () -> ()
      "tpu.region"() ({
        %run_scoped3A = tpu.sem_alloc : memref<!tpu.dma_semaphore, #tpu.memory_space<semaphore_mem>>
        %dma_start3A_79 = arith.constant 0 : i32
        %dma_start3A_80 = arith.constant 0 : i32
        %dma_start3A_81 = tpu.memref_slice %arg9[%dma_start3A_79, %dma_start3A_80] : memref<256x128xf32, #tpu.memory_space<vmem>> -> memref<256x128xf32, #tpu.memory_space<vmem>>
        %dma_start3A_82 = arith.constant 9616 : i32
        %dma_start3A_83 = arith.constant 0 : i32
        %dma_start3A_84 = tpu.memref_slice %arg11[%dma_start3A_82, %dma_start3A_83] : memref<10008x128xf32, #tpu.memory_space<vmem_shared>> -> memref<256x128xf32, #tpu.memory_space<vmem_shared>>
        %dma_start3A_85 = arith.constant 9616 : i32
        %dma_start3A_86 = arith.constant 0 : i32
        %dma_start3A_87 = tpu.memref_slice %arg11[%dma_start3A_85, %dma_start3A_86] : memref<10008x128xf32, #tpu.memory_space<vmem_shared>> -> memref<256x128xf32, #tpu.memory_space<vmem_shared>>
        %dma_start3A_88 = arith.constant 0 : i32
        %dma_start3A_89 = arith.constant 0 : i32
        %dma_start3A_90 = tpu.memref_slice %arg9[%dma_start3A_88, %dma_start3A_89] : memref<256x128xf32, #tpu.memory_space<vmem>> -> memref<256x128xf32, #tpu.memory_space<vmem>>
        tpu.enqueue_dma source(%dma_start3A_90 : memref<256x128xf32, #tpu.memory_space<vmem>>) target(%dma_start3A_87 : memref<256x128xf32, #tpu.memory_space<vmem_shared>>) target_semaphore(%run_scoped3A : memref<!tpu.dma_semaphore, #tpu.memory_space<semaphore_mem>>)
        %dma_wait3A_91 = arith.constant 0 : i32
        %dma_wait3A_92 = arith.constant 0 : i32
        %dma_wait3A_93 = tpu.memref_slice %arg9[%dma_wait3A_91, %dma_wait3A_92] : memref<256x128xf32, #tpu.memory_space<vmem>> -> memref<256x128xf32, #tpu.memory_space<vmem>>
        %dma_wait3A_94 = arith.constant 9616 : i32
        %dma_wait3A_95 = arith.constant 0 : i32
        %dma_wait3A_96 = tpu.memref_slice %arg11[%dma_wait3A_94, %dma_wait3A_95] : memref<10008x128xf32, #tpu.memory_space<vmem_shared>> -> memref<256x128xf32, #tpu.memory_space<vmem_shared>>
        %dma_wait3A_97 = arith.constant 9616 : i32
        %dma_wait3A_98 = arith.constant 0 : i32
        %dma_wait3A_99 = tpu.memref_slice %arg11[%dma_wait3A_97, %dma_wait3A_98] : memref<10008x128xf32, #tpu.memory_space<vmem_shared>> -> memref<256x128xf32, #tpu.memory_space<vmem_shared>>
        %dma_wait3A_100 = arith.constant 0 : i32
        %dma_wait3A_101 = arith.constant 0 : i32
        %dma_wait3A_102 = tpu.memref_slice %arg9[%dma_wait3A_100, %dma_wait3A_101] : memref<256x128xf32, #tpu.memory_space<vmem>> -> memref<256x128xf32, #tpu.memory_space<vmem>>
        tpu.wait_dma2 semaphore(%run_scoped3A : memref<!tpu.dma_semaphore, #tpu.memory_space<semaphore_mem>>) src(%dma_wait3A_102 : memref<256x128xf32, #tpu.memory_space<vmem>>) dst(%dma_wait3A_99 : memref<256x128xf32, #tpu.memory_space<vmem_shared>>)
        tpu.yield
      }) : () -> ()
      "tpu.region"() ({
        %run_scoped3A = tpu.sem_alloc : memref<!tpu.dma_semaphore, #tpu.memory_space<semaphore_mem>>
        %dma_start3A_79 = arith.constant 0 : i32
        %dma_start3A_80 = arith.constant 0 : i32
        %dma_start3A_81 = tpu.memref_slice %arg9[%dma_start3A_79, %dma_start3A_80] : memref<256x128xf32, #tpu.memory_space<vmem>> -> memref<136x128xf32, #tpu.memory_space<vmem>>
        %dma_start3A_82 = arith.constant 9872 : i32
        %dma_start3A_83 = arith.constant 0 : i32
        %dma_start3A_84 = tpu.memref_slice %arg11[%dma_start3A_82, %dma_start3A_83] : memref<10008x128xf32, #tpu.memory_space<vmem_shared>> -> memref<136x128xf32, #tpu.memory_space<vmem_shared>>
        %dma_start3A_85 = arith.constant 9872 : i32
        %dma_start3A_86 = arith.constant 0 : i32
        %dma_start3A_87 = tpu.memref_slice %arg11[%dma_start3A_85, %dma_start3A_86] : memref<10008x128xf32, #tpu.memory_space<vmem_shared>> -> memref<136x128xf32, #tpu.memory_space<vmem_shared>>
        %dma_start3A_88 = arith.constant 0 : i32
        %dma_start3A_89 = arith.constant 0 : i32
        %dma_start3A_90 = tpu.memref_slice %arg9[%dma_start3A_88, %dma_start3A_89] : memref<256x128xf32, #tpu.memory_space<vmem>> -> memref<136x128xf32, #tpu.memory_space<vmem>>
        tpu.enqueue_dma source(%dma_start3A_90 : memref<136x128xf32, #tpu.memory_space<vmem>>) target(%dma_start3A_87 : memref<136x128xf32, #tpu.memory_space<vmem_shared>>) target_semaphore(%run_scoped3A : memref<!tpu.dma_semaphore, #tpu.memory_space<semaphore_mem>>)
        %dma_wait3A_91 = arith.constant 0 : i32
        %dma_wait3A_92 = arith.constant 0 : i32
        %dma_wait3A_93 = tpu.memref_slice %arg9[%dma_wait3A_91, %dma_wait3A_92] : memref<256x128xf32, #tpu.memory_space<vmem>> -> memref<136x128xf32, #tpu.memory_space<vmem>>
        %dma_wait3A_94 = arith.constant 9872 : i32
        %dma_wait3A_95 = arith.constant 0 : i32
        %dma_wait3A_96 = tpu.memref_slice %arg11[%dma_wait3A_94, %dma_wait3A_95] : memref<10008x128xf32, #tpu.memory_space<vmem_shared>> -> memref<136x128xf32, #tpu.memory_space<vmem_shared>>
        %dma_wait3A_97 = arith.constant 9872 : i32
        %dma_wait3A_98 = arith.constant 0 : i32
        %dma_wait3A_99 = tpu.memref_slice %arg11[%dma_wait3A_97, %dma_wait3A_98] : memref<10008x128xf32, #tpu.memory_space<vmem_shared>> -> memref<136x128xf32, #tpu.memory_space<vmem_shared>>
        %dma_wait3A_100 = arith.constant 0 : i32
        %dma_wait3A_101 = arith.constant 0 : i32
        %dma_wait3A_102 = tpu.memref_slice %arg9[%dma_wait3A_100, %dma_wait3A_101] : memref<256x128xf32, #tpu.memory_space<vmem>> -> memref<136x128xf32, #tpu.memory_space<vmem>>
        tpu.wait_dma2 semaphore(%run_scoped3A : memref<!tpu.dma_semaphore, #tpu.memory_space<semaphore_mem>>) src(%dma_wait3A_102 : memref<136x128xf32, #tpu.memory_space<vmem>>) dst(%dma_wait3A_99 : memref<136x128xf32, #tpu.memory_space<vmem_shared>>)
        tpu.yield
      }) : () -> ()
    } else {
    }
    %mul3A_21 = arith.constant 632 : i32
    %mul3A_22 = arith.muli %arg1, %mul3A_21 : i32
    "tpu.region"() ({
      %run_scoped3A = tpu.sem_alloc : memref<!tpu.dma_semaphore, #tpu.memory_space<semaphore_mem>>
      %dma_start3A_79 = arith.constant 0 : i32
      %dma_start3A_80 = tpu.memref_slice %arg10[%dma_start3A_79] : memref<640xf32, #tpu.memory_space<vmem>> -> memref<632xf32, #tpu.memory_space<vmem>>
      %dma_start3A_81 = tpu.memref_slice %arg12[%mul3A_22] : memref<10112xf32, #tpu.memory_space<vmem_shared>> -> memref<632xf32, #tpu.memory_space<vmem_shared>>
      %dma_start3A_82 = tpu.memref_slice %arg12[%mul3A_22] : memref<10112xf32, #tpu.memory_space<vmem_shared>> -> memref<632xf32, #tpu.memory_space<vmem_shared>>
      %dma_start3A_83 = arith.constant 0 : i32
      %dma_start3A_84 = tpu.memref_slice %arg10[%dma_start3A_83] : memref<640xf32, #tpu.memory_space<vmem>> -> memref<632xf32, #tpu.memory_space<vmem>>
      tpu.enqueue_dma source(%dma_start3A_84 : memref<632xf32, #tpu.memory_space<vmem>>) target(%dma_start3A_82 : memref<632xf32, #tpu.memory_space<vmem_shared>>) target_semaphore(%run_scoped3A : memref<!tpu.dma_semaphore, #tpu.memory_space<semaphore_mem>>)
      %dma_wait3A_85 = arith.constant 0 : i32
      %dma_wait3A_86 = tpu.memref_slice %arg10[%dma_wait3A_85] : memref<640xf32, #tpu.memory_space<vmem>> -> memref<632xf32, #tpu.memory_space<vmem>>
      %dma_wait3A_87 = tpu.memref_slice %arg12[%mul3A_22] : memref<10112xf32, #tpu.memory_space<vmem_shared>> -> memref<632xf32, #tpu.memory_space<vmem_shared>>
      %dma_wait3A_88 = tpu.memref_slice %arg12[%mul3A_22] : memref<10112xf32, #tpu.memory_space<vmem_shared>> -> memref<632xf32, #tpu.memory_space<vmem_shared>>
      %dma_wait3A_89 = arith.constant 0 : i32
      %dma_wait3A_90 = tpu.memref_slice %arg10[%dma_wait3A_89] : memref<640xf32, #tpu.memory_space<vmem>> -> memref<632xf32, #tpu.memory_space<vmem>>
      tpu.wait_dma2 semaphore(%run_scoped3A : memref<!tpu.dma_semaphore, #tpu.memory_space<semaphore_mem>>) src(%dma_wait3A_90 : memref<632xf32, #tpu.memory_space<vmem>>) dst(%dma_wait3A_88 : memref<632xf32, #tpu.memory_space<vmem_shared>>)
      tpu.yield
    }) : () -> ()
    %barrier3A = arith.constant 0 : index
    tpu.barrier barrier_id(%barrier3A)
    %scan3A_23 = arith.constant 0 : i32
    %scan3A_24 = arith.constant 0 : i32
    %scan3A_25 = arith.constant 9 : i32
    %scan3A_26 = arith.addi %scan3A_24, %scan3A_25 : i32
    %scan3A_27 = arith.constant 1 : i32
    scf.for %scan3A_79 = %scan3A_24 to %scan3A_26 step %scan3A_27  : i32 {
      %mul3A_80 = arith.constant 256 : i32
      %mul3A_81 = arith.muli %scan3A_79, %mul3A_80 : i32
      %add3A_82 = arith.addi %mul3A_2, %mul3A_81 : i32
      "tpu.region"() ({
        %run_scoped3A = tpu.sem_alloc : memref<!tpu.dma_semaphore, #tpu.memory_space<semaphore_mem>>
        %dma_start3A_115 = arith.constant 0 : i32
        %dma_start3A_116 = tpu.memref_slice %arg7[%dma_start3A_115] : memref<256xi32, #tpu.memory_space<vmem>> -> memref<256xi32, #tpu.memory_space<vmem>>
        %dma_start3A_117 = tpu.memref_slice %arg4[%add3A_82] : memref<79872xi32, #tpu.memory_space<hbm>> -> memref<256xi32, #tpu.memory_space<hbm>>
        %dma_start3A_118 = arith.constant 0 : i32
        %dma_start3A_119 = tpu.memref_slice %arg7[%dma_start3A_118] : memref<256xi32, #tpu.memory_space<vmem>> -> memref<256xi32, #tpu.memory_space<vmem>>
        %dma_start3A_120 = tpu.memref_slice %arg4[%add3A_82] : memref<79872xi32, #tpu.memory_space<hbm>> -> memref<256xi32, #tpu.memory_space<hbm>>
        tpu.enqueue_dma source(%dma_start3A_120 : memref<256xi32, #tpu.memory_space<hbm>>) target(%dma_start3A_119 : memref<256xi32, #tpu.memory_space<vmem>>) target_semaphore(%run_scoped3A : memref<!tpu.dma_semaphore, #tpu.memory_space<semaphore_mem>>)
        %dma_wait3A_121 = arith.constant 0 : i32
        %dma_wait3A_122 = tpu.memref_slice %arg7[%dma_wait3A_121] : memref<256xi32, #tpu.memory_space<vmem>> -> memref<256xi32, #tpu.memory_space<vmem>>
        %dma_wait3A_123 = tpu.memref_slice %arg4[%add3A_82] : memref<79872xi32, #tpu.memory_space<hbm>> -> memref<256xi32, #tpu.memory_space<hbm>>
        %dma_wait3A_124 = arith.constant 0 : i32
        %dma_wait3A_125 = tpu.memref_slice %arg7[%dma_wait3A_124] : memref<256xi32, #tpu.memory_space<vmem>> -> memref<256xi32, #tpu.memory_space<vmem>>
        %dma_wait3A_126 = tpu.memref_slice %arg4[%add3A_82] : memref<79872xi32, #tpu.memory_space<hbm>> -> memref<256xi32, #tpu.memory_space<hbm>>
        tpu.wait_dma2 semaphore(%run_scoped3A : memref<!tpu.dma_semaphore, #tpu.memory_space<semaphore_mem>>) src(%dma_wait3A_126 : memref<256xi32, #tpu.memory_space<hbm>>) dst(%dma_wait3A_125 : memref<256xi32, #tpu.memory_space<vmem>>)
        tpu.yield
      }) : () -> ()
      %dma_start3A_83 = arith.constant 0 : i32
      %dma_start3A_84 = tpu.memref_slice %arg8[%dma_start3A_83] : memref<256xf32, #tpu.memory_space<vmem>> -> memref<256xf32, #tpu.memory_space<vmem>>
      %dma_start3A_85 = tpu.memref_slice %arg3[%add3A_82] : memref<79872xf32, #tpu.memory_space<hbm>> -> memref<256xf32, #tpu.memory_space<hbm>>
      %dma_start3A_86 = arith.constant 0 : i32
      %dma_start3A_87 = tpu.memref_slice %arg8[%dma_start3A_86] : memref<256xf32, #tpu.memory_space<vmem>> -> memref<256xf32, #tpu.memory_space<vmem>>
      %dma_start3A_88 = tpu.memref_slice %arg3[%add3A_82] : memref<79872xf32, #tpu.memory_space<hbm>> -> memref<256xf32, #tpu.memory_space<hbm>>
      tpu.enqueue_dma source(%dma_start3A_88 : memref<256xf32, #tpu.memory_space<hbm>>) target(%dma_start3A_87 : memref<256xf32, #tpu.memory_space<vmem>>) target_semaphore(%arg13 : memref<!tpu.dma_semaphore, #tpu.memory_space<semaphore_mem>>)
      %dma_start3A_89 = arith.constant 0 : i32
      %dma_start3A_90 = arith.constant 0 : i32
      %dma_start3A_91 = tpu.memref_slice %arg9[%dma_start3A_89, %dma_start3A_90] : memref<256x128xf32, #tpu.memory_space<vmem>> -> memref<256x128xf32, #tpu.memory_space<vmem>>
      %dma_start3A_92 = arith.constant 0 : i32
      %dma_start3A_93 = tpu.memref_slice %arg2[%add3A_82, %dma_start3A_92] : memref<79872x128xf32, #tpu.memory_space<hbm>> -> memref<256x128xf32, #tpu.memory_space<hbm>>
      %dma_start3A_94 = arith.constant 0 : i32
      %dma_start3A_95 = arith.constant 0 : i32
      %dma_start3A_96 = tpu.memref_slice %arg9[%dma_start3A_94, %dma_start3A_95] : memref<256x128xf32, #tpu.memory_space<vmem>> -> memref<256x128xf32, #tpu.memory_space<vmem>>
      %dma_start3A_97 = arith.constant 0 : i32
      %dma_start3A_98 = tpu.memref_slice %arg2[%add3A_82, %dma_start3A_97] : memref<79872x128xf32, #tpu.memory_space<hbm>> -> memref<256x128xf32, #tpu.memory_space<hbm>>
      tpu.enqueue_dma source(%dma_start3A_98 : memref<256x128xf32, #tpu.memory_space<hbm>>) target(%dma_start3A_96 : memref<256x128xf32, #tpu.memory_space<vmem>>) target_semaphore(%arg13 : memref<!tpu.dma_semaphore, #tpu.memory_space<semaphore_mem>>)
      %dma_wait3A_99 = arith.constant 0 : i32
      %dma_wait3A_100 = tpu.memref_slice %arg8[%dma_wait3A_99] : memref<256xf32, #tpu.memory_space<vmem>> -> memref<256xf32, #tpu.memory_space<vmem>>
      %dma_wait3A_101 = tpu.memref_slice %arg3[%add3A_82] : memref<79872xf32, #tpu.memory_space<hbm>> -> memref<256xf32, #tpu.memory_space<hbm>>
      %dma_wait3A_102 = arith.constant 0 : i32
      %dma_wait3A_103 = tpu.memref_slice %arg8[%dma_wait3A_102] : memref<256xf32, #tpu.memory_space<vmem>> -> memref<256xf32, #tpu.memory_space<vmem>>
      %dma_wait3A_104 = tpu.memref_slice %arg3[%add3A_82] : memref<79872xf32, #tpu.memory_space<hbm>> -> memref<256xf32, #tpu.memory_space<hbm>>
      tpu.wait_dma2 semaphore(%arg13 : memref<!tpu.dma_semaphore, #tpu.memory_space<semaphore_mem>>) src(%dma_wait3A_104 : memref<256xf32, #tpu.memory_space<hbm>>) dst(%dma_wait3A_103 : memref<256xf32, #tpu.memory_space<vmem>>)
      %dma_wait3A_105 = arith.constant 0 : i32
      %dma_wait3A_106 = arith.constant 0 : i32
      %dma_wait3A_107 = tpu.memref_slice %arg9[%dma_wait3A_105, %dma_wait3A_106] : memref<256x128xf32, #tpu.memory_space<vmem>> -> memref<256x128xf32, #tpu.memory_space<vmem>>
      %dma_wait3A_108 = arith.constant 0 : i32
      %dma_wait3A_109 = tpu.memref_slice %arg2[%add3A_82, %dma_wait3A_108] : memref<79872x128xf32, #tpu.memory_space<hbm>> -> memref<256x128xf32, #tpu.memory_space<hbm>>
      %dma_wait3A_110 = arith.constant 0 : i32
      %dma_wait3A_111 = arith.constant 0 : i32
      %dma_wait3A_112 = tpu.memref_slice %arg9[%dma_wait3A_110, %dma_wait3A_111] : memref<256x128xf32, #tpu.memory_space<vmem>> -> memref<256x128xf32, #tpu.memory_space<vmem>>
      %dma_wait3A_113 = arith.constant 0 : i32
      %dma_wait3A_114 = tpu.memref_slice %arg2[%add3A_82, %dma_wait3A_113] : memref<79872x128xf32, #tpu.memory_space<hbm>> -> memref<256x128xf32, #tpu.memory_space<hbm>>
      tpu.wait_dma2 semaphore(%arg13 : memref<!tpu.dma_semaphore, #tpu.memory_space<semaphore_mem>>) src(%dma_wait3A_114 : memref<256x128xf32, #tpu.memory_space<hbm>>) dst(%dma_wait3A_112 : memref<256x128xf32, #tpu.memory_space<vmem>>)
      "tpu.region"() ({
        %run_scoped3A = tpu.sem_alloc : memref<!tpu.dma_semaphore, #tpu.memory_space<semaphore_mem>>
        %dma_start3A_115 = arith.constant 0 : i32
        %dma_start3A_116 = tpu.memref_slice %arg8[%dma_start3A_115] : memref<256xf32, #tpu.memory_space<vmem>> -> memref<256xf32, #tpu.memory_space<vmem>>
        %dma_start3A_117 = arith.constant 0 : i32
        %dma_start3A_118 = tpu.memref_slice %arg7[%dma_start3A_117] : memref<256xi32, #tpu.memory_space<vmem>> -> memref<256xi32, #tpu.memory_space<vmem>>
        %dma_start3A_119 = arith.constant 0 : i32
        %dma_start3A_120 = tpu.memref_slice %arg12[%dma_start3A_119] : memref<10112xf32, #tpu.memory_space<vmem_shared>> -> memref<10112xf32, #tpu.memory_space<vmem_shared>>
        tpu.enqueue_indirect_dma source(%dma_start3A_116 : memref<256xf32, #tpu.memory_space<vmem>>) target(%dma_start3A_120 : memref<10112xf32, #tpu.memory_space<vmem_shared>>) offsets(%dma_start3A_118 : memref<256xi32, #tpu.memory_space<vmem>>) semaphore(%run_scoped3A : memref<!tpu.dma_semaphore, #tpu.memory_space<semaphore_mem>>) {add = true}
        %dma_wait3A_121 = arith.constant 0 : i32
        %dma_wait3A_122 = tpu.memref_slice %arg8[%dma_wait3A_121] : memref<256xf32, #tpu.memory_space<vmem>> -> memref<256xf32, #tpu.memory_space<vmem>>
        %dma_wait3A_123 = arith.constant 0 : i32
        %dma_wait3A_124 = tpu.memref_slice %arg7[%dma_wait3A_123] : memref<256xi32, #tpu.memory_space<vmem>> -> memref<256xi32, #tpu.memory_space<vmem>>
        %dma_wait3A_125 = arith.constant 0 : i32
        %dma_wait3A_126 = tpu.memref_slice %arg12[%dma_wait3A_125] : memref<10112xf32, #tpu.memory_space<vmem_shared>> -> memref<10112xf32, #tpu.memory_space<vmem_shared>>
        tpu.wait_indirect_dma semaphore(%run_scoped3A : memref<!tpu.dma_semaphore, #tpu.memory_space<semaphore_mem>>) src(%dma_wait3A_122 : memref<256xf32, #tpu.memory_space<vmem>>) dst(%dma_wait3A_126 : memref<10112xf32, #tpu.memory_space<vmem_shared>>)
        tpu.yield
      }) : () -> ()
      "tpu.region"() ({
        %run_scoped3A = tpu.sem_alloc : memref<!tpu.dma_semaphore, #tpu.memory_space<semaphore_mem>>
        %dma_start3A_115 = arith.constant 0 : i32
        %dma_start3A_116 = arith.constant 0 : i32
        %dma_start3A_117 = tpu.memref_slice %arg9[%dma_start3A_115, %dma_start3A_116] : memref<256x128xf32, #tpu.memory_space<vmem>> -> memref<256x128xf32, #tpu.memory_space<vmem>>
        %dma_start3A_118 = arith.constant 0 : i32
        %dma_start3A_119 = tpu.memref_slice %arg7[%dma_start3A_118] : memref<256xi32, #tpu.memory_space<vmem>> -> memref<256xi32, #tpu.memory_space<vmem>>
        %dma_start3A_120 = arith.constant 0 : i32
        %dma_start3A_121 = arith.constant 0 : i32
        %dma_start3A_122 = tpu.memref_slice %arg11[%dma_start3A_120, %dma_start3A_121] : memref<10008x128xf32, #tpu.memory_space<vmem_shared>> -> memref<10008x128xf32, #tpu.memory_space<vmem_shared>>
        tpu.enqueue_indirect_dma source(%dma_start3A_117 : memref<256x128xf32, #tpu.memory_space<vmem>>) target(%dma_start3A_122 : memref<10008x128xf32, #tpu.memory_space<vmem_shared>>) offsets(%dma_start3A_119 : memref<256xi32, #tpu.memory_space<vmem>>) semaphore(%run_scoped3A : memref<!tpu.dma_semaphore, #tpu.memory_space<semaphore_mem>>) {add = true}
        %dma_wait3A_123 = arith.constant 0 : i32
        %dma_wait3A_124 = arith.constant 0 : i32
        %dma_wait3A_125 = tpu.memref_slice %arg9[%dma_wait3A_123, %dma_wait3A_124] : memref<256x128xf32, #tpu.memory_space<vmem>> -> memref<256x128xf32, #tpu.memory_space<vmem>>
        %dma_wait3A_126 = arith.constant 0 : i32
        %dma_wait3A_127 = tpu.memref_slice %arg7[%dma_wait3A_126] : memref<256xi32, #tpu.memory_space<vmem>> -> memref<256xi32, #tpu.memory_space<vmem>>
        %dma_wait3A_128 = arith.constant 0 : i32
        %dma_wait3A_129 = arith.constant 0 : i32
        %dma_wait3A_130 = tpu.memref_slice %arg11[%dma_wait3A_128, %dma_wait3A_129] : memref<10008x128xf32, #tpu.memory_space<vmem_shared>> -> memref<10008x128xf32, #tpu.memory_space<vmem_shared>>
        tpu.wait_indirect_dma semaphore(%run_scoped3A : memref<!tpu.dma_semaphore, #tpu.memory_space<semaphore_mem>>) src(%dma_wait3A_125 : memref<256x128xf32, #tpu.memory_space<vmem>>) dst(%dma_wait3A_130 : memref<10008x128xf32, #tpu.memory_space<vmem_shared>>)
        tpu.yield
      }) : () -> ()
    }
    %scan3A_28 = arith.constant 9 : i32
    %add3A_29 = arith.constant 2304 : i32
    %add3A_30 = arith.addi %mul3A_2, %add3A_29 : i32
    "tpu.region"() ({
      %run_scoped3A = tpu.sem_alloc : memref<!tpu.dma_semaphore, #tpu.memory_space<semaphore_mem>>
      %dma_start3A_79 = arith.constant 0 : i32
      %dma_start3A_80 = tpu.memref_slice %arg7[%dma_start3A_79] : memref<256xi32, #tpu.memory_space<vmem>> -> memref<192xi32, #tpu.memory_space<vmem>>
      %dma_start3A_81 = tpu.memref_slice %arg4[%add3A_30] : memref<79872xi32, #tpu.memory_space<hbm>> -> memref<192xi32, #tpu.memory_space<hbm>>
      %dma_start3A_82 = arith.constant 0 : i32
      %dma_start3A_83 = tpu.memref_slice %arg7[%dma_start3A_82] : memref<256xi32, #tpu.memory_space<vmem>> -> memref<192xi32, #tpu.memory_space<vmem>>
      %dma_start3A_84 = tpu.memref_slice %arg4[%add3A_30] : memref<79872xi32, #tpu.memory_space<hbm>> -> memref<192xi32, #tpu.memory_space<hbm>>
      tpu.enqueue_dma source(%dma_start3A_84 : memref<192xi32, #tpu.memory_space<hbm>>) target(%dma_start3A_83 : memref<192xi32, #tpu.memory_space<vmem>>) target_semaphore(%run_scoped3A : memref<!tpu.dma_semaphore, #tpu.memory_space<semaphore_mem>>)
      %dma_wait3A_85 = arith.constant 0 : i32
      %dma_wait3A_86 = tpu.memref_slice %arg7[%dma_wait3A_85] : memref<256xi32, #tpu.memory_space<vmem>> -> memref<192xi32, #tpu.memory_space<vmem>>
      %dma_wait3A_87 = tpu.memref_slice %arg4[%add3A_30] : memref<79872xi32, #tpu.memory_space<hbm>> -> memref<192xi32, #tpu.memory_space<hbm>>
      %dma_wait3A_88 = arith.constant 0 : i32
      %dma_wait3A_89 = tpu.memref_slice %arg7[%dma_wait3A_88] : memref<256xi32, #tpu.memory_space<vmem>> -> memref<192xi32, #tpu.memory_space<vmem>>
      %dma_wait3A_90 = tpu.memref_slice %arg4[%add3A_30] : memref<79872xi32, #tpu.memory_space<hbm>> -> memref<192xi32, #tpu.memory_space<hbm>>
      tpu.wait_dma2 semaphore(%run_scoped3A : memref<!tpu.dma_semaphore, #tpu.memory_space<semaphore_mem>>) src(%dma_wait3A_90 : memref<192xi32, #tpu.memory_space<hbm>>) dst(%dma_wait3A_89 : memref<192xi32, #tpu.memory_space<vmem>>)
      tpu.yield
    }) : () -> ()
    %dma_start3A = arith.constant 0 : i32
    %dma_start3A_31 = tpu.memref_slice %arg8[%dma_start3A] : memref<256xf32, #tpu.memory_space<vmem>> -> memref<192xf32, #tpu.memory_space<vmem>>
    %dma_start3A_32 = tpu.memref_slice %arg3[%add3A_30] : memref<79872xf32, #tpu.memory_space<hbm>> -> memref<192xf32, #tpu.memory_space<hbm>>
    %dma_start3A_33 = arith.constant 0 : i32
    %dma_start3A_34 = tpu.memref_slice %arg8[%dma_start3A_33] : memref<256xf32, #tpu.memory_space<vmem>> -> memref<192xf32, #tpu.memory_space<vmem>>
    %dma_start3A_35 = tpu.memref_slice %arg3[%add3A_30] : memref<79872xf32, #tpu.memory_space<hbm>> -> memref<192xf32, #tpu.memory_space<hbm>>
    tpu.enqueue_dma source(%dma_start3A_35 : memref<192xf32, #tpu.memory_space<hbm>>) target(%dma_start3A_34 : memref<192xf32, #tpu.memory_space<vmem>>) target_semaphore(%arg13 : memref<!tpu.dma_semaphore, #tpu.memory_space<semaphore_mem>>)
    %dma_start3A_36 = arith.constant 0 : i32
    %dma_start3A_37 = arith.constant 0 : i32
    %dma_start3A_38 = tpu.memref_slice %arg9[%dma_start3A_36, %dma_start3A_37] : memref<256x128xf32, #tpu.memory_space<vmem>> -> memref<192x128xf32, #tpu.memory_space<vmem>>
    %dma_start3A_39 = arith.constant 0 : i32
    %dma_start3A_40 = tpu.memref_slice %arg2[%add3A_30, %dma_start3A_39] : memref<79872x128xf32, #tpu.memory_space<hbm>> -> memref<192x128xf32, #tpu.memory_space<hbm>>
    %dma_start3A_41 = arith.constant 0 : i32
    %dma_start3A_42 = arith.constant 0 : i32
    %dma_start3A_43 = tpu.memref_slice %arg9[%dma_start3A_41, %dma_start3A_42] : memref<256x128xf32, #tpu.memory_space<vmem>> -> memref<192x128xf32, #tpu.memory_space<vmem>>
    %dma_start3A_44 = arith.constant 0 : i32
    %dma_start3A_45 = tpu.memref_slice %arg2[%add3A_30, %dma_start3A_44] : memref<79872x128xf32, #tpu.memory_space<hbm>> -> memref<192x128xf32, #tpu.memory_space<hbm>>
    tpu.enqueue_dma source(%dma_start3A_45 : memref<192x128xf32, #tpu.memory_space<hbm>>) target(%dma_start3A_43 : memref<192x128xf32, #tpu.memory_space<vmem>>) target_semaphore(%arg13 : memref<!tpu.dma_semaphore, #tpu.memory_space<semaphore_mem>>)
    %dma_wait3A = arith.constant 0 : i32
    %dma_wait3A_46 = tpu.memref_slice %arg8[%dma_wait3A] : memref<256xf32, #tpu.memory_space<vmem>> -> memref<192xf32, #tpu.memory_space<vmem>>
    %dma_wait3A_47 = tpu.memref_slice %arg3[%add3A_30] : memref<79872xf32, #tpu.memory_space<hbm>> -> memref<192xf32, #tpu.memory_space<hbm>>
    %dma_wait3A_48 = arith.constant 0 : i32
    %dma_wait3A_49 = tpu.memref_slice %arg8[%dma_wait3A_48] : memref<256xf32, #tpu.memory_space<vmem>> -> memref<192xf32, #tpu.memory_space<vmem>>
    %dma_wait3A_50 = tpu.memref_slice %arg3[%add3A_30] : memref<79872xf32, #tpu.memory_space<hbm>> -> memref<192xf32, #tpu.memory_space<hbm>>
    tpu.wait_dma2 semaphore(%arg13 : memref<!tpu.dma_semaphore, #tpu.memory_space<semaphore_mem>>) src(%dma_wait3A_50 : memref<192xf32, #tpu.memory_space<hbm>>) dst(%dma_wait3A_49 : memref<192xf32, #tpu.memory_space<vmem>>)
    %dma_wait3A_51 = arith.constant 0 : i32
    %dma_wait3A_52 = arith.constant 0 : i32
    %dma_wait3A_53 = tpu.memref_slice %arg9[%dma_wait3A_51, %dma_wait3A_52] : memref<256x128xf32, #tpu.memory_space<vmem>> -> memref<192x128xf32, #tpu.memory_space<vmem>>
    %dma_wait3A_54 = arith.constant 0 : i32
    %dma_wait3A_55 = tpu.memref_slice %arg2[%add3A_30, %dma_wait3A_54] : memref<79872x128xf32, #tpu.memory_space<hbm>> -> memref<192x128xf32, #tpu.memory_space<hbm>>
    %dma_wait3A_56 = arith.constant 0 : i32
    %dma_wait3A_57 = arith.constant 0 : i32
    %dma_wait3A_58 = tpu.memref_slice %arg9[%dma_wait3A_56, %dma_wait3A_57] : memref<256x128xf32, #tpu.memory_space<vmem>> -> memref<192x128xf32, #tpu.memory_space<vmem>>
    %dma_wait3A_59 = arith.constant 0 : i32
    %dma_wait3A_60 = tpu.memref_slice %arg2[%add3A_30, %dma_wait3A_59] : memref<79872x128xf32, #tpu.memory_space<hbm>> -> memref<192x128xf32, #tpu.memory_space<hbm>>
    tpu.wait_dma2 semaphore(%arg13 : memref<!tpu.dma_semaphore, #tpu.memory_space<semaphore_mem>>) src(%dma_wait3A_60 : memref<192x128xf32, #tpu.memory_space<hbm>>) dst(%dma_wait3A_58 : memref<192x128xf32, #tpu.memory_space<vmem>>)
    "tpu.region"() ({
      %run_scoped3A = tpu.sem_alloc : memref<!tpu.dma_semaphore, #tpu.memory_space<semaphore_mem>>
      %dma_start3A_79 = arith.constant 0 : i32
      %dma_start3A_80 = tpu.memref_slice %arg8[%dma_start3A_79] : memref<256xf32, #tpu.memory_space<vmem>> -> memref<192xf32, #tpu.memory_space<vmem>>
      %dma_start3A_81 = arith.constant 0 : i32
      %dma_start3A_82 = tpu.memref_slice %arg7[%dma_start3A_81] : memref<256xi32, #tpu.memory_space<vmem>> -> memref<192xi32, #tpu.memory_space<vmem>>
      %dma_start3A_83 = arith.constant 0 : i32
      %dma_start3A_84 = tpu.memref_slice %arg12[%dma_start3A_83] : memref<10112xf32, #tpu.memory_space<vmem_shared>> -> memref<10112xf32, #tpu.memory_space<vmem_shared>>
      tpu.enqueue_indirect_dma source(%dma_start3A_80 : memref<192xf32, #tpu.memory_space<vmem>>) target(%dma_start3A_84 : memref<10112xf32, #tpu.memory_space<vmem_shared>>) offsets(%dma_start3A_82 : memref<192xi32, #tpu.memory_space<vmem>>) semaphore(%run_scoped3A : memref<!tpu.dma_semaphore, #tpu.memory_space<semaphore_mem>>) {add = true}
      %dma_wait3A_85 = arith.constant 0 : i32
      %dma_wait3A_86 = tpu.memref_slice %arg8[%dma_wait3A_85] : memref<256xf32, #tpu.memory_space<vmem>> -> memref<192xf32, #tpu.memory_space<vmem>>
      %dma_wait3A_87 = arith.constant 0 : i32
      %dma_wait3A_88 = tpu.memref_slice %arg7[%dma_wait3A_87] : memref<256xi32, #tpu.memory_space<vmem>> -> memref<192xi32, #tpu.memory_space<vmem>>
      %dma_wait3A_89 = arith.constant 0 : i32
      %dma_wait3A_90 = tpu.memref_slice %arg12[%dma_wait3A_89] : memref<10112xf32, #tpu.memory_space<vmem_shared>> -> memref<10112xf32, #tpu.memory_space<vmem_shared>>
      tpu.wait_indirect_dma semaphore(%run_scoped3A : memref<!tpu.dma_semaphore, #tpu.memory_space<semaphore_mem>>) src(%dma_wait3A_86 : memref<192xf32, #tpu.memory_space<vmem>>) dst(%dma_wait3A_90 : memref<10112xf32, #tpu.memory_space<vmem_shared>>)
      tpu.yield
    }) : () -> ()
    "tpu.region"() ({
      %run_scoped3A = tpu.sem_alloc : memref<!tpu.dma_semaphore, #tpu.memory_space<semaphore_mem>>
      %dma_start3A_79 = arith.constant 0 : i32
      %dma_start3A_80 = arith.constant 0 : i32
      %dma_start3A_81 = tpu.memref_slice %arg9[%dma_start3A_79, %dma_start3A_80] : memref<256x128xf32, #tpu.memory_space<vmem>> -> memref<192x128xf32, #tpu.memory_space<vmem>>
      %dma_start3A_82 = arith.constant 0 : i32
      %dma_start3A_83 = tpu.memref_slice %arg7[%dma_start3A_82] : memref<256xi32, #tpu.memory_space<vmem>> -> memref<192xi32, #tpu.memory_space<vmem>>
      %dma_start3A_84 = arith.constant 0 : i32
      %dma_start3A_85 = arith.constant 0 : i32
      %dma_start3A_86 = tpu.memref_slice %arg11[%dma_start3A_84, %dma_start3A_85] : memref<10008x128xf32, #tpu.memory_space<vmem_shared>> -> memref<10008x128xf32, #tpu.memory_space<vmem_shared>>
      tpu.enqueue_indirect_dma source(%dma_start3A_81 : memref<192x128xf32, #tpu.memory_space<vmem>>) target(%dma_start3A_86 : memref<10008x128xf32, #tpu.memory_space<vmem_shared>>) offsets(%dma_start3A_83 : memref<192xi32, #tpu.memory_space<vmem>>) semaphore(%run_scoped3A : memref<!tpu.dma_semaphore, #tpu.memory_space<semaphore_mem>>) {add = true}
      %dma_wait3A_87 = arith.constant 0 : i32
      %dma_wait3A_88 = arith.constant 0 : i32
      %dma_wait3A_89 = tpu.memref_slice %arg9[%dma_wait3A_87, %dma_wait3A_88] : memref<256x128xf32, #tpu.memory_space<vmem>> -> memref<192x128xf32, #tpu.memory_space<vmem>>
      %dma_wait3A_90 = arith.constant 0 : i32
      %dma_wait3A_91 = tpu.memref_slice %arg7[%dma_wait3A_90] : memref<256xi32, #tpu.memory_space<vmem>> -> memref<192xi32, #tpu.memory_space<vmem>>
      %dma_wait3A_92 = arith.constant 0 : i32
      %dma_wait3A_93 = arith.constant 0 : i32
      %dma_wait3A_94 = tpu.memref_slice %arg11[%dma_wait3A_92, %dma_wait3A_93] : memref<10008x128xf32, #tpu.memory_space<vmem_shared>> -> memref<10008x128xf32, #tpu.memory_space<vmem_shared>>
      tpu.wait_indirect_dma semaphore(%run_scoped3A : memref<!tpu.dma_semaphore, #tpu.memory_space<semaphore_mem>>) src(%dma_wait3A_89 : memref<192x128xf32, #tpu.memory_space<vmem>>) dst(%dma_wait3A_94 : memref<10008x128xf32, #tpu.memory_space<vmem_shared>>)
      tpu.yield
    }) : () -> ()
    %barrier3A_61 = arith.constant 0 : index
    tpu.barrier barrier_id(%barrier3A_61)
    %lt3A_62 = arith.constant 15 : i32
    %lt3A_63 = arith.cmpi slt, %arg1, %lt3A_62 : i32
    %convert_element_type3A_64 = arith.extui %lt3A_63 : i1 to i32
    %cond3A_65 = arith.constant 0 : i32
    %cond3A_66 = arith.cmpi ne, %convert_element_type3A_64, %cond3A_65 : i32
    scf.if %cond3A_66 {
      %mul3A_79 = arith.constant 624 : i32
      %mul3A_80 = arith.muli %arg1, %mul3A_79 : i32
      %add3A_81 = arith.constant 0 : i32
      %add3A_82 = arith.addi %mul3A_80, %add3A_81 : i32
      "tpu.region"() ({
        %run_scoped3A = tpu.sem_alloc : memref<!tpu.dma_semaphore, #tpu.memory_space<semaphore_mem>>
        %dma_start3A_93 = arith.constant 0 : i32
        %dma_start3A_94 = arith.constant 0 : i32
        %dma_start3A_95 = tpu.memref_slice %arg9[%dma_start3A_93, %dma_start3A_94] : memref<256x128xf32, #tpu.memory_space<vmem>> -> memref<256x128xf32, #tpu.memory_space<vmem>>
        %dma_start3A_96 = arith.constant 0 : i32
        %dma_start3A_97 = tpu.memref_slice %arg11[%add3A_82, %dma_start3A_96] : memref<10008x128xf32, #tpu.memory_space<vmem_shared>> -> memref<256x128xf32, #tpu.memory_space<vmem_shared>>
        %dma_start3A_98 = arith.constant 0 : i32
        %dma_start3A_99 = arith.constant 0 : i32
        %dma_start3A_100 = tpu.memref_slice %arg9[%dma_start3A_98, %dma_start3A_99] : memref<256x128xf32, #tpu.memory_space<vmem>> -> memref<256x128xf32, #tpu.memory_space<vmem>>
        %dma_start3A_101 = arith.constant 0 : i32
        %dma_start3A_102 = tpu.memref_slice %arg11[%add3A_82, %dma_start3A_101] : memref<10008x128xf32, #tpu.memory_space<vmem_shared>> -> memref<256x128xf32, #tpu.memory_space<vmem_shared>>
        tpu.enqueue_dma source(%dma_start3A_102 : memref<256x128xf32, #tpu.memory_space<vmem_shared>>) target(%dma_start3A_100 : memref<256x128xf32, #tpu.memory_space<vmem>>) target_semaphore(%run_scoped3A : memref<!tpu.dma_semaphore, #tpu.memory_space<semaphore_mem>>)
        %dma_wait3A_103 = arith.constant 0 : i32
        %dma_wait3A_104 = arith.constant 0 : i32
        %dma_wait3A_105 = tpu.memref_slice %arg9[%dma_wait3A_103, %dma_wait3A_104] : memref<256x128xf32, #tpu.memory_space<vmem>> -> memref<256x128xf32, #tpu.memory_space<vmem>>
        %dma_wait3A_106 = arith.constant 0 : i32
        %dma_wait3A_107 = tpu.memref_slice %arg11[%add3A_82, %dma_wait3A_106] : memref<10008x128xf32, #tpu.memory_space<vmem_shared>> -> memref<256x128xf32, #tpu.memory_space<vmem_shared>>
        %dma_wait3A_108 = arith.constant 0 : i32
        %dma_wait3A_109 = arith.constant 0 : i32
        %dma_wait3A_110 = tpu.memref_slice %arg9[%dma_wait3A_108, %dma_wait3A_109] : memref<256x128xf32, #tpu.memory_space<vmem>> -> memref<256x128xf32, #tpu.memory_space<vmem>>
        %dma_wait3A_111 = arith.constant 0 : i32
        %dma_wait3A_112 = tpu.memref_slice %arg11[%add3A_82, %dma_wait3A_111] : memref<10008x128xf32, #tpu.memory_space<vmem_shared>> -> memref<256x128xf32, #tpu.memory_space<vmem_shared>>
        tpu.wait_dma2 semaphore(%run_scoped3A : memref<!tpu.dma_semaphore, #tpu.memory_space<semaphore_mem>>) src(%dma_wait3A_112 : memref<256x128xf32, #tpu.memory_space<vmem_shared>>) dst(%dma_wait3A_110 : memref<256x128xf32, #tpu.memory_space<vmem>>)
        tpu.yield
      }) : () -> ()
      %add3A_83 = arith.constant 0 : i32
      %add3A_84 = arith.addi %mul3A_80, %add3A_83 : i32
      "tpu.region"() ({
        %run_scoped3A = tpu.sem_alloc : memref<!tpu.dma_semaphore, #tpu.memory_space<semaphore_mem>>
        %dma_start3A_93 = arith.constant 0 : i32
        %dma_start3A_94 = arith.constant 0 : i32
        %dma_start3A_95 = tpu.memref_slice %arg9[%dma_start3A_93, %dma_start3A_94] : memref<256x128xf32, #tpu.memory_space<vmem>> -> memref<256x128xf32, #tpu.memory_space<vmem>>
        %dma_start3A_96 = arith.constant 0 : i32
        %dma_start3A_97 = tpu.memref_slice %arg5[%arg0, %add3A_84, %dma_start3A_96] : memref<2x10000x128xf32, #tpu.memory_space<hbm>> -> memref<1x256x128xf32, #tpu.memory_space<hbm>>
        %dma_start3A_98 = tpu.memref_squeeze %dma_start3A_97 : memref<1x256x128xf32, #tpu.memory_space<hbm>> -> memref<256x128xf32, #tpu.memory_space<hbm>>
        %dma_start3A_99 = arith.constant 0 : i32
        %dma_start3A_100 = tpu.memref_slice %arg5[%arg0, %add3A_84, %dma_start3A_99] : memref<2x10000x128xf32, #tpu.memory_space<hbm>> -> memref<1x256x128xf32, #tpu.memory_space<hbm>>
        %dma_start3A_101 = tpu.memref_squeeze %dma_start3A_100 : memref<1x256x128xf32, #tpu.memory_space<hbm>> -> memref<256x128xf32, #tpu.memory_space<hbm>>
        %dma_start3A_102 = arith.constant 0 : i32
        %dma_start3A_103 = arith.constant 0 : i32
        %dma_start3A_104 = tpu.memref_slice %arg9[%dma_start3A_102, %dma_start3A_103] : memref<256x128xf32, #tpu.memory_space<vmem>> -> memref<256x128xf32, #tpu.memory_space<vmem>>
        tpu.enqueue_dma source(%dma_start3A_104 : memref<256x128xf32, #tpu.memory_space<vmem>>) target(%dma_start3A_101 : memref<256x128xf32, #tpu.memory_space<hbm>>) target_semaphore(%run_scoped3A : memref<!tpu.dma_semaphore, #tpu.memory_space<semaphore_mem>>)
        %dma_wait3A_105 = arith.constant 0 : i32
        %dma_wait3A_106 = arith.constant 0 : i32
        %dma_wait3A_107 = tpu.memref_slice %arg9[%dma_wait3A_105, %dma_wait3A_106] : memref<256x128xf32, #tpu.memory_space<vmem>> -> memref<256x128xf32, #tpu.memory_space<vmem>>
        %dma_wait3A_108 = arith.constant 0 : i32
        %dma_wait3A_109 = tpu.memref_slice %arg5[%arg0, %add3A_84, %dma_wait3A_108] : memref<2x10000x128xf32, #tpu.memory_space<hbm>> -> memref<1x256x128xf32, #tpu.memory_space<hbm>>
        %dma_wait3A_110 = tpu.memref_squeeze %dma_wait3A_109 : memref<1x256x128xf32, #tpu.memory_space<hbm>> -> memref<256x128xf32, #tpu.memory_space<hbm>>
        %dma_wait3A_111 = arith.constant 0 : i32
        %dma_wait3A_112 = tpu.memref_slice %arg5[%arg0, %add3A_84, %dma_wait3A_111] : memref<2x10000x128xf32, #tpu.memory_space<hbm>> -> memref<1x256x128xf32, #tpu.memory_space<hbm>>
        %dma_wait3A_113 = tpu.memref_squeeze %dma_wait3A_112 : memref<1x256x128xf32, #tpu.memory_space<hbm>> -> memref<256x128xf32, #tpu.memory_space<hbm>>
        %dma_wait3A_114 = arith.constant 0 : i32
        %dma_wait3A_115 = arith.constant 0 : i32
        %dma_wait3A_116 = tpu.memref_slice %arg9[%dma_wait3A_114, %dma_wait3A_115] : memref<256x128xf32, #tpu.memory_space<vmem>> -> memref<256x128xf32, #tpu.memory_space<vmem>>
        tpu.wait_dma2 semaphore(%run_scoped3A : memref<!tpu.dma_semaphore, #tpu.memory_space<semaphore_mem>>) src(%dma_wait3A_116 : memref<256x128xf32, #tpu.memory_space<vmem>>) dst(%dma_wait3A_113 : memref<256x128xf32, #tpu.memory_space<hbm>>)
        tpu.yield
      }) : () -> ()
      %add3A_85 = arith.constant 256 : i32
      %add3A_86 = arith.addi %mul3A_80, %add3A_85 : i32
      "tpu.region"() ({
        %run_scoped3A = tpu.sem_alloc : memref<!tpu.dma_semaphore, #tpu.memory_space<semaphore_mem>>
        %dma_start3A_93 = arith.constant 0 : i32
        %dma_start3A_94 = arith.constant 0 : i32
        %dma_start3A_95 = tpu.memref_slice %arg9[%dma_start3A_93, %dma_start3A_94] : memref<256x128xf32, #tpu.memory_space<vmem>> -> memref<256x128xf32, #tpu.memory_space<vmem>>
        %dma_start3A_96 = arith.constant 0 : i32
        %dma_start3A_97 = tpu.memref_slice %arg11[%add3A_86, %dma_start3A_96] : memref<10008x128xf32, #tpu.memory_space<vmem_shared>> -> memref<256x128xf32, #tpu.memory_space<vmem_shared>>
        %dma_start3A_98 = arith.constant 0 : i32
        %dma_start3A_99 = arith.constant 0 : i32
        %dma_start3A_100 = tpu.memref_slice %arg9[%dma_start3A_98, %dma_start3A_99] : memref<256x128xf32, #tpu.memory_space<vmem>> -> memref<256x128xf32, #tpu.memory_space<vmem>>
        %dma_start3A_101 = arith.constant 0 : i32
        %dma_start3A_102 = tpu.memref_slice %arg11[%add3A_86, %dma_start3A_101] : memref<10008x128xf32, #tpu.memory_space<vmem_shared>> -> memref<256x128xf32, #tpu.memory_space<vmem_shared>>
        tpu.enqueue_dma source(%dma_start3A_102 : memref<256x128xf32, #tpu.memory_space<vmem_shared>>) target(%dma_start3A_100 : memref<256x128xf32, #tpu.memory_space<vmem>>) target_semaphore(%run_scoped3A : memref<!tpu.dma_semaphore, #tpu.memory_space<semaphore_mem>>)
        %dma_wait3A_103 = arith.constant 0 : i32
        %dma_wait3A_104 = arith.constant 0 : i32
        %dma_wait3A_105 = tpu.memref_slice %arg9[%dma_wait3A_103, %dma_wait3A_104] : memref<256x128xf32, #tpu.memory_space<vmem>> -> memref<256x128xf32, #tpu.memory_space<vmem>>
        %dma_wait3A_106 = arith.constant 0 : i32
        %dma_wait3A_107 = tpu.memref_slice %arg11[%add3A_86, %dma_wait3A_106] : memref<10008x128xf32, #tpu.memory_space<vmem_shared>> -> memref<256x128xf32, #tpu.memory_space<vmem_shared>>
        %dma_wait3A_108 = arith.constant 0 : i32
        %dma_wait3A_109 = arith.constant 0 : i32
        %dma_wait3A_110 = tpu.memref_slice %arg9[%dma_wait3A_108, %dma_wait3A_109] : memref<256x128xf32, #tpu.memory_space<vmem>> -> memref<256x128xf32, #tpu.memory_space<vmem>>
        %dma_wait3A_111 = arith.constant 0 : i32
        %dma_wait3A_112 = tpu.memref_slice %arg11[%add3A_86, %dma_wait3A_111] : memref<10008x128xf32, #tpu.memory_space<vmem_shared>> -> memref<256x128xf32, #tpu.memory_space<vmem_shared>>
        tpu.wait_dma2 semaphore(%run_scoped3A : memref<!tpu.dma_semaphore, #tpu.memory_space<semaphore_mem>>) src(%dma_wait3A_112 : memref<256x128xf32, #tpu.memory_space<vmem_shared>>) dst(%dma_wait3A_110 : memref<256x128xf32, #tpu.memory_space<vmem>>)
        tpu.yield
      }) : () -> ()
      %add3A_87 = arith.constant 256 : i32
      %add3A_88 = arith.addi %mul3A_80, %add3A_87 : i32
      "tpu.region"() ({
        %run_scoped3A = tpu.sem_alloc : memref<!tpu.dma_semaphore, #tpu.memory_space<semaphore_mem>>
        %dma_start3A_93 = arith.constant 0 : i32
        %dma_start3A_94 = arith.constant 0 : i32
        %dma_start3A_95 = tpu.memref_slice %arg9[%dma_start3A_93, %dma_start3A_94] : memref<256x128xf32, #tpu.memory_space<vmem>> -> memref<256x128xf32, #tpu.memory_space<vmem>>
        %dma_start3A_96 = arith.constant 0 : i32
        %dma_start3A_97 = tpu.memref_slice %arg5[%arg0, %add3A_88, %dma_start3A_96] : memref<2x10000x128xf32, #tpu.memory_space<hbm>> -> memref<1x256x128xf32, #tpu.memory_space<hbm>>
        %dma_start3A_98 = tpu.memref_squeeze %dma_start3A_97 : memref<1x256x128xf32, #tpu.memory_space<hbm>> -> memref<256x128xf32, #tpu.memory_space<hbm>>
        %dma_start3A_99 = arith.constant 0 : i32
        %dma_start3A_100 = tpu.memref_slice %arg5[%arg0, %add3A_88, %dma_start3A_99] : memref<2x10000x128xf32, #tpu.memory_space<hbm>> -> memref<1x256x128xf32, #tpu.memory_space<hbm>>
        %dma_start3A_101 = tpu.memref_squeeze %dma_start3A_100 : memref<1x256x128xf32, #tpu.memory_space<hbm>> -> memref<256x128xf32, #tpu.memory_space<hbm>>
        %dma_start3A_102 = arith.constant 0 : i32
        %dma_start3A_103 = arith.constant 0 : i32
        %dma_start3A_104 = tpu.memref_slice %arg9[%dma_start3A_102, %dma_start3A_103] : memref<256x128xf32, #tpu.memory_space<vmem>> -> memref<256x128xf32, #tpu.memory_space<vmem>>
        tpu.enqueue_dma source(%dma_start3A_104 : memref<256x128xf32, #tpu.memory_space<vmem>>) target(%dma_start3A_101 : memref<256x128xf32, #tpu.memory_space<hbm>>) target_semaphore(%run_scoped3A : memref<!tpu.dma_semaphore, #tpu.memory_space<semaphore_mem>>)
        %dma_wait3A_105 = arith.constant 0 : i32
        %dma_wait3A_106 = arith.constant 0 : i32
        %dma_wait3A_107 = tpu.memref_slice %arg9[%dma_wait3A_105, %dma_wait3A_106] : memref<256x128xf32, #tpu.memory_space<vmem>> -> memref<256x128xf32, #tpu.memory_space<vmem>>
        %dma_wait3A_108 = arith.constant 0 : i32
        %dma_wait3A_109 = tpu.memref_slice %arg5[%arg0, %add3A_88, %dma_wait3A_108] : memref<2x10000x128xf32, #tpu.memory_space<hbm>> -> memref<1x256x128xf32, #tpu.memory_space<hbm>>
        %dma_wait3A_110 = tpu.memref_squeeze %dma_wait3A_109 : memref<1x256x128xf32, #tpu.memory_space<hbm>> -> memref<256x128xf32, #tpu.memory_space<hbm>>
        %dma_wait3A_111 = arith.constant 0 : i32
        %dma_wait3A_112 = tpu.memref_slice %arg5[%arg0, %add3A_88, %dma_wait3A_111] : memref<2x10000x128xf32, #tpu.memory_space<hbm>> -> memref<1x256x128xf32, #tpu.memory_space<hbm>>
        %dma_wait3A_113 = tpu.memref_squeeze %dma_wait3A_112 : memref<1x256x128xf32, #tpu.memory_space<hbm>> -> memref<256x128xf32, #tpu.memory_space<hbm>>
        %dma_wait3A_114 = arith.constant 0 : i32
        %dma_wait3A_115 = arith.constant 0 : i32
        %dma_wait3A_116 = tpu.memref_slice %arg9[%dma_wait3A_114, %dma_wait3A_115] : memref<256x128xf32, #tpu.memory_space<vmem>> -> memref<256x128xf32, #tpu.memory_space<vmem>>
        tpu.wait_dma2 semaphore(%run_scoped3A : memref<!tpu.dma_semaphore, #tpu.memory_space<semaphore_mem>>) src(%dma_wait3A_116 : memref<256x128xf32, #tpu.memory_space<vmem>>) dst(%dma_wait3A_113 : memref<256x128xf32, #tpu.memory_space<hbm>>)
        tpu.yield
      }) : () -> ()
      %add3A_89 = arith.constant 512 : i32
      %add3A_90 = arith.addi %mul3A_80, %add3A_89 : i32
      "tpu.region"() ({
        %run_scoped3A = tpu.sem_alloc : memref<!tpu.dma_semaphore, #tpu.memory_space<semaphore_mem>>
        %dma_start3A_93 = arith.constant 0 : i32
        %dma_start3A_94 = arith.constant 0 : i32
        %dma_start3A_95 = tpu.memref_slice %arg9[%dma_start3A_93, %dma_start3A_94] : memref<256x128xf32, #tpu.memory_space<vmem>> -> memref<112x128xf32, #tpu.memory_space<vmem>>
        %dma_start3A_96 = arith.constant 0 : i32
        %dma_start3A_97 = tpu.memref_slice %arg11[%add3A_90, %dma_start3A_96] : memref<10008x128xf32, #tpu.memory_space<vmem_shared>> -> memref<112x128xf32, #tpu.memory_space<vmem_shared>>
        %dma_start3A_98 = arith.constant 0 : i32
        %dma_start3A_99 = arith.constant 0 : i32
        %dma_start3A_100 = tpu.memref_slice %arg9[%dma_start3A_98, %dma_start3A_99] : memref<256x128xf32, #tpu.memory_space<vmem>> -> memref<112x128xf32, #tpu.memory_space<vmem>>
        %dma_start3A_101 = arith.constant 0 : i32
        %dma_start3A_102 = tpu.memref_slice %arg11[%add3A_90, %dma_start3A_101] : memref<10008x128xf32, #tpu.memory_space<vmem_shared>> -> memref<112x128xf32, #tpu.memory_space<vmem_shared>>
        tpu.enqueue_dma source(%dma_start3A_102 : memref<112x128xf32, #tpu.memory_space<vmem_shared>>) target(%dma_start3A_100 : memref<112x128xf32, #tpu.memory_space<vmem>>) target_semaphore(%run_scoped3A : memref<!tpu.dma_semaphore, #tpu.memory_space<semaphore_mem>>)
        %dma_wait3A_103 = arith.constant 0 : i32
        %dma_wait3A_104 = arith.constant 0 : i32
        %dma_wait3A_105 = tpu.memref_slice %arg9[%dma_wait3A_103, %dma_wait3A_104] : memref<256x128xf32, #tpu.memory_space<vmem>> -> memref<112x128xf32, #tpu.memory_space<vmem>>
        %dma_wait3A_106 = arith.constant 0 : i32
        %dma_wait3A_107 = tpu.memref_slice %arg11[%add3A_90, %dma_wait3A_106] : memref<10008x128xf32, #tpu.memory_space<vmem_shared>> -> memref<112x128xf32, #tpu.memory_space<vmem_shared>>
        %dma_wait3A_108 = arith.constant 0 : i32
        %dma_wait3A_109 = arith.constant 0 : i32
        %dma_wait3A_110 = tpu.memref_slice %arg9[%dma_wait3A_108, %dma_wait3A_109] : memref<256x128xf32, #tpu.memory_space<vmem>> -> memref<112x128xf32, #tpu.memory_space<vmem>>
        %dma_wait3A_111 = arith.constant 0 : i32
        %dma_wait3A_112 = tpu.memref_slice %arg11[%add3A_90, %dma_wait3A_111] : memref<10008x128xf32, #tpu.memory_space<vmem_shared>> -> memref<112x128xf32, #tpu.memory_space<vmem_shared>>
        tpu.wait_dma2 semaphore(%run_scoped3A : memref<!tpu.dma_semaphore, #tpu.memory_space<semaphore_mem>>) src(%dma_wait3A_112 : memref<112x128xf32, #tpu.memory_space<vmem_shared>>) dst(%dma_wait3A_110 : memref<112x128xf32, #tpu.memory_space<vmem>>)
        tpu.yield
      }) : () -> ()
      %add3A_91 = arith.constant 512 : i32
      %add3A_92 = arith.addi %mul3A_80, %add3A_91 : i32
      "tpu.region"() ({
        %run_scoped3A = tpu.sem_alloc : memref<!tpu.dma_semaphore, #tpu.memory_space<semaphore_mem>>
        %dma_start3A_93 = arith.constant 0 : i32
        %dma_start3A_94 = arith.constant 0 : i32
        %dma_start3A_95 = tpu.memref_slice %arg9[%dma_start3A_93, %dma_start3A_94] : memref<256x128xf32, #tpu.memory_space<vmem>> -> memref<112x128xf32, #tpu.memory_space<vmem>>
        %dma_start3A_96 = arith.constant 0 : i32
        %dma_start3A_97 = tpu.memref_slice %arg5[%arg0, %add3A_92, %dma_start3A_96] : memref<2x10000x128xf32, #tpu.memory_space<hbm>> -> memref<1x112x128xf32, #tpu.memory_space<hbm>>
        %dma_start3A_98 = tpu.memref_squeeze %dma_start3A_97 : memref<1x112x128xf32, #tpu.memory_space<hbm>> -> memref<112x128xf32, #tpu.memory_space<hbm>>
        %dma_start3A_99 = arith.constant 0 : i32
        %dma_start3A_100 = tpu.memref_slice %arg5[%arg0, %add3A_92, %dma_start3A_99] : memref<2x10000x128xf32, #tpu.memory_space<hbm>> -> memref<1x112x128xf32, #tpu.memory_space<hbm>>
        %dma_start3A_101 = tpu.memref_squeeze %dma_start3A_100 : memref<1x112x128xf32, #tpu.memory_space<hbm>> -> memref<112x128xf32, #tpu.memory_space<hbm>>
        %dma_start3A_102 = arith.constant 0 : i32
        %dma_start3A_103 = arith.constant 0 : i32
        %dma_start3A_104 = tpu.memref_slice %arg9[%dma_start3A_102, %dma_start3A_103] : memref<256x128xf32, #tpu.memory_space<vmem>> -> memref<112x128xf32, #tpu.memory_space<vmem>>
        tpu.enqueue_dma source(%dma_start3A_104 : memref<112x128xf32, #tpu.memory_space<vmem>>) target(%dma_start3A_101 : memref<112x128xf32, #tpu.memory_space<hbm>>) target_semaphore(%run_scoped3A : memref<!tpu.dma_semaphore, #tpu.memory_space<semaphore_mem>>)
        %dma_wait3A_105 = arith.constant 0 : i32
        %dma_wait3A_106 = arith.constant 0 : i32
        %dma_wait3A_107 = tpu.memref_slice %arg9[%dma_wait3A_105, %dma_wait3A_106] : memref<256x128xf32, #tpu.memory_space<vmem>> -> memref<112x128xf32, #tpu.memory_space<vmem>>
        %dma_wait3A_108 = arith.constant 0 : i32
        %dma_wait3A_109 = tpu.memref_slice %arg5[%arg0, %add3A_92, %dma_wait3A_108] : memref<2x10000x128xf32, #tpu.memory_space<hbm>> -> memref<1x112x128xf32, #tpu.memory_space<hbm>>
        %dma_wait3A_110 = tpu.memref_squeeze %dma_wait3A_109 : memref<1x112x128xf32, #tpu.memory_space<hbm>> -> memref<112x128xf32, #tpu.memory_space<hbm>>
        %dma_wait3A_111 = arith.constant 0 : i32
        %dma_wait3A_112 = tpu.memref_slice %arg5[%arg0, %add3A_92, %dma_wait3A_111] : memref<2x10000x128xf32, #tpu.memory_space<hbm>> -> memref<1x112x128xf32, #tpu.memory_space<hbm>>
        %dma_wait3A_113 = tpu.memref_squeeze %dma_wait3A_112 : memref<1x112x128xf32, #tpu.memory_space<hbm>> -> memref<112x128xf32, #tpu.memory_space<hbm>>
        %dma_wait3A_114 = arith.constant 0 : i32
        %dma_wait3A_115 = arith.constant 0 : i32
        %dma_wait3A_116 = tpu.memref_slice %arg9[%dma_wait3A_114, %dma_wait3A_115] : memref<256x128xf32, #tpu.memory_space<vmem>> -> memref<112x128xf32, #tpu.memory_space<vmem>>
        tpu.wait_dma2 semaphore(%run_scoped3A : memref<!tpu.dma_semaphore, #tpu.memory_space<semaphore_mem>>) src(%dma_wait3A_116 : memref<112x128xf32, #tpu.memory_space<vmem>>) dst(%dma_wait3A_113 : memref<112x128xf32, #tpu.memory_space<hbm>>)
        tpu.yield
      }) : () -> ()
    } else {
    }
    %eq3A_67 = arith.constant 15 : i32
    %eq3A_68 = arith.cmpi eq, %arg1, %eq3A_67 : i32
    %convert_element_type3A_69 = arith.extui %eq3A_68 : i1 to i32
    %cond3A_70 = arith.constant 0 : i32
    %cond3A_71 = arith.cmpi ne, %convert_element_type3A_69, %cond3A_70 : i32
    scf.if %cond3A_71 {
      "tpu.region"() ({
        %run_scoped3A = tpu.sem_alloc : memref<!tpu.dma_semaphore, #tpu.memory_space<semaphore_mem>>
        %dma_start3A_79 = arith.constant 0 : i32
        %dma_start3A_80 = arith.constant 0 : i32
        %dma_start3A_81 = tpu.memref_slice %arg9[%dma_start3A_79, %dma_start3A_80] : memref<256x128xf32, #tpu.memory_space<vmem>> -> memref<256x128xf32, #tpu.memory_space<vmem>>
        %dma_start3A_82 = arith.constant 9360 : i32
        %dma_start3A_83 = arith.constant 0 : i32
        %dma_start3A_84 = tpu.memref_slice %arg11[%dma_start3A_82, %dma_start3A_83] : memref<10008x128xf32, #tpu.memory_space<vmem_shared>> -> memref<256x128xf32, #tpu.memory_space<vmem_shared>>
        %dma_start3A_85 = arith.constant 0 : i32
        %dma_start3A_86 = arith.constant 0 : i32
        %dma_start3A_87 = tpu.memref_slice %arg9[%dma_start3A_85, %dma_start3A_86] : memref<256x128xf32, #tpu.memory_space<vmem>> -> memref<256x128xf32, #tpu.memory_space<vmem>>
        %dma_start3A_88 = arith.constant 9360 : i32
        %dma_start3A_89 = arith.constant 0 : i32
        %dma_start3A_90 = tpu.memref_slice %arg11[%dma_start3A_88, %dma_start3A_89] : memref<10008x128xf32, #tpu.memory_space<vmem_shared>> -> memref<256x128xf32, #tpu.memory_space<vmem_shared>>
        tpu.enqueue_dma source(%dma_start3A_90 : memref<256x128xf32, #tpu.memory_space<vmem_shared>>) target(%dma_start3A_87 : memref<256x128xf32, #tpu.memory_space<vmem>>) target_semaphore(%run_scoped3A : memref<!tpu.dma_semaphore, #tpu.memory_space<semaphore_mem>>)
        %dma_wait3A_91 = arith.constant 0 : i32
        %dma_wait3A_92 = arith.constant 0 : i32
        %dma_wait3A_93 = tpu.memref_slice %arg9[%dma_wait3A_91, %dma_wait3A_92] : memref<256x128xf32, #tpu.memory_space<vmem>> -> memref<256x128xf32, #tpu.memory_space<vmem>>
        %dma_wait3A_94 = arith.constant 9360 : i32
        %dma_wait3A_95 = arith.constant 0 : i32
        %dma_wait3A_96 = tpu.memref_slice %arg11[%dma_wait3A_94, %dma_wait3A_95] : memref<10008x128xf32, #tpu.memory_space<vmem_shared>> -> memref<256x128xf32, #tpu.memory_space<vmem_shared>>
        %dma_wait3A_97 = arith.constant 0 : i32
        %dma_wait3A_98 = arith.constant 0 : i32
        %dma_wait3A_99 = tpu.memref_slice %arg9[%dma_wait3A_97, %dma_wait3A_98] : memref<256x128xf32, #tpu.memory_space<vmem>> -> memref<256x128xf32, #tpu.memory_space<vmem>>
        %dma_wait3A_100 = arith.constant 9360 : i32
        %dma_wait3A_101 = arith.constant 0 : i32
        %dma_wait3A_102 = tpu.memref_slice %arg11[%dma_wait3A_100, %dma_wait3A_101] : memref<10008x128xf32, #tpu.memory_space<vmem_shared>> -> memref<256x128xf32, #tpu.memory_space<vmem_shared>>
        tpu.wait_dma2 semaphore(%run_scoped3A : memref<!tpu.dma_semaphore, #tpu.memory_space<semaphore_mem>>) src(%dma_wait3A_102 : memref<256x128xf32, #tpu.memory_space<vmem_shared>>) dst(%dma_wait3A_99 : memref<256x128xf32, #tpu.memory_space<vmem>>)
        tpu.yield
      }) : () -> ()
      "tpu.region"() ({
        %run_scoped3A = tpu.sem_alloc : memref<!tpu.dma_semaphore, #tpu.memory_space<semaphore_mem>>
        %dma_start3A_79 = arith.constant 0 : i32
        %dma_start3A_80 = arith.constant 0 : i32
        %dma_start3A_81 = tpu.memref_slice %arg9[%dma_start3A_79, %dma_start3A_80] : memref<256x128xf32, #tpu.memory_space<vmem>> -> memref<256x128xf32, #tpu.memory_space<vmem>>
        %dma_start3A_82 = arith.constant 9360 : i32
        %dma_start3A_83 = arith.constant 0 : i32
        %dma_start3A_84 = tpu.memref_slice %arg5[%arg0, %dma_start3A_82, %dma_start3A_83] : memref<2x10000x128xf32, #tpu.memory_space<hbm>> -> memref<1x256x128xf32, #tpu.memory_space<hbm>>
        %dma_start3A_85 = tpu.memref_squeeze %dma_start3A_84 : memref<1x256x128xf32, #tpu.memory_space<hbm>> -> memref<256x128xf32, #tpu.memory_space<hbm>>
        %dma_start3A_86 = arith.constant 9360 : i32
        %dma_start3A_87 = arith.constant 0 : i32
        %dma_start3A_88 = tpu.memref_slice %arg5[%arg0, %dma_start3A_86, %dma_start3A_87] : memref<2x10000x128xf32, #tpu.memory_space<hbm>> -> memref<1x256x128xf32, #tpu.memory_space<hbm>>
        %dma_start3A_89 = tpu.memref_squeeze %dma_start3A_88 : memref<1x256x128xf32, #tpu.memory_space<hbm>> -> memref<256x128xf32, #tpu.memory_space<hbm>>
        %dma_start3A_90 = arith.constant 0 : i32
        %dma_start3A_91 = arith.constant 0 : i32
        %dma_start3A_92 = tpu.memref_slice %arg9[%dma_start3A_90, %dma_start3A_91] : memref<256x128xf32, #tpu.memory_space<vmem>> -> memref<256x128xf32, #tpu.memory_space<vmem>>
        tpu.enqueue_dma source(%dma_start3A_92 : memref<256x128xf32, #tpu.memory_space<vmem>>) target(%dma_start3A_89 : memref<256x128xf32, #tpu.memory_space<hbm>>) target_semaphore(%run_scoped3A : memref<!tpu.dma_semaphore, #tpu.memory_space<semaphore_mem>>)
        %dma_wait3A_93 = arith.constant 0 : i32
        %dma_wait3A_94 = arith.constant 0 : i32
        %dma_wait3A_95 = tpu.memref_slice %arg9[%dma_wait3A_93, %dma_wait3A_94] : memref<256x128xf32, #tpu.memory_space<vmem>> -> memref<256x128xf32, #tpu.memory_space<vmem>>
        %dma_wait3A_96 = arith.constant 9360 : i32
        %dma_wait3A_97 = arith.constant 0 : i32
        %dma_wait3A_98 = tpu.memref_slice %arg5[%arg0, %dma_wait3A_96, %dma_wait3A_97] : memref<2x10000x128xf32, #tpu.memory_space<hbm>> -> memref<1x256x128xf32, #tpu.memory_space<hbm>>
        %dma_wait3A_99 = tpu.memref_squeeze %dma_wait3A_98 : memref<1x256x128xf32, #tpu.memory_space<hbm>> -> memref<256x128xf32, #tpu.memory_space<hbm>>
        %dma_wait3A_100 = arith.constant 9360 : i32
        %dma_wait3A_101 = arith.constant 0 : i32
        %dma_wait3A_102 = tpu.memref_slice %arg5[%arg0, %dma_wait3A_100, %dma_wait3A_101] : memref<2x10000x128xf32, #tpu.memory_space<hbm>> -> memref<1x256x128xf32, #tpu.memory_space<hbm>>
        %dma_wait3A_103 = tpu.memref_squeeze %dma_wait3A_102 : memref<1x256x128xf32, #tpu.memory_space<hbm>> -> memref<256x128xf32, #tpu.memory_space<hbm>>
        %dma_wait3A_104 = arith.constant 0 : i32
        %dma_wait3A_105 = arith.constant 0 : i32
        %dma_wait3A_106 = tpu.memref_slice %arg9[%dma_wait3A_104, %dma_wait3A_105] : memref<256x128xf32, #tpu.memory_space<vmem>> -> memref<256x128xf32, #tpu.memory_space<vmem>>
        tpu.wait_dma2 semaphore(%run_scoped3A : memref<!tpu.dma_semaphore, #tpu.memory_space<semaphore_mem>>) src(%dma_wait3A_106 : memref<256x128xf32, #tpu.memory_space<vmem>>) dst(%dma_wait3A_103 : memref<256x128xf32, #tpu.memory_space<hbm>>)
        tpu.yield
      }) : () -> ()
      "tpu.region"() ({
        %run_scoped3A = tpu.sem_alloc : memref<!tpu.dma_semaphore, #tpu.memory_space<semaphore_mem>>
        %dma_start3A_79 = arith.constant 0 : i32
        %dma_start3A_80 = arith.constant 0 : i32
        %dma_start3A_81 = tpu.memref_slice %arg9[%dma_start3A_79, %dma_start3A_80] : memref<256x128xf32, #tpu.memory_space<vmem>> -> memref<256x128xf32, #tpu.memory_space<vmem>>
        %dma_start3A_82 = arith.constant 9616 : i32
        %dma_start3A_83 = arith.constant 0 : i32
        %dma_start3A_84 = tpu.memref_slice %arg11[%dma_start3A_82, %dma_start3A_83] : memref<10008x128xf32, #tpu.memory_space<vmem_shared>> -> memref<256x128xf32, #tpu.memory_space<vmem_shared>>
        %dma_start3A_85 = arith.constant 0 : i32
        %dma_start3A_86 = arith.constant 0 : i32
        %dma_start3A_87 = tpu.memref_slice %arg9[%dma_start3A_85, %dma_start3A_86] : memref<256x128xf32, #tpu.memory_space<vmem>> -> memref<256x128xf32, #tpu.memory_space<vmem>>
        %dma_start3A_88 = arith.constant 9616 : i32
        %dma_start3A_89 = arith.constant 0 : i32
        %dma_start3A_90 = tpu.memref_slice %arg11[%dma_start3A_88, %dma_start3A_89] : memref<10008x128xf32, #tpu.memory_space<vmem_shared>> -> memref<256x128xf32, #tpu.memory_space<vmem_shared>>
        tpu.enqueue_dma source(%dma_start3A_90 : memref<256x128xf32, #tpu.memory_space<vmem_shared>>) target(%dma_start3A_87 : memref<256x128xf32, #tpu.memory_space<vmem>>) target_semaphore(%run_scoped3A : memref<!tpu.dma_semaphore, #tpu.memory_space<semaphore_mem>>)
        %dma_wait3A_91 = arith.constant 0 : i32
        %dma_wait3A_92 = arith.constant 0 : i32
        %dma_wait3A_93 = tpu.memref_slice %arg9[%dma_wait3A_91, %dma_wait3A_92] : memref<256x128xf32, #tpu.memory_space<vmem>> -> memref<256x128xf32, #tpu.memory_space<vmem>>
        %dma_wait3A_94 = arith.constant 9616 : i32
        %dma_wait3A_95 = arith.constant 0 : i32
        %dma_wait3A_96 = tpu.memref_slice %arg11[%dma_wait3A_94, %dma_wait3A_95] : memref<10008x128xf32, #tpu.memory_space<vmem_shared>> -> memref<256x128xf32, #tpu.memory_space<vmem_shared>>
        %dma_wait3A_97 = arith.constant 0 : i32
        %dma_wait3A_98 = arith.constant 0 : i32
        %dma_wait3A_99 = tpu.memref_slice %arg9[%dma_wait3A_97, %dma_wait3A_98] : memref<256x128xf32, #tpu.memory_space<vmem>> -> memref<256x128xf32, #tpu.memory_space<vmem>>
        %dma_wait3A_100 = arith.constant 9616 : i32
        %dma_wait3A_101 = arith.constant 0 : i32
        %dma_wait3A_102 = tpu.memref_slice %arg11[%dma_wait3A_100, %dma_wait3A_101] : memref<10008x128xf32, #tpu.memory_space<vmem_shared>> -> memref<256x128xf32, #tpu.memory_space<vmem_shared>>
        tpu.wait_dma2 semaphore(%run_scoped3A : memref<!tpu.dma_semaphore, #tpu.memory_space<semaphore_mem>>) src(%dma_wait3A_102 : memref<256x128xf32, #tpu.memory_space<vmem_shared>>) dst(%dma_wait3A_99 : memref<256x128xf32, #tpu.memory_space<vmem>>)
        tpu.yield
      }) : () -> ()
      "tpu.region"() ({
        %run_scoped3A = tpu.sem_alloc : memref<!tpu.dma_semaphore, #tpu.memory_space<semaphore_mem>>
        %dma_start3A_79 = arith.constant 0 : i32
        %dma_start3A_80 = arith.constant 0 : i32
        %dma_start3A_81 = tpu.memref_slice %arg9[%dma_start3A_79, %dma_start3A_80] : memref<256x128xf32, #tpu.memory_space<vmem>> -> memref<256x128xf32, #tpu.memory_space<vmem>>
        %dma_start3A_82 = arith.constant 9616 : i32
        %dma_start3A_83 = arith.constant 0 : i32
        %dma_start3A_84 = tpu.memref_slice %arg5[%arg0, %dma_start3A_82, %dma_start3A_83] : memref<2x10000x128xf32, #tpu.memory_space<hbm>> -> memref<1x256x128xf32, #tpu.memory_space<hbm>>
        %dma_start3A_85 = tpu.memref_squeeze %dma_start3A_84 : memref<1x256x128xf32, #tpu.memory_space<hbm>> -> memref<256x128xf32, #tpu.memory_space<hbm>>
        %dma_start3A_86 = arith.constant 9616 : i32
        %dma_start3A_87 = arith.constant 0 : i32
        %dma_start3A_88 = tpu.memref_slice %arg5[%arg0, %dma_start3A_86, %dma_start3A_87] : memref<2x10000x128xf32, #tpu.memory_space<hbm>> -> memref<1x256x128xf32, #tpu.memory_space<hbm>>
        %dma_start3A_89 = tpu.memref_squeeze %dma_start3A_88 : memref<1x256x128xf32, #tpu.memory_space<hbm>> -> memref<256x128xf32, #tpu.memory_space<hbm>>
        %dma_start3A_90 = arith.constant 0 : i32
        %dma_start3A_91 = arith.constant 0 : i32
        %dma_start3A_92 = tpu.memref_slice %arg9[%dma_start3A_90, %dma_start3A_91] : memref<256x128xf32, #tpu.memory_space<vmem>> -> memref<256x128xf32, #tpu.memory_space<vmem>>
        tpu.enqueue_dma source(%dma_start3A_92 : memref<256x128xf32, #tpu.memory_space<vmem>>) target(%dma_start3A_89 : memref<256x128xf32, #tpu.memory_space<hbm>>) target_semaphore(%run_scoped3A : memref<!tpu.dma_semaphore, #tpu.memory_space<semaphore_mem>>)
        %dma_wait3A_93 = arith.constant 0 : i32
        %dma_wait3A_94 = arith.constant 0 : i32
        %dma_wait3A_95 = tpu.memref_slice %arg9[%dma_wait3A_93, %dma_wait3A_94] : memref<256x128xf32, #tpu.memory_space<vmem>> -> memref<256x128xf32, #tpu.memory_space<vmem>>
        %dma_wait3A_96 = arith.constant 9616 : i32
        %dma_wait3A_97 = arith.constant 0 : i32
        %dma_wait3A_98 = tpu.memref_slice %arg5[%arg0, %dma_wait3A_96, %dma_wait3A_97] : memref<2x10000x128xf32, #tpu.memory_space<hbm>> -> memref<1x256x128xf32, #tpu.memory_space<hbm>>
        %dma_wait3A_99 = tpu.memref_squeeze %dma_wait3A_98 : memref<1x256x128xf32, #tpu.memory_space<hbm>> -> memref<256x128xf32, #tpu.memory_space<hbm>>
        %dma_wait3A_100 = arith.constant 9616 : i32
        %dma_wait3A_101 = arith.constant 0 : i32
        %dma_wait3A_102 = tpu.memref_slice %arg5[%arg0, %dma_wait3A_100, %dma_wait3A_101] : memref<2x10000x128xf32, #tpu.memory_space<hbm>> -> memref<1x256x128xf32, #tpu.memory_space<hbm>>
        %dma_wait3A_103 = tpu.memref_squeeze %dma_wait3A_102 : memref<1x256x128xf32, #tpu.memory_space<hbm>> -> memref<256x128xf32, #tpu.memory_space<hbm>>
        %dma_wait3A_104 = arith.constant 0 : i32
        %dma_wait3A_105 = arith.constant 0 : i32
        %dma_wait3A_106 = tpu.memref_slice %arg9[%dma_wait3A_104, %dma_wait3A_105] : memref<256x128xf32, #tpu.memory_space<vmem>> -> memref<256x128xf32, #tpu.memory_space<vmem>>
        tpu.wait_dma2 semaphore(%run_scoped3A : memref<!tpu.dma_semaphore, #tpu.memory_space<semaphore_mem>>) src(%dma_wait3A_106 : memref<256x128xf32, #tpu.memory_space<vmem>>) dst(%dma_wait3A_103 : memref<256x128xf32, #tpu.memory_space<hbm>>)
        tpu.yield
      }) : () -> ()
      "tpu.region"() ({
        %run_scoped3A = tpu.sem_alloc : memref<!tpu.dma_semaphore, #tpu.memory_space<semaphore_mem>>
        %dma_start3A_79 = arith.constant 0 : i32
        %dma_start3A_80 = arith.constant 0 : i32
        %dma_start3A_81 = tpu.memref_slice %arg9[%dma_start3A_79, %dma_start3A_80] : memref<256x128xf32, #tpu.memory_space<vmem>> -> memref<128x128xf32, #tpu.memory_space<vmem>>
        %dma_start3A_82 = arith.constant 9872 : i32
        %dma_start3A_83 = arith.constant 0 : i32
        %dma_start3A_84 = tpu.memref_slice %arg11[%dma_start3A_82, %dma_start3A_83] : memref<10008x128xf32, #tpu.memory_space<vmem_shared>> -> memref<128x128xf32, #tpu.memory_space<vmem_shared>>
        %dma_start3A_85 = arith.constant 0 : i32
        %dma_start3A_86 = arith.constant 0 : i32
        %dma_start3A_87 = tpu.memref_slice %arg9[%dma_start3A_85, %dma_start3A_86] : memref<256x128xf32, #tpu.memory_space<vmem>> -> memref<128x128xf32, #tpu.memory_space<vmem>>
        %dma_start3A_88 = arith.constant 9872 : i32
        %dma_start3A_89 = arith.constant 0 : i32
        %dma_start3A_90 = tpu.memref_slice %arg11[%dma_start3A_88, %dma_start3A_89] : memref<10008x128xf32, #tpu.memory_space<vmem_shared>> -> memref<128x128xf32, #tpu.memory_space<vmem_shared>>
        tpu.enqueue_dma source(%dma_start3A_90 : memref<128x128xf32, #tpu.memory_space<vmem_shared>>) target(%dma_start3A_87 : memref<128x128xf32, #tpu.memory_space<vmem>>) target_semaphore(%run_scoped3A : memref<!tpu.dma_semaphore, #tpu.memory_space<semaphore_mem>>)
        %dma_wait3A_91 = arith.constant 0 : i32
        %dma_wait3A_92 = arith.constant 0 : i32
        %dma_wait3A_93 = tpu.memref_slice %arg9[%dma_wait3A_91, %dma_wait3A_92] : memref<256x128xf32, #tpu.memory_space<vmem>> -> memref<128x128xf32, #tpu.memory_space<vmem>>
        %dma_wait3A_94 = arith.constant 9872 : i32
        %dma_wait3A_95 = arith.constant 0 : i32
        %dma_wait3A_96 = tpu.memref_slice %arg11[%dma_wait3A_94, %dma_wait3A_95] : memref<10008x128xf32, #tpu.memory_space<vmem_shared>> -> memref<128x128xf32, #tpu.memory_space<vmem_shared>>
        %dma_wait3A_97 = arith.constant 0 : i32
        %dma_wait3A_98 = arith.constant 0 : i32
        %dma_wait3A_99 = tpu.memref_slice %arg9[%dma_wait3A_97, %dma_wait3A_98] : memref<256x128xf32, #tpu.memory_space<vmem>> -> memref<128x128xf32, #tpu.memory_space<vmem>>
        %dma_wait3A_100 = arith.constant 9872 : i32
        %dma_wait3A_101 = arith.constant 0 : i32
        %dma_wait3A_102 = tpu.memref_slice %arg11[%dma_wait3A_100, %dma_wait3A_101] : memref<10008x128xf32, #tpu.memory_space<vmem_shared>> -> memref<128x128xf32, #tpu.memory_space<vmem_shared>>
        tpu.wait_dma2 semaphore(%run_scoped3A : memref<!tpu.dma_semaphore, #tpu.memory_space<semaphore_mem>>) src(%dma_wait3A_102 : memref<128x128xf32, #tpu.memory_space<vmem_shared>>) dst(%dma_wait3A_99 : memref<128x128xf32, #tpu.memory_space<vmem>>)
        tpu.yield
      }) : () -> ()
      "tpu.region"() ({
        %run_scoped3A = tpu.sem_alloc : memref<!tpu.dma_semaphore, #tpu.memory_space<semaphore_mem>>
        %dma_start3A_79 = arith.constant 0 : i32
        %dma_start3A_80 = arith.constant 0 : i32
        %dma_start3A_81 = tpu.memref_slice %arg9[%dma_start3A_79, %dma_start3A_80] : memref<256x128xf32, #tpu.memory_space<vmem>> -> memref<128x128xf32, #tpu.memory_space<vmem>>
        %dma_start3A_82 = arith.constant 9872 : i32
        %dma_start3A_83 = arith.constant 0 : i32
        %dma_start3A_84 = tpu.memref_slice %arg5[%arg0, %dma_start3A_82, %dma_start3A_83] : memref<2x10000x128xf32, #tpu.memory_space<hbm>> -> memref<1x128x128xf32, #tpu.memory_space<hbm>>
        %dma_start3A_85 = tpu.memref_squeeze %dma_start3A_84 : memref<1x128x128xf32, #tpu.memory_space<hbm>> -> memref<128x128xf32, #tpu.memory_space<hbm>>
        %dma_start3A_86 = arith.constant 9872 : i32
        %dma_start3A_87 = arith.constant 0 : i32
        %dma_start3A_88 = tpu.memref_slice %arg5[%arg0, %dma_start3A_86, %dma_start3A_87] : memref<2x10000x128xf32, #tpu.memory_space<hbm>> -> memref<1x128x128xf32, #tpu.memory_space<hbm>>
        %dma_start3A_89 = tpu.memref_squeeze %dma_start3A_88 : memref<1x128x128xf32, #tpu.memory_space<hbm>> -> memref<128x128xf32, #tpu.memory_space<hbm>>
        %dma_start3A_90 = arith.constant 0 : i32
        %dma_start3A_91 = arith.constant 0 : i32
        %dma_start3A_92 = tpu.memref_slice %arg9[%dma_start3A_90, %dma_start3A_91] : memref<256x128xf32, #tpu.memory_space<vmem>> -> memref<128x128xf32, #tpu.memory_space<vmem>>
        tpu.enqueue_dma source(%dma_start3A_92 : memref<128x128xf32, #tpu.memory_space<vmem>>) target(%dma_start3A_89 : memref<128x128xf32, #tpu.memory_space<hbm>>) target_semaphore(%run_scoped3A : memref<!tpu.dma_semaphore, #tpu.memory_space<semaphore_mem>>)
        %dma_wait3A_93 = arith.constant 0 : i32
        %dma_wait3A_94 = arith.constant 0 : i32
        %dma_wait3A_95 = tpu.memref_slice %arg9[%dma_wait3A_93, %dma_wait3A_94] : memref<256x128xf32, #tpu.memory_space<vmem>> -> memref<128x128xf32, #tpu.memory_space<vmem>>
        %dma_wait3A_96 = arith.constant 9872 : i32
        %dma_wait3A_97 = arith.constant 0 : i32
        %dma_wait3A_98 = tpu.memref_slice %arg5[%arg0, %dma_wait3A_96, %dma_wait3A_97] : memref<2x10000x128xf32, #tpu.memory_space<hbm>> -> memref<1x128x128xf32, #tpu.memory_space<hbm>>
        %dma_wait3A_99 = tpu.memref_squeeze %dma_wait3A_98 : memref<1x128x128xf32, #tpu.memory_space<hbm>> -> memref<128x128xf32, #tpu.memory_space<hbm>>
        %dma_wait3A_100 = arith.constant 9872 : i32
        %dma_wait3A_101 = arith.constant 0 : i32
        %dma_wait3A_102 = tpu.memref_slice %arg5[%arg0, %dma_wait3A_100, %dma_wait3A_101] : memref<2x10000x128xf32, #tpu.memory_space<hbm>> -> memref<1x128x128xf32, #tpu.memory_space<hbm>>
        %dma_wait3A_103 = tpu.memref_squeeze %dma_wait3A_102 : memref<1x128x128xf32, #tpu.memory_space<hbm>> -> memref<128x128xf32, #tpu.memory_space<hbm>>
        %dma_wait3A_104 = arith.constant 0 : i32
        %dma_wait3A_105 = arith.constant 0 : i32
        %dma_wait3A_106 = tpu.memref_slice %arg9[%dma_wait3A_104, %dma_wait3A_105] : memref<256x128xf32, #tpu.memory_space<vmem>> -> memref<128x128xf32, #tpu.memory_space<vmem>>
        tpu.wait_dma2 semaphore(%run_scoped3A : memref<!tpu.dma_semaphore, #tpu.memory_space<semaphore_mem>>) src(%dma_wait3A_106 : memref<128x128xf32, #tpu.memory_space<vmem>>) dst(%dma_wait3A_103 : memref<128x128xf32, #tpu.memory_space<hbm>>)
        tpu.yield
      }) : () -> ()
    } else {
    }
    %mul3A_72 = arith.constant 632 : i32
    %mul3A_73 = arith.muli %arg1, %mul3A_72 : i32
    "tpu.region"() ({
      %run_scoped3A = tpu.sem_alloc : memref<!tpu.dma_semaphore, #tpu.memory_space<semaphore_mem>>
      %dma_start3A_79 = arith.constant 0 : i32
      %dma_start3A_80 = tpu.memref_slice %arg10[%dma_start3A_79] : memref<640xf32, #tpu.memory_space<vmem>> -> memref<632xf32, #tpu.memory_space<vmem>>
      %dma_start3A_81 = tpu.memref_slice %arg12[%mul3A_73] : memref<10112xf32, #tpu.memory_space<vmem_shared>> -> memref<632xf32, #tpu.memory_space<vmem_shared>>
      %dma_start3A_82 = arith.constant 0 : i32
      %dma_start3A_83 = tpu.memref_slice %arg10[%dma_start3A_82] : memref<640xf32, #tpu.memory_space<vmem>> -> memref<632xf32, #tpu.memory_space<vmem>>
      %dma_start3A_84 = tpu.memref_slice %arg12[%mul3A_73] : memref<10112xf32, #tpu.memory_space<vmem_shared>> -> memref<632xf32, #tpu.memory_space<vmem_shared>>
      tpu.enqueue_dma source(%dma_start3A_84 : memref<632xf32, #tpu.memory_space<vmem_shared>>) target(%dma_start3A_83 : memref<632xf32, #tpu.memory_space<vmem>>) target_semaphore(%run_scoped3A : memref<!tpu.dma_semaphore, #tpu.memory_space<semaphore_mem>>)
      %dma_wait3A_85 = arith.constant 0 : i32
      %dma_wait3A_86 = tpu.memref_slice %arg10[%dma_wait3A_85] : memref<640xf32, #tpu.memory_space<vmem>> -> memref<632xf32, #tpu.memory_space<vmem>>
      %dma_wait3A_87 = tpu.memref_slice %arg12[%mul3A_73] : memref<10112xf32, #tpu.memory_space<vmem_shared>> -> memref<632xf32, #tpu.memory_space<vmem_shared>>
      %dma_wait3A_88 = arith.constant 0 : i32
      %dma_wait3A_89 = tpu.memref_slice %arg10[%dma_wait3A_88] : memref<640xf32, #tpu.memory_space<vmem>> -> memref<632xf32, #tpu.memory_space<vmem>>
      %dma_wait3A_90 = tpu.memref_slice %arg12[%mul3A_73] : memref<10112xf32, #tpu.memory_space<vmem_shared>> -> memref<632xf32, #tpu.memory_space<vmem_shared>>
      tpu.wait_dma2 semaphore(%run_scoped3A : memref<!tpu.dma_semaphore, #tpu.memory_space<semaphore_mem>>) src(%dma_wait3A_90 : memref<632xf32, #tpu.memory_space<vmem_shared>>) dst(%dma_wait3A_89 : memref<632xf32, #tpu.memory_space<vmem>>)
      tpu.yield
    }) : () -> ()
    %mul3A_74 = arith.constant 10112 : i32
    %mul3A_75 = arith.muli %arg0, %mul3A_74 : i32
    %mul3A_76 = arith.constant 632 : i32
    %mul3A_77 = arith.muli %arg1, %mul3A_76 : i32
    %add3A_78 = arith.addi %mul3A_75, %mul3A_77 : i32
    "tpu.region"() ({
      %run_scoped3A = tpu.sem_alloc : memref<!tpu.dma_semaphore, #tpu.memory_space<semaphore_mem>>
      %dma_start3A_79 = arith.constant 0 : i32
      %dma_start3A_80 = tpu.memref_slice %arg10[%dma_start3A_79] : memref<640xf32, #tpu.memory_space<vmem>> -> memref<632xf32, #tpu.memory_space<vmem>>
      %dma_start3A_81 = tpu.memref_slice %arg6[%add3A_78] : memref<20224xf32, #tpu.memory_space<hbm>> -> memref<632xf32, #tpu.memory_space<hbm>>
      %dma_start3A_82 = tpu.memref_slice %arg6[%add3A_78] : memref<20224xf32, #tpu.memory_space<hbm>> -> memref<632xf32, #tpu.memory_space<hbm>>
      %dma_start3A_83 = arith.constant 0 : i32
      %dma_start3A_84 = tpu.memref_slice %arg10[%dma_start3A_83] : memref<640xf32, #tpu.memory_space<vmem>> -> memref<632xf32, #tpu.memory_space<vmem>>
      tpu.enqueue_dma source(%dma_start3A_84 : memref<632xf32, #tpu.memory_space<vmem>>) target(%dma_start3A_82 : memref<632xf32, #tpu.memory_space<hbm>>) target_semaphore(%run_scoped3A : memref<!tpu.dma_semaphore, #tpu.memory_space<semaphore_mem>>)
      %dma_wait3A_85 = arith.constant 0 : i32
      %dma_wait3A_86 = tpu.memref_slice %arg10[%dma_wait3A_85] : memref<640xf32, #tpu.memory_space<vmem>> -> memref<632xf32, #tpu.memory_space<vmem>>
      %dma_wait3A_87 = tpu.memref_slice %arg6[%add3A_78] : memref<20224xf32, #tpu.memory_space<hbm>> -> memref<632xf32, #tpu.memory_space<hbm>>
      %dma_wait3A_88 = tpu.memref_slice %arg6[%add3A_78] : memref<20224xf32, #tpu.memory_space<hbm>> -> memref<632xf32, #tpu.memory_space<hbm>>
      %dma_wait3A_89 = arith.constant 0 : i32
      %dma_wait3A_90 = tpu.memref_slice %arg10[%dma_wait3A_89] : memref<640xf32, #tpu.memory_space<vmem>> -> memref<632xf32, #tpu.memory_space<vmem>>
      tpu.wait_dma2 semaphore(%run_scoped3A : memref<!tpu.dma_semaphore, #tpu.memory_space<semaphore_mem>>) src(%dma_wait3A_90 : memref<632xf32, #tpu.memory_space<vmem>>) dst(%dma_wait3A_88 : memref<632xf32, #tpu.memory_space<hbm>>)
      tpu.yield
    }) : () -> ()
    return
  }
}

module attributes {stable_mosaic.version = 14 : i64} {
  func.func @_mm_body(%arg0: i32, %arg1: memref<1000x256xf32, #tpu.memory_space<vmem>>, %arg2: memref<256x128xf32, #tpu.memory_space<vmem>>, %arg3: memref<256x128xf32, #tpu.memory_space<vmem>>, %arg4: memref<1000x128xf32, #tpu.memory_space<vmem>>, %arg5: memref<1000x128xf32, #tpu.memory_space<vmem>>) attributes {dimension_semantics = [#tpu.dimension_semantics<arbitrary>], iteration_bounds = array<i64: 10>, scalar_prefetch = 0 : i64, scratch_operands = 0 : i64, tpu.core_type = #tpu.core_type<tc>, window_params = [{transform_indices = @transform_0, window_bounds = array<i64: 1000, 256>}, {pipeline_mode = #tpu.pipeline_mode<synchronous>, transform_indices = @transform_1, window_bounds = array<i64: 256, 128>}, {pipeline_mode = #tpu.pipeline_mode<synchronous>, transform_indices = @transform_2, window_bounds = array<i64: 256, 128>}, {transform_indices = @transform_3, window_bounds = array<i64: 1000, 128>}, {transform_indices = @transform_4, window_bounds = array<i64: 1000, 128>}]} {
    %get3A = arith.constant 0 : index
    %get3A_0 = arith.constant 0 : index
    %get3A_1 = vector.load %arg1[%get3A, %get3A_0] : memref<1000x256xf32, #tpu.memory_space<vmem>>, vector<1000x256xf32>
    %get3A_2 = arith.constant 0 : index
    %get3A_3 = arith.constant 0 : index
    %get3A_4 = vector.load %arg2[%get3A_2, %get3A_3] : memref<256x128xf32, #tpu.memory_space<vmem>>, vector<256x128xf32>
    %dot_general3A = arith.constant dense<0.000000e+00> : vector<1000x128xf32>
    %dot_general3A_5 = tpu.matmul %get3A_1, %get3A_4, %dot_general3A {dimension_numbers = #tpu.dot_dimension_numbers<[1], [0], [0], [1], [0, 0, 1, 1], [], []>, transpose_lhs_hint = false} : vector<1000x256xf32>, vector<256x128xf32>, vector<1000x128xf32> -> vector<1000x128xf32>
    %swap3A = arith.constant 0 : index
    %swap3A_6 = arith.constant 0 : index
    %swap3A_7 = vector.load %arg4[%swap3A, %swap3A_6] : memref<1000x128xf32, #tpu.memory_space<vmem>>, vector<1000x128xf32>
    tpu.vector_store %arg4[%swap3A, %swap3A_6], %dot_general3A_5 {strides = array<i32>} : memref<1000x128xf32, #tpu.memory_space<vmem>>, vector<1000x128xf32>,
    %get3A_8 = arith.constant 0 : index
    %get3A_9 = arith.constant 0 : index
    %get3A_10 = vector.load %arg3[%get3A_8, %get3A_9] : memref<256x128xf32, #tpu.memory_space<vmem>>, vector<256x128xf32>
    %dot_general3A_11 = arith.constant dense<0.000000e+00> : vector<1000x128xf32>
    %dot_general3A_12 = tpu.matmul %get3A_1, %get3A_10, %dot_general3A_11 {dimension_numbers = #tpu.dot_dimension_numbers<[1], [0], [0], [1], [0, 0, 1, 1], [], []>, transpose_lhs_hint = false} : vector<1000x256xf32>, vector<256x128xf32>, vector<1000x128xf32> -> vector<1000x128xf32>
    %swap3A_13 = arith.constant 0 : index
    %swap3A_14 = arith.constant 0 : index
    %swap3A_15 = vector.load %arg5[%swap3A_13, %swap3A_14] : memref<1000x128xf32, #tpu.memory_space<vmem>>, vector<1000x128xf32>
    tpu.vector_store %arg5[%swap3A_13, %swap3A_14], %dot_general3A_12 {strides = array<i32>} : memref<1000x128xf32, #tpu.memory_space<vmem>>, vector<1000x128xf32>,
    return
  }
  func.func @transform_0(%arg0: i32) -> (i32, i32) {
    %c0_i32 = arith.constant 0 : i32
    %c0_i32_0 = arith.constant 0 : i32
    return %arg0, %c0_i32 : i32, i32
  }
  func.func @transform_1(%arg0: i32) -> (i32, i32) {
    %c0_i32 = arith.constant 0 : i32
    %c0_i32_0 = arith.constant 0 : i32
    %c0_i32_1 = arith.constant 0 : i32
    return %c0_i32, %c0_i32_0 : i32, i32
  }
  func.func @transform_2(%arg0: i32) -> (i32, i32) {
    %c0_i32 = arith.constant 0 : i32
    %c0_i32_0 = arith.constant 0 : i32
    %c0_i32_1 = arith.constant 0 : i32
    return %c0_i32, %c0_i32_0 : i32, i32
  }
  func.func @transform_3(%arg0: i32) -> (i32, i32) {
    %c0_i32 = arith.constant 0 : i32
    %c0_i32_0 = arith.constant 0 : i32
    return %arg0, %c0_i32 : i32, i32
  }
  func.func @transform_4(%arg0: i32) -> (i32, i32) {
    %c0_i32 = arith.constant 0 : i32
    %c0_i32_0 = arith.constant 0 : i32
    return %arg0, %c0_i32 : i32, i32
  }
}

module attributes {stable_mosaic.version = 14 : i64} {
  func.func @_logits_body(%arg0: i32, %arg1: memref<2048x128xf32, #tpu.memory_space<vmem>>, %arg2: memref<2048x128xf32, #tpu.memory_space<vmem>>, %arg3: memref<2048xf32, #tpu.memory_space<vmem>>, %arg4: memref<1x128xf32, #tpu.memory_space<vmem>>, %arg5: memref<128x1xf32, #tpu.memory_space<vmem>>, %arg6: memref<2048xf32, #tpu.memory_space<vmem>>, %arg7: memref<1x128xf32, #tpu.memory_space<vmem>>, %arg8: memref<1x128xf32, #tpu.memory_space<vmem>>) attributes {dimension_semantics = [#tpu.dimension_semantics<arbitrary>], iteration_bounds = array<i64: 40>, scalar_prefetch = 0 : i64, scratch_operands = 1 : i64, tpu.core_type = #tpu.core_type<tc>, window_params = [{transform_indices = @transform_0, window_bounds = array<i64: 2048, 128>}, {transform_indices = @transform_1, window_bounds = array<i64: 2048, 128>}, {transform_indices = @transform_2, window_bounds = array<i64: 2048>}, {pipeline_mode = #tpu.pipeline_mode<synchronous>, transform_indices = @transform_3, window_bounds = array<i64: 1, 128>}, {pipeline_mode = #tpu.pipeline_mode<synchronous>, transform_indices = @transform_4, window_bounds = array<i64: 128, 1>}, {transform_indices = @transform_5, window_bounds = array<i64: 2048>}, {pipeline_mode = #tpu.pipeline_mode<synchronous>, transform_indices = @transform_6, window_bounds = array<i64: 1, 128>}]} {
    %get3A = arith.constant 0 : index
    %get3A_0 = vector.load %arg3[%get3A] : memref<2048xf32, #tpu.memory_space<vmem>>, vector<2048xf32>
    %reshape3A = vector.shape_cast %get3A_0 : vector<2048xf32> to vector<2048x1xf32>
    %get3A_1 = arith.constant 0 : index
    %get3A_2 = arith.constant 0 : index
    %get3A_3 = vector.load %arg1[%get3A_1, %get3A_2] : memref<2048x128xf32, #tpu.memory_space<vmem>>, vector<2048x128xf32>
    %get3A_4 = arith.constant 0 : index
    %get3A_5 = arith.constant 0 : index
    %get3A_6 = vector.load %arg2[%get3A_4, %get3A_5] : memref<2048x128xf32, #tpu.memory_space<vmem>>, vector<2048x128xf32>
    %add3A = arith.addf %get3A_3, %get3A_6 : vector<2048x128xf32>
    %get3A_7 = arith.constant 0 : index
    %get3A_8 = arith.constant 0 : index
    %get3A_9 = vector.load %arg4[%get3A_7, %get3A_8] : memref<1x128xf32, #tpu.memory_space<vmem>>, vector<1x128xf32>
    %mul3A = vector.broadcast %reshape3A : vector<2048x1xf32> to vector<2048x128xf32>
    %mul3A_10 = vector.broadcast %get3A_9 : vector<1x128xf32> to vector<2048x128xf32>
    %mul3A_11 = arith.mulf %mul3A, %mul3A_10 : vector<2048x128xf32>
    %add3A_12 = arith.addf %add3A, %mul3A_11 : vector<2048x128xf32>
    %mul3A_13 = arith.constant 2.000000e-01 : f32
    %mul3A_14 = vector.broadcast %mul3A_13 : f32 to vector<2048x128xf32>
    %mul3A_15 = arith.mulf %add3A_12, %mul3A_14 : vector<2048x128xf32>
    %max3A = arith.maximumf %add3A_12, %mul3A_15 : vector<2048x128xf32>
    %get3A_16 = arith.constant 0 : index
    %get3A_17 = arith.constant 0 : index
    %get3A_18 = vector.load %arg5[%get3A_16, %get3A_17] : memref<128x1xf32, #tpu.memory_space<vmem>>, vector<128x1xf32>
    %dot_general3A = arith.constant dense<0.000000e+00> : vector<2048x1xf32>
    %dot_general3A_19 = tpu.matmul %max3A, %get3A_18, %dot_general3A {dimension_numbers = #tpu.dot_dimension_numbers<[1], [0], [0], [1], [0, 0, 1, 1], [], []>, transpose_lhs_hint = false} : vector<2048x128xf32>, vector<128x1xf32>, vector<2048x1xf32> -> vector<2048x1xf32>
    %reshape3A_20 = vector.shape_cast %dot_general3A_19 : vector<2048x1xf32> to vector<2048xf32>
    %swap3A = arith.constant 0 : index
    %swap3A_21 = vector.load %arg6[%swap3A] : memref<2048xf32, #tpu.memory_space<vmem>>, vector<2048xf32>
    tpu.vector_store %arg6[%swap3A], %reshape3A_20 {strides = array<i32>} : memref<2048xf32, #tpu.memory_space<vmem>>, vector<2048xf32>,
    %eq3A = arith.constant 0 : i32
    %eq3A_22 = arith.cmpi eq, %arg0, %eq3A : i32
    %convert_element_type3A = arith.extui %eq3A_22 : i1 to i32
    %cond3A = arith.constant 0 : i32
    %cond3A_23 = arith.cmpi ne, %convert_element_type3A, %cond3A : i32
    scf.if %cond3A_23 {
      %broadcast_in_dim3A = arith.constant 0xFF800000 : f32
      %broadcast_in_dim3A_41 = vector.broadcast %broadcast_in_dim3A : f32 to vector<1x128xf32>
      %swap3A_42 = arith.constant 0 : index
      %swap3A_43 = arith.constant 0 : index
      %swap3A_44 = vector.load %arg8[%swap3A_42, %swap3A_43] : memref<1x128xf32, #tpu.memory_space<vmem>>, vector<1x128xf32>
      tpu.vector_store %arg8[%swap3A_42, %swap3A_43], %broadcast_in_dim3A_41 {strides = array<i32>} : memref<1x128xf32, #tpu.memory_space<vmem>>, vector<1x128xf32>,
    } else {
    }
    %get3A_24 = arith.constant 0 : index
    %get3A_25 = arith.constant 0 : index
    %get3A_26 = vector.load %arg8[%get3A_24, %get3A_25] : memref<1x128xf32, #tpu.memory_space<vmem>>, vector<1x128xf32>
    %reduce_max3A = vector.shape_cast %dot_general3A_19 : vector<2048x1xf32> to vector<1x2048x1xf32>
    %reduce_max3A_27 = arith.constant dense<0xFF800000> : vector<1xf32>
    %reduce_max3A_28 = vector.multi_reduction <maximumf>, %reduce_max3A, %reduce_max3A_27 [1, 2] : vector<1x2048x1xf32> to vector<1xf32>
    %reduce_max3A_29 = vector.shape_cast %reduce_max3A_28 : vector<1xf32> to vector<1x1x1xf32>
    %reduce_max3A_30 = vector.extract %reduce_max3A_29[0, 0, 0] : f32 from vector<1x1x1xf32>
    %max3A_31 = vector.broadcast %reduce_max3A_30 : f32 to vector<1x128xf32>
    %max3A_32 = arith.maximumf %get3A_26, %max3A_31 : vector<1x128xf32>
    %swap3A_33 = arith.constant 0 : index
    %swap3A_34 = arith.constant 0 : index
    %swap3A_35 = vector.load %arg8[%swap3A_33, %swap3A_34] : memref<1x128xf32, #tpu.memory_space<vmem>>, vector<1x128xf32>
    tpu.vector_store %arg8[%swap3A_33, %swap3A_34], %max3A_32 {strides = array<i32>} : memref<1x128xf32, #tpu.memory_space<vmem>>, vector<1x128xf32>,
    %eq3A_36 = arith.constant 39 : i32
    %eq3A_37 = arith.cmpi eq, %arg0, %eq3A_36 : i32
    %convert_element_type3A_38 = arith.extui %eq3A_37 : i1 to i32
    %cond3A_39 = arith.constant 0 : i32
    %cond3A_40 = arith.cmpi ne, %convert_element_type3A_38, %cond3A_39 : i32
    scf.if %cond3A_40 {
      %get3A_41 = arith.constant 0 : index
      %get3A_42 = arith.constant 0 : index
      %get3A_43 = vector.load %arg8[%get3A_41, %get3A_42] : memref<1x128xf32, #tpu.memory_space<vmem>>, vector<1x128xf32>
      %swap3A_44 = arith.constant 0 : index
      %swap3A_45 = arith.constant 0 : index
      %swap3A_46 = vector.load %arg7[%swap3A_44, %swap3A_45] : memref<1x128xf32, #tpu.memory_space<vmem>>, vector<1x128xf32>
      tpu.vector_store %arg7[%swap3A_44, %swap3A_45], %get3A_43 {strides = array<i32>} : memref<1x128xf32, #tpu.memory_space<vmem>>, vector<1x128xf32>,
    } else {
    }
    return
  }
  func.func @transform_0(%arg0: i32) -> (i32, i32) {
    %c0_i32 = arith.constant 0 : i32
    %c0_i32_0 = arith.constant 0 : i32
    return %arg0, %c0_i32 : i32, i32
  }
  func.func @transform_1(%arg0: i32) -> (i32, i32) {
    %c0_i32 = arith.constant 0 : i32
    %c0_i32_0 = arith.constant 0 : i32
    return %arg0, %c0_i32 : i32, i32
  }
  func.func @transform_2(%arg0: i32) -> i32 {
    %c0_i32 = arith.constant 0 : i32
    return %arg0 : i32
  }
  func.func @transform_3(%arg0: i32) -> (i32, i32) {
    %c0_i32 = arith.constant 0 : i32
    %c0_i32_0 = arith.constant 0 : i32
    %c0_i32_1 = arith.constant 0 : i32
    return %c0_i32, %c0_i32_0 : i32, i32
  }
  func.func @transform_4(%arg0: i32) -> (i32, i32) {
    %c0_i32 = arith.constant 0 : i32
    %c0_i32_0 = arith.constant 0 : i32
    %c0_i32_1 = arith.constant 0 : i32
    return %c0_i32, %c0_i32_0 : i32, i32
  }
  func.func @transform_5(%arg0: i32) -> i32 {
    %c0_i32 = arith.constant 0 : i32
    return %arg0 : i32
  }
  func.func @transform_6(%arg0: i32) -> (i32, i32) {
    %c0_i32 = arith.constant 0 : i32
    %c0_i32_0 = arith.constant 0 : i32
    %c0_i32_1 = arith.constant 0 : i32
    return %c0_i32, %c0_i32_0 : i32, i32
  }
}

module attributes {stable_mosaic.version = 14 : i64} {
  func.func @_logits_body(%arg0: i32, %arg1: memref<2048x128xf32, #tpu.memory_space<vmem>>, %arg2: memref<2048x128xf32, #tpu.memory_space<vmem>>, %arg3: memref<2048xf32, #tpu.memory_space<vmem>>, %arg4: memref<1x128xf32, #tpu.memory_space<vmem>>, %arg5: memref<128x1xf32, #tpu.memory_space<vmem>>, %arg6: memref<2048xf32, #tpu.memory_space<vmem>>, %arg7: memref<1x128xf32, #tpu.memory_space<vmem>>, %arg8: memref<1x128xf32, #tpu.memory_space<vmem>>) attributes {dimension_semantics = [#tpu.dimension_semantics<arbitrary>], iteration_bounds = array<i64: 39>, scalar_prefetch = 0 : i64, scratch_operands = 1 : i64, tpu.core_type = #tpu.core_type<tc>, window_params = [{transform_indices = @transform_0, window_bounds = array<i64: 2048, 128>}, {transform_indices = @transform_1, window_bounds = array<i64: 2048, 128>}, {transform_indices = @transform_2, window_bounds = array<i64: 2048>}, {pipeline_mode = #tpu.pipeline_mode<synchronous>, transform_indices = @transform_3, window_bounds = array<i64: 1, 128>}, {pipeline_mode = #tpu.pipeline_mode<synchronous>, transform_indices = @transform_4, window_bounds = array<i64: 128, 1>}, {transform_indices = @transform_5, window_bounds = array<i64: 2048>}, {pipeline_mode = #tpu.pipeline_mode<synchronous>, transform_indices = @transform_6, window_bounds = array<i64: 1, 128>}]} {
    %get3A = arith.constant 0 : index
    %get3A_0 = vector.load %arg3[%get3A] : memref<2048xf32, #tpu.memory_space<vmem>>, vector<2048xf32>
    %reshape3A = vector.shape_cast %get3A_0 : vector<2048xf32> to vector<2048x1xf32>
    %get3A_1 = arith.constant 0 : index
    %get3A_2 = arith.constant 0 : index
    %get3A_3 = vector.load %arg1[%get3A_1, %get3A_2] : memref<2048x128xf32, #tpu.memory_space<vmem>>, vector<2048x128xf32>
    %get3A_4 = arith.constant 0 : index
    %get3A_5 = arith.constant 0 : index
    %get3A_6 = vector.load %arg2[%get3A_4, %get3A_5] : memref<2048x128xf32, #tpu.memory_space<vmem>>, vector<2048x128xf32>
    %add3A = arith.addf %get3A_3, %get3A_6 : vector<2048x128xf32>
    %get3A_7 = arith.constant 0 : index
    %get3A_8 = arith.constant 0 : index
    %get3A_9 = vector.load %arg4[%get3A_7, %get3A_8] : memref<1x128xf32, #tpu.memory_space<vmem>>, vector<1x128xf32>
    %mul3A = vector.broadcast %reshape3A : vector<2048x1xf32> to vector<2048x128xf32>
    %mul3A_10 = vector.broadcast %get3A_9 : vector<1x128xf32> to vector<2048x128xf32>
    %mul3A_11 = arith.mulf %mul3A, %mul3A_10 : vector<2048x128xf32>
    %add3A_12 = arith.addf %add3A, %mul3A_11 : vector<2048x128xf32>
    %mul3A_13 = arith.constant 2.000000e-01 : f32
    %mul3A_14 = vector.broadcast %mul3A_13 : f32 to vector<2048x128xf32>
    %mul3A_15 = arith.mulf %add3A_12, %mul3A_14 : vector<2048x128xf32>
    %max3A = arith.maximumf %add3A_12, %mul3A_15 : vector<2048x128xf32>
    %get3A_16 = arith.constant 0 : index
    %get3A_17 = arith.constant 0 : index
    %get3A_18 = vector.load %arg5[%get3A_16, %get3A_17] : memref<128x1xf32, #tpu.memory_space<vmem>>, vector<128x1xf32>
    %dot_general3A = arith.constant dense<0.000000e+00> : vector<2048x1xf32>
    %dot_general3A_19 = tpu.matmul %max3A, %get3A_18, %dot_general3A {dimension_numbers = #tpu.dot_dimension_numbers<[1], [0], [0], [1], [0, 0, 1, 1], [], []>, transpose_lhs_hint = false} : vector<2048x128xf32>, vector<128x1xf32>, vector<2048x1xf32> -> vector<2048x1xf32>
    %reshape3A_20 = vector.shape_cast %dot_general3A_19 : vector<2048x1xf32> to vector<2048xf32>
    %swap3A = arith.constant 0 : index
    %swap3A_21 = vector.load %arg6[%swap3A] : memref<2048xf32, #tpu.memory_space<vmem>>, vector<2048xf32>
    tpu.vector_store %arg6[%swap3A], %reshape3A_20 {strides = array<i32>} : memref<2048xf32, #tpu.memory_space<vmem>>, vector<2048xf32>,
    %eq3A = arith.constant 0 : i32
    %eq3A_22 = arith.cmpi eq, %arg0, %eq3A : i32
    %convert_element_type3A = arith.extui %eq3A_22 : i1 to i32
    %cond3A = arith.constant 0 : i32
    %cond3A_23 = arith.cmpi ne, %convert_element_type3A, %cond3A : i32
    scf.if %cond3A_23 {
      %broadcast_in_dim3A = arith.constant 0xFF800000 : f32
      %broadcast_in_dim3A_41 = vector.broadcast %broadcast_in_dim3A : f32 to vector<1x128xf32>
      %swap3A_42 = arith.constant 0 : index
      %swap3A_43 = arith.constant 0 : index
      %swap3A_44 = vector.load %arg8[%swap3A_42, %swap3A_43] : memref<1x128xf32, #tpu.memory_space<vmem>>, vector<1x128xf32>
      tpu.vector_store %arg8[%swap3A_42, %swap3A_43], %broadcast_in_dim3A_41 {strides = array<i32>} : memref<1x128xf32, #tpu.memory_space<vmem>>, vector<1x128xf32>,
    } else {
    }
    %get3A_24 = arith.constant 0 : index
    %get3A_25 = arith.constant 0 : index
    %get3A_26 = vector.load %arg8[%get3A_24, %get3A_25] : memref<1x128xf32, #tpu.memory_space<vmem>>, vector<1x128xf32>
    %reduce_max3A = vector.shape_cast %dot_general3A_19 : vector<2048x1xf32> to vector<1x2048x1xf32>
    %reduce_max3A_27 = arith.constant dense<0xFF800000> : vector<1xf32>
    %reduce_max3A_28 = vector.multi_reduction <maximumf>, %reduce_max3A, %reduce_max3A_27 [1, 2] : vector<1x2048x1xf32> to vector<1xf32>
    %reduce_max3A_29 = vector.shape_cast %reduce_max3A_28 : vector<1xf32> to vector<1x1x1xf32>
    %reduce_max3A_30 = vector.extract %reduce_max3A_29[0, 0, 0] : f32 from vector<1x1x1xf32>
    %max3A_31 = vector.broadcast %reduce_max3A_30 : f32 to vector<1x128xf32>
    %max3A_32 = arith.maximumf %get3A_26, %max3A_31 : vector<1x128xf32>
    %swap3A_33 = arith.constant 0 : index
    %swap3A_34 = arith.constant 0 : index
    %swap3A_35 = vector.load %arg8[%swap3A_33, %swap3A_34] : memref<1x128xf32, #tpu.memory_space<vmem>>, vector<1x128xf32>
    tpu.vector_store %arg8[%swap3A_33, %swap3A_34], %max3A_32 {strides = array<i32>} : memref<1x128xf32, #tpu.memory_space<vmem>>, vector<1x128xf32>,
    %eq3A_36 = arith.constant 38 : i32
    %eq3A_37 = arith.cmpi eq, %arg0, %eq3A_36 : i32
    %convert_element_type3A_38 = arith.extui %eq3A_37 : i1 to i32
    %cond3A_39 = arith.constant 0 : i32
    %cond3A_40 = arith.cmpi ne, %convert_element_type3A_38, %cond3A_39 : i32
    scf.if %cond3A_40 {
      %get3A_41 = arith.constant 0 : index
      %get3A_42 = arith.constant 0 : index
      %get3A_43 = vector.load %arg8[%get3A_41, %get3A_42] : memref<1x128xf32, #tpu.memory_space<vmem>>, vector<1x128xf32>
      %swap3A_44 = arith.constant 0 : index
      %swap3A_45 = arith.constant 0 : index
      %swap3A_46 = vector.load %arg7[%swap3A_44, %swap3A_45] : memref<1x128xf32, #tpu.memory_space<vmem>>, vector<1x128xf32>
      tpu.vector_store %arg7[%swap3A_44, %swap3A_45], %get3A_43 {strides = array<i32>} : memref<1x128xf32, #tpu.memory_space<vmem>>, vector<1x128xf32>,
    } else {
    }
    return
  }
  func.func @transform_0(%arg0: i32) -> (i32, i32) {
    %c0_i32 = arith.constant 0 : i32
    %c0_i32_0 = arith.constant 0 : i32
    return %arg0, %c0_i32 : i32, i32
  }
  func.func @transform_1(%arg0: i32) -> (i32, i32) {
    %c0_i32 = arith.constant 0 : i32
    %c0_i32_0 = arith.constant 0 : i32
    return %arg0, %c0_i32 : i32, i32
  }
  func.func @transform_2(%arg0: i32) -> i32 {
    %c0_i32 = arith.constant 0 : i32
    return %arg0 : i32
  }
  func.func @transform_3(%arg0: i32) -> (i32, i32) {
    %c0_i32 = arith.constant 0 : i32
    %c0_i32_0 = arith.constant 0 : i32
    %c0_i32_1 = arith.constant 0 : i32
    return %c0_i32, %c0_i32_0 : i32, i32
  }
  func.func @transform_4(%arg0: i32) -> (i32, i32) {
    %c0_i32 = arith.constant 0 : i32
    %c0_i32_0 = arith.constant 0 : i32
    %c0_i32_1 = arith.constant 0 : i32
    return %c0_i32, %c0_i32_0 : i32, i32
  }
  func.func @transform_5(%arg0: i32) -> i32 {
    %c0_i32 = arith.constant 0 : i32
    return %arg0 : i32
  }
  func.func @transform_6(%arg0: i32) -> (i32, i32) {
    %c0_i32 = arith.constant 0 : i32
    %c0_i32_0 = arith.constant 0 : i32
    %c0_i32_1 = arith.constant 0 : i32
    return %c0_i32, %c0_i32_0 : i32, i32
  }
}

module attributes {stable_mosaic.version = 14 : i64} {
  func.func @_scale_body(%arg0: i32, %arg1: memref<2048xf32, #tpu.memory_space<vmem>>, %arg2: memref<2048x128xf32, #tpu.memory_space<vmem>>, %arg3: memref<1x128xf32, #tpu.memory_space<vmem>>, %arg4: memref<1x128xf32, #tpu.memory_space<vmem>>, %arg5: memref<2048xf32, #tpu.memory_space<vmem>>, %arg6: memref<2048x128xf32, #tpu.memory_space<vmem>>) attributes {dimension_semantics = [#tpu.dimension_semantics<arbitrary>], iteration_bounds = array<i64: 40>, scalar_prefetch = 0 : i64, scratch_operands = 0 : i64, tpu.core_type = #tpu.core_type<tc>, window_params = [{transform_indices = @transform_0, window_bounds = array<i64: 2048>}, {transform_indices = @transform_1, window_bounds = array<i64: 2048, 128>}, {pipeline_mode = #tpu.pipeline_mode<synchronous>, transform_indices = @transform_2, window_bounds = array<i64: 1, 128>}, {pipeline_mode = #tpu.pipeline_mode<synchronous>, transform_indices = @transform_3, window_bounds = array<i64: 1, 128>}, {transform_indices = @transform_4, window_bounds = array<i64: 2048>}, {transform_indices = @transform_5, window_bounds = array<i64: 2048, 128>}]} {
    %get3A = arith.constant 0 : index
    %get3A_0 = arith.constant 0 : index
    %get3A_1 = vector.load %arg3[%get3A, %get3A_0] : memref<1x128xf32, #tpu.memory_space<vmem>>, vector<1x128xf32>
    %reduce_max3A = vector.shape_cast %get3A_1 : vector<1x128xf32> to vector<1x1x128xf32>
    %reduce_max3A_2 = arith.constant dense<0xFF800000> : vector<1xf32>
    %reduce_max3A_3 = vector.multi_reduction <maximumf>, %reduce_max3A, %reduce_max3A_2 [1, 2] : vector<1x1x128xf32> to vector<1xf32>
    %reduce_max3A_4 = vector.shape_cast %reduce_max3A_3 : vector<1xf32> to vector<1x1x1xf32>
    %reduce_max3A_5 = vector.extract %reduce_max3A_4[0, 0, 0] : f32 from vector<1x1x1xf32>
    %get3A_6 = arith.constant 0 : index
    %get3A_7 = arith.constant 0 : index
    %get3A_8 = vector.load %arg4[%get3A_6, %get3A_7] : memref<1x128xf32, #tpu.memory_space<vmem>>, vector<1x128xf32>
    %reduce_max3A_9 = vector.shape_cast %get3A_8 : vector<1x128xf32> to vector<1x1x128xf32>
    %reduce_max3A_10 = arith.constant dense<0xFF800000> : vector<1xf32>
    %reduce_max3A_11 = vector.multi_reduction <maximumf>, %reduce_max3A_9, %reduce_max3A_10 [1, 2] : vector<1x1x128xf32> to vector<1xf32>
    %reduce_max3A_12 = vector.shape_cast %reduce_max3A_11 : vector<1xf32> to vector<1x1x1xf32>
    %reduce_max3A_13 = vector.extract %reduce_max3A_12[0, 0, 0] : f32 from vector<1x1x1xf32>
    %max3A = arith.maximumf %reduce_max3A_5, %reduce_max3A_13 : f32
    %get3A_14 = arith.constant 0 : index
    %get3A_15 = vector.load %arg1[%get3A_14] : memref<2048xf32, #tpu.memory_space<vmem>>, vector<2048xf32>
    %sub3A = vector.broadcast %max3A : f32 to vector<2048xf32>
    %sub3A_16 = arith.subf %get3A_15, %sub3A : vector<2048xf32>
    %exp3A = math.exp %sub3A_16 : vector<2048xf32>
    %swap3A = arith.constant 0 : index
    %swap3A_17 = vector.load %arg5[%swap3A] : memref<2048xf32, #tpu.memory_space<vmem>>, vector<2048xf32>
    tpu.vector_store %arg5[%swap3A], %exp3A {strides = array<i32>} : memref<2048xf32, #tpu.memory_space<vmem>>, vector<2048xf32>,
    %get3A_18 = arith.constant 0 : index
    %get3A_19 = arith.constant 0 : index
    %get3A_20 = vector.load %arg2[%get3A_18, %get3A_19] : memref<2048x128xf32, #tpu.memory_space<vmem>>, vector<2048x128xf32>
    %reshape3A = vector.shape_cast %exp3A : vector<2048xf32> to vector<2048x1xf32>
    %mul3A = vector.broadcast %reshape3A : vector<2048x1xf32> to vector<2048x128xf32>
    %mul3A_21 = arith.mulf %get3A_20, %mul3A : vector<2048x128xf32>
    %swap3A_22 = arith.constant 0 : index
    %swap3A_23 = arith.constant 0 : index
    %swap3A_24 = vector.load %arg6[%swap3A_22, %swap3A_23] : memref<2048x128xf32, #tpu.memory_space<vmem>>, vector<2048x128xf32>
    tpu.vector_store %arg6[%swap3A_22, %swap3A_23], %mul3A_21 {strides = array<i32>} : memref<2048x128xf32, #tpu.memory_space<vmem>>, vector<2048x128xf32>,
    return
  }
  func.func @transform_0(%arg0: i32) -> i32 {
    %c0_i32 = arith.constant 0 : i32
    return %arg0 : i32
  }
  func.func @transform_1(%arg0: i32) -> (i32, i32) {
    %c0_i32 = arith.constant 0 : i32
    %c0_i32_0 = arith.constant 0 : i32
    return %arg0, %c0_i32 : i32, i32
  }
  func.func @transform_2(%arg0: i32) -> (i32, i32) {
    %c0_i32 = arith.constant 0 : i32
    %c0_i32_0 = arith.constant 0 : i32
    %c0_i32_1 = arith.constant 0 : i32
    return %c0_i32, %c0_i32_0 : i32, i32
  }
  func.func @transform_3(%arg0: i32) -> (i32, i32) {
    %c0_i32 = arith.constant 0 : i32
    %c0_i32_0 = arith.constant 0 : i32
    %c0_i32_1 = arith.constant 0 : i32
    return %c0_i32, %c0_i32_0 : i32, i32
  }
  func.func @transform_4(%arg0: i32) -> i32 {
    %c0_i32 = arith.constant 0 : i32
    return %arg0 : i32
  }
  func.func @transform_5(%arg0: i32) -> (i32, i32) {
    %c0_i32 = arith.constant 0 : i32
    %c0_i32_0 = arith.constant 0 : i32
    return %arg0, %c0_i32 : i32, i32
  }
}

module attributes {stable_mosaic.version = 14 : i64} {
  func.func @_scale_body(%arg0: i32, %arg1: memref<2048xf32, #tpu.memory_space<vmem>>, %arg2: memref<2048x128xf32, #tpu.memory_space<vmem>>, %arg3: memref<1x128xf32, #tpu.memory_space<vmem>>, %arg4: memref<1x128xf32, #tpu.memory_space<vmem>>, %arg5: memref<2048xf32, #tpu.memory_space<vmem>>, %arg6: memref<2048x128xf32, #tpu.memory_space<vmem>>) attributes {dimension_semantics = [#tpu.dimension_semantics<arbitrary>], iteration_bounds = array<i64: 39>, scalar_prefetch = 0 : i64, scratch_operands = 0 : i64, tpu.core_type = #tpu.core_type<tc>, window_params = [{transform_indices = @transform_0, window_bounds = array<i64: 2048>}, {transform_indices = @transform_1, window_bounds = array<i64: 2048, 128>}, {pipeline_mode = #tpu.pipeline_mode<synchronous>, transform_indices = @transform_2, window_bounds = array<i64: 1, 128>}, {pipeline_mode = #tpu.pipeline_mode<synchronous>, transform_indices = @transform_3, window_bounds = array<i64: 1, 128>}, {transform_indices = @transform_4, window_bounds = array<i64: 2048>}, {transform_indices = @transform_5, window_bounds = array<i64: 2048, 128>}]} {
    %get3A = arith.constant 0 : index
    %get3A_0 = arith.constant 0 : index
    %get3A_1 = vector.load %arg3[%get3A, %get3A_0] : memref<1x128xf32, #tpu.memory_space<vmem>>, vector<1x128xf32>
    %reduce_max3A = vector.shape_cast %get3A_1 : vector<1x128xf32> to vector<1x1x128xf32>
    %reduce_max3A_2 = arith.constant dense<0xFF800000> : vector<1xf32>
    %reduce_max3A_3 = vector.multi_reduction <maximumf>, %reduce_max3A, %reduce_max3A_2 [1, 2] : vector<1x1x128xf32> to vector<1xf32>
    %reduce_max3A_4 = vector.shape_cast %reduce_max3A_3 : vector<1xf32> to vector<1x1x1xf32>
    %reduce_max3A_5 = vector.extract %reduce_max3A_4[0, 0, 0] : f32 from vector<1x1x1xf32>
    %get3A_6 = arith.constant 0 : index
    %get3A_7 = arith.constant 0 : index
    %get3A_8 = vector.load %arg4[%get3A_6, %get3A_7] : memref<1x128xf32, #tpu.memory_space<vmem>>, vector<1x128xf32>
    %reduce_max3A_9 = vector.shape_cast %get3A_8 : vector<1x128xf32> to vector<1x1x128xf32>
    %reduce_max3A_10 = arith.constant dense<0xFF800000> : vector<1xf32>
    %reduce_max3A_11 = vector.multi_reduction <maximumf>, %reduce_max3A_9, %reduce_max3A_10 [1, 2] : vector<1x1x128xf32> to vector<1xf32>
    %reduce_max3A_12 = vector.shape_cast %reduce_max3A_11 : vector<1xf32> to vector<1x1x1xf32>
    %reduce_max3A_13 = vector.extract %reduce_max3A_12[0, 0, 0] : f32 from vector<1x1x1xf32>
    %max3A = arith.maximumf %reduce_max3A_5, %reduce_max3A_13 : f32
    %get3A_14 = arith.constant 0 : index
    %get3A_15 = vector.load %arg1[%get3A_14] : memref<2048xf32, #tpu.memory_space<vmem>>, vector<2048xf32>
    %sub3A = vector.broadcast %max3A : f32 to vector<2048xf32>
    %sub3A_16 = arith.subf %get3A_15, %sub3A : vector<2048xf32>
    %exp3A = math.exp %sub3A_16 : vector<2048xf32>
    %swap3A = arith.constant 0 : index
    %swap3A_17 = vector.load %arg5[%swap3A] : memref<2048xf32, #tpu.memory_space<vmem>>, vector<2048xf32>
    tpu.vector_store %arg5[%swap3A], %exp3A {strides = array<i32>} : memref<2048xf32, #tpu.memory_space<vmem>>, vector<2048xf32>,
    %get3A_18 = arith.constant 0 : index
    %get3A_19 = arith.constant 0 : index
    %get3A_20 = vector.load %arg2[%get3A_18, %get3A_19] : memref<2048x128xf32, #tpu.memory_space<vmem>>, vector<2048x128xf32>
    %reshape3A = vector.shape_cast %exp3A : vector<2048xf32> to vector<2048x1xf32>
    %mul3A = vector.broadcast %reshape3A : vector<2048x1xf32> to vector<2048x128xf32>
    %mul3A_21 = arith.mulf %get3A_20, %mul3A : vector<2048x128xf32>
    %swap3A_22 = arith.constant 0 : index
    %swap3A_23 = arith.constant 0 : index
    %swap3A_24 = vector.load %arg6[%swap3A_22, %swap3A_23] : memref<2048x128xf32, #tpu.memory_space<vmem>>, vector<2048x128xf32>
    tpu.vector_store %arg6[%swap3A_22, %swap3A_23], %mul3A_21 {strides = array<i32>} : memref<2048x128xf32, #tpu.memory_space<vmem>>, vector<2048x128xf32>,
    return
  }
  func.func @transform_0(%arg0: i32) -> i32 {
    %c0_i32 = arith.constant 0 : i32
    return %arg0 : i32
  }
  func.func @transform_1(%arg0: i32) -> (i32, i32) {
    %c0_i32 = arith.constant 0 : i32
    %c0_i32_0 = arith.constant 0 : i32
    return %arg0, %c0_i32 : i32, i32
  }
  func.func @transform_2(%arg0: i32) -> (i32, i32) {
    %c0_i32 = arith.constant 0 : i32
    %c0_i32_0 = arith.constant 0 : i32
    %c0_i32_1 = arith.constant 0 : i32
    return %c0_i32, %c0_i32_0 : i32, i32
  }
  func.func @transform_3(%arg0: i32) -> (i32, i32) {
    %c0_i32 = arith.constant 0 : i32
    %c0_i32_0 = arith.constant 0 : i32
    %c0_i32_1 = arith.constant 0 : i32
    return %c0_i32, %c0_i32_0 : i32, i32
  }
  func.func @transform_4(%arg0: i32) -> i32 {
    %c0_i32 = arith.constant 0 : i32
    return %arg0 : i32
  }
  func.func @transform_5(%arg0: i32) -> (i32, i32) {
    %c0_i32 = arith.constant 0 : i32
    %c0_i32_0 = arith.constant 0 : i32
    return %arg0, %c0_i32 : i32, i32
  }
}

module attributes {stable_mosaic.version = 14 : i64} {
  func.func @_finish_body(%arg0: i32, %arg1: memref<2x1000x128xf32, #tpu.memory_space<vmem>>, %arg2: memref<2x1000x128xf32, #tpu.memory_space<vmem>>, %arg3: memref<1000x1xf32, #tpu.memory_space<vmem>>, %arg4: memref<1000x1xf32, #tpu.memory_space<vmem>>, %arg5: memref<1000x1xf32, #tpu.memory_space<vmem>>, %arg6: memref<1000x1xf32, #tpu.memory_space<vmem>>, %arg7: memref<1000x1xi32, #tpu.memory_space<vmem>>, %arg8: memref<1x128xf32, #tpu.memory_space<vmem>>, %arg9: memref<128x10xf32, #tpu.memory_space<vmem>>, %arg10: memref<1x10xf32, #tpu.memory_space<vmem>>, %arg11: memref<64x10xf32, #tpu.memory_space<vmem>>, %arg12: memref<64x128xf32, #tpu.memory_space<vmem>>, %arg13: memref<64x128xf32, #tpu.memory_space<vmem>>) attributes {dimension_semantics = [#tpu.dimension_semantics<arbitrary>], iteration_bounds = array<i64: 10>, scalar_prefetch = 0 : i64, scratch_operands = 2 : i64, tpu.core_type = #tpu.core_type<tc>, window_params = [{transform_indices = @transform_0, window_bounds = array<i64: 2, 1000, 128>}, {transform_indices = @transform_1, window_bounds = array<i64: 2, 1000, 128>}, {transform_indices = @transform_2, window_bounds = array<i64: 1000, 1>}, {transform_indices = @transform_3, window_bounds = array<i64: 1000, 1>}, {transform_indices = @transform_4, window_bounds = array<i64: 1000, 1>}, {transform_indices = @transform_5, window_bounds = array<i64: 1000, 1>}, {transform_indices = @transform_6, window_bounds = array<i64: 1000, 1>}, {pipeline_mode = #tpu.pipeline_mode<synchronous>, transform_indices = @transform_7, window_bounds = array<i64: 1, 128>}, {pipeline_mode = #tpu.pipeline_mode<synchronous>, transform_indices = @transform_8, window_bounds = array<i64: 128, 10>}, {pipeline_mode = #tpu.pipeline_mode<synchronous>, transform_indices = @transform_9, window_bounds = array<i64: 1, 10>}, {pipeline_mode = #tpu.pipeline_mode<synchronous>, transform_indices = @transform_10, window_bounds = array<i64: 64, 10>}]} {
    %eq3A = arith.constant 0 : i32
    %eq3A_0 = arith.cmpi eq, %arg0, %eq3A : i32
    %convert_element_type3A = arith.extui %eq3A_0 : i1 to i32
    %cond3A = arith.constant 0 : i32
    %cond3A_1 = arith.cmpi ne, %convert_element_type3A, %cond3A : i32
    scf.if %cond3A_1 {
      %broadcast_in_dim3A_79 = arith.constant 0.000000e+00 : f32
      %broadcast_in_dim3A_80 = vector.broadcast %broadcast_in_dim3A_79 : f32 to vector<64x128xf32>
      %swap3A_81 = arith.constant 0 : index
      %swap3A_82 = arith.constant 0 : index
      %swap3A_83 = vector.load %arg12[%swap3A_81, %swap3A_82] : memref<64x128xf32, #tpu.memory_space<vmem>>, vector<64x128xf32>
      tpu.vector_store %arg12[%swap3A_81, %swap3A_82], %broadcast_in_dim3A_80 {strides = array<i32>} : memref<64x128xf32, #tpu.memory_space<vmem>>, vector<64x128xf32>,
      %broadcast_in_dim3A_84 = arith.constant 0.000000e+00 : f32
      %broadcast_in_dim3A_85 = vector.broadcast %broadcast_in_dim3A_84 : f32 to vector<64x128xf32>
      %swap3A_86 = arith.constant 0 : index
      %swap3A_87 = arith.constant 0 : index
      %swap3A_88 = vector.load %arg13[%swap3A_86, %swap3A_87] : memref<64x128xf32, #tpu.memory_space<vmem>>, vector<64x128xf32>
      tpu.vector_store %arg13[%swap3A_86, %swap3A_87], %broadcast_in_dim3A_85 {strides = array<i32>} : memref<64x128xf32, #tpu.memory_space<vmem>>, vector<64x128xf32>,
    } else {
    }
    %get3A = arith.constant 0 : index
    %get3A_2 = arith.constant 0 : index
    %get3A_3 = vector.load %arg3[%get3A, %get3A_2] : memref<1000x1xf32, #tpu.memory_space<vmem>>, vector<1000x1xf32>
    %get3A_4 = arith.constant 0 : index
    %get3A_5 = arith.constant 0 : index
    %get3A_6 = vector.load %arg4[%get3A_4, %get3A_5] : memref<1000x1xf32, #tpu.memory_space<vmem>>, vector<1000x1xf32>
    %add3A = arith.addf %get3A_3, %get3A_6 : vector<1000x1xf32>
    %get3A_7 = arith.constant 0 : index
    %get3A_8 = arith.constant 0 : index
    %get3A_9 = vector.load %arg5[%get3A_7, %get3A_8] : memref<1000x1xf32, #tpu.memory_space<vmem>>, vector<1000x1xf32>
    %add3A_10 = arith.addf %add3A, %get3A_9 : vector<1000x1xf32>
    %get3A_11 = arith.constant 0 : index
    %get3A_12 = arith.constant 0 : index
    %get3A_13 = vector.load %arg6[%get3A_11, %get3A_12] : memref<1000x1xf32, #tpu.memory_space<vmem>>, vector<1000x1xf32>
    %add3A_14 = arith.addf %add3A_10, %get3A_13 : vector<1000x1xf32>
    %add3A_15 = arith.constant 1.000000e-16 : f32
    %add3A_16 = vector.broadcast %add3A_15 : f32 to vector<1000x1xf32>
    %add3A_17 = arith.addf %add3A_14, %add3A_16 : vector<1000x1xf32>
    %get3A_18 = arith.constant 0 : index
    %get3A_19 = arith.constant 0 : index
    %get3A_20 = arith.constant 0 : index
    %get3A_21 = vector.load %arg1[%get3A_18, %get3A_19, %get3A_20] : memref<2x1000x128xf32, #tpu.memory_space<vmem>>, vector<1x1000x128xf32>
    %get3A_22 = vector.shape_cast %get3A_21 : vector<1x1000x128xf32> to vector<1000x128xf32>
    %get3A_23 = arith.constant 1 : index
    %get3A_24 = arith.constant 0 : index
    %get3A_25 = arith.constant 0 : index
    %get3A_26 = vector.load %arg1[%get3A_23, %get3A_24, %get3A_25] : memref<2x1000x128xf32, #tpu.memory_space<vmem>>, vector<1x1000x128xf32>
    %get3A_27 = vector.shape_cast %get3A_26 : vector<1x1000x128xf32> to vector<1000x128xf32>
    %add3A_28 = arith.addf %get3A_22, %get3A_27 : vector<1000x128xf32>
    %get3A_29 = arith.constant 0 : index
    %get3A_30 = arith.constant 0 : index
    %get3A_31 = arith.constant 0 : index
    %get3A_32 = vector.load %arg2[%get3A_29, %get3A_30, %get3A_31] : memref<2x1000x128xf32, #tpu.memory_space<vmem>>, vector<1x1000x128xf32>
    %get3A_33 = vector.shape_cast %get3A_32 : vector<1x1000x128xf32> to vector<1000x128xf32>
    %add3A_34 = arith.addf %add3A_28, %get3A_33 : vector<1000x128xf32>
    %get3A_35 = arith.constant 1 : index
    %get3A_36 = arith.constant 0 : index
    %get3A_37 = arith.constant 0 : index
    %get3A_38 = vector.load %arg2[%get3A_35, %get3A_36, %get3A_37] : memref<2x1000x128xf32, #tpu.memory_space<vmem>>, vector<1x1000x128xf32>
    %get3A_39 = vector.shape_cast %get3A_38 : vector<1x1000x128xf32> to vector<1000x128xf32>
    %add3A_40 = arith.addf %add3A_34, %get3A_39 : vector<1000x128xf32>
    %div3A = vector.broadcast %add3A_17 : vector<1000x1xf32> to vector<1000x128xf32>
    %div3A_41 = arith.divf %add3A_40, %div3A : vector<1000x128xf32>
    %get3A_42 = arith.constant 0 : index
    %get3A_43 = arith.constant 0 : index
    %get3A_44 = vector.load %arg8[%get3A_42, %get3A_43] : memref<1x128xf32, #tpu.memory_space<vmem>>, vector<1x128xf32>
    %add3A_45 = vector.broadcast %get3A_44 : vector<1x128xf32> to vector<1000x128xf32>
    %add3A_46 = arith.addf %div3A_41, %add3A_45 : vector<1000x128xf32>
    %max3A = arith.constant 0.000000e+00 : f32
    %max3A_47 = vector.broadcast %max3A : f32 to vector<1000x128xf32>
    %max3A_48 = arith.maximumf %add3A_46, %max3A_47 : vector<1000x128xf32>
    %iota3A = tpu.iota {dimensions = array<i32: 1>} : vector<1x64xi32>
    %get3A_49 = arith.constant 0 : index
    %get3A_50 = arith.constant 0 : index
    %get3A_51 = vector.load %arg7[%get3A_49, %get3A_50] : memref<1000x1xi32, #tpu.memory_space<vmem>>, vector<1000x1xi32>
    %eq3A_52 = vector.broadcast %get3A_51 : vector<1000x1xi32> to vector<1000x64xi32>
    %eq3A_53 = vector.broadcast %iota3A : vector<1x64xi32> to vector<1000x64xi32>
    %eq3A_54 = arith.cmpi eq, %eq3A_52, %eq3A_53 : vector<1000x64xi32>
    %convert_element_type3A_55 = arith.extui %eq3A_54 : vector<1000x64xi1> to vector<1000x64xi32>
    %convert_element_type3A_56 = arith.sitofp %convert_element_type3A_55 : vector<1000x64xi32> to vector<1000x64xf32>
    %get3A_57 = arith.constant 0 : index
    %get3A_58 = arith.constant 0 : index
    %get3A_59 = vector.load %arg12[%get3A_57, %get3A_58] : memref<64x128xf32, #tpu.memory_space<vmem>>, vector<64x128xf32>
    %dot_general3A = arith.constant dense<0.000000e+00> : vector<64x128xf32>
    %dot_general3A_60 = tpu.matmul %convert_element_type3A_56, %max3A_48, %dot_general3A {dimension_numbers = #tpu.dot_dimension_numbers<[0], [0], [1], [1], [0, 1, 1, 1], [], []>, transpose_lhs_hint = false} : vector<1000x64xf32>, vector<1000x128xf32>, vector<64x128xf32> -> vector<64x128xf32>
    %add3A_61 = arith.addf %get3A_59, %dot_general3A_60 : vector<64x128xf32>
    %swap3A = arith.constant 0 : index
    %swap3A_62 = arith.constant 0 : index
    %swap3A_63 = vector.load %arg12[%swap3A, %swap3A_62] : memref<64x128xf32, #tpu.memory_space<vmem>>, vector<64x128xf32>
    tpu.vector_store %arg12[%swap3A, %swap3A_62], %add3A_61 {strides = array<i32>} : memref<64x128xf32, #tpu.memory_space<vmem>>, vector<64x128xf32>,
    %broadcast_in_dim3A = arith.constant 1.000000e+00 : f32
    %broadcast_in_dim3A_64 = vector.broadcast %broadcast_in_dim3A : f32 to vector<1000x128xf32>
    %get3A_65 = arith.constant 0 : index
    %get3A_66 = arith.constant 0 : index
    %get3A_67 = vector.load %arg13[%get3A_65, %get3A_66] : memref<64x128xf32, #tpu.memory_space<vmem>>, vector<64x128xf32>
    %dot_general3A_68 = arith.constant dense<0.000000e+00> : vector<64x128xf32>
    %dot_general3A_69 = tpu.matmul %convert_element_type3A_56, %broadcast_in_dim3A_64, %dot_general3A_68 {dimension_numbers = #tpu.dot_dimension_numbers<[0], [0], [1], [1], [0, 1, 1, 1], [], []>, transpose_lhs_hint = false} : vector<1000x64xf32>, vector<1000x128xf32>, vector<64x128xf32> -> vector<64x128xf32>
    %add3A_70 = arith.addf %get3A_67, %dot_general3A_69 : vector<64x128xf32>
    %swap3A_71 = arith.constant 0 : index
    %swap3A_72 = arith.constant 0 : index
    %swap3A_73 = vector.load %arg13[%swap3A_71, %swap3A_72] : memref<64x128xf32, #tpu.memory_space<vmem>>, vector<64x128xf32>
    tpu.vector_store %arg13[%swap3A_71, %swap3A_72], %add3A_70 {strides = array<i32>} : memref<64x128xf32, #tpu.memory_space<vmem>>, vector<64x128xf32>,
    %eq3A_74 = arith.constant 9 : i32
    %eq3A_75 = arith.cmpi eq, %arg0, %eq3A_74 : i32
    %convert_element_type3A_76 = arith.extui %eq3A_75 : i1 to i32
    %cond3A_77 = arith.constant 0 : i32
    %cond3A_78 = arith.cmpi ne, %convert_element_type3A_76, %cond3A_77 : i32
    scf.if %cond3A_78 {
      %get3A_79 = arith.constant 0 : index
      %get3A_80 = arith.constant 0 : index
      %get3A_81 = vector.load %arg12[%get3A_79, %get3A_80] : memref<64x128xf32, #tpu.memory_space<vmem>>, vector<64x128xf32>
      %get3A_82 = arith.constant 0 : index
      %get3A_83 = arith.constant 0 : index
      %get3A_84 = vector.load %arg13[%get3A_82, %get3A_83] : memref<64x128xf32, #tpu.memory_space<vmem>>, vector<64x128xf32>
      %max3A_85 = arith.constant 1.000000e+00 : f32
      %max3A_86 = vector.broadcast %max3A_85 : f32 to vector<64x128xf32>
      %max3A_87 = arith.maximumf %get3A_84, %max3A_86 : vector<64x128xf32>
      %div3A_88 = arith.divf %get3A_81, %max3A_87 : vector<64x128xf32>
      %get3A_89 = arith.constant 0 : index
      %get3A_90 = arith.constant 0 : index
      %get3A_91 = vector.load %arg9[%get3A_89, %get3A_90] : memref<128x10xf32, #tpu.memory_space<vmem>>, vector<128x10xf32>
      %dot_general3A_92 = arith.constant dense<0.000000e+00> : vector<64x10xf32>
      %dot_general3A_93 = tpu.matmul %div3A_88, %get3A_91, %dot_general3A_92 {dimension_numbers = #tpu.dot_dimension_numbers<[1], [0], [0], [1], [0, 0, 1, 1], [], []>, transpose_lhs_hint = false} : vector<64x128xf32>, vector<128x10xf32>, vector<64x10xf32> -> vector<64x10xf32>
      %get3A_94 = arith.constant 0 : index
      %get3A_95 = arith.constant 0 : index
      %get3A_96 = vector.load %arg10[%get3A_94, %get3A_95] : memref<1x10xf32, #tpu.memory_space<vmem>>, vector<1x10xf32>
      %add3A_97 = vector.broadcast %get3A_96 : vector<1x10xf32> to vector<64x10xf32>
      %add3A_98 = arith.addf %dot_general3A_93, %add3A_97 : vector<64x10xf32>
      %swap3A_99 = arith.constant 0 : index
      %swap3A_100 = arith.constant 0 : index
      %swap3A_101 = vector.load %arg11[%swap3A_99, %swap3A_100] : memref<64x10xf32, #tpu.memory_space<vmem>>, vector<64x10xf32>
      tpu.vector_store %arg11[%swap3A_99, %swap3A_100], %add3A_98 {strides = array<i32>} : memref<64x10xf32, #tpu.memory_space<vmem>>, vector<64x10xf32>,
    } else {
    }
    return
  }
  func.func @transform_0(%arg0: i32) -> (i32, i32, i32) {
    %c0_i32 = arith.constant 0 : i32
    %c0_i32_0 = arith.constant 0 : i32
    %c0_i32_1 = arith.constant 0 : i32
    return %c0_i32, %arg0, %c0_i32_0 : i32, i32, i32
  }
  func.func @transform_1(%arg0: i32) -> (i32, i32, i32) {
    %c0_i32 = arith.constant 0 : i32
    %c0_i32_0 = arith.constant 0 : i32
    %c0_i32_1 = arith.constant 0 : i32
    return %c0_i32, %arg0, %c0_i32_0 : i32, i32, i32
  }
  func.func @transform_2(%arg0: i32) -> (i32, i32) {
    %c0_i32 = arith.constant 0 : i32
    %c0_i32_0 = arith.constant 0 : i32
    return %arg0, %c0_i32 : i32, i32
  }
  func.func @transform_3(%arg0: i32) -> (i32, i32) {
    %c0_i32 = arith.constant 0 : i32
    %c0_i32_0 = arith.constant 0 : i32
    return %arg0, %c0_i32 : i32, i32
  }
  func.func @transform_4(%arg0: i32) -> (i32, i32) {
    %c0_i32 = arith.constant 0 : i32
    %c0_i32_0 = arith.constant 0 : i32
    return %arg0, %c0_i32 : i32, i32
  }
  func.func @transform_5(%arg0: i32) -> (i32, i32) {
    %c0_i32 = arith.constant 0 : i32
    %c0_i32_0 = arith.constant 0 : i32
    return %arg0, %c0_i32 : i32, i32
  }
  func.func @transform_6(%arg0: i32) -> (i32, i32) {
    %c0_i32 = arith.constant 0 : i32
    %c0_i32_0 = arith.constant 0 : i32
    return %arg0, %c0_i32 : i32, i32
  }
  func.func @transform_7(%arg0: i32) -> (i32, i32) {
    %c0_i32 = arith.constant 0 : i32
    %c0_i32_0 = arith.constant 0 : i32
    %c0_i32_1 = arith.constant 0 : i32
    return %c0_i32, %c0_i32_0 : i32, i32
  }
  func.func @transform_8(%arg0: i32) -> (i32, i32) {
    %c0_i32 = arith.constant 0 : i32
    %c0_i32_0 = arith.constant 0 : i32
    %c0_i32_1 = arith.constant 0 : i32
    return %c0_i32, %c0_i32_0 : i32, i32
  }
  func.func @transform_9(%arg0: i32) -> (i32, i32) {
    %c0_i32 = arith.constant 0 : i32
    %c0_i32_0 = arith.constant 0 : i32
    %c0_i32_1 = arith.constant 0 : i32
    return %c0_i32, %c0_i32_0 : i32, i32
  }
  func.func @transform_10(%arg0: i32) -> (i32, i32) {
    %c0_i32 = arith.constant 0 : i32
    %c0_i32_0 = arith.constant 0 : i32
    %c0_i32_1 = arith.constant 0 : i32
    return %c0_i32, %c0_i32_0 : i32, i32
  }
}

</mosaic_0001>

<sc_bundles>
// kernel: kernel.12.cloned.1.call-start
scs
__scs_entry_jumppad:
0x0: {  	(pc) =	sbr.rel $0x88, $3  }
0x1: {  	(tag) =	ssettag $0x0;
	lr =	simm.s32 $0x1  }
0x2: {  	[smem:$0x3F96] =	sst lr;
	_ =	strace $0xD0000000  }
0x3: {  	_ = 	snop  }
0x4: {  	_ = 	snop  }
0x5: {  	_ = 	snop  }
0x6: {  	_ = 	snop  }
0x7: {  	_ = 	snop  }
__scs_overlays_trampoline_lowered:
0x8: {  	[smem:$0x3FA5] =	sst s0  }
0x9: {  	[smem:$0x3FA6] =	sst s1  }
0xa: {  	[smem:$0x3FA7] =	sst s2  }
0xb: {  	[smem:$0x3FA8] =	sst s3  }
0xc: {  	[smem:$0x3FA9] =	sst s4  }
0xd: {  	[smem:$0x3FAA] =	sst s5  }
0xe: {  	[smem:$0x3FAB] =	sst s6  }
0xf: {  	[smem:$0x3FAC] =	sst s7  }
0x10: {  	[smem:$0x3FAD] =	sst s8  }
0x11: {  	[smem:$0x3FAE] =	sst s9;
	s0 =	simm.s32 @!p0 $0x0  }
0x12: {  	s1 =	sld [smem:$0x3F94];
	s0 =	simm.s32 @p0 $0x1  }
0x13: {  	[smem:$0x3FAF] =	sst s0;
	s0 =	simm.s32 @!p1 $0x0  }
0x14: {  	s2 =	sld [smem:$0x3F93];
	s0 =	simm.s32 @p1 $0x1  }
0x15: {  	[smem:$0x3FB0] =	sst s0;
	s0 =	simm.s32 @!p2 $0x0  }
0x16: {  	s3 =	sld [smem:$0x3FDB];
	s0 =	simm.s32 @p2 $0x1  }
0x17: {  	s4 =	simm.s32 $0x1BF5;
	[smem:$0x3FB2] =	sst s0  }
0x18: {  	s0 =	sld [smem:$0x3F95];
	_ =	swait.ge [sflag:s4], $0x0  }
0x19: {  	s7 =	sld [smem:$0x3F96]  }
0x1a: {  	s8 =	sadd.s32 $0xFFFFE003, lr  }
0x1b: {  	s9 =	sadd.s32 $0xFFFFFEF7, lr;
	s5 =	simm.s32 $0xFFFFFFFF;
	p2 =	slt.u32 s8, $0xFFFFF086  }
0x1c: {  	p1 =	slt.u32 s9, $0xF7A;
	s5 =	simm.s32 @!p2 $0x0  }
0x1d: {  	s5 =	simm.s32 @p1 $0x1;
	p0 =	seq.s32 s7, s2  }
0x1e: {  	s7 =	smul.u32 @!p0 $0xF7A, s2;
	p2 =	seq.s32 @!p0 s5, $0x0  }
0x1f: {  	s9 =	smul.u32 $0xF7A, s1;
	s8 =	simm.s32 @!p0 $0x1BF5;
	p2 =	por !p2, p0  }
0x20: {  	[sflag:s8] =	ssyncset.s32 @!p0 $0xFFFFF086;
	s6 =	sadd.s32 @!p0 s3, s7;
	s7 =	simm.s32 @!p0 $0x108  }
0x21: {  	s3 =	sadd.s32 s3, s9;
	s6 =	sadd.s32 @!p0 $0x88, s6;
	s7 =	simm.s32 @p2 $0x1082  }
0x22: {  	[simem:s7], [sflag:s8] =	dma.local @!p0 [hbm:s6], $0xF7A  }
0x23: {  	s9 =	sor.u32 $0xD0000000, s2;
	s6 =	simm.s32 $0x108;
	_ =	swait.ge @!p0 [sflag:s8], $0x0  }
0x24: {  	s3 =	sadd.s32 $0x88, s3;
	s6 =	simm.s32 @!p1 $0x1082;
	[sflag:s4] =	ssyncset.s32 $0xFFFFF086  }
0x25: {  	[simem:s6], [sflag:s4] =	dma.local [hbm:s3], $0xF7A  }
0x26: {  	[smem:$0x3F96] =	sst s1;
	(tag) =	ssettag s2;
	_ =	strace s9  }
0x27: {  	s1 =	sld [smem:$0x3FA6]  }
0x28: {  	s2 =	sld [smem:$0x3FA7]  }
0x29: {  	s4 =	sld [smem:$0x3FA9]  }
0x2a: {  	p0 =	seq.s32 s5, $0x0;
	s5 =	sld [smem:$0x3FAA]  }
0x2b: {  	s6 =	sld [smem:$0x3FAB]  }
0x2c: {  	s7 =	sld [smem:$0x3FAC]  }
0x2d: {  	s3 =	simm.s32 $0x108;
	s8 =	sld [smem:$0x3FAD]  }
0x2e: {  	s3 =	simm.s32 @!p0 $0x1082;
	s9 =	sld [smem:$0x3FAE]  }
0x2f: {  	lr =	sadd.s32 s0, s3;
	s0 =	sld [smem:$0x3FA5]  }
0x30: {  	s3 =	sld [smem:$0x3FA8]  }
0x31: {  	[smem:$0x3FB1] =	sst s10  }
0x32: {  	s10 =	sld [smem:$0x3FAF];
	_ =	sdelay $0x3  }
0x33: {  	p0 =	seq.s32 s10, $0x1;
	s10 =	sld [smem:$0x3FB1];
	_ =	sdelay $0x3  }
0x34: {  	[smem:$0x3FB1] =	sst s10  }
0x35: {  	s10 =	sld [smem:$0x3FB0];
	_ =	sdelay $0x3  }
0x36: {  	p1 =	seq.s32 s10, $0x1;
	s10 =	sld [smem:$0x3FB1];
	_ =	sdelay $0x3  }
0x37: {  	[smem:$0x3FB1] =	sst s10  }
0x38: {  	s10 =	sld [smem:$0x3FB2]  }
0x39: {  	_ = 	snop;
	(pc) =	sbr.ind lr, $3  }
0x3a: {  	_ = 	snop  }
0x3b: {  	_ = 	snop  }
0x3c: {  	p2 =	seq.s32 s10, $0x1;
	s10 =	sld [smem:$0x3FB1]  }
0x3d: {  	_ =	shalt  }
0x3e: {  	_ =	shalt  }
0x3f: {  	_ =	shalt  }
0x40: {  	_ =	shalt  }
0x41: {  	_ =	shalt  }
0x42: {  	_ =	shalt  }
0x43: {  	_ =	shalt  }
0x44: {  	_ =	shalt  }
0x45: {  	_ =	shalt  }
0x46: {  	_ =	shalt  }
0x47: {  	_ =	shalt  }
0x48: {  	_ =	shalt  }
0x49: {  	_ =	shalt  }
0x4a: {  	_ =	shalt  }
0x4b: {  	_ =	shalt  }
0x4c: {  	_ =	shalt  }
0x4d: {  	_ =	shalt  }
0x4e: {  	_ =	shalt  }
0x4f: {  	_ =	shalt  }
0x50: {  	_ =	shalt  }
0x51: {  	_ =	shalt  }
0x52: {  	_ =	shalt  }
0x53: {  	_ =	shalt  }
0x54: {  	_ =	shalt  }
0x55: {  	_ =	shalt  }
0x56: {  	_ =	shalt  }
0x57: {  	_ =	shalt  }
0x58: {  	_ =	shalt  }
0x59: {  	_ =	shalt  }
0x5a: {  	_ =	shalt  }
0x5b: {  	_ =	shalt  }
0x5c: {  	_ =	shalt  }
0x5d: {  	_ =	shalt  }
0x5e: {  	_ =	shalt  }
0x5f: {  	_ =	shalt  }
0x60: {  	_ =	shalt  }
0x61: {  	_ =	shalt  }
0x62: {  	_ =	shalt  }
0x63: {  	_ =	shalt  }
0x64: {  	_ =	shalt  }
0x65: {  	_ =	shalt  }
0x66: {  	_ =	shalt  }
0x67: {  	_ =	shalt  }
0x68: {  	_ =	shalt  }
0x69: {  	_ =	shalt  }
0x6a: {  	_ =	shalt  }
0x6b: {  	_ =	shalt  }
0x6c: {  	_ =	shalt  }
0x6d: {  	_ =	shalt  }
0x6e: {  	_ =	shalt  }
0x6f: {  	_ =	shalt  }
0x70: {  	_ =	shalt  }
0x71: {  	_ =	shalt  }
0x72: {  	_ =	shalt  }
0x73: {  	_ =	shalt  }
0x74: {  	_ =	shalt  }
0x75: {  	_ =	shalt  }
0x76: {  	_ =	shalt  }
0x77: {  	_ =	shalt  }
0x78: {  	_ =	shalt  }
0x79: {  	_ =	shalt  }
0x7a: {  	_ =	shalt  }
0x7b: {  	_ =	shalt  }
0x7c: {  	_ =	shalt  }
0x7d: {  	_ =	shalt  }
0x7e: {  	_ =	shalt  }
0x7f: {  	_ =	shalt  }
0x80: {  	_ =	shalt  }
0x81: {  	_ =	shalt  }
0x82: {  	_ =	shalt  }
0x83: {  	_ =	shalt  }
0x84: {  	_ =	shalt  }
0x85: {  	_ =	shalt  }
0x86: {  	_ =	shalt  }
0x87: {  	_ =	shalt  }
.Lfunc_end0:
.L_simem_size_0:
called_computation_lowered:
.L_overlay_start_0:
0x88: {  	s2 =	sld [smem:$0x3FD9]  }
0x89: {  	s3 =	sld [smem:$0x3FFE];
	_ =	sdelay $0x1  }
0x8a: {  	s1 =	srdreg.scid  }
0x8b: {  	s0 =	sand.u32 $0x1, s1  }
0x8c: {  	s17 =	sshll.u32 s0, $0xA;
	s2 =	sadd.s32 s3, s2  }
0x8d: {  	s2 =	sadd.s32 s2, s17  }
0x8e: {  	[smem:$0x3FBD] =	sst s2  }
0x8f: {  	_ = 	snop  }
0x90: {  	(tm) =	ssettm $0x1  }
0x91: {  	s18 =	sld [smem:$0x3FFB];
	_ =	sdelay $0x3  }
0x92: {  	_ =	strace s18  }
0x93: {  	s2 =	sld [smem:$0x3FFC];
	_ =	sdelay $0x3  }
0x94: {  	_ =	strace s2  }
0x95: {  	s2 =	sld [smem:$0x3FFD];
	_ =	sdelay $0x3  }
0x96: {  	_ =	strace s2  }
0x97: {  	_ =	strace $0x8FFFFFFF  }
0x98: {  	s19 =	sld [smem:$0x3FDB];
	_ =	sdelay $0x1  }
0x99: {  	s20 =	simm.s32 $_scs_section_size  }
0x9a: {  	s4 =	simm.s32 $_size__tile_overlayer_lowered;
	s5 =	simm.s32 $_tile_overlayer_lowered  }
0x9b: {  	s6 =	simm.s32 $0x1BFF;
	s21 =	sshll.u32 s5, $0x1;
	s3 =	sadd.s32 s20, s19  }
0x9c: {  	s22 =	simm.s32 $0x0;
	s4 =	sshll.u32 s4, $0x1;
	s5 =	sadd.s32 s21, s3  }
0x9d: {  	[timem:s22], [sflag:s6] =	dma.local [hbm:s5], s4  }
0x9e: {  	_ =	swait.ge [sflag:s6], s4  }
0x9f: {  	s4 =	ssub.s32 $0x0, s4;
	[sflag:s6] =	ssyncset.done $0x0  }
0xa0: {  	[sflag:s6] =	ssyncadd.s32 s4;
	_ =	sdelay $0x1  }
0xa1: {  	s23 =	simm.s32 $0x1B8B  }
0xa2: {  	_ =	swait.ge [sflag:s23], $0x1  }
0xa3: {  	[sflag:s23] =	ssyncset.done $0x0  }
0xa4: {  	[sflag:s23] =	ssyncadd.s32 $0xFFFFFFFF  }
0xa5: {  	s4 =	sld [smem:$0x0]  }
0xa6: {  	s5 =	sand.u32 $0xFFFFFFFE, s1  }
0xa7: {  	p0 =	sne.s32 s1, s5  }
0xa8: {  	s5 =	sshll.u32 @p0 s5, $0xE  }
0xa9: {  	s5 =	sadd.s32 @p0 $0x11B8D, s5;
	s6 =	sshll.u32 @p0 s4, $0x11  }
0xaa: {  	s5 =	sor.u32 @p0 s6, s5  }
0xab: {  	[sflag:s5] =	ssyncadd.remote.s32 @p0 $0x1;
	_ =	sdelay $0x1  }
0xac: {  	s5 =	simm.s32 @p0 $0x1B8D  }
0xad: {  	_ =	swait.eq @p0 [sflag:s5], $0x1  }
0xae: {  	[sflag:s5] =	ssyncadd.s32 @p0 $0xFFFFFFFF  }
0xaf: {  	s6 =	sshll.u32 @!p0 s1, $0xE  }
0xb0: {  	s6 =	sor.u32 @!p0 $0x4000, s6;
	s5 =	simm.s32 @!p0 $0x1B8D  }
0xb1: {  	s4 =	sshll.u32 @!p0 s4, $0x11;
	s6 =	sadd.s32 @!p0 $0x11B8D, s6;
	_ =	swait.eq @!p0 [sflag:s5], $0x1  }
0xb2: {  	s4 =	sor.u32 @!p0 s4, s6;
	[sflag:s5] =	ssyncadd.s32 @!p0 $0xFFFFFFFF  }
0xb3: {  	s25 =	simm.s32 $0x1B8E;
	s24 =	sld [smem:$0x3FFE];
	[sflag:s4] =	ssyncadd.remote.s32 @!p0 $0x1  }
0xb4: {  	s26 =	simm.s32 $execute0_lowered;
	[smem:$0x3FD2] =	sst s25  }
0xb5: {  	s5 =	sshll.u32 s26, $0x1;
	_ =	strace $0x80000049;
	[dreg:$0x1] =	wrdreg $0xFFFFFFFF  }
0xb6: {  	s28 =	simm.s32 $_size_execute0_lowered;
	s3 =	sadd.s32 s3, s5;
	[dreg:$0x0] =	wrdreg $0x0  }
0xb7: {  	s5 =	sshll.u32 s28, $0x1;
	[dreg:$0x2] =	wrdreg s3  }
0xb8: {  	[dreg:$0x3] =	wrdreg s5  }
0xb9: {  	[dreg:$0x4] =	wrdreg $0xC0  }
0xba: {  	_ =	task [dreg:s22], $0x5FFFF  }
0xbb: {  	[dreg:$0x1] =	wrdreg $0xFFFFFFFF  }
0xbc: {  	[dreg:$0x0] =	wrdreg $0x60  }
0xbd: {  	[dreg:$0x2] =	wrdreg s24  }
0xbe: {  	[dreg:$0x3] =	wrdreg $0x9  }
0xbf: {  	_ =	task.clear_ibuf [dreg:s22], $0x4FFFF;
	_ =	strace $0x90000049  }
0xc0: {  	s29 =	simm.s32 $0x9;
	_ =	strace $0x8000004B  }
0xc1: {  	_ =	swait.ge [sflag:s29], $0x1  }
0xc2: {  	[sflag:s29] =	ssyncadd.s32 $0xFFFFFFFF  }
0xc3: {  	_ =	strace $0x9000004B  }
0xc4: {  	_ =	sfence  }
0xc5: {  	s30 =	sld [smem:$0x0];
	_ =	sdelay $0x2  }
0xc6: {  	s31 =	sshll.u32 s1, $0xD;
	s1 =	sshrl.u32 s1, $0x2  }
0xc7: {  	s4 =	sand.u32 $0x4000, s31;
	s1 =	sadd.s32 s1, s30  }
0xc8: {  	s0 =	sor.u32 s4, s0;
	s1 =	sshll.u32 s1, $0x11  }
0xc9: {  	s0 =	sor.u32 s1, s0  }
0xca: {  	s0 =	sadd.s32 $0x8F2B, s0  }
0xcb: {  	[sflag:s0] =	ssyncadd.remote.s32 $0x1  }
0xcc: {  	_ =	sfence.sel $0xFFFF  }
0xcd: {  	[dreg:$0x0] =	wrdreg $0xFFFFFFFF;
	(pc) =	sbr.abs _section_cstart, $3  }
0xce: {  	[dreg:$0x1] =	wrdreg $0xFFFFFFFF  }
0xcf: {  	_ =	task.clear_ibuf [dreg:s22], $0x2FFFF;
	_ =	strace $0x9FFFFFFF  }
0xd0: {  	(tm) =	ssettm $0x7FFFFFFF  }
0xd1: {  	_ =	shalt  }
tec
execute0_lowered:
.L_overlay_start_1:
0x0: {  	(tag) =	ssettag $0x1  }
0x1: {  	s5 =	rddreg [dreg:$0x0]  }
0x2: {  	s1 =	srdreg.scid;
	s0 =	rddreg [dreg:$0x1]  }
0x3: {  	s2 =	simm.s32 $0x0;
	s18 =	simm.s32 $0xCC00;
	s19 =	simm.s32 $0x1  }
0x4: {  	s20 =	simm.s32 $0x60;
	s21 =	simm.s32 $0x0;
	s9 =	sand.u32 $0x1, s1  }
0x5: {  	[smem:$0x7FF] =	sst s2;
	s1 =	stileid.u32;
	s12 =	sadd.s32 $0x2DC400, s5  }
0x6: {  	s13 =	sadd.s32 $0x2D9C00, s5;
	s10 =	sadd.s32 $0x416C00, s5;
	s15 =	smul.u32 $0x9C00, s9  }
0x7: {  	s4 =	sadd.s32 $0x2B200, s5;
	s11 =	sadd.s32 $0x2DEC00, s5;
	s16 =	smul.u32 $0x9C0, s1  }
0x8: {  	s3 =	sshll.u32 s9, $0x4;
	_ =	strace $0x8000004A;
	s17 =	smul.u32 $0x9C000, s9  }
0x9: {  	s7 =	ssub.s32 $0x2, s9;
	s31 =	smul.u32 $0x9C00, s1;
	s6 =	sor.u32 s1, s3  }
0xa: {  	s3 =	sadd.s32 $0x4000, s5;
	s30 =	sshrl.u32 s7, $0x1;
	s6 =	smul.u32 $0x9C0, s6  }
0xb: {  	s14 =	ssub.s32 s7, s30;
	s15 =	sadd.s32 s16, s15;
	s16 =	simm.s32 $0x190  }
0xc: {  	s9 =	smax.u32 s14, $0x1;
	s15 =	sshrl.u32 s15, $0x3;
	s8 =	sadd.s32 $0x960, s6  }
0xd: {  	s14 =	simm.s32 $0x2;
	s6 =	sshrl.u32 s8, $0x3;
	s8 =	sshll.u32 s8, $0x4  }
0xe: {  	s5 =	sadd.s32 s13, s6;
	s6 =	sadd.s32 s12, s6;
	s7 =	sadd.s32 s10, s8  }
0xf: {  	s8 =	sadd.s32 s11, s8;
	s10 =	sadd.s32 s17, s10;
	s11 =	sadd.s32 s17, s11  }
0x10: {  	s12 =	sadd.s32 s15, s12;
	s13 =	sadd.s32 s15, s13;
	s15 =	simm.s32 $0x200  }
0x11: {  	s17 =	simm.s32 $0x400;
	s10 =	sadd.s32 s31, s10;
	s11 =	sadd.s32 s31, s11  }
.LBB2_1:
0x12: {  	s22 =	sadd.s32 $0x0, s13  }
0x13: {  	[tilespmem:s2], [sflag:$0x2] =	stream.linear.gather [hbm4b:s22+s2], $0x190, $0x38;
	[tilespmem:$0x19400] =	vst v63  }
0x14: {  	_ =	swait.ge [sflag:s14], $0x190  }
0x15: {  	[sflag:s14] =	ssyncset.done $0x0  }
0x16: {  	s31 =	sadd.s32 $0x0, s12;
	[sflag:s14] =	ssyncadd.s32 $0xFFFFFE70  }
0x17: {  	[tilespmem:s15], [sflag:$0x2] =	stream.linear.gather [hbm4b:s31+s2], $0x190, $0x38;
	[tilespmem:$0x19400] =	vst v63  }
0x18: {  	_ =	swait.ge [sflag:s14], $0x190  }
0x19: {  	[sflag:s14] =	ssyncset.done $0x0  }
0x1a: {  	[sflag:s14] =	ssyncadd.s32 $0xFFFFFE70  }
0x1b: {  	[tilespmem:s17], [sflag:$0x1] =	stream.indirect.gather [hbm4b:s3+s16], $0x80, s2, s16, $0xb8;
	[tilespmem:$0x19400] =	vst v63  }
0x1c: {  	_ = 	snop  }
0x1d: {  	[tilespmem:s18], [sflag:$0x1] =	stream.indirect.gather [hbm4b:s4+s16], $0x80, s15, s16, $0xb8;
	[tilespmem:$0x19400] =	vst v63  }
0x1e: {  	_ =	swait.ge [sflag:s19], $0xC800  }
0x1f: {  	[sflag:s19] =	ssyncset.done $0x0  }
0x20: {  	[sflag:s19] =	ssyncadd.s32 $0xFFFF3800  }
0x21: {  	_ =	swait.ge [sflag:s19], $0xC800  }
0x22: {  	[sflag:s19] =	ssyncset.done $0x0  }
0x23: {  	[sflag:s19] =	ssyncadd.s32 $0xFFFF3800  }
0x24: {  	[hbm4b:s10+s2] =	stream.linear.scatter [tilespmem:s17], [sflag:$0x2], $0xC800, $0x38;
	[tilespmem:$0x19400] =	vst v63  }
0x25: {  	_ =	swait.ge [sflag:s14], $0xC800  }
0x26: {  	[sflag:s14] =	ssyncset.done $0x0  }
0x27: {  	[sflag:s14] =	ssyncadd.s32 $0xFFFF3800  }
0x28: {  	[hbm4b:s11+s2] =	stream.linear.scatter [tilespmem:s18], [sflag:$0x2], $0xC800, $0x38;
	[tilespmem:$0x19400] =	vst v63  }
0x29: {  	s24 =	simm.s32 $0x32;
	s25 =	simm.s32 $0x64;
	_ =	swait.ge [sflag:s14], $0xC800  }
0x2a: {  	s23 =	sadd.s32 $0x1900, s10;
	s22 =	sadd.s32 $0x1900, s11;
	[sflag:s14] =	ssyncset.done $0x0  }
.LBB2_2:
0x2b: {  	s26 =	sadd.s32 s24, s13  }
0x2c: {  	[sflag:s14] =	ssyncadd.s32 $0xFFFF3800;
	s28 =	smov.u32 s25;
	s29 =	sadd.s32 $0x32, s25  }
0x2d: {  	[tilespmem:s2], [sflag:$0x2] =	stream.linear.gather [hbm4b:s26+s2], $0x190, $0x38;
	[tilespmem:$0x19400] =	vst v63  }
0x2e: {  	p0 =	sne.s32 s25, $0xFA;
	_ =	swait.ge [sflag:s14], $0x190  }
0x2f: {  	[sflag:s14] =	ssyncset.done $0x0  }
0x30: {  	s25 =	sadd.s32 s24, s12;
	s24 =	smov.u32 s28;
	[sflag:s14] =	ssyncadd.s32 $0xFFFFFE70  }
0x31: {  	[tilespmem:s15], [sflag:$0x2] =	stream.linear.gather [hbm4b:s25+s2], $0x190, $0x38;
	[tilespmem:$0x19400] =	vst v63  }
0x32: {  	_ =	swait.ge [sflag:s14], $0x190  }
0x33: {  	[sflag:s14] =	ssyncset.done $0x0  }
0x34: {  	[sflag:s14] =	ssyncadd.s32 $0xFFFFFE70  }
0x35: {  	[tilespmem:s17], [sflag:$0x1] =	stream.indirect.gather [hbm4b:s3+s16], $0x80, s2, s16, $0xb8;
	[tilespmem:$0x19400] =	vst v63  }
0x36: {  	_ = 	snop  }
0x37: {  	[tilespmem:s18], [sflag:$0x1] =	stream.indirect.gather [hbm4b:s4+s16], $0x80, s15, s16, $0xb8;
	[tilespmem:$0x19400] =	vst v63  }
0x38: {  	_ =	swait.ge [sflag:s19], $0xC800  }
0x39: {  	[sflag:s19] =	ssyncset.done $0x0  }
0x3a: {  	[sflag:s19] =	ssyncadd.s32 $0xFFFF3800  }
0x3b: {  	_ =	swait.ge [sflag:s19], $0xC800  }
0x3c: {  	[sflag:s19] =	ssyncset.done $0x0  }
0x3d: {  	[sflag:s19] =	ssyncadd.s32 $0xFFFF3800  }
0x3e: {  	[hbm4b:s23+s2] =	stream.linear.scatter [tilespmem:s17], [sflag:$0x2], $0xC800, $0x38;
	[tilespmem:$0x19400] =	vst v63  }
0x3f: {  	_ =	swait.ge [sflag:s14], $0xC800  }
.Ltmp0:
0x40: {  	[sflag:s14] =	ssyncset.done $0x0;
	(pc) =	sbr.rel @p0 .LBB2_2-.Ltmp0, $4  }
0x41: {  	[sflag:s14] =	ssyncadd.s32 $0xFFFF3800  }
0x42: {  	[hbm4b:s22+s2] =	stream.linear.scatter [tilespmem:s18], [sflag:$0x2], $0xC800, $0x38;
	[tilespmem:$0x19400] =	vst v63  }
0x43: {  	s25 =	smov.u32 s29;
	_ =	swait.ge [sflag:s14], $0xC800  }
0x44: {  	s23 =	sadd.s32 $0x1900, s23;
	s22 =	sadd.s32 $0x1900, s22;
	[sflag:s14] =	ssyncset.done $0x0  }
0x45: {  	s25 =	sadd.s32 s24, s13;
	[sflag:s14] =	ssyncadd.s32 $0xFFFF3800  }
0x46: {  	[tilespmem:s2], [sflag:$0x2] =	stream.linear.gather [hbm4b:s25+s2], $0x190, $0x38;
	[tilespmem:$0x19400] =	vst v63  }
0x47: {  	_ =	swait.ge [sflag:s14], $0x190  }
0x48: {  	[sflag:s14] =	ssyncset.done $0x0  }
0x49: {  	s31 =	sadd.s32 s24, s12;
	[sflag:s14] =	ssyncadd.s32 $0xFFFFFE70  }
0x4a: {  	[tilespmem:s15], [sflag:$0x2] =	stream.linear.gather [hbm4b:s31+s2], $0x190, $0x38;
	[tilespmem:$0x19400] =	vst v63  }
0x4b: {  	_ =	swait.ge [sflag:s14], $0x190  }
0x4c: {  	[sflag:s14] =	ssyncset.done $0x0  }
0x4d: {  	[sflag:s14] =	ssyncadd.s32 $0xFFFFFE70  }
0x4e: {  	[tilespmem:s17], [sflag:$0x1] =	stream.indirect.gather [hbm4b:s3+s16], $0x80, s2, s16, $0xb8;
	[tilespmem:$0x19400] =	vst v63  }
0x4f: {  	_ = 	snop  }
0x50: {  	[tilespmem:s18], [sflag:$0x1] =	stream.indirect.gather [hbm4b:s4+s16], $0x80, s15, s16, $0xb8;
	[tilespmem:$0x19400] =	vst v63  }
0x51: {  	_ =	swait.ge [sflag:s19], $0xC800  }
0x52: {  	[sflag:s19] =	ssyncset.done $0x0  }
0x53: {  	[sflag:s19] =	ssyncadd.s32 $0xFFFF3800  }
0x54: {  	_ =	swait.ge [sflag:s19], $0xC800  }
0x55: {  	[sflag:s19] =	ssyncset.done $0x0  }
0x56: {  	[sflag:s19] =	ssyncadd.s32 $0xFFFF3800  }
0x57: {  	[hbm4b:s23+s2] =	stream.linear.scatter [tilespmem:s17], [sflag:$0x2], $0xC800, $0x38;
	[tilespmem:$0x19400] =	vst v63  }
0x58: {  	_ =	swait.ge [sflag:s14], $0xC800  }
0x59: {  	[sflag:s14] =	ssyncset.done $0x0  }
0x5a: {  	[sflag:s14] =	ssyncadd.s32 $0xFFFF3800  }
0x5b: {  	[hbm4b:s22+s2] =	stream.linear.scatter [tilespmem:s18], [sflag:$0x2], $0xC800, $0x38;
	[tilespmem:$0x19400] =	vst v63  }
0x5c: {  	_ =	swait.ge [sflag:s14], $0xC800  }
0x5d: {  	[sflag:s14] =	ssyncset.done $0x0  }
0x5e: {  	[sflag:s14] =	ssyncadd.s32 $0xFFFF3800  }
0x5f: {  	[tilespmem:s2], [sflag:$0x2] =	stream.linear.gather [hbm4b:s5+s2], $0x60, $0x38;
	[tilespmem:$0x19400] =	vst v63  }
0x60: {  	_ =	swait.ge [sflag:s14], $0x60  }
0x61: {  	[sflag:s14] =	ssyncset.done $0x0  }
0x62: {  	[sflag:s14] =	ssyncadd.s32 $0xFFFFFFA0  }
0x63: {  	[tilespmem:s15], [sflag:$0x2] =	stream.linear.gather [hbm4b:s6+s2], $0x60, $0x38;
	[tilespmem:$0x19400] =	vst v63  }
0x64: {  	_ =	swait.ge [sflag:s14], $0x60  }
0x65: {  	[sflag:s14] =	ssyncset.done $0x0  }
0x66: {  	[sflag:s14] =	ssyncadd.s32 $0xFFFFFFA0  }
0x67: {  	[tilespmem:s17], [sflag:$0x1] =	stream.indirect.gather [hbm4b:s3+s20], $0x80, s2, s20, $0xb8;
	[tilespmem:$0x19400] =	vst v63  }
0x68: {  	_ = 	snop  }
0x69: {  	[tilespmem:s18], [sflag:$0x1] =	stream.indirect.gather [hbm4b:s4+s20], $0x80, s15, s20, $0xb8;
	[tilespmem:$0x19400] =	vst v63  }
0x6a: {  	_ =	swait.ge [sflag:s19], $0x3000  }
0x6b: {  	[sflag:s19] =	ssyncset.done $0x0  }
0x6c: {  	[sflag:s19] =	ssyncadd.s32 $0xFFFFD000  }
0x6d: {  	_ =	swait.ge [sflag:s19], $0x3000  }
0x6e: {  	[sflag:s19] =	ssyncset.done $0x0  }
0x6f: {  	[sflag:s19] =	ssyncadd.s32 $0xFFFFD000  }
0x70: {  	[hbm4b:s7+s2] =	stream.linear.scatter [tilespmem:s17], [sflag:$0x2], $0x3000, $0x38;
	[tilespmem:$0x19400] =	vst v63  }
0x71: {  	s21 =	sadd.s32 $0x1, s21;
	_ =	swait.ge [sflag:s14], $0x3000  }
0x72: {  	p0 =	sne.s32 s21, s9;
	[sflag:s14] =	ssyncset.done $0x0  }
.Ltmp1:
0x73: {  	[sflag:s14] =	ssyncadd.s32 $0xFFFFD000;
	(pc) =	sbr.rel @p0 .LBB2_1-.Ltmp1, $4  }
0x74: {  	[hbm4b:s8+s2] =	stream.linear.scatter [tilespmem:s18], [sflag:$0x2], $0x3000, $0x38;
	[tilespmem:$0x19400] =	vst v63  }
0x75: {  	_ =	swait.ge [sflag:s14], $0x3000  }
0x76: {  	[sflag:s14] =	ssyncset.done $0x0  }
0x77: {  	[sflag:s14] =	ssyncadd.s32 $0xFFFFD000  }
0x78: {  	_ =	sfence.sel $0x180000  }
0x79: {  	[bflag:$0x0] =	sbarrier.arrive $0xFFFF  }
0x7a: {  	p0 =	sne.s32 s1, $0x0;
	_ =	strace $0x9000004A  }
0x7b: {  	s0 =	sadd.s32 @!p0 $0x100000, s0;
	[bflag:$0x2] =	sbarrier.arrive $0xFFFF  }
0x7c: {  	[sflag:s0] =	ssyncadd.tile.s32 @!p0 $0x1;
	_ =	shalt  }
.Lfunc_end2:
_tile_overlayer_lowered:
.L_overlay_start_2:
0x7d: {  	(tag) =	ssettag $0x2  }
0x7e: {  	s0 =	rddreg [dreg:$0x0];
	s2 =	stileid.u32  }
0x7f: {  	s1 =	rddreg [dreg:$0x1];
	p0 =	sne.s32 s2, $0x0  }
0x80: {  	s3 =	rddreg [dreg:$0x2];
	[bflag:$0x3] =	sbarrier.arrive $0xFFFF;
	s2 =	simm.s32 @!p0 $0x1C02  }
0x81: {  	[timem:s3], [sflag:s2] =	dma.local @!p0 [hbm:s0], s1  }
0x82: {  	s0 =	simm.s32 @!p0 $0x2  }
0x83: {  	_ =	swait.ge @!p0 [sflag:s0], s1  }
0x84: {  	s1 =	ssub.s32 @!p0 $0x0, s1;
	[sflag:s0] =	ssyncset.done @!p0 $0x0  }
0x85: {  	[sflag:s0] =	ssyncadd.s32 @!p0 s1  }
0x86: {  	[bflag:$0x3] =	sbarrier.arrive $0xFFFF  }
0x87: {  	_ =	shalt  }

// kernel: kernel.15.cloned.1.call-start
scs
__scs_entry_jumppad:
0x0: {  	(pc) =	sbr.rel $0x88, $3  }
0x1: {  	(tag) =	ssettag $0x0;
	lr =	simm.s32 $0x1  }
0x2: {  	[smem:$0x3F96] =	sst lr;
	_ =	strace $0xD0000000  }
0x3: {  	_ = 	snop  }
0x4: {  	_ = 	snop  }
0x5: {  	_ = 	snop  }
0x6: {  	_ = 	snop  }
0x7: {  	_ = 	snop  }
__scs_overlays_trampoline_lowered:
0x8: {  	[smem:$0x3FA5] =	sst s0  }
0x9: {  	[smem:$0x3FA6] =	sst s1  }
0xa: {  	[smem:$0x3FA7] =	sst s2  }
0xb: {  	[smem:$0x3FA8] =	sst s3  }
0xc: {  	[smem:$0x3FA9] =	sst s4  }
0xd: {  	[smem:$0x3FAA] =	sst s5  }
0xe: {  	[smem:$0x3FAB] =	sst s6  }
0xf: {  	[smem:$0x3FAC] =	sst s7  }
0x10: {  	[smem:$0x3FAD] =	sst s8  }
0x11: {  	[smem:$0x3FAE] =	sst s9;
	s0 =	simm.s32 @!p0 $0x0  }
0x12: {  	s1 =	sld [smem:$0x3F94];
	s0 =	simm.s32 @p0 $0x1  }
0x13: {  	[smem:$0x3FAF] =	sst s0;
	s0 =	simm.s32 @!p1 $0x0  }
0x14: {  	s2 =	sld [smem:$0x3F93];
	s0 =	simm.s32 @p1 $0x1  }
0x15: {  	[smem:$0x3FB0] =	sst s0;
	s0 =	simm.s32 @!p2 $0x0  }
0x16: {  	s3 =	sld [smem:$0x3FDB];
	s0 =	simm.s32 @p2 $0x1  }
0x17: {  	s4 =	simm.s32 $0x1BF5;
	[smem:$0x3FB2] =	sst s0  }
0x18: {  	s0 =	sld [smem:$0x3F95];
	_ =	swait.ge [sflag:s4], $0x0  }
0x19: {  	s7 =	sld [smem:$0x3F96]  }
0x1a: {  	s8 =	sadd.s32 $0xFFFFE003, lr  }
0x1b: {  	s9 =	sadd.s32 $0xFFFFFEF7, lr;
	s5 =	simm.s32 $0xFFFFFFFF;
	p2 =	slt.u32 s8, $0xFFFFF086  }
0x1c: {  	p1 =	slt.u32 s9, $0xF7A;
	s5 =	simm.s32 @!p2 $0x0  }
0x1d: {  	s5 =	simm.s32 @p1 $0x1;
	p0 =	seq.s32 s7, s2  }
0x1e: {  	s7 =	smul.u32 @!p0 $0xF7A, s2;
	p2 =	seq.s32 @!p0 s5, $0x0  }
0x1f: {  	s9 =	smul.u32 $0xF7A, s1;
	s8 =	simm.s32 @!p0 $0x1BF5;
	p2 =	por !p2, p0  }
0x20: {  	[sflag:s8] =	ssyncset.s32 @!p0 $0xFFFFF086;
	s6 =	sadd.s32 @!p0 s3, s7;
	s7 =	simm.s32 @!p0 $0x108  }
0x21: {  	s3 =	sadd.s32 s3, s9;
	s6 =	sadd.s32 @!p0 $0x88, s6;
	s7 =	simm.s32 @p2 $0x1082  }
0x22: {  	[simem:s7], [sflag:s8] =	dma.local @!p0 [hbm:s6], $0xF7A  }
0x23: {  	s9 =	sor.u32 $0xD0000000, s2;
	s6 =	simm.s32 $0x108;
	_ =	swait.ge @!p0 [sflag:s8], $0x0  }
0x24: {  	s3 =	sadd.s32 $0x88, s3;
	s6 =	simm.s32 @!p1 $0x1082;
	[sflag:s4] =	ssyncset.s32 $0xFFFFF086  }
0x25: {  	[simem:s6], [sflag:s4] =	dma.local [hbm:s3], $0xF7A  }
0x26: {  	[smem:$0x3F96] =	sst s1;
	(tag) =	ssettag s2;
	_ =	strace s9  }
0x27: {  	s1 =	sld [smem:$0x3FA6]  }
0x28: {  	s2 =	sld [smem:$0x3FA7]  }
0x29: {  	s4 =	sld [smem:$0x3FA9]  }
0x2a: {  	p0 =	seq.s32 s5, $0x0;
	s5 =	sld [smem:$0x3FAA]  }
0x2b: {  	s6 =	sld [smem:$0x3FAB]  }
0x2c: {  	s7 =	sld [smem:$0x3FAC]  }
0x2d: {  	s3 =	simm.s32 $0x108;
	s8 =	sld [smem:$0x3FAD]  }
0x2e: {  	s3 =	simm.s32 @!p0 $0x1082;
	s9 =	sld [smem:$0x3FAE]  }
0x2f: {  	lr =	sadd.s32 s0, s3;
	s0 =	sld [smem:$0x3FA5]  }
0x30: {  	s3 =	sld [smem:$0x3FA8]  }
0x31: {  	[smem:$0x3FB1] =	sst s10  }
0x32: {  	s10 =	sld [smem:$0x3FAF];
	_ =	sdelay $0x3  }
0x33: {  	p0 =	seq.s32 s10, $0x1;
	s10 =	sld [smem:$0x3FB1];
	_ =	sdelay $0x3  }
0x34: {  	[smem:$0x3FB1] =	sst s10  }
0x35: {  	s10 =	sld [smem:$0x3FB0];
	_ =	sdelay $0x3  }
0x36: {  	p1 =	seq.s32 s10, $0x1;
	s10 =	sld [smem:$0x3FB1];
	_ =	sdelay $0x3  }
0x37: {  	[smem:$0x3FB1] =	sst s10  }
0x38: {  	s10 =	sld [smem:$0x3FB2]  }
0x39: {  	_ = 	snop;
	(pc) =	sbr.ind lr, $3  }
0x3a: {  	_ = 	snop  }
0x3b: {  	_ = 	snop  }
0x3c: {  	p2 =	seq.s32 s10, $0x1;
	s10 =	sld [smem:$0x3FB1]  }
0x3d: {  	_ =	shalt  }
0x3e: {  	_ =	shalt  }
0x3f: {  	_ =	shalt  }
0x40: {  	_ =	shalt  }
0x41: {  	_ =	shalt  }
0x42: {  	_ =	shalt  }
0x43: {  	_ =	shalt  }
0x44: {  	_ =	shalt  }
0x45: {  	_ =	shalt  }
0x46: {  	_ =	shalt  }
0x47: {  	_ =	shalt  }
0x48: {  	_ =	shalt  }
0x49: {  	_ =	shalt  }
0x4a: {  	_ =	shalt  }
0x4b: {  	_ =	shalt  }
0x4c: {  	_ =	shalt  }
0x4d: {  	_ =	shalt  }
0x4e: {  	_ =	shalt  }
0x4f: {  	_ =	shalt  }
0x50: {  	_ =	shalt  }
0x51: {  	_ =	shalt  }
0x52: {  	_ =	shalt  }
0x53: {  	_ =	shalt  }
0x54: {  	_ =	shalt  }
0x55: {  	_ =	shalt  }
0x56: {  	_ =	shalt  }
0x57: {  	_ =	shalt  }
0x58: {  	_ =	shalt  }
0x59: {  	_ =	shalt  }
0x5a: {  	_ =	shalt  }
0x5b: {  	_ =	shalt  }
0x5c: {  	_ =	shalt  }
0x5d: {  	_ =	shalt  }
0x5e: {  	_ =	shalt  }
0x5f: {  	_ =	shalt  }
0x60: {  	_ =	shalt  }
0x61: {  	_ =	shalt  }
0x62: {  	_ =	shalt  }
0x63: {  	_ =	shalt  }
0x64: {  	_ =	shalt  }
0x65: {  	_ =	shalt  }
0x66: {  	_ =	shalt  }
0x67: {  	_ =	shalt  }
0x68: {  	_ =	shalt  }
0x69: {  	_ =	shalt  }
0x6a: {  	_ =	shalt  }
0x6b: {  	_ =	shalt  }
0x6c: {  	_ =	shalt  }
0x6d: {  	_ =	shalt  }
0x6e: {  	_ =	shalt  }
0x6f: {  	_ =	shalt  }
0x70: {  	_ =	shalt  }
0x71: {  	_ =	shalt  }
0x72: {  	_ =	shalt  }
0x73: {  	_ =	shalt  }
0x74: {  	_ =	shalt  }
0x75: {  	_ =	shalt  }
0x76: {  	_ =	shalt  }
0x77: {  	_ =	shalt  }
0x78: {  	_ =	shalt  }
0x79: {  	_ =	shalt  }
0x7a: {  	_ =	shalt  }
0x7b: {  	_ =	shalt  }
0x7c: {  	_ =	shalt  }
0x7d: {  	_ =	shalt  }
0x7e: {  	_ =	shalt  }
0x7f: {  	_ =	shalt  }
0x80: {  	_ =	shalt  }
0x81: {  	_ =	shalt  }
0x82: {  	_ =	shalt  }
0x83: {  	_ =	shalt  }
0x84: {  	_ =	shalt  }
0x85: {  	_ =	shalt  }
0x86: {  	_ =	shalt  }
0x87: {  	_ =	shalt  }
.Lfunc_end0:
.L_simem_size_0:
called_computation.1_lowered:
.L_overlay_start_0:
0x88: {  	s2 =	sld [smem:$0x3FD9]  }
0x89: {  	s3 =	sld [smem:$0x3FFE];
	_ =	sdelay $0x1  }
0x8a: {  	s1 =	srdreg.scid  }
0x8b: {  	s0 =	sand.u32 $0x1, s1  }
0x8c: {  	s16 =	sshll.u32 s0, $0xA;
	s2 =	sadd.s32 s3, s2  }
0x8d: {  	s2 =	sadd.s32 s2, s16  }
0x8e: {  	[smem:$0x3FBD] =	sst s2  }
0x8f: {  	_ = 	snop  }
0x90: {  	(tm) =	ssettm $0x1  }
0x91: {  	s17 =	sld [smem:$0x3FFB];
	_ =	sdelay $0x3  }
0x92: {  	_ =	strace s17  }
0x93: {  	s2 =	sld [smem:$0x3FFC];
	_ =	sdelay $0x3  }
0x94: {  	_ =	strace s2  }
0x95: {  	s2 =	sld [smem:$0x3FFD];
	_ =	sdelay $0x3  }
0x96: {  	_ =	strace s2  }
0x97: {  	_ =	strace $0x8FFFFFFF  }
0x98: {  	s18 =	sld [smem:$0x3FDB];
	_ =	sdelay $0x1  }
0x99: {  	s19 =	simm.s32 $_scs_section_size  }
0x9a: {  	s4 =	simm.s32 $_size__tile_overlayer_lowered;
	s5 =	simm.s32 $_tile_overlayer_lowered  }
0x9b: {  	s22 =	simm.s32 $0x1BFF;
	s21 =	sshll.u32 s5, $0x1;
	s2 =	sadd.s32 s19, s18  }
0x9c: {  	s6 =	simm.s32 $0x0;
	s20 =	sshll.u32 s4, $0x1;
	s4 =	sadd.s32 s21, s2  }
0x9d: {  	[timem:s6], [sflag:s22] =	dma.local [hbm:s4], s20  }
0x9e: {  	_ =	swait.ge [sflag:s22], s20  }
0x9f: {  	s3 =	ssub.s32 $0x0, s20;
	[sflag:s22] =	ssyncset.done $0x0  }
0xa0: {  	[sflag:s22] =	ssyncadd.s32 s3;
	_ =	sdelay $0x1  }
0xa1: {  	s23 =	simm.s32 $0x1B8B  }
0xa2: {  	_ =	swait.ge [sflag:s23], $0x1  }
0xa3: {  	[sflag:s23] =	ssyncset.done $0x0  }
0xa4: {  	s25 =	simm.s32 $0x1B8E;
	s24 =	sld [smem:$0x3FFE];
	[sflag:s23] =	ssyncadd.s32 $0xFFFFFFFF  }
0xa5: {  	s26 =	simm.s32 $execute0_lowered;
	[smem:$0x3FD2] =	sst s25  }
0xa6: {  	s4 =	sshll.u32 s26, $0x1;
	_ =	strace $0x80000046;
	[dreg:$0x1] =	wrdreg $0xFFFFFFFF  }
0xa7: {  	s28 =	simm.s32 $_size_execute0_lowered;
	s2 =	sadd.s32 s2, s4;
	[dreg:$0x0] =	wrdreg $0x0  }
0xa8: {  	s4 =	sshll.u32 s28, $0x1;
	[dreg:$0x2] =	wrdreg s2  }
0xa9: {  	[dreg:$0x3] =	wrdreg s4  }
0xaa: {  	[dreg:$0x4] =	wrdreg $0xC0  }
0xab: {  	_ =	task [dreg:s6], $0x5FFFF  }
0xac: {  	[dreg:$0x1] =	wrdreg $0xFFFFFFFF  }
0xad: {  	[dreg:$0x0] =	wrdreg $0x60  }
0xae: {  	[dreg:$0x2] =	wrdreg s24  }
0xaf: {  	[dreg:$0x3] =	wrdreg $0xA  }
0xb0: {  	_ =	task.clear_ibuf [dreg:s6], $0x4FFFF;
	_ =	strace $0x90000046  }
0xb1: {  	s29 =	simm.s32 $0xA;
	_ =	strace $0x80000048  }
0xb2: {  	_ =	swait.ge [sflag:s29], $0x1  }
0xb3: {  	[sflag:s29] =	ssyncadd.s32 $0xFFFFFFFF  }
0xb4: {  	_ =	strace $0x90000048  }
0xb5: {  	_ =	sfence  }
0xb6: {  	s30 =	sld [smem:$0x0];
	_ =	sdelay $0x2  }
0xb7: {  	s31 =	sshll.u32 s1, $0xD;
	s1 =	sshrl.u32 s1, $0x2  }
0xb8: {  	s3 =	sand.u32 $0x4000, s31;
	s1 =	sadd.s32 s1, s30  }
0xb9: {  	s0 =	sor.u32 s3, s0;
	s1 =	sshll.u32 s1, $0x11  }
0xba: {  	s0 =	sor.u32 s1, s0  }
0xbb: {  	s0 =	sadd.s32 $0x8F2B, s0  }
0xbc: {  	[sflag:s0] =	ssyncadd.remote.s32 $0x1  }
0xbd: {  	_ =	sfence.sel $0xFFFF  }
0xbe: {  	[dreg:$0x0] =	wrdreg $0xFFFFFFFF;
	(pc) =	sbr.abs _section_cstart, $3  }
0xbf: {  	[dreg:$0x1] =	wrdreg $0xFFFFFFFF  }
0xc0: {  	_ =	task.clear_ibuf [dreg:s6], $0x2FFFF;
	_ =	strace $0x9FFFFFFF  }
0xc1: {  	(tm) =	ssettm $0x7FFFFFFF  }
tec
execute0_lowered:
.L_overlay_start_1:
0x0: {  	(tag) =	ssettag $0x1  }
0x1: {  	s5 =	rddreg [dreg:$0x0]  }
0x2: {  	s1 =	srdreg.scid;
	s0 =	rddreg [dreg:$0x1]  }
0x3: {  	s2 =	simm.s32 $0x0;
	s18 =	simm.s32 $0xCC00;
	s19 =	simm.s32 $0x1  }
0x4: {  	s20 =	simm.s32 $0xA0;
	s21 =	simm.s32 $0x0;
	s9 =	sand.u32 $0x1, s1  }
0x5: {  	s1 =	stileid.u32;
	[smem:$0x7FF] =	sst s2;
	s13 =	sadd.s32 $0x54C00, s5  }
0x6: {  	s12 =	sadd.s32 $0x52400, s5;
	s10 =	sadd.s32 $0x199C00, s5;
	s15 =	smul.u32 $0xA000, s9  }
0x7: {  	s11 =	sadd.s32 $0x59C00, s5;
	s3 =	sshll.u32 s9, $0x4;
	s16 =	smul.u32 $0xA00, s1  }
0x8: {  	_ =	strace $0x80000047;
	s7 =	ssub.s32 $0x2, s9;
	s17 =	smul.u32 $0xA0000, s9  }
0x9: {  	s31 =	smul.u32 $0xA000, s1;
	s4 =	sor.u32 s1, s3;
	s3 =	sadd.s32 $0x4000, s5  }
0xa: {  	s30 =	sshrl.u32 s7, $0x1;
	s6 =	smul.u32 $0xA00, s4;
	s4 =	sadd.s32 $0x2B200, s5  }
0xb: {  	s14 =	ssub.s32 s7, s30;
	s15 =	sadd.s32 s16, s15;
	s16 =	simm.s32 $0x190  }
0xc: {  	s9 =	smax.u32 s14, $0x1;
	s15 =	sshrl.u32 s15, $0x3;
	s8 =	sadd.s32 $0x960, s6  }
0xd: {  	s14 =	simm.s32 $0x2;
	s6 =	sshrl.u32 s8, $0x3;
	s8 =	sshll.u32 s8, $0x4  }
0xe: {  	s5 =	sadd.s32 s13, s6;
	s6 =	sadd.s32 s12, s6;
	s7 =	sadd.s32 s10, s8  }
0xf: {  	s8 =	sadd.s32 s11, s8;
	s10 =	sadd.s32 s17, s10;
	s11 =	sadd.s32 s17, s11  }
0x10: {  	s12 =	sadd.s32 s15, s12;
	s13 =	sadd.s32 s15, s13;
	s15 =	simm.s32 $0x200  }
0x11: {  	s17 =	simm.s32 $0x400;
	s10 =	sadd.s32 s31, s10;
	s11 =	sadd.s32 s31, s11  }
.LBB2_1:
0x12: {  	s22 =	sadd.s32 $0x0, s13  }
0x13: {  	[tilespmem:s2], [sflag:$0x2] =	stream.linear.gather [hbm4b:s22+s2], $0x190, $0x38;
	[tilespmem:$0x19400] =	vst v63  }
0x14: {  	_ =	swait.ge [sflag:s14], $0x190  }
0x15: {  	[sflag:s14] =	ssyncset.done $0x0  }
0x16: {  	s31 =	sadd.s32 $0x0, s12;
	[sflag:s14] =	ssyncadd.s32 $0xFFFFFE70  }
0x17: {  	[tilespmem:s15], [sflag:$0x2] =	stream.linear.gather [hbm4b:s31+s2], $0x190, $0x38;
	[tilespmem:$0x19400] =	vst v63  }
0x18: {  	_ =	swait.ge [sflag:s14], $0x190  }
0x19: {  	[sflag:s14] =	ssyncset.done $0x0  }
0x1a: {  	[sflag:s14] =	ssyncadd.s32 $0xFFFFFE70  }
0x1b: {  	[tilespmem:s17], [sflag:$0x1] =	stream.indirect.gather [hbm4b:s3+s16], $0x80, s2, s16, $0xb8;
	[tilespmem:$0x19400] =	vst v63  }
0x1c: {  	_ = 	snop  }
0x1d: {  	[tilespmem:s18], [sflag:$0x1] =	stream.indirect.gather [hbm4b:s4+s16], $0x80, s15, s16, $0xb8;
	[tilespmem:$0x19400] =	vst v63  }
0x1e: {  	_ =	swait.ge [sflag:s19], $0xC800  }
0x1f: {  	[sflag:s19] =	ssyncset.done $0x0  }
0x20: {  	[sflag:s19] =	ssyncadd.s32 $0xFFFF3800  }
0x21: {  	_ =	swait.ge [sflag:s19], $0xC800  }
0x22: {  	[sflag:s19] =	ssyncset.done $0x0  }
0x23: {  	[sflag:s19] =	ssyncadd.s32 $0xFFFF3800  }
0x24: {  	[hbm4b:s10+s2] =	stream.linear.scatter [tilespmem:s17], [sflag:$0x2], $0xC800, $0x38;
	[tilespmem:$0x19400] =	vst v63  }
0x25: {  	_ =	swait.ge [sflag:s14], $0xC800  }
0x26: {  	[sflag:s14] =	ssyncset.done $0x0  }
0x27: {  	[sflag:s14] =	ssyncadd.s32 $0xFFFF3800  }
0x28: {  	[hbm4b:s11+s2] =	stream.linear.scatter [tilespmem:s18], [sflag:$0x2], $0xC800, $0x38;
	[tilespmem:$0x19400] =	vst v63  }
0x29: {  	s24 =	simm.s32 $0x32;
	s25 =	simm.s32 $0x64;
	_ =	swait.ge [sflag:s14], $0xC800  }
0x2a: {  	s23 =	sadd.s32 $0x1900, s10;
	s22 =	sadd.s32 $0x1900, s11;
	[sflag:s14] =	ssyncset.done $0x0  }
.LBB2_2:
0x2b: {  	s26 =	sadd.s32 s24, s13  }
0x2c: {  	[sflag:s14] =	ssyncadd.s32 $0xFFFF3800;
	s28 =	smov.u32 s25;
	s29 =	sadd.s32 $0x32, s25  }
0x2d: {  	[tilespmem:s2], [sflag:$0x2] =	stream.linear.gather [hbm4b:s26+s2], $0x190, $0x38;
	[tilespmem:$0x19400] =	vst v63  }
0x2e: {  	p0 =	sne.s32 s25, $0xFA;
	_ =	swait.ge [sflag:s14], $0x190  }
0x2f: {  	[sflag:s14] =	ssyncset.done $0x0  }
0x30: {  	s25 =	sadd.s32 s24, s12;
	s24 =	smov.u32 s28;
	[sflag:s14] =	ssyncadd.s32 $0xFFFFFE70  }
0x31: {  	[tilespmem:s15], [sflag:$0x2] =	stream.linear.gather [hbm4b:s25+s2], $0x190, $0x38;
	[tilespmem:$0x19400] =	vst v63  }
0x32: {  	_ =	swait.ge [sflag:s14], $0x190  }
0x33: {  	[sflag:s14] =	ssyncset.done $0x0  }
0x34: {  	[sflag:s14] =	ssyncadd.s32 $0xFFFFFE70  }
0x35: {  	[tilespmem:s17], [sflag:$0x1] =	stream.indirect.gather [hbm4b:s3+s16], $0x80, s2, s16, $0xb8;
	[tilespmem:$0x19400] =	vst v63  }
0x36: {  	_ = 	snop  }
0x37: {  	[tilespmem:s18], [sflag:$0x1] =	stream.indirect.gather [hbm4b:s4+s16], $0x80, s15, s16, $0xb8;
	[tilespmem:$0x19400] =	vst v63  }
0x38: {  	_ =	swait.ge [sflag:s19], $0xC800  }
0x39: {  	[sflag:s19] =	ssyncset.done $0x0  }
0x3a: {  	[sflag:s19] =	ssyncadd.s32 $0xFFFF3800  }
0x3b: {  	_ =	swait.ge [sflag:s19], $0xC800  }
0x3c: {  	[sflag:s19] =	ssyncset.done $0x0  }
0x3d: {  	[sflag:s19] =	ssyncadd.s32 $0xFFFF3800  }
0x3e: {  	[hbm4b:s23+s2] =	stream.linear.scatter [tilespmem:s17], [sflag:$0x2], $0xC800, $0x38;
	[tilespmem:$0x19400] =	vst v63  }
0x3f: {  	_ =	swait.ge [sflag:s14], $0xC800  }
.Ltmp0:
0x40: {  	[sflag:s14] =	ssyncset.done $0x0;
	(pc) =	sbr.rel @p0 .LBB2_2-.Ltmp0, $4  }
0x41: {  	[sflag:s14] =	ssyncadd.s32 $0xFFFF3800  }
0x42: {  	[hbm4b:s22+s2] =	stream.linear.scatter [tilespmem:s18], [sflag:$0x2], $0xC800, $0x38;
	[tilespmem:$0x19400] =	vst v63  }
0x43: {  	s25 =	smov.u32 s29;
	_ =	swait.ge [sflag:s14], $0xC800  }
0x44: {  	s23 =	sadd.s32 $0x1900, s23;
	s22 =	sadd.s32 $0x1900, s22;
	[sflag:s14] =	ssyncset.done $0x0  }
0x45: {  	s25 =	sadd.s32 s24, s13;
	[sflag:s14] =	ssyncadd.s32 $0xFFFF3800  }
0x46: {  	[tilespmem:s2], [sflag:$0x2] =	stream.linear.gather [hbm4b:s25+s2], $0x190, $0x38;
	[tilespmem:$0x19400] =	vst v63  }
0x47: {  	_ =	swait.ge [sflag:s14], $0x190  }
0x48: {  	[sflag:s14] =	ssyncset.done $0x0  }
0x49: {  	s31 =	sadd.s32 s24, s12;
	[sflag:s14] =	ssyncadd.s32 $0xFFFFFE70  }
0x4a: {  	[tilespmem:s15], [sflag:$0x2] =	stream.linear.gather [hbm4b:s31+s2], $0x190, $0x38;
	[tilespmem:$0x19400] =	vst v63  }
0x4b: {  	_ =	swait.ge [sflag:s14], $0x190  }
0x4c: {  	[sflag:s14] =	ssyncset.done $0x0  }
0x4d: {  	[sflag:s14] =	ssyncadd.s32 $0xFFFFFE70  }
0x4e: {  	[tilespmem:s17], [sflag:$0x1] =	stream.indirect.gather [hbm4b:s3+s16], $0x80, s2, s16, $0xb8;
	[tilespmem:$0x19400] =	vst v63  }
0x4f: {  	_ = 	snop  }
0x50: {  	[tilespmem:s18], [sflag:$0x1] =	stream.indirect.gather [hbm4b:s4+s16], $0x80, s15, s16, $0xb8;
	[tilespmem:$0x19400] =	vst v63  }
0x51: {  	_ =	swait.ge [sflag:s19], $0xC800  }
0x52: {  	[sflag:s19] =	ssyncset.done $0x0  }
0x53: {  	[sflag:s19] =	ssyncadd.s32 $0xFFFF3800  }
0x54: {  	_ =	swait.ge [sflag:s19], $0xC800  }
0x55: {  	[sflag:s19] =	ssyncset.done $0x0  }
0x56: {  	[sflag:s19] =	ssyncadd.s32 $0xFFFF3800  }
0x57: {  	[hbm4b:s23+s2] =	stream.linear.scatter [tilespmem:s17], [sflag:$0x2], $0xC800, $0x38;
	[tilespmem:$0x19400] =	vst v63  }
0x58: {  	_ =	swait.ge [sflag:s14], $0xC800  }
0x59: {  	[sflag:s14] =	ssyncset.done $0x0  }
0x5a: {  	[sflag:s14] =	ssyncadd.s32 $0xFFFF3800  }
0x5b: {  	[hbm4b:s22+s2] =	stream.linear.scatter [tilespmem:s18], [sflag:$0x2], $0xC800, $0x38;
	[tilespmem:$0x19400] =	vst v63  }
0x5c: {  	_ =	swait.ge [sflag:s14], $0xC800  }
0x5d: {  	[sflag:s14] =	ssyncset.done $0x0  }
0x5e: {  	[sflag:s14] =	ssyncadd.s32 $0xFFFF3800  }
0x5f: {  	[tilespmem:s2], [sflag:$0x2] =	stream.linear.gather [hbm4b:s5+s2], $0xA0, $0x38;
	[tilespmem:$0x19400] =	vst v63  }
0x60: {  	_ =	swait.ge [sflag:s14], $0xA0  }
0x61: {  	[sflag:s14] =	ssyncset.done $0x0  }
0x62: {  	[sflag:s14] =	ssyncadd.s32 $0xFFFFFF60  }
0x63: {  	[tilespmem:s15], [sflag:$0x2] =	stream.linear.gather [hbm4b:s6+s2], $0xA0, $0x38;
	[tilespmem:$0x19400] =	vst v63  }
0x64: {  	_ =	swait.ge [sflag:s14], $0xA0  }
0x65: {  	[sflag:s14] =	ssyncset.done $0x0  }
0x66: {  	[sflag:s14] =	ssyncadd.s32 $0xFFFFFF60  }
0x67: {  	[tilespmem:s17], [sflag:$0x1] =	stream.indirect.gather [hbm4b:s3+s20], $0x80, s2, s20, $0xb8;
	[tilespmem:$0x19400] =	vst v63  }
0x68: {  	_ = 	snop  }
0x69: {  	[tilespmem:s18], [sflag:$0x1] =	stream.indirect.gather [hbm4b:s4+s20], $0x80, s15, s20, $0xb8;
	[tilespmem:$0x19400] =	vst v63  }
0x6a: {  	_ =	swait.ge [sflag:s19], $0x5000  }
0x6b: {  	[sflag:s19] =	ssyncset.done $0x0  }
0x6c: {  	[sflag:s19] =	ssyncadd.s32 $0xFFFFB000  }
0x6d: {  	_ =	swait.ge [sflag:s19], $0x5000  }
0x6e: {  	[sflag:s19] =	ssyncset.done $0x0  }
0x6f: {  	[sflag:s19] =	ssyncadd.s32 $0xFFFFB000  }
0x70: {  	[hbm4b:s7+s2] =	stream.linear.scatter [tilespmem:s17], [sflag:$0x2], $0x5000, $0x38;
	[tilespmem:$0x19400] =	vst v63  }
0x71: {  	s21 =	sadd.s32 $0x1, s21;
	_ =	swait.ge [sflag:s14], $0x5000  }
0x72: {  	p0 =	sne.s32 s21, s9;
	[sflag:s14] =	ssyncset.done $0x0  }
.Ltmp1:
0x73: {  	[sflag:s14] =	ssyncadd.s32 $0xFFFFB000;
	(pc) =	sbr.rel @p0 .LBB2_1-.Ltmp1, $4  }
0x74: {  	[hbm4b:s8+s2] =	stream.linear.scatter [tilespmem:s18], [sflag:$0x2], $0x5000, $0x38;
	[tilespmem:$0x19400] =	vst v63  }
0x75: {  	_ =	swait.ge [sflag:s14], $0x5000  }
0x76: {  	[sflag:s14] =	ssyncset.done $0x0  }
0x77: {  	[sflag:s14] =	ssyncadd.s32 $0xFFFFB000  }
0x78: {  	_ =	sfence.sel $0x180000  }
0x79: {  	[bflag:$0x0] =	sbarrier.arrive $0xFFFF  }
0x7a: {  	p0 =	sne.s32 s1, $0x0;
	_ =	strace $0x90000047  }
0x7b: {  	s0 =	sadd.s32 @!p0 $0x100000, s0;
	[bflag:$0x2] =	sbarrier.arrive $0xFFFF  }
0x7c: {  	[sflag:s0] =	ssyncadd.tile.s32 @!p0 $0x1;
	_ =	shalt  }
.Lfunc_end2:
_tile_overlayer_lowered:
.L_overlay_start_2:
0x7d: {  	(tag) =	ssettag $0x2  }
0x7e: {  	s0 =	rddreg [dreg:$0x0];
	s2 =	stileid.u32  }
0x7f: {  	s1 =	rddreg [dreg:$0x1];
	p0 =	sne.s32 s2, $0x0  }
0x80: {  	s3 =	rddreg [dreg:$0x2];
	[bflag:$0x3] =	sbarrier.arrive $0xFFFF;
	s2 =	simm.s32 @!p0 $0x1C02  }
0x81: {  	[timem:s3], [sflag:s2] =	dma.local @!p0 [hbm:s0], s1  }
0x82: {  	s0 =	simm.s32 @!p0 $0x2  }
0x83: {  	_ =	swait.ge @!p0 [sflag:s0], s1  }
0x84: {  	s1 =	ssub.s32 @!p0 $0x0, s1;
	[sflag:s0] =	ssyncset.done @!p0 $0x0  }
0x85: {  	[sflag:s0] =	ssyncadd.s32 @!p0 s1  }
0x86: {  	[bflag:$0x3] =	sbarrier.arrive $0xFFFF  }
0x87: {  	_ =	shalt  }

// kernel: kernel.18.cloned.1.call-start
scs
__scs_entry_jumppad:
0x0: {  	(pc) =	sbr.rel $0x88, $3  }
0x1: {  	(tag) =	ssettag $0x0;
	lr =	simm.s32 $0x1  }
0x2: {  	[smem:$0x3F96] =	sst lr;
	_ =	strace $0xD0000000  }
0x3: {  	_ = 	snop  }
0x4: {  	_ = 	snop  }
0x5: {  	_ = 	snop  }
0x6: {  	_ = 	snop  }
0x7: {  	_ = 	snop  }
__scs_overlays_trampoline_lowered:
0x8: {  	[smem:$0x3FA5] =	sst s0  }
0x9: {  	[smem:$0x3FA6] =	sst s1  }
0xa: {  	[smem:$0x3FA7] =	sst s2  }
0xb: {  	[smem:$0x3FA8] =	sst s3  }
0xc: {  	[smem:$0x3FA9] =	sst s4  }
0xd: {  	[smem:$0x3FAA] =	sst s5  }
0xe: {  	[smem:$0x3FAB] =	sst s6  }
0xf: {  	[smem:$0x3FAC] =	sst s7  }
0x10: {  	[smem:$0x3FAD] =	sst s8  }
0x11: {  	[smem:$0x3FAE] =	sst s9;
	s0 =	simm.s32 @!p0 $0x0  }
0x12: {  	s1 =	sld [smem:$0x3F94];
	s0 =	simm.s32 @p0 $0x1  }
0x13: {  	[smem:$0x3FAF] =	sst s0;
	s0 =	simm.s32 @!p1 $0x0  }
0x14: {  	s2 =	sld [smem:$0x3F93];
	s0 =	simm.s32 @p1 $0x1  }
0x15: {  	[smem:$0x3FB0] =	sst s0;
	s0 =	simm.s32 @!p2 $0x0  }
0x16: {  	s3 =	sld [smem:$0x3FDB];
	s0 =	simm.s32 @p2 $0x1  }
0x17: {  	s4 =	simm.s32 $0x1BF5;
	[smem:$0x3FB2] =	sst s0  }
0x18: {  	s0 =	sld [smem:$0x3F95];
	_ =	swait.ge [sflag:s4], $0x0  }
0x19: {  	s7 =	sld [smem:$0x3F96]  }
0x1a: {  	s8 =	sadd.s32 $0xFFFFE003, lr  }
0x1b: {  	s9 =	sadd.s32 $0xFFFFFEF7, lr;
	s5 =	simm.s32 $0xFFFFFFFF;
	p2 =	slt.u32 s8, $0xFFFFF086  }
0x1c: {  	p1 =	slt.u32 s9, $0xF7A;
	s5 =	simm.s32 @!p2 $0x0  }
0x1d: {  	s5 =	simm.s32 @p1 $0x1;
	p0 =	seq.s32 s7, s2  }
0x1e: {  	s7 =	smul.u32 @!p0 $0xF7A, s2;
	p2 =	seq.s32 @!p0 s5, $0x0  }
0x1f: {  	s9 =	smul.u32 $0xF7A, s1;
	s8 =	simm.s32 @!p0 $0x1BF5;
	p2 =	por !p2, p0  }
0x20: {  	[sflag:s8] =	ssyncset.s32 @!p0 $0xFFFFF086;
	s6 =	sadd.s32 @!p0 s3, s7;
	s7 =	simm.s32 @!p0 $0x108  }
0x21: {  	s3 =	sadd.s32 s3, s9;
	s6 =	sadd.s32 @!p0 $0x88, s6;
	s7 =	simm.s32 @p2 $0x1082  }
0x22: {  	[simem:s7], [sflag:s8] =	dma.local @!p0 [hbm:s6], $0xF7A  }
0x23: {  	s9 =	sor.u32 $0xD0000000, s2;
	s6 =	simm.s32 $0x108;
	_ =	swait.ge @!p0 [sflag:s8], $0x0  }
0x24: {  	s3 =	sadd.s32 $0x88, s3;
	s6 =	simm.s32 @!p1 $0x1082;
	[sflag:s4] =	ssyncset.s32 $0xFFFFF086  }
0x25: {  	[simem:s6], [sflag:s4] =	dma.local [hbm:s3], $0xF7A  }
0x26: {  	[smem:$0x3F96] =	sst s1;
	(tag) =	ssettag s2;
	_ =	strace s9  }
0x27: {  	s1 =	sld [smem:$0x3FA6]  }
0x28: {  	s2 =	sld [smem:$0x3FA7]  }
0x29: {  	s4 =	sld [smem:$0x3FA9]  }
0x2a: {  	p0 =	seq.s32 s5, $0x0;
	s5 =	sld [smem:$0x3FAA]  }
0x2b: {  	s6 =	sld [smem:$0x3FAB]  }
0x2c: {  	s7 =	sld [smem:$0x3FAC]  }
0x2d: {  	s3 =	simm.s32 $0x108;
	s8 =	sld [smem:$0x3FAD]  }
0x2e: {  	s3 =	simm.s32 @!p0 $0x1082;
	s9 =	sld [smem:$0x3FAE]  }
0x2f: {  	lr =	sadd.s32 s0, s3;
	s0 =	sld [smem:$0x3FA5]  }
0x30: {  	s3 =	sld [smem:$0x3FA8]  }
0x31: {  	[smem:$0x3FB1] =	sst s10  }
0x32: {  	s10 =	sld [smem:$0x3FAF];
	_ =	sdelay $0x3  }
0x33: {  	p0 =	seq.s32 s10, $0x1;
	s10 =	sld [smem:$0x3FB1];
	_ =	sdelay $0x3  }
0x34: {  	[smem:$0x3FB1] =	sst s10  }
0x35: {  	s10 =	sld [smem:$0x3FB0];
	_ =	sdelay $0x3  }
0x36: {  	p1 =	seq.s32 s10, $0x1;
	s10 =	sld [smem:$0x3FB1];
	_ =	sdelay $0x3  }
0x37: {  	[smem:$0x3FB1] =	sst s10  }
0x38: {  	s10 =	sld [smem:$0x3FB2]  }
0x39: {  	_ = 	snop;
	(pc) =	sbr.ind lr, $3  }
0x3a: {  	_ = 	snop  }
0x3b: {  	_ = 	snop  }
0x3c: {  	p2 =	seq.s32 s10, $0x1;
	s10 =	sld [smem:$0x3FB1]  }
0x3d: {  	_ =	shalt  }
0x3e: {  	_ =	shalt  }
0x3f: {  	_ =	shalt  }
0x40: {  	_ =	shalt  }
0x41: {  	_ =	shalt  }
0x42: {  	_ =	shalt  }
0x43: {  	_ =	shalt  }
0x44: {  	_ =	shalt  }
0x45: {  	_ =	shalt  }
0x46: {  	_ =	shalt  }
0x47: {  	_ =	shalt  }
0x48: {  	_ =	shalt  }
0x49: {  	_ =	shalt  }
0x4a: {  	_ =	shalt  }
0x4b: {  	_ =	shalt  }
0x4c: {  	_ =	shalt  }
0x4d: {  	_ =	shalt  }
0x4e: {  	_ =	shalt  }
0x4f: {  	_ =	shalt  }
0x50: {  	_ =	shalt  }
0x51: {  	_ =	shalt  }
0x52: {  	_ =	shalt  }
0x53: {  	_ =	shalt  }
0x54: {  	_ =	shalt  }
0x55: {  	_ =	shalt  }
0x56: {  	_ =	shalt  }
0x57: {  	_ =	shalt  }
0x58: {  	_ =	shalt  }
0x59: {  	_ =	shalt  }
0x5a: {  	_ =	shalt  }
0x5b: {  	_ =	shalt  }
0x5c: {  	_ =	shalt  }
0x5d: {  	_ =	shalt  }
0x5e: {  	_ =	shalt  }
0x5f: {  	_ =	shalt  }
0x60: {  	_ =	shalt  }
0x61: {  	_ =	shalt  }
0x62: {  	_ =	shalt  }
0x63: {  	_ =	shalt  }
0x64: {  	_ =	shalt  }
0x65: {  	_ =	shalt  }
0x66: {  	_ =	shalt  }
0x67: {  	_ =	shalt  }
0x68: {  	_ =	shalt  }
0x69: {  	_ =	shalt  }
0x6a: {  	_ =	shalt  }
0x6b: {  	_ =	shalt  }
0x6c: {  	_ =	shalt  }
0x6d: {  	_ =	shalt  }
0x6e: {  	_ =	shalt  }
0x6f: {  	_ =	shalt  }
0x70: {  	_ =	shalt  }
0x71: {  	_ =	shalt  }
0x72: {  	_ =	shalt  }
0x73: {  	_ =	shalt  }
0x74: {  	_ =	shalt  }
0x75: {  	_ =	shalt  }
0x76: {  	_ =	shalt  }
0x77: {  	_ =	shalt  }
0x78: {  	_ =	shalt  }
0x79: {  	_ =	shalt  }
0x7a: {  	_ =	shalt  }
0x7b: {  	_ =	shalt  }
0x7c: {  	_ =	shalt  }
0x7d: {  	_ =	shalt  }
0x7e: {  	_ =	shalt  }
0x7f: {  	_ =	shalt  }
0x80: {  	_ =	shalt  }
0x81: {  	_ =	shalt  }
0x82: {  	_ =	shalt  }
0x83: {  	_ =	shalt  }
0x84: {  	_ =	shalt  }
0x85: {  	_ =	shalt  }
0x86: {  	_ =	shalt  }
0x87: {  	_ =	shalt  }
.Lfunc_end0:
.L_simem_size_0:
called_computation.2_lowered:
.L_overlay_start_0:
0x88: {  	s2 =	sld [smem:$0x3FD9]  }
0x89: {  	s3 =	sld [smem:$0x3FFE];
	_ =	sdelay $0x1  }
0x8a: {  	s1 =	srdreg.scid  }
0x8b: {  	s0 =	sand.u32 $0x1, s1  }
0x8c: {  	s17 =	sshll.u32 s0, $0xA;
	s2 =	sadd.s32 s3, s2  }
0x8d: {  	s2 =	sadd.s32 s2, s17  }
0x8e: {  	[smem:$0x3FBD] =	sst s2  }
0x8f: {  	_ = 	snop  }
0x90: {  	(tm) =	ssettm $0x1  }
0x91: {  	s18 =	sld [smem:$0x3FFB];
	_ =	sdelay $0x3  }
0x92: {  	_ =	strace s18  }
0x93: {  	s2 =	sld [smem:$0x3FFC];
	_ =	sdelay $0x3  }
0x94: {  	_ =	strace s2  }
0x95: {  	s2 =	sld [smem:$0x3FFD];
	_ =	sdelay $0x3  }
0x96: {  	_ =	strace s2  }
0x97: {  	_ =	strace $0x8FFFFFFF  }
0x98: {  	s19 =	sld [smem:$0x3FDB];
	_ =	sdelay $0x1  }
0x99: {  	s20 =	simm.s32 $_scs_section_size  }
0x9a: {  	s4 =	simm.s32 $_size__tile_overlayer_lowered;
	s5 =	simm.s32 $_tile_overlayer_lowered  }
0x9b: {  	s6 =	simm.s32 $0x1BFF;
	s21 =	sshll.u32 s5, $0x1;
	s3 =	sadd.s32 s20, s19  }
0x9c: {  	s22 =	simm.s32 $0x0;
	s4 =	sshll.u32 s4, $0x1;
	s5 =	sadd.s32 s21, s3  }
0x9d: {  	[timem:s22], [sflag:s6] =	dma.local [hbm:s5], s4  }
0x9e: {  	_ =	swait.ge [sflag:s6], s4  }
0x9f: {  	s4 =	ssub.s32 $0x0, s4;
	[sflag:s6] =	ssyncset.done $0x0  }
0xa0: {  	[sflag:s6] =	ssyncadd.s32 s4;
	_ =	sdelay $0x1  }
0xa1: {  	s23 =	simm.s32 $0x1B8B  }
0xa2: {  	_ =	swait.ge [sflag:s23], $0x1  }
0xa3: {  	[sflag:s23] =	ssyncset.done $0x0  }
0xa4: {  	[sflag:s23] =	ssyncadd.s32 $0xFFFFFFFF  }
0xa5: {  	s4 =	sld [smem:$0x0]  }
0xa6: {  	s5 =	sand.u32 $0xFFFFFFFE, s1  }
0xa7: {  	p0 =	sne.s32 s1, s5  }
0xa8: {  	s5 =	sshll.u32 @p0 s5, $0xE  }
0xa9: {  	s5 =	sadd.s32 @p0 $0x11B8D, s5;
	s6 =	sshll.u32 @p0 s4, $0x11  }
0xaa: {  	s5 =	sor.u32 @p0 s6, s5  }
0xab: {  	[sflag:s5] =	ssyncadd.remote.s32 @p0 $0x1;
	_ =	sdelay $0x1  }
0xac: {  	s5 =	simm.s32 @p0 $0x1B8D  }
0xad: {  	_ =	swait.eq @p0 [sflag:s5], $0x1  }
0xae: {  	[sflag:s5] =	ssyncadd.s32 @p0 $0xFFFFFFFF  }
0xaf: {  	s6 =	sshll.u32 @!p0 s1, $0xE  }
0xb0: {  	s6 =	sor.u32 @!p0 $0x4000, s6;
	s5 =	simm.s32 @!p0 $0x1B8D  }
0xb1: {  	s4 =	sshll.u32 @!p0 s4, $0x11;
	s6 =	sadd.s32 @!p0 $0x11B8D, s6;
	_ =	swait.eq @!p0 [sflag:s5], $0x1  }
0xb2: {  	s4 =	sor.u32 @!p0 s4, s6;
	[sflag:s5] =	ssyncadd.s32 @!p0 $0xFFFFFFFF  }
0xb3: {  	s25 =	simm.s32 $0x1B8E;
	s24 =	sld [smem:$0x3FFE];
	[sflag:s4] =	ssyncadd.remote.s32 @!p0 $0x1  }
0xb4: {  	s26 =	simm.s32 $execute0_lowered;
	[smem:$0x3FD2] =	sst s25  }
0xb5: {  	s5 =	sshll.u32 s26, $0x1;
	_ =	strace $0x8000004F;
	[dreg:$0x1] =	wrdreg $0xFFFFFFFF  }
0xb6: {  	s28 =	simm.s32 $_size_execute0_lowered;
	s3 =	sadd.s32 s3, s5;
	[dreg:$0x0] =	wrdreg $0x0  }
0xb7: {  	s5 =	sshll.u32 s28, $0x1;
	[dreg:$0x2] =	wrdreg s3  }
0xb8: {  	[dreg:$0x3] =	wrdreg s5  }
0xb9: {  	[dreg:$0x4] =	wrdreg $0xC0  }
0xba: {  	_ =	task [dreg:s22], $0x5FFFF  }
0xbb: {  	[dreg:$0x1] =	wrdreg $0xFFFFFFFF  }
0xbc: {  	[dreg:$0x0] =	wrdreg $0x60  }
0xbd: {  	[dreg:$0x2] =	wrdreg s24  }
0xbe: {  	[dreg:$0x3] =	wrdreg $0x84800  }
0xbf: {  	[dreg:$0x4] =	wrdreg $0x1BD400  }
0xc0: {  	[dreg:$0x5] =	wrdreg $0x9  }
0xc1: {  	_ =	task.clear_ibuf [dreg:s22], $0x6FFFF;
	_ =	strace $0x9000004F  }
0xc2: {  	s29 =	simm.s32 $0x9;
	_ =	strace $0x80000051  }
0xc3: {  	_ =	swait.ge [sflag:s29], $0x1  }
0xc4: {  	[sflag:s29] =	ssyncadd.s32 $0xFFFFFFFF  }
0xc5: {  	_ =	strace $0x90000051  }
0xc6: {  	_ =	sfence  }
0xc7: {  	s30 =	sld [smem:$0x0];
	_ =	sdelay $0x2  }
0xc8: {  	s31 =	sshll.u32 s1, $0xD;
	s1 =	sshrl.u32 s1, $0x2  }
0xc9: {  	s4 =	sand.u32 $0x4000, s31;
	s1 =	sadd.s32 s1, s30  }
0xca: {  	s0 =	sor.u32 s4, s0;
	s1 =	sshll.u32 s1, $0x11  }
0xcb: {  	s0 =	sor.u32 s1, s0  }
0xcc: {  	s0 =	sadd.s32 $0x8F2B, s0  }
0xcd: {  	[sflag:s0] =	ssyncadd.remote.s32 $0x1  }
0xce: {  	_ =	sfence.sel $0xFFFF  }
0xcf: {  	[dreg:$0x0] =	wrdreg $0xFFFFFFFF;
	(pc) =	sbr.abs _section_cstart, $3  }
0xd0: {  	[dreg:$0x1] =	wrdreg $0xFFFFFFFF  }
0xd1: {  	_ =	task.clear_ibuf [dreg:s22], $0x2FFFF;
	_ =	strace $0x9FFFFFFF  }
0xd2: {  	(tm) =	ssettm $0x7FFFFFFF  }
0xd3: {  	_ =	shalt  }
tec
execute0_lowered:
.L_overlay_start_1:
0x0: {  	(tag) =	ssettag $0x1  }
0x1: {  	s0 =	rddreg [dreg:$0x0]  }
0x2: {  	s1 =	rddreg [dreg:$0x1]  }
0x3: {  	s3 =	rddreg [dreg:$0x2]  }
0x4: {  	s4 =	simm.s32 $0x0;
	s2 =	srdreg.scid;
	s26 =	stileid.u32  }
0x5: {  	s29 =	simm.s32 $0x8200;
	s6 =	smul.u32 $0x278, s26;
	s10 =	sadd.s32 $0x2DEC00, s0  }
0x6: {  	s30 =	simm.s32 $0x2;
	s11 =	sadd.s32 $0x199C00, s0;
	s8 =	smul.u32 $0x4E000, s26  }
0x7: {  	s2 =	sand.u32 $0x1, s2;
	s12 =	sadd.s32 $0x2DC400, s0;
	s16 =	smul.u32 $0x13800, s26  }
0x8: {  	[smem:$0x7FF] =	sst s4;
	s13 =	sadd.s32 $0x19C400, s0;
	s5 =	smul.u32 $0x2780, s2  }
0x9: {  	s31 =	simm.s32 $0x100;
	s28 =	sadd.s32 $0x134800, s1;
	s15 =	smul.u32 $0x138800, s2  }
0xa: {  	p0 =	seq.s32 s26, $0xF;
	_ =	strace $0x80000050;
	s24 =	smul.u32 $0x9C000, s2  }
0xb: {  	s7 =	sshll.u32 s2, $0x4;
	s18 =	ssub.s32 $0x2, s2;
	s2 =	smul.u32 $0x9C00, s2  }
0xc: {  	s7 =	sor.u32 s26, s7;
	s9 =	sshrl.u32 s18, $0x1;
	s19 =	sshrl.u32 s8, $0x2  }
0xd: {  	s8 =	sadd.s32 $0x12C800, s1;
	s5 =	sadd.s32 s6, s5;
	s14 =	smul.u32 $0x9C0, s7  }
0xe: {  	s25 =	ssub.s32 s18, s9;
	s9 =	sadd.s32 s6, s3;
	s21 =	sadd.s32 s16, s15  }
0xf: {  	s18 =	sadd.s32 $0x8000, s16;
	s5 =	sshrl.u32 s5, $0x3;
	s25 =	smax.u32 s25, $0x1  }
0x10: {  	s0 =	sadd.s32 s5, s0;
	s5 =	sadd.s32 s19, s1;
	s20 =	sadd.s32 $0x900, s14  }
0x11: {  	s14 =	sshrl.u32 s21, $0x3;
	s19 =	sadd.s32 s15, s18;
	s7 =	sadd.s32 $0x8000, s5  }
0x12: {  	s17 =	sshrl.u32 s20, $0x3;
	s6 =	sshll.u32 s20, $0x4;
	s14 =	sadd.s32 s13, s14  }
0x13: {  	s22 =	sshrl.u32 s19, $0x3;
	s19 =	sadd.s32 $0x10000, s16;
	s20 =	smul.u32 $0x9C0, s26  }
0x14: {  	s16 =	sadd.s32 s24, s10;
	s24 =	sadd.s32 s18, s1;
	[dreg:$0x4] =	wrdreg s7  }
0x15: {  	s7 =	sadd.s32 $0x124800, s1;
	[dreg:$0x5] =	wrdreg s14;
	s14 =	sadd.s32 s13, s22  }
0x16: {  	s23 =	sadd.s32 s15, s19;
	s15 =	sshrl.u32 s15, $0x3;
	[dreg:$0xb] =	wrdreg s24  }
0x17: {  	s6 =	sadd.s32 s10, s6;
	s21 =	sadd.s32 s12, s17;
	[dreg:$0x6] =	wrdreg s14  }
0x18: {  	s22 =	sadd.s32 s11, s17;
	s17 =	sadd.s32 s19, s1;
	[dreg:$0x8] =	wrdreg s6  }
0x19: {  	s24 =	sadd.s32 $0x55400, s0;
	s0 =	simm.s32 $0x200;
	[dreg:$0x9] =	wrdreg s21  }
0x1a: {  	s10 =	simm.s32 $0x0;
	s14 =	sshrl.u32 s23, $0x3;
	[dreg:$0xa] =	wrdreg s22  }
0x1b: {  	s2 =	sadd.s32 s20, s2;
	s23 =	smul.u32 $0x9C00, s26;
	s26 =	sadd.s32 $0x10000, s5  }
0x1c: {  	s6 =	simm.s32 $0xC0;
	s14 =	sadd.s32 s13, s14;
	s13 =	sadd.s32 s13, s15  }
0x1d: {  	s2 =	sshrl.u32 s2, $0x3;
	[dreg:$0x7] =	wrdreg s14;
	s18 =	sadd.s32 s23, s16  }
0x1e: {  	s19 =	sadd.s32 $0x24900, s13;
	s20 =	sadd.s32 s2, s11;
	s21 =	sadd.s32 s2, s12  }
0x1f: {  	v0 =	vimm.f32 $0.0e+00;
	s22 =	sadd.s32 $0x25900, s13;
	s23 =	sadd.s32 $0x26900, s13;
	s2 =	simm.s32 $0x1  }
.LBB2_1:
0x20: {  	s11 =	simm.s32 $0x0;
	s12 =	simm.s32 $0x200  }
.LBB2_2:
0x21: {  	p1 =	sne.s32 s12, $0x1FE00;
	[tilespmem:s11+$0x270] =	vst v0  }
0x22: {  	[tilespmem:s11+$0x200] =	vst v0  }
0x23: {  	[tilespmem:s11+$0x210] =	vst v0  }
.Ltmp0:
0x24: {  	[tilespmem:s11+$0x220] =	vst v0;
	(pc) =	sbr.rel @p1 .LBB2_2-.Ltmp0, $4  }
0x25: {  	[tilespmem:s11+$0x230] =	vst v0  }
0x26: {  	[tilespmem:s11+$0x240] =	vst v0  }
0x27: {  	[tilespmem:s11+$0x250] =	vst v0  }
0x28: {  	[tilespmem:s11+$0x260] =	vst v0;
	s11 =	sshra.s32 s12, $0x2;
	s12 =	sadd.s32 $0x200, s12  }
0x29: {  	[tilespmem:s11+$0x270] =	vst v0  }
0x2a: {  	[tilespmem:s11+$0x200] =	vst v0  }
0x2b: {  	[tilespmem:s11+$0x210] =	vst v0  }
0x2c: {  	[tilespmem:s11+$0x220] =	vst v0  }
0x2d: {  	[tilespmem:s11+$0x230] =	vst v0  }
0x2e: {  	[tilespmem:s11+$0x240] =	vst v0  }
0x2f: {  	[tilespmem:s11+$0x250] =	vst v0  }
0x30: {  	[tilespmem:s11+$0x260] =	vst v0  }
0x31: {  	[tilespmem:$0x8200] =	vst v0  }
0x32: {  	[tilespmem:$0x8210] =	vst v0  }
0x33: {  	[tilespmem:$0x8220] =	vst v0  }
0x34: {  	[tilespmem:$0x8230] =	vst v0  }
0x35: {  	[tilespmem:$0x8240] =	vst v0  }
0x36: {  	[tilespmem:$0x8250] =	vst v0  }
0x37: {  	[tilespmem:$0x8260] =	vst v0  }
0x38: {  	[tilespmem:$0x8270] =	vst v0  }
0x39: {  	[tilespmem:$0x8280] =	vst v0  }
0x3a: {  	[tilespmem:$0x8290] =	vst v0  }
0x3b: {  	[tilespmem:$0x82A0] =	vst v0  }
0x3c: {  	[tilespmem:$0x82B0] =	vst v0  }
0x3d: {  	[tilespmem:$0x82C0] =	vst v0  }
0x3e: {  	[tilespmem:$0x82D0] =	vst v0  }
0x3f: {  	[tilespmem:$0x82E0] =	vst v0  }
0x40: {  	[tilespmem:$0x82F0] =	vst v0  }
0x41: {  	[tilespmem:$0x8300] =	vst v0  }
0x42: {  	[tilespmem:$0x8310] =	vst v0  }
0x43: {  	[tilespmem:$0x8320] =	vst v0  }
0x44: {  	[tilespmem:$0x8330] =	vst v0  }
0x45: {  	[tilespmem:$0x8340] =	vst v0  }
0x46: {  	[tilespmem:$0x8350] =	vst v0  }
0x47: {  	[tilespmem:$0x8360] =	vst v0  }
0x48: {  	[tilespmem:$0x8370] =	vst v0  }
0x49: {  	[tilespmem:$0x8380] =	vst v0  }
0x4a: {  	[tilespmem:$0x8390] =	vst v0  }
0x4b: {  	[tilespmem:$0x83A0] =	vst v0  }
0x4c: {  	[tilespmem:$0x83B0] =	vst v0  }
0x4d: {  	[tilespmem:$0x83C0] =	vst v0  }
0x4e: {  	[tilespmem:$0x83D0] =	vst v0  }
0x4f: {  	[tilespmem:$0x83E0] =	vst v0  }
0x50: {  	[tilespmem:$0x83F0] =	vst v0  }
0x51: {  	[tilespmem:$0x8400] =	vst v0  }
0x52: {  	[tilespmem:$0x8410] =	vst v0  }
0x53: {  	[tilespmem:$0x8420] =	vst v0  }
0x54: {  	[tilespmem:$0x8430] =	vst v0  }
0x55: {  	[tilespmem:$0x8440] =	vst v0  }
0x56: {  	[tilespmem:$0x8450] =	vst v0  }
0x57: {  	[tilespmem:$0x8460] =	vst v0  }
0x58: {  	s11 =	simm.s32 @p0 $0x200;
	s12 =	simm.s32 @p0 $0x2;
	[tilespmem:$0x8470] =	vst v0  }
0x59: {  	[spmem:s7] =	stream.linear.scatter @p0 [tilespmem:s11], [sflag:$0x2], $0x8000, $0x38;
	[tilespmem:$0x1BFB8] =	vst v63  }
0x5a: {  	_ =	swait.ge @p0 [sflag:s12], $0x8000  }
0x5b: {  	[sflag:s12] =	ssyncset.done @p0 $0x0  }
0x5c: {  	[sflag:s12] =	ssyncadd.s32 @p0 $0xFFFF8000  }
0x5d: {  	[spmem:s8] =	stream.linear.scatter @p0 [tilespmem:s11], [sflag:$0x2], $0x8000, $0x38;
	[tilespmem:$0x1BFB8] =	vst v63  }
0x5e: {  	_ =	swait.ge @p0 [sflag:s12], $0x8000  }
0x5f: {  	[sflag:s12] =	ssyncset.done @p0 $0x0  }
0x60: {  	[sflag:s12] =	ssyncadd.s32 @p0 $0xFFFF8000  }
0x61: {  	[spmem:s28] =	stream.linear.scatter @p0 [tilespmem:s11], [sflag:$0x2], $0x4400, $0x38;
	[tilespmem:$0x1BFB8] =	vst v63  }
0x62: {  	_ =	swait.ge @p0 [sflag:s12], $0x4400  }
0x63: {  	[sflag:s12] =	ssyncset.done @p0 $0x0  }
0x64: {  	s11 =	simm.s32 @!p0 $0x200;
	[sflag:s12] =	ssyncadd.s32 @p0 $0xFFFFBC00;
	s12 =	simm.s32 @!p0 $0x2  }
0x65: {  	[spmem:s5] =	stream.linear.scatter @!p0 [tilespmem:s11], [sflag:$0x2], $0x8000, $0x38;
	[tilespmem:$0x1BFB8] =	vst v63  }
0x66: {  	_ =	swait.ge @!p0 [sflag:s12], $0x8000  }
0x67: {  	[sflag:s12] =	ssyncset.done @!p0 $0x0  }
0x68: {  	s13 =	rddreg [dreg:$0x4];
	[sflag:s12] =	ssyncadd.s32 @!p0 $0xFFFF8000  }
0x69: {  	[spmem:s13] =	stream.linear.scatter @!p0 [tilespmem:s11], [sflag:$0x2], $0x8000, $0x38;
	[tilespmem:$0x1BFB8] =	vst v63  }
0x6a: {  	_ =	swait.ge @!p0 [sflag:s12], $0x8000  }
0x6b: {  	[sflag:s12] =	ssyncset.done @!p0 $0x0  }
0x6c: {  	[sflag:s12] =	ssyncadd.s32 @!p0 $0xFFFF8000  }
0x6d: {  	[spmem:s26] =	stream.linear.scatter @!p0 [tilespmem:s11], [sflag:$0x2], $0x3800, $0x38;
	[tilespmem:$0x1BFB8] =	vst v63  }
0x6e: {  	_ =	swait.ge @!p0 [sflag:s12], $0x3800  }
0x6f: {  	[sflag:s12] =	ssyncset.done @!p0 $0x0  }
0x70: {  	[sflag:s12] =	ssyncadd.s32 @!p0 $0xFFFFC800  }
0x71: {  	[spmem:s9] =	stream.linear.scatter [tilespmem:s29], [sflag:$0x2], $0x278, $0x38;
	[tilespmem:$0x1BFB8] =	vst v63  }
0x72: {  	_ =	swait.ge [sflag:s30], $0x278  }
0x73: {  	[sflag:s30] =	ssyncset.done $0x0  }
0x74: {  	[sflag:s30] =	ssyncadd.s32 $0xFFFFFD88  }
0x75: {  	s15 =	sadd.s32 $0x0, s21;
	[bflag:$0x0] =	sbarrier.arrive $0xFFFF  }
0x76: {  	[tilespmem:s4], [sflag:$0x2] =	stream.linear.gather [hbm4b:s15+s4], $0x100, $0x38;
	[tilespmem:$0x1BFB8] =	vst v63  }
0x77: {  	_ =	swait.ge [sflag:s30], $0x100  }
0x78: {  	[sflag:s30] =	ssyncset.done $0x0  }
0x79: {  	s16 =	sadd.s32 $0x0, s20;
	[sflag:s30] =	ssyncadd.s32 $0xFFFFFF00  }
0x7a: {  	[tilespmem:s31], [sflag:$0x1] =	stream.linear.gather [hbm4b:s16+s4], $0x100, $0x38;
	[tilespmem:$0x1BFB8] =	vst v63  }
0x7b: {  	_ = 	snop  }
0x7c: {  	[tilespmem:s0], [sflag:$0x1] =	stream.linear.gather [hbm4b:s18+s4], $0x8000, $0x38;
	[tilespmem:$0x1BFB8] =	vst v63  }
0x7d: {  	_ =	swait.ge [sflag:s2], $0x100  }
0x7e: {  	[sflag:s2] =	ssyncset.done $0x0  }
0x7f: {  	[sflag:s2] =	ssyncadd.s32 $0xFFFFFF00  }
0x80: {  	_ =	swait.ge [sflag:s2], $0x8000  }
0x81: {  	[sflag:s2] =	ssyncset.done $0x0  }
0x82: {  	[sflag:s2] =	ssyncadd.s32 $0xFFFF8000  }
0x83: {  	[spmem:s3] =	stream.indirect.scatter.add.f32 [tilespmem:s31], [sflag:$0x2], $0x1, s4, s31, $0xb8;
	[tilespmem:$0x1BFB8] =	vst v63  }
0x84: {  	_ =	swait.ge [sflag:s30], $0x100  }
0x85: {  	[sflag:s30] =	ssyncset.done $0x0  }
0x86: {  	[sflag:s30] =	ssyncadd.s32 $0xFFFFFF00  }
0x87: {  	[spmem:s1] =	stream.indirect.scatter.add.f32 [tilespmem:s0], [sflag:$0x2], $0x80, s4, s31, $0xb8;
	[tilespmem:$0x1BFB8] =	vst v63  }
0x88: {  	s13 =	simm.s32 $0x40;
	_ =	swait.ge [sflag:s30], $0x8000  }
0x89: {  	s11 =	simm.s32 $0x20;
	s12 =	sadd.s32 $0x1000, s18;
	[sflag:s30] =	ssyncset.done $0x0  }
.LBB2_4:
0x8a: {  	s14 =	sadd.s32 s11, s21  }
0x8b: {  	[sflag:s30] =	ssyncadd.s32 $0xFFFF8000;
	s15 =	smov.u32 s13;
	s16 =	sadd.s32 $0x20, s13  }
0x8c: {  	[tilespmem:s4], [sflag:$0x2] =	stream.linear.gather [hbm4b:s14+s4], $0x100, $0x38;
	[tilespmem:$0x1BFB8] =	vst v63  }
0x8d: {  	p1 =	sne.s32 s13, $0x100;
	_ =	swait.ge [sflag:s30], $0x100  }
0x8e: {  	[sflag:s30] =	ssyncset.done $0x0  }
0x8f: {  	s13 =	sadd.s32 s11, s20;
	s11 =	smov.u32 s15;
	[sflag:s30] =	ssyncadd.s32 $0xFFFFFF00  }
0x90: {  	[tilespmem:s31], [sflag:$0x1] =	stream.linear.gather [hbm4b:s13+s4], $0x100, $0x38;
	[tilespmem:$0x1BFB8] =	vst v63  }
0x91: {  	_ = 	snop  }
0x92: {  	[tilespmem:s0], [sflag:$0x1] =	stream.linear.gather [hbm4b:s12+s4], $0x8000, $0x38;
	[tilespmem:$0x1BFB8] =	vst v63  }
0x93: {  	_ =	swait.ge [sflag:s2], $0x100  }
0x94: {  	[sflag:s2] =	ssyncset.done $0x0  }
0x95: {  	[sflag:s2] =	ssyncadd.s32 $0xFFFFFF00  }
0x96: {  	_ =	swait.ge [sflag:s2], $0x8000  }
0x97: {  	[sflag:s2] =	ssyncset.done $0x0  }
0x98: {  	[sflag:s2] =	ssyncadd.s32 $0xFFFF8000  }
0x99: {  	[spmem:s3] =	stream.indirect.scatter.add.f32 [tilespmem:s31], [sflag:$0x2], $0x1, s4, s31, $0xb8;
	[tilespmem:$0x1BFB8] =	vst v63  }
0x9a: {  	_ =	swait.ge [sflag:s30], $0x100  }
.Ltmp1:
0x9b: {  	[sflag:s30] =	ssyncset.done $0x0;
	(pc) =	sbr.rel @p1 .LBB2_4-.Ltmp1, $4  }
0x9c: {  	[sflag:s30] =	ssyncadd.s32 $0xFFFFFF00  }
0x9d: {  	[spmem:s1] =	stream.indirect.scatter.add.f32 [tilespmem:s0], [sflag:$0x2], $0x80, s4, s31, $0xb8;
	[tilespmem:$0x1BFB8] =	vst v63  }
0x9e: {  	_ =	swait.ge [sflag:s30], $0x8000  }
0x9f: {  	s13 =	smov.u32 s16;
	s12 =	sadd.s32 $0x1000, s12;
	[sflag:s30] =	ssyncset.done $0x0  }
0xa0: {  	s13 =	sadd.s32 s11, s21;
	[sflag:s30] =	ssyncadd.s32 $0xFFFF8000  }
0xa1: {  	[tilespmem:s4], [sflag:$0x2] =	stream.linear.gather [hbm4b:s13+s4], $0x100, $0x38;
	[tilespmem:$0x1BFB8] =	vst v63  }
0xa2: {  	_ =	swait.ge [sflag:s30], $0x100  }
0xa3: {  	[sflag:s30] =	ssyncset.done $0x0  }
0xa4: {  	s13 =	sadd.s32 s11, s20;
	[sflag:s30] =	ssyncadd.s32 $0xFFFFFF00  }
0xa5: {  	[tilespmem:s31], [sflag:$0x1] =	stream.linear.gather [hbm4b:s13+s4], $0x100, $0x38;
	[tilespmem:$0x1BFB8] =	vst v63  }
0xa6: {  	_ = 	snop  }
0xa7: {  	[tilespmem:s0], [sflag:$0x1] =	stream.linear.gather [hbm4b:s12+s4], $0x8000, $0x38;
	[tilespmem:$0x1BFB8] =	vst v63  }
0xa8: {  	_ =	swait.ge [sflag:s2], $0x100  }
0xa9: {  	[sflag:s2] =	ssyncset.done $0x0  }
0xaa: {  	[sflag:s2] =	ssyncadd.s32 $0xFFFFFF00  }
0xab: {  	_ =	swait.ge [sflag:s2], $0x8000  }
0xac: {  	[sflag:s2] =	ssyncset.done $0x0  }
0xad: {  	[sflag:s2] =	ssyncadd.s32 $0xFFFF8000  }
0xae: {  	[spmem:s3] =	stream.indirect.scatter.add.f32 [tilespmem:s31], [sflag:$0x2], $0x1, s4, s31, $0xb8;
	[tilespmem:$0x1BFB8] =	vst v63  }
0xaf: {  	_ =	swait.ge [sflag:s30], $0x100  }
0xb0: {  	[sflag:s30] =	ssyncset.done $0x0  }
0xb1: {  	[sflag:s30] =	ssyncadd.s32 $0xFFFFFF00  }
0xb2: {  	[spmem:s1] =	stream.indirect.scatter.add.f32 [tilespmem:s0], [sflag:$0x2], $0x80, s4, s31, $0xb8;
	[tilespmem:$0x1BFB8] =	vst v63  }
0xb3: {  	_ =	swait.ge [sflag:s30], $0x8000  }
0xb4: {  	[sflag:s30] =	ssyncset.done $0x0  }
0xb5: {  	s14 =	rddreg [dreg:$0x9];
	[sflag:s30] =	ssyncadd.s32 $0xFFFF8000  }
0xb6: {  	[tilespmem:s4], [sflag:$0x2] =	stream.linear.gather [hbm4b:s14+s4], $0xC0, $0x38;
	[tilespmem:$0x1BFB8] =	vst v63  }
0xb7: {  	_ =	swait.ge [sflag:s30], $0xC0  }
0xb8: {  	[sflag:s30] =	ssyncset.done $0x0  }
0xb9: {  	s15 =	rddreg [dreg:$0xa];
	[sflag:s30] =	ssyncadd.s32 $0xFFFFFF40  }
0xba: {  	[tilespmem:s31], [sflag:$0x1] =	stream.linear.gather [hbm4b:s15+s4], $0xC0, $0x38;
	[tilespmem:$0x1BFB8] =	vst v63  }
0xbb: {  	s16 =	rddreg [dreg:$0x8]  }
0xbc: {  	[tilespmem:s0], [sflag:$0x1] =	stream.linear.gather [hbm4b:s16+s4], $0x6000, $0x38;
	[tilespmem:$0x1BFB8] =	vst v63  }
0xbd: {  	_ =	swait.ge [sflag:s2], $0xC0  }
0xbe: {  	[sflag:s2] =	ssyncset.done $0x0  }
0xbf: {  	[sflag:s2] =	ssyncadd.s32 $0xFFFFFF40  }
0xc0: {  	_ =	swait.ge [sflag:s2], $0x6000  }
0xc1: {  	[sflag:s2] =	ssyncset.done $0x0  }
0xc2: {  	[sflag:s2] =	ssyncadd.s32 $0xFFFFA000  }
0xc3: {  	[spmem:s3] =	stream.indirect.scatter.add.f32 [tilespmem:s31], [sflag:$0x2], $0x1, s4, s6, $0xb8;
	[tilespmem:$0x1BFB8] =	vst v63  }
0xc4: {  	_ =	swait.ge [sflag:s30], $0xC0  }
0xc5: {  	[sflag:s30] =	ssyncset.done $0x0  }
0xc6: {  	[sflag:s30] =	ssyncadd.s32 $0xFFFFFF40  }
0xc7: {  	[spmem:s1] =	stream.indirect.scatter.add.f32 [tilespmem:s0], [sflag:$0x2], $0x80, s4, s6, $0xb8;
	[tilespmem:$0x1BFB8] =	vst v63  }
0xc8: {  	_ =	swait.ge [sflag:s30], $0x6000  }
0xc9: {  	[sflag:s30] =	ssyncset.done $0x0  }
0xca: {  	[sflag:s30] =	ssyncadd.s32 $0xFFFFA000  }
0xcb: {  	s11 =	simm.s32 @p0 $0x200;
	s12 =	simm.s32 @p0 $0x2;
	[bflag:$0x0] =	sbarrier.arrive $0xFFFF  }
0xcc: {  	[tilespmem:s11], [sflag:$0x2] =	stream.linear.gather @p0 [spmem:s7], $0x8000, $0x38;
	[tilespmem:$0x1BFB8] =	vst v63  }
0xcd: {  	_ =	swait.ge @p0 [sflag:s12], $0x8000  }
0xce: {  	[sflag:s12] =	ssyncset.done @p0 $0x0  }
0xcf: {  	s13 =	simm.s32 @p0 $0x0;
	[sflag:s12] =	ssyncadd.s32 @p0 $0xFFFF8000  }
0xd0: {  	[hbm4b:s19+s13] =	stream.linear.scatter @p0 [tilespmem:s11], [sflag:$0x2], $0x8000, $0x38;
	[tilespmem:$0x1BFB8] =	vst v63  }
0xd1: {  	_ =	swait.ge @p0 [sflag:s12], $0x8000  }
0xd2: {  	[sflag:s12] =	ssyncset.done @p0 $0x0  }
0xd3: {  	[sflag:s12] =	ssyncadd.s32 @p0 $0xFFFF8000  }
0xd4: {  	[tilespmem:s11], [sflag:$0x2] =	stream.linear.gather @p0 [spmem:s8], $0x8000, $0x38;
	[tilespmem:$0x1BFB8] =	vst v63  }
0xd5: {  	_ =	swait.ge @p0 [sflag:s12], $0x8000  }
0xd6: {  	[sflag:s12] =	ssyncset.done @p0 $0x0  }
0xd7: {  	[sflag:s12] =	ssyncadd.s32 @p0 $0xFFFF8000  }
0xd8: {  	[hbm4b:s22+s13] =	stream.linear.scatter @p0 [tilespmem:s11], [sflag:$0x2], $0x8000, $0x38;
	[tilespmem:$0x1BFB8] =	vst v63  }
0xd9: {  	_ =	swait.ge @p0 [sflag:s12], $0x8000  }
0xda: {  	[sflag:s12] =	ssyncset.done @p0 $0x0  }
0xdb: {  	[sflag:s12] =	ssyncadd.s32 @p0 $0xFFFF8000  }
0xdc: {  	[tilespmem:s11], [sflag:$0x2] =	stream.linear.gather @p0 [spmem:s28], $0x4000, $0x38;
	[tilespmem:$0x1BFB8] =	vst v63  }
0xdd: {  	_ =	swait.ge @p0 [sflag:s12], $0x4000  }
0xde: {  	[sflag:s12] =	ssyncset.done @p0 $0x0  }
0xdf: {  	[sflag:s12] =	ssyncadd.s32 @p0 $0xFFFFC000  }
0xe0: {  	[hbm4b:s23+s13] =	stream.linear.scatter @p0 [tilespmem:s11], [sflag:$0x2], $0x4000, $0x38;
	[tilespmem:$0x1BFB8] =	vst v63  }
0xe1: {  	_ =	swait.ge @p0 [sflag:s12], $0x4000  }
0xe2: {  	[sflag:s12] =	ssyncset.done @p0 $0x0  }
0xe3: {  	s11 =	simm.s32 @!p0 $0x200;
	[sflag:s12] =	ssyncadd.s32 @p0 $0xFFFFC000;
	s12 =	simm.s32 @!p0 $0x2  }
0xe4: {  	[tilespmem:s11], [sflag:$0x2] =	stream.linear.gather @!p0 [spmem:s5], $0x8000, $0x38;
	[tilespmem:$0x1BFB8] =	vst v63  }
0xe5: {  	_ =	swait.ge @!p0 [sflag:s12], $0x8000  }
0xe6: {  	[sflag:s12] =	ssyncset.done @!p0 $0x0  }
0xe7: {  	s13 =	simm.s32 @!p0 $0x0;
	s14 =	rddreg [dreg:$0x5];
	[sflag:s12] =	ssyncadd.s32 @!p0 $0xFFFF8000  }
0xe8: {  	[hbm4b:s14+s13] =	stream.linear.scatter @!p0 [tilespmem:s11], [sflag:$0x2], $0x8000, $0x38;
	[tilespmem:$0x1BFB8] =	vst v63  }
0xe9: {  	_ =	swait.ge @!p0 [sflag:s12], $0x8000  }
0xea: {  	[sflag:s12] =	ssyncset.done @!p0 $0x0  }
0xeb: {  	s14 =	rddreg [dreg:$0xb];
	[sflag:s12] =	ssyncadd.s32 @!p0 $0xFFFF8000  }
0xec: {  	[tilespmem:s11], [sflag:$0x2] =	stream.linear.gather @!p0 [spmem:s14], $0x8000, $0x38;
	[tilespmem:$0x1BFB8] =	vst v63  }
0xed: {  	_ =	swait.ge @!p0 [sflag:s12], $0x8000  }
0xee: {  	[sflag:s12] =	ssyncset.done @!p0 $0x0  }
0xef: {  	s14 =	rddreg [dreg:$0x6];
	[sflag:s12] =	ssyncadd.s32 @!p0 $0xFFFF8000  }
0xf0: {  	[hbm4b:s14+s13] =	stream.linear.scatter @!p0 [tilespmem:s11], [sflag:$0x2], $0x8000, $0x38;
	[tilespmem:$0x1BFB8] =	vst v63  }
0xf1: {  	_ =	swait.ge @!p0 [sflag:s12], $0x8000  }
0xf2: {  	[sflag:s12] =	ssyncset.done @!p0 $0x0  }
0xf3: {  	[sflag:s12] =	ssyncadd.s32 @!p0 $0xFFFF8000  }
0xf4: {  	[tilespmem:s11], [sflag:$0x2] =	stream.linear.gather @!p0 [spmem:s17], $0x3800, $0x38;
	[tilespmem:$0x1BFB8] =	vst v63  }
0xf5: {  	_ =	swait.ge @!p0 [sflag:s12], $0x3800  }
0xf6: {  	[sflag:s12] =	ssyncset.done @!p0 $0x0  }
0xf7: {  	s14 =	rddreg [dreg:$0x7];
	[sflag:s12] =	ssyncadd.s32 @!p0 $0xFFFFC800  }
0xf8: {  	[hbm4b:s14+s13] =	stream.linear.scatter @!p0 [tilespmem:s11], [sflag:$0x2], $0x3800, $0x38;
	[tilespmem:$0x1BFB8] =	vst v63  }
0xf9: {  	_ =	swait.ge @!p0 [sflag:s12], $0x3800  }
0xfa: {  	[sflag:s12] =	ssyncset.done @!p0 $0x0  }
0xfb: {  	[sflag:s12] =	ssyncadd.s32 @!p0 $0xFFFFC800  }
0xfc: {  	[tilespmem:s29], [sflag:$0x2] =	stream.linear.gather [spmem:s9], $0x278, $0x38;
	[tilespmem:$0x1BFB8] =	vst v63  }
0xfd: {  	s10 =	sadd.s32 $0x1, s10;
	_ =	swait.ge [sflag:s30], $0x278  }
0xfe: {  	p1 =	sne.s32 s10, s25;
	[sflag:s30] =	ssyncset.done $0x0  }
.Ltmp2:
0xff: {  	[sflag:s30] =	ssyncadd.s32 $0xFFFFFD88;
	(pc) =	sbr.rel @p1 .LBB2_1-.Ltmp2, $4  }
0x100: {  	[hbm4b:s24+s4] =	stream.linear.scatter [tilespmem:s29], [sflag:$0x2], $0x278, $0x38;
	[tilespmem:$0x1BFB8] =	vst v63  }
0x101: {  	_ =	swait.ge [sflag:s30], $0x278  }
0x102: {  	[sflag:s30] =	ssyncset.done $0x0  }
0x103: {  	[sflag:s30] =	ssyncadd.s32 $0xFFFFFD88  }
0x104: {  	_ =	sfence.sel $0x180000  }
0x105: {  	[bflag:$0x0] =	sbarrier.arrive $0xFFFF  }
0x106: {  	_ =	strace $0x90000050  }
0x107: {  	s0 =	stileid.u32;
	[bflag:$0x2] =	sbarrier.arrive $0xFFFF  }
0x108: {  	p0 =	sne.s32 s0, $0x0;
	s0 =	rddreg [dreg:$0x3]  }
0x109: {  	s0 =	sadd.s32 @!p0 $0x100000, s0  }
0x10a: {  	[sflag:s0] =	ssyncadd.tile.s32 @!p0 $0x1;
	_ =	shalt  }
.Lfunc_end2:
_tile_overlayer_lowered:
.L_overlay_start_2:
0x10b: {  	(tag) =	ssettag $0x2  }
0x10c: {  	s0 =	rddreg [dreg:$0x0];
	s2 =	stileid.u32  }
0x10d: {  	s1 =	rddreg [dreg:$0x1];
	p0 =	sne.s32 s2, $0x0  }
0x10e: {  	s3 =	rddreg [dreg:$0x2];
	[bflag:$0x3] =	sbarrier.arrive $0xFFFF;
	s2 =	simm.s32 @!p0 $0x1C02  }
0x10f: {  	[timem:s3], [sflag:s2] =	dma.local @!p0 [hbm:s0], s1  }
0x110: {  	s0 =	simm.s32 @!p0 $0x2  }
0x111: {  	_ =	swait.ge @!p0 [sflag:s0], s1  }
0x112: {  	s1 =	ssub.s32 @!p0 $0x0, s1;
	[sflag:s0] =	ssyncset.done @!p0 $0x0  }
0x113: {  	[sflag:s0] =	ssyncadd.s32 @!p0 s1  }
0x114: {  	[bflag:$0x3] =	sbarrier.arrive $0xFFFF  }
0x115: {  	_ =	shalt  }

// kernel: kernel.21.cloned.1.call-start
scs
__scs_entry_jumppad:
0x0: {  	(pc) =	sbr.rel $0x88, $3  }
0x1: {  	(tag) =	ssettag $0x0;
	lr =	simm.s32 $0x1  }
0x2: {  	[smem:$0x3F96] =	sst lr;
	_ =	strace $0xD0000000  }
0x3: {  	_ = 	snop  }
0x4: {  	_ = 	snop  }
0x5: {  	_ = 	snop  }
0x6: {  	_ = 	snop  }
0x7: {  	_ = 	snop  }
__scs_overlays_trampoline_lowered:
0x8: {  	[smem:$0x3FA5] =	sst s0  }
0x9: {  	[smem:$0x3FA6] =	sst s1  }
0xa: {  	[smem:$0x3FA7] =	sst s2  }
0xb: {  	[smem:$0x3FA8] =	sst s3  }
0xc: {  	[smem:$0x3FA9] =	sst s4  }
0xd: {  	[smem:$0x3FAA] =	sst s5  }
0xe: {  	[smem:$0x3FAB] =	sst s6  }
0xf: {  	[smem:$0x3FAC] =	sst s7  }
0x10: {  	[smem:$0x3FAD] =	sst s8  }
0x11: {  	[smem:$0x3FAE] =	sst s9;
	s0 =	simm.s32 @!p0 $0x0  }
0x12: {  	s1 =	sld [smem:$0x3F94];
	s0 =	simm.s32 @p0 $0x1  }
0x13: {  	[smem:$0x3FAF] =	sst s0;
	s0 =	simm.s32 @!p1 $0x0  }
0x14: {  	s2 =	sld [smem:$0x3F93];
	s0 =	simm.s32 @p1 $0x1  }
0x15: {  	[smem:$0x3FB0] =	sst s0;
	s0 =	simm.s32 @!p2 $0x0  }
0x16: {  	s3 =	sld [smem:$0x3FDB];
	s0 =	simm.s32 @p2 $0x1  }
0x17: {  	s4 =	simm.s32 $0x1BF5;
	[smem:$0x3FB2] =	sst s0  }
0x18: {  	s0 =	sld [smem:$0x3F95];
	_ =	swait.ge [sflag:s4], $0x0  }
0x19: {  	s7 =	sld [smem:$0x3F96]  }
0x1a: {  	s8 =	sadd.s32 $0xFFFFE003, lr  }
0x1b: {  	s9 =	sadd.s32 $0xFFFFFEF7, lr;
	s5 =	simm.s32 $0xFFFFFFFF;
	p2 =	slt.u32 s8, $0xFFFFF086  }
0x1c: {  	p1 =	slt.u32 s9, $0xF7A;
	s5 =	simm.s32 @!p2 $0x0  }
0x1d: {  	s5 =	simm.s32 @p1 $0x1;
	p0 =	seq.s32 s7, s2  }
0x1e: {  	s7 =	smul.u32 @!p0 $0xF7A, s2;
	p2 =	seq.s32 @!p0 s5, $0x0  }
0x1f: {  	s9 =	smul.u32 $0xF7A, s1;
	s8 =	simm.s32 @!p0 $0x1BF5;
	p2 =	por !p2, p0  }
0x20: {  	[sflag:s8] =	ssyncset.s32 @!p0 $0xFFFFF086;
	s6 =	sadd.s32 @!p0 s3, s7;
	s7 =	simm.s32 @!p0 $0x108  }
0x21: {  	s3 =	sadd.s32 s3, s9;
	s6 =	sadd.s32 @!p0 $0x88, s6;
	s7 =	simm.s32 @p2 $0x1082  }
0x22: {  	[simem:s7], [sflag:s8] =	dma.local @!p0 [hbm:s6], $0xF7A  }
0x23: {  	s9 =	sor.u32 $0xD0000000, s2;
	s6 =	simm.s32 $0x108;
	_ =	swait.ge @!p0 [sflag:s8], $0x0  }
0x24: {  	s3 =	sadd.s32 $0x88, s3;
	s6 =	simm.s32 @!p1 $0x1082;
	[sflag:s4] =	ssyncset.s32 $0xFFFFF086  }
0x25: {  	[simem:s6], [sflag:s4] =	dma.local [hbm:s3], $0xF7A  }
0x26: {  	[smem:$0x3F96] =	sst s1;
	(tag) =	ssettag s2;
	_ =	strace s9  }
0x27: {  	s1 =	sld [smem:$0x3FA6]  }
0x28: {  	s2 =	sld [smem:$0x3FA7]  }
0x29: {  	s4 =	sld [smem:$0x3FA9]  }
0x2a: {  	p0 =	seq.s32 s5, $0x0;
	s5 =	sld [smem:$0x3FAA]  }
0x2b: {  	s6 =	sld [smem:$0x3FAB]  }
0x2c: {  	s7 =	sld [smem:$0x3FAC]  }
0x2d: {  	s3 =	simm.s32 $0x108;
	s8 =	sld [smem:$0x3FAD]  }
0x2e: {  	s3 =	simm.s32 @!p0 $0x1082;
	s9 =	sld [smem:$0x3FAE]  }
0x2f: {  	lr =	sadd.s32 s0, s3;
	s0 =	sld [smem:$0x3FA5]  }
0x30: {  	s3 =	sld [smem:$0x3FA8]  }
0x31: {  	[smem:$0x3FB1] =	sst s10  }
0x32: {  	s10 =	sld [smem:$0x3FAF];
	_ =	sdelay $0x3  }
0x33: {  	p0 =	seq.s32 s10, $0x1;
	s10 =	sld [smem:$0x3FB1];
	_ =	sdelay $0x3  }
0x34: {  	[smem:$0x3FB1] =	sst s10  }
0x35: {  	s10 =	sld [smem:$0x3FB0];
	_ =	sdelay $0x3  }
0x36: {  	p1 =	seq.s32 s10, $0x1;
	s10 =	sld [smem:$0x3FB1];
	_ =	sdelay $0x3  }
0x37: {  	[smem:$0x3FB1] =	sst s10  }
0x38: {  	s10 =	sld [smem:$0x3FB2]  }
0x39: {  	_ = 	snop;
	(pc) =	sbr.ind lr, $3  }
0x3a: {  	_ = 	snop  }
0x3b: {  	_ = 	snop  }
0x3c: {  	p2 =	seq.s32 s10, $0x1;
	s10 =	sld [smem:$0x3FB1]  }
0x3d: {  	_ =	shalt  }
0x3e: {  	_ =	shalt  }
0x3f: {  	_ =	shalt  }
0x40: {  	_ =	shalt  }
0x41: {  	_ =	shalt  }
0x42: {  	_ =	shalt  }
0x43: {  	_ =	shalt  }
0x44: {  	_ =	shalt  }
0x45: {  	_ =	shalt  }
0x46: {  	_ =	shalt  }
0x47: {  	_ =	shalt  }
0x48: {  	_ =	shalt  }
0x49: {  	_ =	shalt  }
0x4a: {  	_ =	shalt  }
0x4b: {  	_ =	shalt  }
0x4c: {  	_ =	shalt  }
0x4d: {  	_ =	shalt  }
0x4e: {  	_ =	shalt  }
0x4f: {  	_ =	shalt  }
0x50: {  	_ =	shalt  }
0x51: {  	_ =	shalt  }
0x52: {  	_ =	shalt  }
0x53: {  	_ =	shalt  }
0x54: {  	_ =	shalt  }
0x55: {  	_ =	shalt  }
0x56: {  	_ =	shalt  }
0x57: {  	_ =	shalt  }
0x58: {  	_ =	shalt  }
0x59: {  	_ =	shalt  }
0x5a: {  	_ =	shalt  }
0x5b: {  	_ =	shalt  }
0x5c: {  	_ =	shalt  }
0x5d: {  	_ =	shalt  }
0x5e: {  	_ =	shalt  }
0x5f: {  	_ =	shalt  }
0x60: {  	_ =	shalt  }
0x61: {  	_ =	shalt  }
0x62: {  	_ =	shalt  }
0x63: {  	_ =	shalt  }
0x64: {  	_ =	shalt  }
0x65: {  	_ =	shalt  }
0x66: {  	_ =	shalt  }
0x67: {  	_ =	shalt  }
0x68: {  	_ =	shalt  }
0x69: {  	_ =	shalt  }
0x6a: {  	_ =	shalt  }
0x6b: {  	_ =	shalt  }
0x6c: {  	_ =	shalt  }
0x6d: {  	_ =	shalt  }
0x6e: {  	_ =	shalt  }
0x6f: {  	_ =	shalt  }
0x70: {  	_ =	shalt  }
0x71: {  	_ =	shalt  }
0x72: {  	_ =	shalt  }
0x73: {  	_ =	shalt  }
0x74: {  	_ =	shalt  }
0x75: {  	_ =	shalt  }
0x76: {  	_ =	shalt  }
0x77: {  	_ =	shalt  }
0x78: {  	_ =	shalt  }
0x79: {  	_ =	shalt  }
0x7a: {  	_ =	shalt  }
0x7b: {  	_ =	shalt  }
0x7c: {  	_ =	shalt  }
0x7d: {  	_ =	shalt  }
0x7e: {  	_ =	shalt  }
0x7f: {  	_ =	shalt  }
0x80: {  	_ =	shalt  }
0x81: {  	_ =	shalt  }
0x82: {  	_ =	shalt  }
0x83: {  	_ =	shalt  }
0x84: {  	_ =	shalt  }
0x85: {  	_ =	shalt  }
0x86: {  	_ =	shalt  }
0x87: {  	_ =	shalt  }
.Lfunc_end0:
.L_simem_size_0:
called_computation.3_lowered:
.L_overlay_start_0:
0x88: {  	s2 =	sld [smem:$0x3FD9]  }
0x89: {  	s3 =	sld [smem:$0x3FFE];
	_ =	sdelay $0x1  }
0x8a: {  	s1 =	srdreg.scid  }
0x8b: {  	s0 =	sand.u32 $0x1, s1  }
0x8c: {  	s16 =	sshll.u32 s0, $0xA;
	s2 =	sadd.s32 s3, s2  }
0x8d: {  	s2 =	sadd.s32 s2, s16  }
0x8e: {  	[smem:$0x3FBD] =	sst s2  }
0x8f: {  	_ = 	snop  }
0x90: {  	(tm) =	ssettm $0x1  }
0x91: {  	s17 =	sld [smem:$0x3FFB];
	_ =	sdelay $0x3  }
0x92: {  	_ =	strace s17  }
0x93: {  	s2 =	sld [smem:$0x3FFC];
	_ =	sdelay $0x3  }
0x94: {  	_ =	strace s2  }
0x95: {  	s2 =	sld [smem:$0x3FFD];
	_ =	sdelay $0x3  }
0x96: {  	_ =	strace s2  }
0x97: {  	_ =	strace $0x8FFFFFFF  }
0x98: {  	s18 =	sld [smem:$0x3FDB];
	_ =	sdelay $0x1  }
0x99: {  	s19 =	simm.s32 $_scs_section_size  }
0x9a: {  	s4 =	simm.s32 $_size__tile_overlayer_lowered;
	s5 =	simm.s32 $_tile_overlayer_lowered  }
0x9b: {  	s22 =	simm.s32 $0x1BFF;
	s21 =	sshll.u32 s5, $0x1;
	s2 =	sadd.s32 s19, s18  }
0x9c: {  	s6 =	simm.s32 $0x0;
	s20 =	sshll.u32 s4, $0x1;
	s4 =	sadd.s32 s21, s2  }
0x9d: {  	[timem:s6], [sflag:s22] =	dma.local [hbm:s4], s20  }
0x9e: {  	_ =	swait.ge [sflag:s22], s20  }
0x9f: {  	s3 =	ssub.s32 $0x0, s20;
	[sflag:s22] =	ssyncset.done $0x0  }
0xa0: {  	[sflag:s22] =	ssyncadd.s32 s3;
	_ =	sdelay $0x1  }
0xa1: {  	s23 =	simm.s32 $0x1B8B  }
0xa2: {  	_ =	swait.ge [sflag:s23], $0x1  }
0xa3: {  	[sflag:s23] =	ssyncset.done $0x0  }
0xa4: {  	s25 =	simm.s32 $0x1B8E;
	s24 =	sld [smem:$0x3FFE];
	[sflag:s23] =	ssyncadd.s32 $0xFFFFFFFF  }
0xa5: {  	s26 =	simm.s32 $execute0_lowered;
	[smem:$0x3FD2] =	sst s25  }
0xa6: {  	s4 =	sshll.u32 s26, $0x1;
	_ =	strace $0x8000004C;
	[dreg:$0x1] =	wrdreg $0xFFFFFFFF  }
0xa7: {  	s28 =	simm.s32 $_size_execute0_lowered;
	s2 =	sadd.s32 s2, s4;
	[dreg:$0x0] =	wrdreg $0x0  }
0xa8: {  	s4 =	sshll.u32 s28, $0x1;
	[dreg:$0x2] =	wrdreg s2  }
0xa9: {  	[dreg:$0x3] =	wrdreg s4  }
0xaa: {  	[dreg:$0x4] =	wrdreg $0xC0  }
0xab: {  	_ =	task [dreg:s6], $0x5FFFF  }
0xac: {  	[dreg:$0x1] =	wrdreg $0xFFFFFFFF  }
0xad: {  	[dreg:$0x0] =	wrdreg $0x60  }
0xae: {  	[dreg:$0x2] =	wrdreg s24  }
0xaf: {  	[dreg:$0x3] =	wrdreg $0x84800  }
0xb0: {  	[dreg:$0x4] =	wrdreg $0x1BD400  }
0xb1: {  	[dreg:$0x5] =	wrdreg $0xA  }
0xb2: {  	_ =	task.clear_ibuf [dreg:s6], $0x6FFFF;
	_ =	strace $0x9000004C  }
0xb3: {  	s29 =	simm.s32 $0xA;
	_ =	strace $0x8000004E  }
0xb4: {  	_ =	swait.ge [sflag:s29], $0x1  }
0xb5: {  	[sflag:s29] =	ssyncadd.s32 $0xFFFFFFFF  }
0xb6: {  	_ =	strace $0x9000004E  }
0xb7: {  	_ =	sfence  }
0xb8: {  	s30 =	sld [smem:$0x0];
	_ =	sdelay $0x2  }
0xb9: {  	s31 =	sshll.u32 s1, $0xD;
	s1 =	sshrl.u32 s1, $0x2  }
0xba: {  	s3 =	sand.u32 $0x4000, s31;
	s1 =	sadd.s32 s1, s30  }
0xbb: {  	s0 =	sor.u32 s3, s0;
	s1 =	sshll.u32 s1, $0x11  }
0xbc: {  	s0 =	sor.u32 s1, s0  }
0xbd: {  	s0 =	sadd.s32 $0x8F2B, s0  }
0xbe: {  	[sflag:s0] =	ssyncadd.remote.s32 $0x1  }
0xbf: {  	_ =	sfence.sel $0xFFFF  }
0xc0: {  	[dreg:$0x0] =	wrdreg $0xFFFFFFFF;
	(pc) =	sbr.abs _section_cstart, $3  }
0xc1: {  	[dreg:$0x1] =	wrdreg $0xFFFFFFFF  }
0xc2: {  	_ =	task.clear_ibuf [dreg:s6], $0x2FFFF;
	_ =	strace $0x9FFFFFFF  }
0xc3: {  	(tm) =	ssettm $0x7FFFFFFF  }
tec
execute0_lowered:
.L_overlay_start_1:
0x0: {  	(tag) =	ssettag $0x1  }
0x1: {  	s0 =	srdreg.scid;
	s25 =	stileid.u32  }
0x2: {  	s1 =	rddreg [dreg:$0x0];
	s7 =	smul.u32 $0xA00, s25  }
0x3: {  	s2 =	rddreg [dreg:$0x1];
	s11 =	smul.u32 $0x278, s25  }
0x4: {  	s3 =	rddreg [dreg:$0x2];
	s4 =	simm.s32 $0x0;
	s12 =	smul.u32 $0x4E000, s25  }
0x5: {  	s28 =	simm.s32 $0x100;
	s0 =	sand.u32 $0x1, s0;
	s14 =	smul.u32 $0x13800, s25  }
0x6: {  	s29 =	simm.s32 $0x200;
	s30 =	simm.s32 $0x1;
	s5 =	smul.u32 $0xA0000, s0  }
0x7: {  	s31 =	simm.s32 $0x0;
	[smem:$0x7FF] =	sst s4;
	s6 =	smul.u32 $0xA000, s0  }
0x8: {  	s16 =	sadd.s32 $0x7200, s1;
	p0 =	seq.s32 s25, $0xF;
	s8 =	smul.u32 $0x2780, s0  }
0x9: {  	_ =	strace $0x8000004D;
	s13 =	ssub.s32 $0x2, s0;
	s0 =	smul.u32 $0x138800, s0  }
0xa: {  	s15 =	sshrl.u32 s12, $0x2;
	s17 =	sshrl.u32 s13, $0x1;
	s20 =	sadd.s32 s5, s1  }
0xb: {  	s9 =	sadd.s32 s7, s6;
	s10 =	sadd.s32 s11, s8;
	s8 =	sadd.s32 $0x124800, s2  }
0xc: {  	s12 =	sadd.s32 s14, s0;
	s11 =	sadd.s32 s11, s3;
	s5 =	sshrl.u32 s9, $0x3  }
0xd: {  	s6 =	sshrl.u32 s10, $0x3;
	s9 =	sadd.s32 $0x12C800, s2;
	s10 =	sadd.s32 $0x134800, s2  }
0xe: {  	s12 =	sshrl.u32 s12, $0x3;
	s24 =	sadd.s32 s5, s1;
	s1 =	sadd.s32 s6, s1  }
0xf: {  	s5 =	sadd.s32 s15, s2;
	s6 =	ssub.s32 s13, s17;
	s13 =	sadd.s32 $0x8000, s14  }
0x10: {  	s21 =	sadd.s32 s16, s12;
	s17 =	sadd.s32 $0x10000, s14;
	s18 =	sadd.s32 $0x8000, s5  }
0x11: {  	s19 =	sadd.s32 $0x10000, s5;
	[dreg:$0x6] =	wrdreg s21;
	s15 =	sadd.s32 s0, s13  }
0x12: {  	s22 =	sadd.s32 s13, s2;
	s23 =	sadd.s32 s0, s17;
	[dreg:$0x4] =	wrdreg s18  }
0x13: {  	s0 =	sshrl.u32 s0, $0x3;
	s21 =	smul.u32 $0xA000, s25;
	[dreg:$0x5] =	wrdreg s19  }
0x14: {  	s25 =	simm.s32 $0x8200;
	[dreg:$0x7] =	wrdreg s22;
	s15 =	sshrl.u32 s15, $0x3  }
0x15: {  	s18 =	sshrl.u32 s23, $0x3;
	s0 =	sadd.s32 s16, s0;
	s23 =	sadd.s32 $0x4000, s24  }
0x16: {  	s24 =	sadd.s32 $0x57400, s24;
	s14 =	sadd.s32 s16, s15;
	s15 =	sadd.s32 s17, s2  }
0x17: {  	s16 =	sadd.s32 s16, s18;
	s17 =	sadd.s32 $0x24900, s0;
	s18 =	sadd.s32 $0x25900, s0  }
0x18: {  	s19 =	sadd.s32 $0x26900, s0;
	s26 =	sadd.s32 s21, s20;
	s20 =	sadd.s32 $0x6800, s1  }
0x19: {  	v0 =	vimm.f32 $0.0e+00;
	s21 =	smax.u32 s6, $0x1;
	s22 =	sadd.s32 $0x59C00, s26;
	s26 =	simm.s32 $0x2  }
.LBB2_1:
0x1a: {  	s0 =	simm.s32 $0x0;
	s1 =	simm.s32 $0x200  }
.LBB2_2:
0x1b: {  	p1 =	sne.s32 s1, $0x1FE00;
	[tilespmem:s0+$0x270] =	vst v0  }
0x1c: {  	[tilespmem:s0+$0x200] =	vst v0  }
0x1d: {  	[tilespmem:s0+$0x210] =	vst v0  }
.Ltmp0:
0x1e: {  	[tilespmem:s0+$0x220] =	vst v0;
	(pc) =	sbr.rel @p1 .LBB2_2-.Ltmp0, $4  }
0x1f: {  	[tilespmem:s0+$0x230] =	vst v0  }
0x20: {  	[tilespmem:s0+$0x240] =	vst v0  }
0x21: {  	[tilespmem:s0+$0x250] =	vst v0  }
0x22: {  	[tilespmem:s0+$0x260] =	vst v0;
	s0 =	sshra.s32 s1, $0x2;
	s1 =	sadd.s32 $0x200, s1  }
0x23: {  	[tilespmem:s0+$0x270] =	vst v0  }
0x24: {  	[tilespmem:s0+$0x200] =	vst v0  }
0x25: {  	[tilespmem:s0+$0x210] =	vst v0  }
0x26: {  	[tilespmem:s0+$0x220] =	vst v0  }
0x27: {  	[tilespmem:s0+$0x230] =	vst v0  }
0x28: {  	[tilespmem:s0+$0x240] =	vst v0  }
0x29: {  	[tilespmem:s0+$0x250] =	vst v0  }
0x2a: {  	[tilespmem:s0+$0x260] =	vst v0  }
0x2b: {  	[tilespmem:$0x8200] =	vst v0  }
0x2c: {  	[tilespmem:$0x8210] =	vst v0  }
0x2d: {  	[tilespmem:$0x8220] =	vst v0  }
0x2e: {  	[tilespmem:$0x8230] =	vst v0  }
0x2f: {  	[tilespmem:$0x8240] =	vst v0  }
0x30: {  	[tilespmem:$0x8250] =	vst v0  }
0x31: {  	[tilespmem:$0x8260] =	vst v0  }
0x32: {  	[tilespmem:$0x8270] =	vst v0  }
0x33: {  	[tilespmem:$0x8280] =	vst v0  }
0x34: {  	[tilespmem:$0x8290] =	vst v0  }
0x35: {  	[tilespmem:$0x82A0] =	vst v0  }
0x36: {  	[tilespmem:$0x82B0] =	vst v0  }
0x37: {  	[tilespmem:$0x82C0] =	vst v0  }
0x38: {  	[tilespmem:$0x82D0] =	vst v0  }
0x39: {  	[tilespmem:$0x82E0] =	vst v0  }
0x3a: {  	[tilespmem:$0x82F0] =	vst v0  }
0x3b: {  	[tilespmem:$0x8300] =	vst v0  }
0x3c: {  	[tilespmem:$0x8310] =	vst v0  }
0x3d: {  	[tilespmem:$0x8320] =	vst v0  }
0x3e: {  	[tilespmem:$0x8330] =	vst v0  }
0x3f: {  	[tilespmem:$0x8340] =	vst v0  }
0x40: {  	[tilespmem:$0x8350] =	vst v0  }
0x41: {  	[tilespmem:$0x8360] =	vst v0  }
0x42: {  	[tilespmem:$0x8370] =	vst v0  }
0x43: {  	[tilespmem:$0x8380] =	vst v0  }
0x44: {  	[tilespmem:$0x8390] =	vst v0  }
0x45: {  	[tilespmem:$0x83A0] =	vst v0  }
0x46: {  	[tilespmem:$0x83B0] =	vst v0  }
0x47: {  	[tilespmem:$0x83C0] =	vst v0  }
0x48: {  	[tilespmem:$0x83D0] =	vst v0  }
0x49: {  	[tilespmem:$0x83E0] =	vst v0  }
0x4a: {  	[tilespmem:$0x83F0] =	vst v0  }
0x4b: {  	[tilespmem:$0x8400] =	vst v0  }
0x4c: {  	[tilespmem:$0x8410] =	vst v0  }
0x4d: {  	[tilespmem:$0x8420] =	vst v0  }
0x4e: {  	[tilespmem:$0x8430] =	vst v0  }
0x4f: {  	[tilespmem:$0x8440] =	vst v0  }
0x50: {  	[tilespmem:$0x8450] =	vst v0  }
0x51: {  	[tilespmem:$0x8460] =	vst v0  }
0x52: {  	s0 =	simm.s32 @p0 $0x200;
	s1 =	simm.s32 @p0 $0x2;
	[tilespmem:$0x8470] =	vst v0  }
0x53: {  	[spmem:s8] =	stream.linear.scatter @p0 [tilespmem:s0], [sflag:$0x2], $0x8000, $0x38;
	[tilespmem:$0x1BFB8] =	vst v63  }
0x54: {  	_ =	swait.ge @p0 [sflag:s1], $0x8000  }
0x55: {  	[sflag:s1] =	ssyncset.done @p0 $0x0  }
0x56: {  	[sflag:s1] =	ssyncadd.s32 @p0 $0xFFFF8000  }
0x57: {  	[spmem:s9] =	stream.linear.scatter @p0 [tilespmem:s0], [sflag:$0x2], $0x8000, $0x38;
	[tilespmem:$0x1BFB8] =	vst v63  }
0x58: {  	_ =	swait.ge @p0 [sflag:s1], $0x8000  }
0x59: {  	[sflag:s1] =	ssyncset.done @p0 $0x0  }
0x5a: {  	[sflag:s1] =	ssyncadd.s32 @p0 $0xFFFF8000  }
0x5b: {  	[spmem:s10] =	stream.linear.scatter @p0 [tilespmem:s0], [sflag:$0x2], $0x4400, $0x38;
	[tilespmem:$0x1BFB8] =	vst v63  }
0x5c: {  	_ =	swait.ge @p0 [sflag:s1], $0x4400  }
0x5d: {  	[sflag:s1] =	ssyncset.done @p0 $0x0  }
0x5e: {  	s0 =	simm.s32 @!p0 $0x200;
	[sflag:s1] =	ssyncadd.s32 @p0 $0xFFFFBC00;
	s1 =	simm.s32 @!p0 $0x2  }
0x5f: {  	[spmem:s5] =	stream.linear.scatter @!p0 [tilespmem:s0], [sflag:$0x2], $0x8000, $0x38;
	[tilespmem:$0x1BFB8] =	vst v63  }
0x60: {  	_ =	swait.ge @!p0 [sflag:s1], $0x8000  }
0x61: {  	[sflag:s1] =	ssyncset.done @!p0 $0x0  }
0x62: {  	s6 =	rddreg [dreg:$0x4];
	[sflag:s1] =	ssyncadd.s32 @!p0 $0xFFFF8000  }
0x63: {  	[spmem:s6] =	stream.linear.scatter @!p0 [tilespmem:s0], [sflag:$0x2], $0x8000, $0x38;
	[tilespmem:$0x1BFB8] =	vst v63  }
0x64: {  	_ =	swait.ge @!p0 [sflag:s1], $0x8000  }
0x65: {  	[sflag:s1] =	ssyncset.done @!p0 $0x0  }
0x66: {  	s6 =	rddreg [dreg:$0x5];
	[sflag:s1] =	ssyncadd.s32 @!p0 $0xFFFF8000  }
0x67: {  	[spmem:s6] =	stream.linear.scatter @!p0 [tilespmem:s0], [sflag:$0x2], $0x3800, $0x38;
	[tilespmem:$0x1BFB8] =	vst v63  }
0x68: {  	_ =	swait.ge @!p0 [sflag:s1], $0x3800  }
0x69: {  	[sflag:s1] =	ssyncset.done @!p0 $0x0  }
0x6a: {  	[sflag:s1] =	ssyncadd.s32 @!p0 $0xFFFFC800  }
0x6b: {  	[spmem:s11] =	stream.linear.scatter [tilespmem:s25], [sflag:$0x2], $0x278, $0x38;
	[tilespmem:$0x1BFB8] =	vst v63  }
0x6c: {  	_ =	swait.ge [sflag:s26], $0x278  }
0x6d: {  	[sflag:s26] =	ssyncset.done $0x0  }
0x6e: {  	[sflag:s26] =	ssyncadd.s32 $0xFFFFFD88  }
0x6f: {  	s12 =	sadd.s32 $0x0, s24;
	[bflag:$0x0] =	sbarrier.arrive $0xFFFF  }
0x70: {  	[tilespmem:s4], [sflag:$0x2] =	stream.linear.gather [hbm4b:s12+s4], $0x100, $0x38;
	[tilespmem:$0x1BFB8] =	vst v63  }
0x71: {  	_ =	swait.ge [sflag:s26], $0x100  }
0x72: {  	[sflag:s26] =	ssyncset.done $0x0  }
0x73: {  	s13 =	sadd.s32 $0x0, s23;
	[sflag:s26] =	ssyncadd.s32 $0xFFFFFF00  }
0x74: {  	[tilespmem:s28], [sflag:$0x1] =	stream.linear.gather [hbm4b:s13+s4], $0x100, $0x38;
	[tilespmem:$0x1BFB8] =	vst v63  }
0x75: {  	_ = 	snop  }
0x76: {  	[tilespmem:s29], [sflag:$0x1] =	stream.linear.gather [hbm4b:s22+s4], $0x8000, $0x38;
	[tilespmem:$0x1BFB8] =	vst v63  }
0x77: {  	_ =	swait.ge [sflag:s30], $0x100  }
0x78: {  	[sflag:s30] =	ssyncset.done $0x0  }
0x79: {  	[sflag:s30] =	ssyncadd.s32 $0xFFFFFF00  }
0x7a: {  	_ =	swait.ge [sflag:s30], $0x8000  }
0x7b: {  	[sflag:s30] =	ssyncset.done $0x0  }
0x7c: {  	[sflag:s30] =	ssyncadd.s32 $0xFFFF8000  }
0x7d: {  	[spmem:s3] =	stream.indirect.scatter.add.f32 [tilespmem:s28], [sflag:$0x2], $0x1, s4, s28, $0xb8;
	[tilespmem:$0x1BFB8] =	vst v63  }
0x7e: {  	_ =	swait.ge [sflag:s26], $0x100  }
0x7f: {  	[sflag:s26] =	ssyncset.done $0x0  }
0x80: {  	[sflag:s26] =	ssyncadd.s32 $0xFFFFFF00  }
0x81: {  	[spmem:s2] =	stream.indirect.scatter.add.f32 [tilespmem:s29], [sflag:$0x2], $0x80, s4, s28, $0xb8;
	[tilespmem:$0x1BFB8] =	vst v63  }
0x82: {  	s6 =	simm.s32 $0x40;
	_ =	swait.ge [sflag:s26], $0x8000  }
0x83: {  	s0 =	sadd.s32 $0x1000, s22;
	s1 =	simm.s32 $0x20;
	[sflag:s26] =	ssyncset.done $0x0  }
.LBB2_4:
0x84: {  	s7 =	sadd.s32 s1, s24  }
0x85: {  	[sflag:s26] =	ssyncadd.s32 $0xFFFF8000;
	s12 =	smov.u32 s6;
	s13 =	sadd.s32 $0x20, s6  }
0x86: {  	[tilespmem:s4], [sflag:$0x2] =	stream.linear.gather [hbm4b:s7+s4], $0x100, $0x38;
	[tilespmem:$0x1BFB8] =	vst v63  }
0x87: {  	p1 =	sne.s32 s6, $0x120;
	_ =	swait.ge [sflag:s26], $0x100  }
0x88: {  	[sflag:s26] =	ssyncset.done $0x0  }
0x89: {  	s6 =	sadd.s32 s1, s23;
	s1 =	smov.u32 s12;
	[sflag:s26] =	ssyncadd.s32 $0xFFFFFF00  }
0x8a: {  	[tilespmem:s28], [sflag:$0x1] =	stream.linear.gather [hbm4b:s6+s4], $0x100, $0x38;
	[tilespmem:$0x1BFB8] =	vst v63  }
0x8b: {  	_ = 	snop  }
0x8c: {  	[tilespmem:s29], [sflag:$0x1] =	stream.linear.gather [hbm4b:s0+s4], $0x8000, $0x38;
	[tilespmem:$0x1BFB8] =	vst v63  }
0x8d: {  	_ =	swait.ge [sflag:s30], $0x100  }
0x8e: {  	[sflag:s30] =	ssyncset.done $0x0  }
0x8f: {  	[sflag:s30] =	ssyncadd.s32 $0xFFFFFF00  }
0x90: {  	_ =	swait.ge [sflag:s30], $0x8000  }
0x91: {  	[sflag:s30] =	ssyncset.done $0x0  }
0x92: {  	[sflag:s30] =	ssyncadd.s32 $0xFFFF8000  }
0x93: {  	[spmem:s3] =	stream.indirect.scatter.add.f32 [tilespmem:s28], [sflag:$0x2], $0x1, s4, s28, $0xb8;
	[tilespmem:$0x1BFB8] =	vst v63  }
0x94: {  	_ =	swait.ge [sflag:s26], $0x100  }
.Ltmp1:
0x95: {  	[sflag:s26] =	ssyncset.done $0x0;
	(pc) =	sbr.rel @p1 .LBB2_4-.Ltmp1, $4  }
0x96: {  	[sflag:s26] =	ssyncadd.s32 $0xFFFFFF00  }
0x97: {  	[spmem:s2] =	stream.indirect.scatter.add.f32 [tilespmem:s29], [sflag:$0x2], $0x80, s4, s28, $0xb8;
	[tilespmem:$0x1BFB8] =	vst v63  }
0x98: {  	_ =	swait.ge [sflag:s26], $0x8000  }
0x99: {  	s6 =	smov.u32 s13;
	s0 =	sadd.s32 $0x1000, s0;
	[sflag:s26] =	ssyncset.done $0x0  }
0x9a: {  	s6 =	sadd.s32 s1, s24;
	[sflag:s26] =	ssyncadd.s32 $0xFFFF8000  }
0x9b: {  	[tilespmem:s4], [sflag:$0x2] =	stream.linear.gather [hbm4b:s6+s4], $0x100, $0x38;
	[tilespmem:$0x1BFB8] =	vst v63  }
0x9c: {  	_ =	swait.ge [sflag:s26], $0x100  }
0x9d: {  	[sflag:s26] =	ssyncset.done $0x0  }
0x9e: {  	s13 =	sadd.s32 s1, s23;
	[sflag:s26] =	ssyncadd.s32 $0xFFFFFF00  }
0x9f: {  	[tilespmem:s28], [sflag:$0x1] =	stream.linear.gather [hbm4b:s13+s4], $0x100, $0x38;
	[tilespmem:$0x1BFB8] =	vst v63  }
0xa0: {  	_ = 	snop  }
0xa1: {  	[tilespmem:s29], [sflag:$0x1] =	stream.linear.gather [hbm4b:s0+s4], $0x8000, $0x38;
	[tilespmem:$0x1BFB8] =	vst v63  }
0xa2: {  	_ =	swait.ge [sflag:s30], $0x100  }
0xa3: {  	[sflag:s30] =	ssyncset.done $0x0  }
0xa4: {  	[sflag:s30] =	ssyncadd.s32 $0xFFFFFF00  }
0xa5: {  	_ =	swait.ge [sflag:s30], $0x8000  }
0xa6: {  	[sflag:s30] =	ssyncset.done $0x0  }
0xa7: {  	[sflag:s30] =	ssyncadd.s32 $0xFFFF8000  }
0xa8: {  	[spmem:s3] =	stream.indirect.scatter.add.f32 [tilespmem:s28], [sflag:$0x2], $0x1, s4, s28, $0xb8;
	[tilespmem:$0x1BFB8] =	vst v63  }
0xa9: {  	_ =	swait.ge [sflag:s26], $0x100  }
0xaa: {  	[sflag:s26] =	ssyncset.done $0x0  }
0xab: {  	[sflag:s26] =	ssyncadd.s32 $0xFFFFFF00  }
0xac: {  	[spmem:s2] =	stream.indirect.scatter.add.f32 [tilespmem:s29], [sflag:$0x2], $0x80, s4, s28, $0xb8;
	[tilespmem:$0x1BFB8] =	vst v63  }
0xad: {  	_ =	swait.ge [sflag:s26], $0x8000  }
0xae: {  	[sflag:s26] =	ssyncset.done $0x0  }
0xaf: {  	[sflag:s26] =	ssyncadd.s32 $0xFFFF8000  }
0xb0: {  	s1 =	simm.s32 @p0 $0x2;
	s0 =	simm.s32 @p0 $0x200;
	[bflag:$0x0] =	sbarrier.arrive $0xFFFF  }
0xb1: {  	[tilespmem:s0], [sflag:$0x2] =	stream.linear.gather @p0 [spmem:s8], $0x8000, $0x38;
	[tilespmem:$0x1BFB8] =	vst v63  }
0xb2: {  	_ =	swait.ge @p0 [sflag:s1], $0x8000  }
0xb3: {  	[sflag:s1] =	ssyncset.done @p0 $0x0  }
0xb4: {  	s6 =	simm.s32 @p0 $0x0;
	[sflag:s1] =	ssyncadd.s32 @p0 $0xFFFF8000  }
0xb5: {  	[hbm4b:s17+s6] =	stream.linear.scatter @p0 [tilespmem:s0], [sflag:$0x2], $0x8000, $0x38;
	[tilespmem:$0x1BFB8] =	vst v63  }
0xb6: {  	_ =	swait.ge @p0 [sflag:s1], $0x8000  }
0xb7: {  	[sflag:s1] =	ssyncset.done @p0 $0x0  }
0xb8: {  	[sflag:s1] =	ssyncadd.s32 @p0 $0xFFFF8000  }
0xb9: {  	[tilespmem:s0], [sflag:$0x2] =	stream.linear.gather @p0 [spmem:s9], $0x8000, $0x38;
	[tilespmem:$0x1BFB8] =	vst v63  }
0xba: {  	_ =	swait.ge @p0 [sflag:s1], $0x8000  }
0xbb: {  	[sflag:s1] =	ssyncset.done @p0 $0x0  }
0xbc: {  	[sflag:s1] =	ssyncadd.s32 @p0 $0xFFFF8000  }
0xbd: {  	[hbm4b:s18+s6] =	stream.linear.scatter @p0 [tilespmem:s0], [sflag:$0x2], $0x8000, $0x38;
	[tilespmem:$0x1BFB8] =	vst v63  }
0xbe: {  	_ =	swait.ge @p0 [sflag:s1], $0x8000  }
0xbf: {  	[sflag:s1] =	ssyncset.done @p0 $0x0  }
0xc0: {  	[sflag:s1] =	ssyncadd.s32 @p0 $0xFFFF8000  }
0xc1: {  	[tilespmem:s0], [sflag:$0x2] =	stream.linear.gather @p0 [spmem:s10], $0x4000, $0x38;
	[tilespmem:$0x1BFB8] =	vst v63  }
0xc2: {  	_ =	swait.ge @p0 [sflag:s1], $0x4000  }
0xc3: {  	[sflag:s1] =	ssyncset.done @p0 $0x0  }
0xc4: {  	[sflag:s1] =	ssyncadd.s32 @p0 $0xFFFFC000  }
0xc5: {  	[hbm4b:s19+s6] =	stream.linear.scatter @p0 [tilespmem:s0], [sflag:$0x2], $0x4000, $0x38;
	[tilespmem:$0x1BFB8] =	vst v63  }
0xc6: {  	_ =	swait.ge @p0 [sflag:s1], $0x4000  }
0xc7: {  	[sflag:s1] =	ssyncset.done @p0 $0x0  }
0xc8: {  	s0 =	simm.s32 @!p0 $0x200;
	[sflag:s1] =	ssyncadd.s32 @p0 $0xFFFFC000;
	s1 =	simm.s32 @!p0 $0x2  }
0xc9: {  	[tilespmem:s0], [sflag:$0x2] =	stream.linear.gather @!p0 [spmem:s5], $0x8000, $0x38;
	[tilespmem:$0x1BFB8] =	vst v63  }
0xca: {  	_ =	swait.ge @!p0 [sflag:s1], $0x8000  }
0xcb: {  	[sflag:s1] =	ssyncset.done @!p0 $0x0  }
0xcc: {  	s6 =	simm.s32 @!p0 $0x0;
	s7 =	rddreg [dreg:$0x6];
	[sflag:s1] =	ssyncadd.s32 @!p0 $0xFFFF8000  }
0xcd: {  	[hbm4b:s7+s6] =	stream.linear.scatter @!p0 [tilespmem:s0], [sflag:$0x2], $0x8000, $0x38;
	[tilespmem:$0x1BFB8] =	vst v63  }
0xce: {  	_ =	swait.ge @!p0 [sflag:s1], $0x8000  }
0xcf: {  	[sflag:s1] =	ssyncset.done @!p0 $0x0  }
0xd0: {  	s7 =	rddreg [dreg:$0x7];
	[sflag:s1] =	ssyncadd.s32 @!p0 $0xFFFF8000  }
0xd1: {  	[tilespmem:s0], [sflag:$0x2] =	stream.linear.gather @!p0 [spmem:s7], $0x8000, $0x38;
	[tilespmem:$0x1BFB8] =	vst v63  }
0xd2: {  	_ =	swait.ge @!p0 [sflag:s1], $0x8000  }
0xd3: {  	[sflag:s1] =	ssyncset.done @!p0 $0x0  }
0xd4: {  	[sflag:s1] =	ssyncadd.s32 @!p0 $0xFFFF8000  }
0xd5: {  	[hbm4b:s14+s6] =	stream.linear.scatter @!p0 [tilespmem:s0], [sflag:$0x2], $0x8000, $0x38;
	[tilespmem:$0x1BFB8] =	vst v63  }
0xd6: {  	_ =	swait.ge @!p0 [sflag:s1], $0x8000  }
0xd7: {  	[sflag:s1] =	ssyncset.done @!p0 $0x0  }
0xd8: {  	[sflag:s1] =	ssyncadd.s32 @!p0 $0xFFFF8000  }
0xd9: {  	[tilespmem:s0], [sflag:$0x2] =	stream.linear.gather @!p0 [spmem:s15], $0x3800, $0x38;
	[tilespmem:$0x1BFB8] =	vst v63  }
0xda: {  	_ =	swait.ge @!p0 [sflag:s1], $0x3800  }
0xdb: {  	[sflag:s1] =	ssyncset.done @!p0 $0x0  }
0xdc: {  	[sflag:s1] =	ssyncadd.s32 @!p0 $0xFFFFC800  }
0xdd: {  	[hbm4b:s16+s6] =	stream.linear.scatter @!p0 [tilespmem:s0], [sflag:$0x2], $0x3800, $0x38;
	[tilespmem:$0x1BFB8] =	vst v63  }
0xde: {  	_ =	swait.ge @!p0 [sflag:s1], $0x3800  }
0xdf: {  	[sflag:s1] =	ssyncset.done @!p0 $0x0  }
0xe0: {  	[sflag:s1] =	ssyncadd.s32 @!p0 $0xFFFFC800  }
0xe1: {  	[tilespmem:s25], [sflag:$0x2] =	stream.linear.gather [spmem:s11], $0x278, $0x38;
	[tilespmem:$0x1BFB8] =	vst v63  }
0xe2: {  	s31 =	sadd.s32 $0x1, s31;
	_ =	swait.ge [sflag:s26], $0x278  }
0xe3: {  	p1 =	sne.s32 s31, s21;
	[sflag:s26] =	ssyncset.done $0x0  }
.Ltmp2:
0xe4: {  	[sflag:s26] =	ssyncadd.s32 $0xFFFFFD88;
	(pc) =	sbr.rel @p1 .LBB2_1-.Ltmp2, $4  }
0xe5: {  	[hbm4b:s20+s4] =	stream.linear.scatter [tilespmem:s25], [sflag:$0x2], $0x278, $0x38;
	[tilespmem:$0x1BFB8] =	vst v63  }
0xe6: {  	_ =	swait.ge [sflag:s26], $0x278  }
0xe7: {  	[sflag:s26] =	ssyncset.done $0x0  }
0xe8: {  	[sflag:s26] =	ssyncadd.s32 $0xFFFFFD88  }
0xe9: {  	_ =	sfence.sel $0x180000  }
0xea: {  	[bflag:$0x0] =	sbarrier.arrive $0xFFFF  }
0xeb: {  	_ =	strace $0x9000004D  }
0xec: {  	s0 =	stileid.u32;
	[bflag:$0x2] =	sbarrier.arrive $0xFFFF  }
0xed: {  	p0 =	sne.s32 s0, $0x0;
	s0 =	rddreg [dreg:$0x3]  }
0xee: {  	s0 =	sadd.s32 @!p0 $0x100000, s0  }
0xef: {  	[sflag:s0] =	ssyncadd.tile.s32 @!p0 $0x1;
	_ =	shalt  }
.Lfunc_end2:
_tile_overlayer_lowered:
.L_overlay_start_2:
0xf0: {  	(tag) =	ssettag $0x2  }
0xf1: {  	s0 =	rddreg [dreg:$0x0];
	s2 =	stileid.u32  }
0xf2: {  	s1 =	rddreg [dreg:$0x1];
	p0 =	sne.s32 s2, $0x0  }
0xf3: {  	s3 =	rddreg [dreg:$0x2];
	[bflag:$0x3] =	sbarrier.arrive $0xFFFF;
	s2 =	simm.s32 @!p0 $0x1C02  }
0xf4: {  	[timem:s3], [sflag:s2] =	dma.local @!p0 [hbm:s0], s1  }
0xf5: {  	s0 =	simm.s32 @!p0 $0x2  }
0xf6: {  	_ =	swait.ge @!p0 [sflag:s0], s1  }
0xf7: {  	s1 =	ssub.s32 @!p0 $0x0, s1;
	[sflag:s0] =	ssyncset.done @!p0 $0x0  }
0xf8: {  	[sflag:s0] =	ssyncadd.s32 @!p0 s1  }
0xf9: {  	[bflag:$0x3] =	sbarrier.arrive $0xFFFF  }
0xfa: {  	_ =	shalt  }

</sc_bundles>
